<compile_context>
chip_gen: v7x
topology: tpu7x:2x2x1
jax: 0.10.2.dev20260603
libtpu: 0.0.44.dev20260713+nightly
codegen_flags: <defaults>
</compile_context>

<pallas_src>
import functools

import jax
import jax.numpy as jnp
import numpy as np
from jax import lax
from jax.experimental import pallas as pl
from jax.experimental.pallas import tpu as pltpu
from jax.experimental.pallas import tpu_sc as plsc

_RES = np.float32(0.1)
_MASK = np.int32(1048576 - 1)
_P0 = np.int32(73856093)
_P1 = np.int32(19349669)
_P2 = np.int32(83492791)
_L = 16
_NW = 32
_CHUNK = 256
_NSTREAM = 128


def _floor_res(q):
    t = q / _RES
    i = t.astype(jnp.int32)
    f = i.astype(jnp.float32)
    return jnp.where(f > t, i - np.int32(1), i)


@functools.lru_cache(maxsize=None)
def _make_kernel(n, d, zero_row):
    pw = n // _NW
    n_chunks = pw // _CHUNK
    mesh = plsc.VectorSubcoreMesh(core_axis_name="c", subcore_axis_name="s")

    def buf_set():
        return [
            pltpu.VMEM((_CHUNK,), jnp.float32),
            pltpu.VMEM((_CHUNK,), jnp.float32),
            pltpu.VMEM((_CHUNK,), jnp.float32),
            pltpu.VMEM((_CHUNK,), jnp.int32),
            pltpu.VMEM((_CHUNK,), jnp.int32),
            pltpu.VMEM((_CHUNK,), jnp.int32),
            pltpu.VMEM((_CHUNK, d), jnp.float32),
            pltpu.SemaphoreType.DMA,
            pltpu.SemaphoreType.DMA,
            pltpu.SemaphoreType.DMA,
        ]

    @functools.partial(
        pl.kernel,
        mesh=mesh,
        compiler_params=pltpu.CompilerParams(use_tc_tiling_on_sc=False),
        out_type=jax.ShapeDtypeStruct((n, d), jnp.float32),
        scratch_types=buf_set() + buf_set() + [pltpu.SemaphoreType.DMA],
    )
    def k(qx_h, qy_h, qz_h, buf_h, feat_h, out_h,
          qxA, qyA, qzA, hashA, voxA, idxA, rowsA, semqA, semrA, semoA,
          qxB, qyB, qzB, hashB, voxB, idxB, rowsB, semqB, semrB, semoB,
          sem_vox):
        wid = lax.axis_index("s") * np.int32(2) + lax.axis_index("c")
        base = wid * np.int32(pw)
        A = (qxA, qyA, qzA, hashA, voxA, idxA, rowsA, semqA, semrA, semoA)
        B = (qxB, qyB, qzB, hashB, voxB, idxB, rowsB, semqB, semrB, semoB)

        def q_prefetch(off, bufs):
            qx_c, qy_c, qz_c = bufs[0], bufs[1], bufs[2]
            semq_c = bufs[7]
            pltpu.async_copy(qx_h.at[pl.ds(off, _CHUNK)], qx_c, semq_c)
            pltpu.async_copy(qy_h.at[pl.ds(off, _CHUNK)], qy_c, semq_c)
            pltpu.async_copy(qz_h.at[pl.ds(off, _CHUNK)], qz_c, semq_c)

        def half(c, cur, prv):
            (qx_c, qy_c, qz_c, hash_c, vox_c, idx_c, rows_c,
             semq_c, semr_c, semo_c) = cur
            rows_p, semr_p, semo_p = prv[6], prv[8], prv[9]
            off = pl.multiple_of(base + c * np.int32(_CHUNK), _CHUNK)
            for q_ref in (qx_c, qy_c, qz_c):
                pltpu.make_async_copy(
                    qx_h.at[pl.ds(off, _CHUNK)], q_ref, semq_c).wait()
            for g in range(_CHUNK // _L):
                sl = pl.ds(g * _L, _L)
                gx = _floor_res(qx_c[sl])
                gy = _floor_res(qy_c[sl])
                gz = _floor_res(qz_c[sl])
                hash_c[sl] = (gx * _P0 + gy * _P1 + gz * _P2) & _MASK
            hs = [
                pltpu.async_copy(
                    buf_h.at[hash_c.at[pl.ds(s * 128, 128)]],
                    vox_c.at[pl.ds(s * 128, 128)], sem_vox)
                for s in range(_CHUNK // 128)
            ]

            @pl.when(c < np.int32(n_chunks - 1))
            def _():
                q_prefetch(off + np.int32(_CHUNK), prv)

            for h in hs:
                h.wait()
            for g in range(_CHUNK // _L):
                sl = pl.ds(g * _L, _L)
                v = vox_c[sl]
                idx_c[sl] = jnp.where(v >= np.int32(0), v, np.int32(zero_row))

            @pl.when(c >= np.int32(2))
            def _():
                pltpu.make_async_copy(
                    rows_c, out_h.at[pl.ds(0, _CHUNK)], semo_c).wait()

            pltpu.async_copy(
                feat_h.at[idx_c.at[pl.ds(0, _NSTREAM)]],
                rows_c.at[pl.ds(0, _NSTREAM)], semr_c)

            def row_body(_, p16):
                v = idx_c[pl.ds(p16, _L)]
                for lane in range(_L):
                    pltpu.async_copy(
                        feat_h.at[v[lane]],
                        rows_c.at[p16 + np.int32(lane)], semr_c)
                return p16 + np.int32(_L)

            lax.fori_loop(0, (_CHUNK - _NSTREAM) // _L, row_body,
                          np.int32(_NSTREAM))

            @pl.when(c >= np.int32(1))
            def _():
                pltpu.make_async_copy(
                    out_h.at[pl.ds(0, _CHUNK)], rows_p, semr_p).wait()
                poff = pl.multiple_of(off - np.int32(_CHUNK), _CHUNK)
                pltpu.async_copy(
                    rows_p, out_h.at[pl.ds(poff, _CHUNK)], semo_p)

        q_prefetch(pl.multiple_of(base, _CHUNK), A)

        def pair(i2, c):
            half(c, A, B)
            half(c + np.int32(1), B, A)
            return c + np.int32(2)

        lax.fori_loop(0, n_chunks // 2, pair, np.int32(0))

        pltpu.make_async_copy(out_h.at[pl.ds(0, _CHUNK)], rowsB, semrB).wait()
        off_last = pl.multiple_of(
            base + np.int32((n_chunks - 1) * _CHUNK), _CHUNK)
        pltpu.async_copy(rowsB, out_h.at[pl.ds(off_last, _CHUNK)], semoB)
        pltpu.make_async_copy(rowsA, out_h.at[pl.ds(0, _CHUNK)], semoA).wait()
        pltpu.make_async_copy(rowsB, out_h.at[pl.ds(0, _CHUNK)], semoB).wait()

    return k


def kernel(query_pts, features, buffer_voxel_index):
    n = query_pts.shape[0]
    nv, d = features.shape
    qt = query_pts.T
    qx, qy, qz = qt[0], qt[1], qt[2]
    buf = buffer_voxel_index.astype(jnp.int32)
    feat_ext = jnp.concatenate(
        [features.astype(jnp.float32), jnp.zeros((1, d), jnp.float32)], axis=0)
    return _make_kernel(n, d, nv)(qx, qy, qz, buf, feat_ext)

# --- scband reference (transcript-rebuilt; emitter-appended) ---
"""Pipeline reference for scband-voxel-hash-table-flow-traverse-16887811408407 (READ-ONLY COPY).

The authoritative reference and input builder live on the scoring server;
editing this copy changes nothing except your own understanding.
"""

import jax, jax.numpy as jnp
import numpy as np

jax.config.update("jax_enable_x64", True)

RES = 0.1
HASH_SIZE = 1048576
FEATURE_DIM = 120
PRIMES = np.array([73856093, 19349669, 83492791], dtype=np.int64)


def _build_buffer():
    # Replicates VoxelHashTableFlowTraverse.__init__ + build_hash_grid (first-write-wins on collisions)
    xs = np.arange(-2.6, 4.6, RES, dtype=np.float32)
    ys = np.arange(-8.1, 4.7, RES, dtype=np.float32)
    zs = np.arange(0.0, 3.1, RES, dtype=np.float32)
    gx, gy, gz = np.meshgrid(xs, ys, zs, indexing='ij')
    voxel_coords = np.stack([gx, gy, gz], axis=-1).reshape(-1, 3)
    total = voxel_coords.shape[0]
    grid = np.floor(voxel_coords / RES).astype(np.int64)
    h = np.remainder((grid * PRIMES[None, :]).sum(-1), HASH_SIZE)
    # first-wins == smallest voxel index wins for a duplicated hash slot
    buf = np.full((HASH_SIZE,), total, dtype=np.int64)
    np.minimum.at(buf, h, np.arange(total, dtype=np.int64))
    buf = np.where(buf == total, -1, buf)
    return jnp.asarray(buf), total


def setup_inputs(seed: int = 0) -> dict:
    key = jax.random.key(seed)
    k1, k2 = jax.random.split(key)
    buf, total_voxels = _build_buffer()
    query_pts = jax.random.normal(k1, (524288, 3), dtype=jnp.float32)
    features = jax.random.normal(k2, (total_voxels, FEATURE_DIM), dtype=jnp.float32) * 0.01
    return {"query_pts": query_pts, "features": features, "buffer_voxel_index": buf}


def reference(query_pts, features, buffer_voxel_index):
    # query_voxel_feature with trilinear_feat=False (default): floor + spatial hash + table gather
    primes = jnp.asarray(PRIMES)
    grid_coords = jnp.floor(query_pts / RES).astype(jnp.int64)
    hash_xyz = jnp.remainder((grid_coords * primes[None, :]).sum(-1), HASH_SIZE)
    voxel_indices = buffer_voxel_index[hash_xyz]
    valid_mask = voxel_indices >= 0
    safe_idx = jnp.where(valid_mask, voxel_indices, 0)
    dyn_feats = jnp.take(features, safe_idx, axis=0)
    feats = jnp.where(valid_mask[:, None], dyn_feats, jnp.zeros_like(dyn_feats))
    return feats

if __name__ == "__main__":
    import jax
    _d = setup_inputs()
    print(jax.jit(kernel)(*tuple(_d.values())))

</pallas_src>

<mosaic_0001>
#map = affine_map<(d0, d1) -> (0)>
#map1 = affine_map<(d0, d1) -> (0, 0)>
module attributes {stable_mosaic.version = 14 : i64} {
  func.func @k(%arg0: i32, %arg1: i32, %arg2: memref<524288xf32, #tpu.memory_space<hbm>>, %arg3: memref<524288xf32, #tpu.memory_space<hbm>>, %arg4: memref<524288xf32, #tpu.memory_space<hbm>>, %arg5: memref<1048576xi32, #tpu.memory_space<hbm>>, %arg6: memref<285697x120xf32, #tpu.memory_space<hbm>>, %arg7: memref<524288x120xf32, #tpu.memory_space<hbm>>, %arg8: memref<256xf32, #tpu.memory_space<vmem>>, %arg9: memref<256xf32, #tpu.memory_space<vmem>>, %arg10: memref<256xf32, #tpu.memory_space<vmem>>, %arg11: memref<256xi32, #tpu.memory_space<vmem>>, %arg12: memref<256xi32, #tpu.memory_space<vmem>>, %arg13: memref<256xi32, #tpu.memory_space<vmem>>, %arg14: memref<256x120xf32, #tpu.memory_space<vmem>>, %arg15: memref<!tpu.dma_semaphore, #tpu.memory_space<semaphore_mem>>, %arg16: memref<!tpu.dma_semaphore, #tpu.memory_space<semaphore_mem>>, %arg17: memref<!tpu.dma_semaphore, #tpu.memory_space<semaphore_mem>>, %arg18: memref<256xf32, #tpu.memory_space<vmem>>, %arg19: memref<256xf32, #tpu.memory_space<vmem>>, %arg20: memref<256xf32, #tpu.memory_space<vmem>>, %arg21: memref<256xi32, #tpu.memory_space<vmem>>, %arg22: memref<256xi32, #tpu.memory_space<vmem>>, %arg23: memref<256xi32, #tpu.memory_space<vmem>>, %arg24: memref<256x120xf32, #tpu.memory_space<vmem>>, %arg25: memref<!tpu.dma_semaphore, #tpu.memory_space<semaphore_mem>>, %arg26: memref<!tpu.dma_semaphore, #tpu.memory_space<semaphore_mem>>, %arg27: memref<!tpu.dma_semaphore, #tpu.memory_space<semaphore_mem>>, %arg28: memref<!tpu.dma_semaphore, #tpu.memory_space<semaphore_mem>>) attributes {dimension_semantics = [#tpu.dimension_semantics<core_parallel>, #tpu.dimension_semantics<subcore_parallel>], iteration_bounds = array<i64: 2, 16>, scalar_prefetch = 0 : i64, scratch_operands = 21 : i64, tpu.core_type = #tpu.core_type<sc_vector_subcore>, window_params = [{transform_indices = #map}, {transform_indices = #map}, {transform_indices = #map}, {transform_indices = #map}, {transform_indices = #map1}, {transform_indices = #map1}]} {
    %mul3A = arith.constant 2 : i32
    %mul3A_0 = arith.muli %arg1, %mul3A : i32
    %add3A = arith.addi %mul3A_0, %arg0 : i32
    %mul3A_1 = arith.constant 16384 : i32
    %mul3A_2 = arith.muli %add3A, %mul3A_1 : i32
    %multiple_of3A = tpu.assume_multiple %mul3A_2, 256 : i32
    %dma_start3A = tpu.memref_slice %arg2[%multiple_of3A] : memref<524288xf32, #tpu.memory_space<hbm>> -> memref<256xf32, #tpu.memory_space<hbm>>
    %dma_start3A_3 = tpu.memref_slice %arg2[%multiple_of3A] : memref<524288xf32, #tpu.memory_space<hbm>> -> memref<256xf32, #tpu.memory_space<hbm>>
    tpu.enqueue_dma source(%dma_start3A_3 : memref<256xf32, #tpu.memory_space<hbm>>) target(%arg8 : memref<256xf32, #tpu.memory_space<vmem>>) target_semaphore(%arg15 : memref<!tpu.dma_semaphore, #tpu.memory_space<semaphore_mem>>)
    %dma_start3A_4 = tpu.memref_slice %arg3[%multiple_of3A] : memref<524288xf32, #tpu.memory_space<hbm>> -> memref<256xf32, #tpu.memory_space<hbm>>
    %dma_start3A_5 = tpu.memref_slice %arg3[%multiple_of3A] : memref<524288xf32, #tpu.memory_space<hbm>> -> memref<256xf32, #tpu.memory_space<hbm>>
    tpu.enqueue_dma source(%dma_start3A_5 : memref<256xf32, #tpu.memory_space<hbm>>) target(%arg9 : memref<256xf32, #tpu.memory_space<vmem>>) target_semaphore(%arg15 : memref<!tpu.dma_semaphore, #tpu.memory_space<semaphore_mem>>)
    %dma_start3A_6 = tpu.memref_slice %arg4[%multiple_of3A] : memref<524288xf32, #tpu.memory_space<hbm>> -> memref<256xf32, #tpu.memory_space<hbm>>
    %dma_start3A_7 = tpu.memref_slice %arg4[%multiple_of3A] : memref<524288xf32, #tpu.memory_space<hbm>> -> memref<256xf32, #tpu.memory_space<hbm>>
    tpu.enqueue_dma source(%dma_start3A_7 : memref<256xf32, #tpu.memory_space<hbm>>) target(%arg10 : memref<256xf32, #tpu.memory_space<vmem>>) target_semaphore(%arg15 : memref<!tpu.dma_semaphore, #tpu.memory_space<semaphore_mem>>)
    %scan3A = arith.constant 0 : i32
    %scan3A_8 = arith.constant 0 : i32
    %scan3A_9 = arith.constant 32 : i32
    %scan3A_10 = arith.addi %scan3A_8, %scan3A_9 : i32
    %scan3A_11 = arith.constant 1 : i32
    %scan3A_12 = scf.for %scan3A_38 = %scan3A_8 to %scan3A_10 step %scan3A_11 iter_args(%scan3A_39 = %scan3A) -> (i32)  : i32 {
      %mul3A_40 = arith.constant 256 : i32
      %mul3A_41 = arith.muli %scan3A_39, %mul3A_40 : i32
      %add3A_42 = arith.addi %mul3A_2, %mul3A_41 : i32
      %multiple_of3A_43 = tpu.assume_multiple %add3A_42, 256 : i32
      %dma_wait3A_44 = tpu.memref_slice %arg2[%multiple_of3A_43] : memref<524288xf32, #tpu.memory_space<hbm>> -> memref<256xf32, #tpu.memory_space<hbm>>
      %dma_wait3A_45 = tpu.memref_slice %arg2[%multiple_of3A_43] : memref<524288xf32, #tpu.memory_space<hbm>> -> memref<256xf32, #tpu.memory_space<hbm>>
      tpu.wait_dma2 semaphore(%arg15 : memref<!tpu.dma_semaphore, #tpu.memory_space<semaphore_mem>>) src(%dma_wait3A_45 : memref<256xf32, #tpu.memory_space<hbm>>) dst(%arg8 : memref<256xf32, #tpu.memory_space<vmem>>)
      %dma_wait3A_46 = tpu.memref_slice %arg2[%multiple_of3A_43] : memref<524288xf32, #tpu.memory_space<hbm>> -> memref<256xf32, #tpu.memory_space<hbm>>
      %dma_wait3A_47 = tpu.memref_slice %arg2[%multiple_of3A_43] : memref<524288xf32, #tpu.memory_space<hbm>> -> memref<256xf32, #tpu.memory_space<hbm>>
      tpu.wait_dma2 semaphore(%arg15 : memref<!tpu.dma_semaphore, #tpu.memory_space<semaphore_mem>>) src(%dma_wait3A_47 : memref<256xf32, #tpu.memory_space<hbm>>) dst(%arg9 : memref<256xf32, #tpu.memory_space<vmem>>)
      %dma_wait3A_48 = tpu.memref_slice %arg2[%multiple_of3A_43] : memref<524288xf32, #tpu.memory_space<hbm>> -> memref<256xf32, #tpu.memory_space<hbm>>
      %dma_wait3A_49 = tpu.memref_slice %arg2[%multiple_of3A_43] : memref<524288xf32, #tpu.memory_space<hbm>> -> memref<256xf32, #tpu.memory_space<hbm>>
      tpu.wait_dma2 semaphore(%arg15 : memref<!tpu.dma_semaphore, #tpu.memory_space<semaphore_mem>>) src(%dma_wait3A_49 : memref<256xf32, #tpu.memory_space<hbm>>) dst(%arg10 : memref<256xf32, #tpu.memory_space<vmem>>)
      %get3A = arith.constant 0 : index
      %get3A_50 = tpu.vector_load %arg8[%get3A] {strides = array<i32>} : memref<256xf32, #tpu.memory_space<vmem>>, vector<16xf32>,
      %get3A_51 = vector.shape_cast %get3A_50 : vector<16xf32> to vector<16xf32>
      %div3A = arith.constant 1.000000e-01 : f32
      %div3A_52 = vector.broadcast %div3A : f32 to vector<16xf32>
      %div3A_53 = arith.divf %get3A_51, %div3A_52 : vector<16xf32>
      %convert_element_type3A = arith.fptosi %div3A_53 : vector<16xf32> to vector<16xi32>
      %convert_element_type3A_54 = arith.sitofp %convert_element_type3A : vector<16xi32> to vector<16xf32>
      %gt3A = arith.cmpf ogt, %convert_element_type3A_54, %div3A_53 : vector<16xf32>
      %sub3A = arith.constant 1 : i32
      %sub3A_55 = vector.broadcast %sub3A : i32 to vector<16xi32>
      %sub3A_56 = arith.subi %convert_element_type3A, %sub3A_55 : vector<16xi32>
      %select_n3A = arith.select %gt3A, %sub3A_56, %convert_element_type3A : vector<16xi1>, vector<16xi32>
      %get3A_57 = arith.constant 0 : index
      %get3A_58 = tpu.vector_load %arg9[%get3A_57] {strides = array<i32>} : memref<256xf32, #tpu.memory_space<vmem>>, vector<16xf32>,
      %get3A_59 = vector.shape_cast %get3A_58 : vector<16xf32> to vector<16xf32>
      %div3A_60 = arith.constant 1.000000e-01 : f32
      %div3A_61 = vector.broadcast %div3A_60 : f32 to vector<16xf32>
      %div3A_62 = arith.divf %get3A_59, %div3A_61 : vector<16xf32>
      %convert_element_type3A_63 = arith.fptosi %div3A_62 : vector<16xf32> to vector<16xi32>
      %convert_element_type3A_64 = arith.sitofp %convert_element_type3A_63 : vector<16xi32> to vector<16xf32>
      %gt3A_65 = arith.cmpf ogt, %convert_element_type3A_64, %div3A_62 : vector<16xf32>
      %sub3A_66 = arith.constant 1 : i32
      %sub3A_67 = vector.broadcast %sub3A_66 : i32 to vector<16xi32>
      %sub3A_68 = arith.subi %convert_element_type3A_63, %sub3A_67 : vector<16xi32>
      %select_n3A_69 = arith.select %gt3A_65, %sub3A_68, %convert_element_type3A_63 : vector<16xi1>, vector<16xi32>
      %get3A_70 = arith.constant 0 : index
      %get3A_71 = tpu.vector_load %arg10[%get3A_70] {strides = array<i32>} : memref<256xf32, #tpu.memory_space<vmem>>, vector<16xf32>,
      %get3A_72 = vector.shape_cast %get3A_71 : vector<16xf32> to vector<16xf32>
      %div3A_73 = arith.constant 1.000000e-01 : f32
      %div3A_74 = vector.broadcast %div3A_73 : f32 to vector<16xf32>
      %div3A_75 = arith.divf %get3A_72, %div3A_74 : vector<16xf32>
      %convert_element_type3A_76 = arith.fptosi %div3A_75 : vector<16xf32> to vector<16xi32>
      %convert_element_type3A_77 = arith.sitofp %convert_element_type3A_76 : vector<16xi32> to vector<16xf32>
      %gt3A_78 = arith.cmpf ogt, %convert_element_type3A_77, %div3A_75 : vector<16xf32>
      %sub3A_79 = arith.constant 1 : i32
      %sub3A_80 = vector.broadcast %sub3A_79 : i32 to vector<16xi32>
      %sub3A_81 = arith.subi %convert_element_type3A_76, %sub3A_80 : vector<16xi32>
      %select_n3A_82 = arith.select %gt3A_78, %sub3A_81, %convert_element_type3A_76 : vector<16xi1>, vector<16xi32>
      %mul3A_83 = arith.constant 73856093 : i32
      %mul3A_84 = vector.broadcast %mul3A_83 : i32 to vector<16xi32>
      %mul3A_85 = arith.muli %select_n3A, %mul3A_84 : vector<16xi32>
      %mul3A_86 = arith.constant 19349669 : i32
      %mul3A_87 = vector.broadcast %mul3A_86 : i32 to vector<16xi32>
      %mul3A_88 = arith.muli %select_n3A_69, %mul3A_87 : vector<16xi32>
      %add3A_89 = arith.addi %mul3A_85, %mul3A_88 : vector<16xi32>
      %mul3A_90 = arith.constant 83492791 : i32
      %mul3A_91 = vector.broadcast %mul3A_90 : i32 to vector<16xi32>
      %mul3A_92 = arith.muli %select_n3A_82, %mul3A_91 : vector<16xi32>
      %add3A_93 = arith.addi %add3A_89, %mul3A_92 : vector<16xi32>
      %and3A = arith.constant 1048575 : i32
      %and3A_94 = vector.broadcast %and3A : i32 to vector<16xi32>
      %and3A_95 = arith.andi %add3A_93, %and3A_94 : vector<16xi32>
      %swap3A = arith.constant 0 : index
      %swap3A_96 = tpu.vector_load %arg11[%swap3A] {strides = array<i32>} : memref<256xi32, #tpu.memory_space<vmem>>, vector<16xi32>,
      %swap3A_97 = vector.shape_cast %swap3A_96 : vector<16xi32> to vector<16xi32>
      %swap3A_98 = vector.shape_cast %and3A_95 : vector<16xi32> to vector<16xi32>
      tpu.vector_store %arg11[%swap3A], %swap3A_98 {strides = array<i32>} : memref<256xi32, #tpu.memory_space<vmem>>, vector<16xi32>,
      %get3A_99 = arith.constant 16 : index
      %get3A_100 = tpu.vector_load %arg8[%get3A_99] {strides = array<i32>} : memref<256xf32, #tpu.memory_space<vmem>>, vector<16xf32>,
      %get3A_101 = vector.shape_cast %get3A_100 : vector<16xf32> to vector<16xf32>
      %div3A_102 = arith.constant 1.000000e-01 : f32
      %div3A_103 = vector.broadcast %div3A_102 : f32 to vector<16xf32>
      %div3A_104 = arith.divf %get3A_101, %div3A_103 : vector<16xf32>
      %convert_element_type3A_105 = arith.fptosi %div3A_104 : vector<16xf32> to vector<16xi32>
      %convert_element_type3A_106 = arith.sitofp %convert_element_type3A_105 : vector<16xi32> to vector<16xf32>
      %gt3A_107 = arith.cmpf ogt, %convert_element_type3A_106, %div3A_104 : vector<16xf32>
      %sub3A_108 = arith.constant 1 : i32
      %sub3A_109 = vector.broadcast %sub3A_108 : i32 to vector<16xi32>
      %sub3A_110 = arith.subi %convert_element_type3A_105, %sub3A_109 : vector<16xi32>
      %select_n3A_111 = arith.select %gt3A_107, %sub3A_110, %convert_element_type3A_105 : vector<16xi1>, vector<16xi32>
      %get3A_112 = arith.constant 16 : index
      %get3A_113 = tpu.vector_load %arg9[%get3A_112] {strides = array<i32>} : memref<256xf32, #tpu.memory_space<vmem>>, vector<16xf32>,
      %get3A_114 = vector.shape_cast %get3A_113 : vector<16xf32> to vector<16xf32>
      %div3A_115 = arith.constant 1.000000e-01 : f32
      %div3A_116 = vector.broadcast %div3A_115 : f32 to vector<16xf32>
      %div3A_117 = arith.divf %get3A_114, %div3A_116 : vector<16xf32>
      %convert_element_type3A_118 = arith.fptosi %div3A_117 : vector<16xf32> to vector<16xi32>
      %convert_element_type3A_119 = arith.sitofp %convert_element_type3A_118 : vector<16xi32> to vector<16xf32>
      %gt3A_120 = arith.cmpf ogt, %convert_element_type3A_119, %div3A_117 : vector<16xf32>
      %sub3A_121 = arith.constant 1 : i32
      %sub3A_122 = vector.broadcast %sub3A_121 : i32 to vector<16xi32>
      %sub3A_123 = arith.subi %convert_element_type3A_118, %sub3A_122 : vector<16xi32>
      %select_n3A_124 = arith.select %gt3A_120, %sub3A_123, %convert_element_type3A_118 : vector<16xi1>, vector<16xi32>
      %get3A_125 = arith.constant 16 : index
      %get3A_126 = tpu.vector_load %arg10[%get3A_125] {strides = array<i32>} : memref<256xf32, #tpu.memory_space<vmem>>, vector<16xf32>,
      %get3A_127 = vector.shape_cast %get3A_126 : vector<16xf32> to vector<16xf32>
      %div3A_128 = arith.constant 1.000000e-01 : f32
      %div3A_129 = vector.broadcast %div3A_128 : f32 to vector<16xf32>
      %div3A_130 = arith.divf %get3A_127, %div3A_129 : vector<16xf32>
      %convert_element_type3A_131 = arith.fptosi %div3A_130 : vector<16xf32> to vector<16xi32>
      %convert_element_type3A_132 = arith.sitofp %convert_element_type3A_131 : vector<16xi32> to vector<16xf32>
      %gt3A_133 = arith.cmpf ogt, %convert_element_type3A_132, %div3A_130 : vector<16xf32>
      %sub3A_134 = arith.constant 1 : i32
      %sub3A_135 = vector.broadcast %sub3A_134 : i32 to vector<16xi32>
      %sub3A_136 = arith.subi %convert_element_type3A_131, %sub3A_135 : vector<16xi32>
      %select_n3A_137 = arith.select %gt3A_133, %sub3A_136, %convert_element_type3A_131 : vector<16xi1>, vector<16xi32>
      %mul3A_138 = arith.constant 73856093 : i32
      %mul3A_139 = vector.broadcast %mul3A_138 : i32 to vector<16xi32>
      %mul3A_140 = arith.muli %select_n3A_111, %mul3A_139 : vector<16xi32>
      %mul3A_141 = arith.constant 19349669 : i32
      %mul3A_142 = vector.broadcast %mul3A_141 : i32 to vector<16xi32>
      %mul3A_143 = arith.muli %select_n3A_124, %mul3A_142 : vector<16xi32>
      %add3A_144 = arith.addi %mul3A_140, %mul3A_143 : vector<16xi32>
      %mul3A_145 = arith.constant 83492791 : i32
      %mul3A_146 = vector.broadcast %mul3A_145 : i32 to vector<16xi32>
      %mul3A_147 = arith.muli %select_n3A_137, %mul3A_146 : vector<16xi32>
      %add3A_148 = arith.addi %add3A_144, %mul3A_147 : vector<16xi32>
      %and3A_149 = arith.constant 1048575 : i32
      %and3A_150 = vector.broadcast %and3A_149 : i32 to vector<16xi32>
      %and3A_151 = arith.andi %add3A_148, %and3A_150 : vector<16xi32>
      %swap3A_152 = arith.constant 16 : index
      %swap3A_153 = tpu.vector_load %arg11[%swap3A_152] {strides = array<i32>} : memref<256xi32, #tpu.memory_space<vmem>>, vector<16xi32>,
      %swap3A_154 = vector.shape_cast %swap3A_153 : vector<16xi32> to vector<16xi32>
      %swap3A_155 = vector.shape_cast %and3A_151 : vector<16xi32> to vector<16xi32>
      tpu.vector_store %arg11[%swap3A_152], %swap3A_155 {strides = array<i32>} : memref<256xi32, #tpu.memory_space<vmem>>, vector<16xi32>,
      %get3A_156 = arith.constant 32 : index
      %get3A_157 = tpu.vector_load %arg8[%get3A_156] {strides = array<i32>} : memref<256xf32, #tpu.memory_space<vmem>>, vector<16xf32>,
      %get3A_158 = vector.shape_cast %get3A_157 : vector<16xf32> to vector<16xf32>
      %div3A_159 = arith.constant 1.000000e-01 : f32
      %div3A_160 = vector.broadcast %div3A_159 : f32 to vector<16xf32>
      %div3A_161 = arith.divf %get3A_158, %div3A_160 : vector<16xf32>
      %convert_element_type3A_162 = arith.fptosi %div3A_161 : vector<16xf32> to vector<16xi32>
      %convert_element_type3A_163 = arith.sitofp %convert_element_type3A_162 : vector<16xi32> to vector<16xf32>
      %gt3A_164 = arith.cmpf ogt, %convert_element_type3A_163, %div3A_161 : vector<16xf32>
      %sub3A_165 = arith.constant 1 : i32
      %sub3A_166 = vector.broadcast %sub3A_165 : i32 to vector<16xi32>
      %sub3A_167 = arith.subi %convert_element_type3A_162, %sub3A_166 : vector<16xi32>
      %select_n3A_168 = arith.select %gt3A_164, %sub3A_167, %convert_element_type3A_162 : vector<16xi1>, vector<16xi32>
      %get3A_169 = arith.constant 32 : index
      %get3A_170 = tpu.vector_load %arg9[%get3A_169] {strides = array<i32>} : memref<256xf32, #tpu.memory_space<vmem>>, vector<16xf32>,
      %get3A_171 = vector.shape_cast %get3A_170 : vector<16xf32> to vector<16xf32>
      %div3A_172 = arith.constant 1.000000e-01 : f32
      %div3A_173 = vector.broadcast %div3A_172 : f32 to vector<16xf32>
      %div3A_174 = arith.divf %get3A_171, %div3A_173 : vector<16xf32>
      %convert_element_type3A_175 = arith.fptosi %div3A_174 : vector<16xf32> to vector<16xi32>
      %convert_element_type3A_176 = arith.sitofp %convert_element_type3A_175 : vector<16xi32> to vector<16xf32>
      %gt3A_177 = arith.cmpf ogt, %convert_element_type3A_176, %div3A_174 : vector<16xf32>
      %sub3A_178 = arith.constant 1 : i32
      %sub3A_179 = vector.broadcast %sub3A_178 : i32 to vector<16xi32>
      %sub3A_180 = arith.subi %convert_element_type3A_175, %sub3A_179 : vector<16xi32>
      %select_n3A_181 = arith.select %gt3A_177, %sub3A_180, %convert_element_type3A_175 : vector<16xi1>, vector<16xi32>
      %get3A_182 = arith.constant 32 : index
      %get3A_183 = tpu.vector_load %arg10[%get3A_182] {strides = array<i32>} : memref<256xf32, #tpu.memory_space<vmem>>, vector<16xf32>,
      %get3A_184 = vector.shape_cast %get3A_183 : vector<16xf32> to vector<16xf32>
      %div3A_185 = arith.constant 1.000000e-01 : f32
      %div3A_186 = vector.broadcast %div3A_185 : f32 to vector<16xf32>
      %div3A_187 = arith.divf %get3A_184, %div3A_186 : vector<16xf32>
      %convert_element_type3A_188 = arith.fptosi %div3A_187 : vector<16xf32> to vector<16xi32>
      %convert_element_type3A_189 = arith.sitofp %convert_element_type3A_188 : vector<16xi32> to vector<16xf32>
      %gt3A_190 = arith.cmpf ogt, %convert_element_type3A_189, %div3A_187 : vector<16xf32>
      %sub3A_191 = arith.constant 1 : i32
      %sub3A_192 = vector.broadcast %sub3A_191 : i32 to vector<16xi32>
      %sub3A_193 = arith.subi %convert_element_type3A_188, %sub3A_192 : vector<16xi32>
      %select_n3A_194 = arith.select %gt3A_190, %sub3A_193, %convert_element_type3A_188 : vector<16xi1>, vector<16xi32>
      %mul3A_195 = arith.constant 73856093 : i32
      %mul3A_196 = vector.broadcast %mul3A_195 : i32 to vector<16xi32>
      %mul3A_197 = arith.muli %select_n3A_168, %mul3A_196 : vector<16xi32>
      %mul3A_198 = arith.constant 19349669 : i32
      %mul3A_199 = vector.broadcast %mul3A_198 : i32 to vector<16xi32>
      %mul3A_200 = arith.muli %select_n3A_181, %mul3A_199 : vector<16xi32>
      %add3A_201 = arith.addi %mul3A_197, %mul3A_200 : vector<16xi32>
      %mul3A_202 = arith.constant 83492791 : i32
      %mul3A_203 = vector.broadcast %mul3A_202 : i32 to vector<16xi32>
      %mul3A_204 = arith.muli %select_n3A_194, %mul3A_203 : vector<16xi32>
      %add3A_205 = arith.addi %add3A_201, %mul3A_204 : vector<16xi32>
      %and3A_206 = arith.constant 1048575 : i32
      %and3A_207 = vector.broadcast %and3A_206 : i32 to vector<16xi32>
      %and3A_208 = arith.andi %add3A_205, %and3A_207 : vector<16xi32>
      %swap3A_209 = arith.constant 32 : index
      %swap3A_210 = tpu.vector_load %arg11[%swap3A_209] {strides = array<i32>} : memref<256xi32, #tpu.memory_space<vmem>>, vector<16xi32>,
      %swap3A_211 = vector.shape_cast %swap3A_210 : vector<16xi32> to vector<16xi32>
      %swap3A_212 = vector.shape_cast %and3A_208 : vector<16xi32> to vector<16xi32>
      tpu.vector_store %arg11[%swap3A_209], %swap3A_212 {strides = array<i32>} : memref<256xi32, #tpu.memory_space<vmem>>, vector<16xi32>,
      %get3A_213 = arith.constant 48 : index
      %get3A_214 = tpu.vector_load %arg8[%get3A_213] {strides = array<i32>} : memref<256xf32, #tpu.memory_space<vmem>>, vector<16xf32>,
      %get3A_215 = vector.shape_cast %get3A_214 : vector<16xf32> to vector<16xf32>
      %div3A_216 = arith.constant 1.000000e-01 : f32
      %div3A_217 = vector.broadcast %div3A_216 : f32 to vector<16xf32>
      %div3A_218 = arith.divf %get3A_215, %div3A_217 : vector<16xf32>
      %convert_element_type3A_219 = arith.fptosi %div3A_218 : vector<16xf32> to vector<16xi32>
      %convert_element_type3A_220 = arith.sitofp %convert_element_type3A_219 : vector<16xi32> to vector<16xf32>
      %gt3A_221 = arith.cmpf ogt, %convert_element_type3A_220, %div3A_218 : vector<16xf32>
      %sub3A_222 = arith.constant 1 : i32
      %sub3A_223 = vector.broadcast %sub3A_222 : i32 to vector<16xi32>
      %sub3A_224 = arith.subi %convert_element_type3A_219, %sub3A_223 : vector<16xi32>
      %select_n3A_225 = arith.select %gt3A_221, %sub3A_224, %convert_element_type3A_219 : vector<16xi1>, vector<16xi32>
      %get3A_226 = arith.constant 48 : index
      %get3A_227 = tpu.vector_load %arg9[%get3A_226] {strides = array<i32>} : memref<256xf32, #tpu.memory_space<vmem>>, vector<16xf32>,
      %get3A_228 = vector.shape_cast %get3A_227 : vector<16xf32> to vector<16xf32>
      %div3A_229 = arith.constant 1.000000e-01 : f32
      %div3A_230 = vector.broadcast %div3A_229 : f32 to vector<16xf32>
      %div3A_231 = arith.divf %get3A_228, %div3A_230 : vector<16xf32>
      %convert_element_type3A_232 = arith.fptosi %div3A_231 : vector<16xf32> to vector<16xi32>
      %convert_element_type3A_233 = arith.sitofp %convert_element_type3A_232 : vector<16xi32> to vector<16xf32>
      %gt3A_234 = arith.cmpf ogt, %convert_element_type3A_233, %div3A_231 : vector<16xf32>
      %sub3A_235 = arith.constant 1 : i32
      %sub3A_236 = vector.broadcast %sub3A_235 : i32 to vector<16xi32>
      %sub3A_237 = arith.subi %convert_element_type3A_232, %sub3A_236 : vector<16xi32>
      %select_n3A_238 = arith.select %gt3A_234, %sub3A_237, %convert_element_type3A_232 : vector<16xi1>, vector<16xi32>
      %get3A_239 = arith.constant 48 : index
      %get3A_240 = tpu.vector_load %arg10[%get3A_239] {strides = array<i32>} : memref<256xf32, #tpu.memory_space<vmem>>, vector<16xf32>,
      %get3A_241 = vector.shape_cast %get3A_240 : vector<16xf32> to vector<16xf32>
      %div3A_242 = arith.constant 1.000000e-01 : f32
      %div3A_243 = vector.broadcast %div3A_242 : f32 to vector<16xf32>
      %div3A_244 = arith.divf %get3A_241, %div3A_243 : vector<16xf32>
      %convert_element_type3A_245 = arith.fptosi %div3A_244 : vector<16xf32> to vector<16xi32>
      %convert_element_type3A_246 = arith.sitofp %convert_element_type3A_245 : vector<16xi32> to vector<16xf32>
      %gt3A_247 = arith.cmpf ogt, %convert_element_type3A_246, %div3A_244 : vector<16xf32>
      %sub3A_248 = arith.constant 1 : i32
      %sub3A_249 = vector.broadcast %sub3A_248 : i32 to vector<16xi32>
      %sub3A_250 = arith.subi %convert_element_type3A_245, %sub3A_249 : vector<16xi32>
      %select_n3A_251 = arith.select %gt3A_247, %sub3A_250, %convert_element_type3A_245 : vector<16xi1>, vector<16xi32>
      %mul3A_252 = arith.constant 73856093 : i32
      %mul3A_253 = vector.broadcast %mul3A_252 : i32 to vector<16xi32>
      %mul3A_254 = arith.muli %select_n3A_225, %mul3A_253 : vector<16xi32>
      %mul3A_255 = arith.constant 19349669 : i32
      %mul3A_256 = vector.broadcast %mul3A_255 : i32 to vector<16xi32>
      %mul3A_257 = arith.muli %select_n3A_238, %mul3A_256 : vector<16xi32>
      %add3A_258 = arith.addi %mul3A_254, %mul3A_257 : vector<16xi32>
      %mul3A_259 = arith.constant 83492791 : i32
      %mul3A_260 = vector.broadcast %mul3A_259 : i32 to vector<16xi32>
      %mul3A_261 = arith.muli %select_n3A_251, %mul3A_260 : vector<16xi32>
      %add3A_262 = arith.addi %add3A_258, %mul3A_261 : vector<16xi32>
      %and3A_263 = arith.constant 1048575 : i32
      %and3A_264 = vector.broadcast %and3A_263 : i32 to vector<16xi32>
      %and3A_265 = arith.andi %add3A_262, %and3A_264 : vector<16xi32>
      %swap3A_266 = arith.constant 48 : index
      %swap3A_267 = tpu.vector_load %arg11[%swap3A_266] {strides = array<i32>} : memref<256xi32, #tpu.memory_space<vmem>>, vector<16xi32>,
      %swap3A_268 = vector.shape_cast %swap3A_267 : vector<16xi32> to vector<16xi32>
      %swap3A_269 = vector.shape_cast %and3A_265 : vector<16xi32> to vector<16xi32>
      tpu.vector_store %arg11[%swap3A_266], %swap3A_269 {strides = array<i32>} : memref<256xi32, #tpu.memory_space<vmem>>, vector<16xi32>,
      %get3A_270 = arith.constant 64 : index
      %get3A_271 = tpu.vector_load %arg8[%get3A_270] {strides = array<i32>} : memref<256xf32, #tpu.memory_space<vmem>>, vector<16xf32>,
      %get3A_272 = vector.shape_cast %get3A_271 : vector<16xf32> to vector<16xf32>
      %div3A_273 = arith.constant 1.000000e-01 : f32
      %div3A_274 = vector.broadcast %div3A_273 : f32 to vector<16xf32>
      %div3A_275 = arith.divf %get3A_272, %div3A_274 : vector<16xf32>
      %convert_element_type3A_276 = arith.fptosi %div3A_275 : vector<16xf32> to vector<16xi32>
      %convert_element_type3A_277 = arith.sitofp %convert_element_type3A_276 : vector<16xi32> to vector<16xf32>
      %gt3A_278 = arith.cmpf ogt, %convert_element_type3A_277, %div3A_275 : vector<16xf32>
      %sub3A_279 = arith.constant 1 : i32
      %sub3A_280 = vector.broadcast %sub3A_279 : i32 to vector<16xi32>
      %sub3A_281 = arith.subi %convert_element_type3A_276, %sub3A_280 : vector<16xi32>
      %select_n3A_282 = arith.select %gt3A_278, %sub3A_281, %convert_element_type3A_276 : vector<16xi1>, vector<16xi32>
      %get3A_283 = arith.constant 64 : index
      %get3A_284 = tpu.vector_load %arg9[%get3A_283] {strides = array<i32>} : memref<256xf32, #tpu.memory_space<vmem>>, vector<16xf32>,
      %get3A_285 = vector.shape_cast %get3A_284 : vector<16xf32> to vector<16xf32>
      %div3A_286 = arith.constant 1.000000e-01 : f32
      %div3A_287 = vector.broadcast %div3A_286 : f32 to vector<16xf32>
      %div3A_288 = arith.divf %get3A_285, %div3A_287 : vector<16xf32>
      %convert_element_type3A_289 = arith.fptosi %div3A_288 : vector<16xf32> to vector<16xi32>
      %convert_element_type3A_290 = arith.sitofp %convert_element_type3A_289 : vector<16xi32> to vector<16xf32>
      %gt3A_291 = arith.cmpf ogt, %convert_element_type3A_290, %div3A_288 : vector<16xf32>
      %sub3A_292 = arith.constant 1 : i32
      %sub3A_293 = vector.broadcast %sub3A_292 : i32 to vector<16xi32>
      %sub3A_294 = arith.subi %convert_element_type3A_289, %sub3A_293 : vector<16xi32>
      %select_n3A_295 = arith.select %gt3A_291, %sub3A_294, %convert_element_type3A_289 : vector<16xi1>, vector<16xi32>
      %get3A_296 = arith.constant 64 : index
      %get3A_297 = tpu.vector_load %arg10[%get3A_296] {strides = array<i32>} : memref<256xf32, #tpu.memory_space<vmem>>, vector<16xf32>,
      %get3A_298 = vector.shape_cast %get3A_297 : vector<16xf32> to vector<16xf32>
      %div3A_299 = arith.constant 1.000000e-01 : f32
      %div3A_300 = vector.broadcast %div3A_299 : f32 to vector<16xf32>
      %div3A_301 = arith.divf %get3A_298, %div3A_300 : vector<16xf32>
      %convert_element_type3A_302 = arith.fptosi %div3A_301 : vector<16xf32> to vector<16xi32>
      %convert_element_type3A_303 = arith.sitofp %convert_element_type3A_302 : vector<16xi32> to vector<16xf32>
      %gt3A_304 = arith.cmpf ogt, %convert_element_type3A_303, %div3A_301 : vector<16xf32>
      %sub3A_305 = arith.constant 1 : i32
      %sub3A_306 = vector.broadcast %sub3A_305 : i32 to vector<16xi32>
      %sub3A_307 = arith.subi %convert_element_type3A_302, %sub3A_306 : vector<16xi32>
      %select_n3A_308 = arith.select %gt3A_304, %sub3A_307, %convert_element_type3A_302 : vector<16xi1>, vector<16xi32>
      %mul3A_309 = arith.constant 73856093 : i32
      %mul3A_310 = vector.broadcast %mul3A_309 : i32 to vector<16xi32>
      %mul3A_311 = arith.muli %select_n3A_282, %mul3A_310 : vector<16xi32>
      %mul3A_312 = arith.constant 19349669 : i32
      %mul3A_313 = vector.broadcast %mul3A_312 : i32 to vector<16xi32>
      %mul3A_314 = arith.muli %select_n3A_295, %mul3A_313 : vector<16xi32>
      %add3A_315 = arith.addi %mul3A_311, %mul3A_314 : vector<16xi32>
      %mul3A_316 = arith.constant 83492791 : i32
      %mul3A_317 = vector.broadcast %mul3A_316 : i32 to vector<16xi32>
      %mul3A_318 = arith.muli %select_n3A_308, %mul3A_317 : vector<16xi32>
      %add3A_319 = arith.addi %add3A_315, %mul3A_318 : vector<16xi32>
      %and3A_320 = arith.constant 1048575 : i32
      %and3A_321 = vector.broadcast %and3A_320 : i32 to vector<16xi32>
      %and3A_322 = arith.andi %add3A_319, %and3A_321 : vector<16xi32>
      %swap3A_323 = arith.constant 64 : index
      %swap3A_324 = tpu.vector_load %arg11[%swap3A_323] {strides = array<i32>} : memref<256xi32, #tpu.memory_space<vmem>>, vector<16xi32>,
      %swap3A_325 = vector.shape_cast %swap3A_324 : vector<16xi32> to vector<16xi32>
      %swap3A_326 = vector.shape_cast %and3A_322 : vector<16xi32> to vector<16xi32>
      tpu.vector_store %arg11[%swap3A_323], %swap3A_326 {strides = array<i32>} : memref<256xi32, #tpu.memory_space<vmem>>, vector<16xi32>,
      %get3A_327 = arith.constant 80 : index
      %get3A_328 = tpu.vector_load %arg8[%get3A_327] {strides = array<i32>} : memref<256xf32, #tpu.memory_space<vmem>>, vector<16xf32>,
      %get3A_329 = vector.shape_cast %get3A_328 : vector<16xf32> to vector<16xf32>
      %div3A_330 = arith.constant 1.000000e-01 : f32
      %div3A_331 = vector.broadcast %div3A_330 : f32 to vector<16xf32>
      %div3A_332 = arith.divf %get3A_329, %div3A_331 : vector<16xf32>
      %convert_element_type3A_333 = arith.fptosi %div3A_332 : vector<16xf32> to vector<16xi32>
      %convert_element_type3A_334 = arith.sitofp %convert_element_type3A_333 : vector<16xi32> to vector<16xf32>
      %gt3A_335 = arith.cmpf ogt, %convert_element_type3A_334, %div3A_332 : vector<16xf32>
      %sub3A_336 = arith.constant 1 : i32
      %sub3A_337 = vector.broadcast %sub3A_336 : i32 to vector<16xi32>
      %sub3A_338 = arith.subi %convert_element_type3A_333, %sub3A_337 : vector<16xi32>
      %select_n3A_339 = arith.select %gt3A_335, %sub3A_338, %convert_element_type3A_333 : vector<16xi1>, vector<16xi32>
      %get3A_340 = arith.constant 80 : index
      %get3A_341 = tpu.vector_load %arg9[%get3A_340] {strides = array<i32>} : memref<256xf32, #tpu.memory_space<vmem>>, vector<16xf32>,
      %get3A_342 = vector.shape_cast %get3A_341 : vector<16xf32> to vector<16xf32>
      %div3A_343 = arith.constant 1.000000e-01 : f32
      %div3A_344 = vector.broadcast %div3A_343 : f32 to vector<16xf32>
      %div3A_345 = arith.divf %get3A_342, %div3A_344 : vector<16xf32>
      %convert_element_type3A_346 = arith.fptosi %div3A_345 : vector<16xf32> to vector<16xi32>
      %convert_element_type3A_347 = arith.sitofp %convert_element_type3A_346 : vector<16xi32> to vector<16xf32>
      %gt3A_348 = arith.cmpf ogt, %convert_element_type3A_347, %div3A_345 : vector<16xf32>
      %sub3A_349 = arith.constant 1 : i32
      %sub3A_350 = vector.broadcast %sub3A_349 : i32 to vector<16xi32>
      %sub3A_351 = arith.subi %convert_element_type3A_346, %sub3A_350 : vector<16xi32>
      %select_n3A_352 = arith.select %gt3A_348, %sub3A_351, %convert_element_type3A_346 : vector<16xi1>, vector<16xi32>
      %get3A_353 = arith.constant 80 : index
      %get3A_354 = tpu.vector_load %arg10[%get3A_353] {strides = array<i32>} : memref<256xf32, #tpu.memory_space<vmem>>, vector<16xf32>,
      %get3A_355 = vector.shape_cast %get3A_354 : vector<16xf32> to vector<16xf32>
      %div3A_356 = arith.constant 1.000000e-01 : f32
      %div3A_357 = vector.broadcast %div3A_356 : f32 to vector<16xf32>
      %div3A_358 = arith.divf %get3A_355, %div3A_357 : vector<16xf32>
      %convert_element_type3A_359 = arith.fptosi %div3A_358 : vector<16xf32> to vector<16xi32>
      %convert_element_type3A_360 = arith.sitofp %convert_element_type3A_359 : vector<16xi32> to vector<16xf32>
      %gt3A_361 = arith.cmpf ogt, %convert_element_type3A_360, %div3A_358 : vector<16xf32>
      %sub3A_362 = arith.constant 1 : i32
      %sub3A_363 = vector.broadcast %sub3A_362 : i32 to vector<16xi32>
      %sub3A_364 = arith.subi %convert_element_type3A_359, %sub3A_363 : vector<16xi32>
      %select_n3A_365 = arith.select %gt3A_361, %sub3A_364, %convert_element_type3A_359 : vector<16xi1>, vector<16xi32>
      %mul3A_366 = arith.constant 73856093 : i32
      %mul3A_367 = vector.broadcast %mul3A_366 : i32 to vector<16xi32>
      %mul3A_368 = arith.muli %select_n3A_339, %mul3A_367 : vector<16xi32>
      %mul3A_369 = arith.constant 19349669 : i32
      %mul3A_370 = vector.broadcast %mul3A_369 : i32 to vector<16xi32>
      %mul3A_371 = arith.muli %select_n3A_352, %mul3A_370 : vector<16xi32>
      %add3A_372 = arith.addi %mul3A_368, %mul3A_371 : vector<16xi32>
      %mul3A_373 = arith.constant 83492791 : i32
      %mul3A_374 = vector.broadcast %mul3A_373 : i32 to vector<16xi32>
      %mul3A_375 = arith.muli %select_n3A_365, %mul3A_374 : vector<16xi32>
      %add3A_376 = arith.addi %add3A_372, %mul3A_375 : vector<16xi32>
      %and3A_377 = arith.constant 1048575 : i32
      %and3A_378 = vector.broadcast %and3A_377 : i32 to vector<16xi32>
      %and3A_379 = arith.andi %add3A_376, %and3A_378 : vector<16xi32>
      %swap3A_380 = arith.constant 80 : index
      %swap3A_381 = tpu.vector_load %arg11[%swap3A_380] {strides = array<i32>} : memref<256xi32, #tpu.memory_space<vmem>>, vector<16xi32>,
      %swap3A_382 = vector.shape_cast %swap3A_381 : vector<16xi32> to vector<16xi32>
      %swap3A_383 = vector.shape_cast %and3A_379 : vector<16xi32> to vector<16xi32>
      tpu.vector_store %arg11[%swap3A_380], %swap3A_383 {strides = array<i32>} : memref<256xi32, #tpu.memory_space<vmem>>, vector<16xi32>,
      %get3A_384 = arith.constant 96 : index
      %get3A_385 = tpu.vector_load %arg8[%get3A_384] {strides = array<i32>} : memref<256xf32, #tpu.memory_space<vmem>>, vector<16xf32>,
      %get3A_386 = vector.shape_cast %get3A_385 : vector<16xf32> to vector<16xf32>
      %div3A_387 = arith.constant 1.000000e-01 : f32
      %div3A_388 = vector.broadcast %div3A_387 : f32 to vector<16xf32>
      %div3A_389 = arith.divf %get3A_386, %div3A_388 : vector<16xf32>
      %convert_element_type3A_390 = arith.fptosi %div3A_389 : vector<16xf32> to vector<16xi32>
      %convert_element_type3A_391 = arith.sitofp %convert_element_type3A_390 : vector<16xi32> to vector<16xf32>
      %gt3A_392 = arith.cmpf ogt, %convert_element_type3A_391, %div3A_389 : vector<16xf32>
      %sub3A_393 = arith.constant 1 : i32
      %sub3A_394 = vector.broadcast %sub3A_393 : i32 to vector<16xi32>
      %sub3A_395 = arith.subi %convert_element_type3A_390, %sub3A_394 : vector<16xi32>
      %select_n3A_396 = arith.select %gt3A_392, %sub3A_395, %convert_element_type3A_390 : vector<16xi1>, vector<16xi32>
      %get3A_397 = arith.constant 96 : index
      %get3A_398 = tpu.vector_load %arg9[%get3A_397] {strides = array<i32>} : memref<256xf32, #tpu.memory_space<vmem>>, vector<16xf32>,
      %get3A_399 = vector.shape_cast %get3A_398 : vector<16xf32> to vector<16xf32>
      %div3A_400 = arith.constant 1.000000e-01 : f32
      %div3A_401 = vector.broadcast %div3A_400 : f32 to vector<16xf32>
      %div3A_402 = arith.divf %get3A_399, %div3A_401 : vector<16xf32>
      %convert_element_type3A_403 = arith.fptosi %div3A_402 : vector<16xf32> to vector<16xi32>
      %convert_element_type3A_404 = arith.sitofp %convert_element_type3A_403 : vector<16xi32> to vector<16xf32>
      %gt3A_405 = arith.cmpf ogt, %convert_element_type3A_404, %div3A_402 : vector<16xf32>
      %sub3A_406 = arith.constant 1 : i32
      %sub3A_407 = vector.broadcast %sub3A_406 : i32 to vector<16xi32>
      %sub3A_408 = arith.subi %convert_element_type3A_403, %sub3A_407 : vector<16xi32>
      %select_n3A_409 = arith.select %gt3A_405, %sub3A_408, %convert_element_type3A_403 : vector<16xi1>, vector<16xi32>
      %get3A_410 = arith.constant 96 : index
      %get3A_411 = tpu.vector_load %arg10[%get3A_410] {strides = array<i32>} : memref<256xf32, #tpu.memory_space<vmem>>, vector<16xf32>,
      %get3A_412 = vector.shape_cast %get3A_411 : vector<16xf32> to vector<16xf32>
      %div3A_413 = arith.constant 1.000000e-01 : f32
      %div3A_414 = vector.broadcast %div3A_413 : f32 to vector<16xf32>
      %div3A_415 = arith.divf %get3A_412, %div3A_414 : vector<16xf32>
      %convert_element_type3A_416 = arith.fptosi %div3A_415 : vector<16xf32> to vector<16xi32>
      %convert_element_type3A_417 = arith.sitofp %convert_element_type3A_416 : vector<16xi32> to vector<16xf32>
      %gt3A_418 = arith.cmpf ogt, %convert_element_type3A_417, %div3A_415 : vector<16xf32>
      %sub3A_419 = arith.constant 1 : i32
      %sub3A_420 = vector.broadcast %sub3A_419 : i32 to vector<16xi32>
      %sub3A_421 = arith.subi %convert_element_type3A_416, %sub3A_420 : vector<16xi32>
      %select_n3A_422 = arith.select %gt3A_418, %sub3A_421, %convert_element_type3A_416 : vector<16xi1>, vector<16xi32>
      %mul3A_423 = arith.constant 73856093 : i32
      %mul3A_424 = vector.broadcast %mul3A_423 : i32 to vector<16xi32>
      %mul3A_425 = arith.muli %select_n3A_396, %mul3A_424 : vector<16xi32>
      %mul3A_426 = arith.constant 19349669 : i32
      %mul3A_427 = vector.broadcast %mul3A_426 : i32 to vector<16xi32>
      %mul3A_428 = arith.muli %select_n3A_409, %mul3A_427 : vector<16xi32>
      %add3A_429 = arith.addi %mul3A_425, %mul3A_428 : vector<16xi32>
      %mul3A_430 = arith.constant 83492791 : i32
      %mul3A_431 = vector.broadcast %mul3A_430 : i32 to vector<16xi32>
      %mul3A_432 = arith.muli %select_n3A_422, %mul3A_431 : vector<16xi32>
      %add3A_433 = arith.addi %add3A_429, %mul3A_432 : vector<16xi32>
      %and3A_434 = arith.constant 1048575 : i32
      %and3A_435 = vector.broadcast %and3A_434 : i32 to vector<16xi32>
      %and3A_436 = arith.andi %add3A_433, %and3A_435 : vector<16xi32>
      %swap3A_437 = arith.constant 96 : index
      %swap3A_438 = tpu.vector_load %arg11[%swap3A_437] {strides = array<i32>} : memref<256xi32, #tpu.memory_space<vmem>>, vector<16xi32>,
      %swap3A_439 = vector.shape_cast %swap3A_438 : vector<16xi32> to vector<16xi32>
      %swap3A_440 = vector.shape_cast %and3A_436 : vector<16xi32> to vector<16xi32>
      tpu.vector_store %arg11[%swap3A_437], %swap3A_440 {strides = array<i32>} : memref<256xi32, #tpu.memory_space<vmem>>, vector<16xi32>,
      %get3A_441 = arith.constant 112 : index
      %get3A_442 = tpu.vector_load %arg8[%get3A_441] {strides = array<i32>} : memref<256xf32, #tpu.memory_space<vmem>>, vector<16xf32>,
      %get3A_443 = vector.shape_cast %get3A_442 : vector<16xf32> to vector<16xf32>
      %div3A_444 = arith.constant 1.000000e-01 : f32
      %div3A_445 = vector.broadcast %div3A_444 : f32 to vector<16xf32>
      %div3A_446 = arith.divf %get3A_443, %div3A_445 : vector<16xf32>
      %convert_element_type3A_447 = arith.fptosi %div3A_446 : vector<16xf32> to vector<16xi32>
      %convert_element_type3A_448 = arith.sitofp %convert_element_type3A_447 : vector<16xi32> to vector<16xf32>
      %gt3A_449 = arith.cmpf ogt, %convert_element_type3A_448, %div3A_446 : vector<16xf32>
      %sub3A_450 = arith.constant 1 : i32
      %sub3A_451 = vector.broadcast %sub3A_450 : i32 to vector<16xi32>
      %sub3A_452 = arith.subi %convert_element_type3A_447, %sub3A_451 : vector<16xi32>
      %select_n3A_453 = arith.select %gt3A_449, %sub3A_452, %convert_element_type3A_447 : vector<16xi1>, vector<16xi32>
      %get3A_454 = arith.constant 112 : index
      %get3A_455 = tpu.vector_load %arg9[%get3A_454] {strides = array<i32>} : memref<256xf32, #tpu.memory_space<vmem>>, vector<16xf32>,
      %get3A_456 = vector.shape_cast %get3A_455 : vector<16xf32> to vector<16xf32>
      %div3A_457 = arith.constant 1.000000e-01 : f32
      %div3A_458 = vector.broadcast %div3A_457 : f32 to vector<16xf32>
      %div3A_459 = arith.divf %get3A_456, %div3A_458 : vector<16xf32>
      %convert_element_type3A_460 = arith.fptosi %div3A_459 : vector<16xf32> to vector<16xi32>
      %convert_element_type3A_461 = arith.sitofp %convert_element_type3A_460 : vector<16xi32> to vector<16xf32>
      %gt3A_462 = arith.cmpf ogt, %convert_element_type3A_461, %div3A_459 : vector<16xf32>
      %sub3A_463 = arith.constant 1 : i32
      %sub3A_464 = vector.broadcast %sub3A_463 : i32 to vector<16xi32>
      %sub3A_465 = arith.subi %convert_element_type3A_460, %sub3A_464 : vector<16xi32>
      %select_n3A_466 = arith.select %gt3A_462, %sub3A_465, %convert_element_type3A_460 : vector<16xi1>, vector<16xi32>
      %get3A_467 = arith.constant 112 : index
      %get3A_468 = tpu.vector_load %arg10[%get3A_467] {strides = array<i32>} : memref<256xf32, #tpu.memory_space<vmem>>, vector<16xf32>,
      %get3A_469 = vector.shape_cast %get3A_468 : vector<16xf32> to vector<16xf32>
      %div3A_470 = arith.constant 1.000000e-01 : f32
      %div3A_471 = vector.broadcast %div3A_470 : f32 to vector<16xf32>
      %div3A_472 = arith.divf %get3A_469, %div3A_471 : vector<16xf32>
      %convert_element_type3A_473 = arith.fptosi %div3A_472 : vector<16xf32> to vector<16xi32>
      %convert_element_type3A_474 = arith.sitofp %convert_element_type3A_473 : vector<16xi32> to vector<16xf32>
      %gt3A_475 = arith.cmpf ogt, %convert_element_type3A_474, %div3A_472 : vector<16xf32>
      %sub3A_476 = arith.constant 1 : i32
      %sub3A_477 = vector.broadcast %sub3A_476 : i32 to vector<16xi32>
      %sub3A_478 = arith.subi %convert_element_type3A_473, %sub3A_477 : vector<16xi32>
      %select_n3A_479 = arith.select %gt3A_475, %sub3A_478, %convert_element_type3A_473 : vector<16xi1>, vector<16xi32>
      %mul3A_480 = arith.constant 73856093 : i32
      %mul3A_481 = vector.broadcast %mul3A_480 : i32 to vector<16xi32>
      %mul3A_482 = arith.muli %select_n3A_453, %mul3A_481 : vector<16xi32>
      %mul3A_483 = arith.constant 19349669 : i32
      %mul3A_484 = vector.broadcast %mul3A_483 : i32 to vector<16xi32>
      %mul3A_485 = arith.muli %select_n3A_466, %mul3A_484 : vector<16xi32>
      %add3A_486 = arith.addi %mul3A_482, %mul3A_485 : vector<16xi32>
      %mul3A_487 = arith.constant 83492791 : i32
      %mul3A_488 = vector.broadcast %mul3A_487 : i32 to vector<16xi32>
      %mul3A_489 = arith.muli %select_n3A_479, %mul3A_488 : vector<16xi32>
      %add3A_490 = arith.addi %add3A_486, %mul3A_489 : vector<16xi32>
      %and3A_491 = arith.constant 1048575 : i32
      %and3A_492 = vector.broadcast %and3A_491 : i32 to vector<16xi32>
      %and3A_493 = arith.andi %add3A_490, %and3A_492 : vector<16xi32>
      %swap3A_494 = arith.constant 112 : index
      %swap3A_495 = tpu.vector_load %arg11[%swap3A_494] {strides = array<i32>} : memref<256xi32, #tpu.memory_space<vmem>>, vector<16xi32>,
      %swap3A_496 = vector.shape_cast %swap3A_495 : vector<16xi32> to vector<16xi32>
      %swap3A_497 = vector.shape_cast %and3A_493 : vector<16xi32> to vector<16xi32>
      tpu.vector_store %arg11[%swap3A_494], %swap3A_497 {strides = array<i32>} : memref<256xi32, #tpu.memory_space<vmem>>, vector<16xi32>,
      %get3A_498 = arith.constant 128 : index
      %get3A_499 = tpu.vector_load %arg8[%get3A_498] {strides = array<i32>} : memref<256xf32, #tpu.memory_space<vmem>>, vector<16xf32>,
      %get3A_500 = vector.shape_cast %get3A_499 : vector<16xf32> to vector<16xf32>
      %div3A_501 = arith.constant 1.000000e-01 : f32
      %div3A_502 = vector.broadcast %div3A_501 : f32 to vector<16xf32>
      %div3A_503 = arith.divf %get3A_500, %div3A_502 : vector<16xf32>
      %convert_element_type3A_504 = arith.fptosi %div3A_503 : vector<16xf32> to vector<16xi32>
      %convert_element_type3A_505 = arith.sitofp %convert_element_type3A_504 : vector<16xi32> to vector<16xf32>
      %gt3A_506 = arith.cmpf ogt, %convert_element_type3A_505, %div3A_503 : vector<16xf32>
      %sub3A_507 = arith.constant 1 : i32
      %sub3A_508 = vector.broadcast %sub3A_507 : i32 to vector<16xi32>
      %sub3A_509 = arith.subi %convert_element_type3A_504, %sub3A_508 : vector<16xi32>
      %select_n3A_510 = arith.select %gt3A_506, %sub3A_509, %convert_element_type3A_504 : vector<16xi1>, vector<16xi32>
      %get3A_511 = arith.constant 128 : index
      %get3A_512 = tpu.vector_load %arg9[%get3A_511] {strides = array<i32>} : memref<256xf32, #tpu.memory_space<vmem>>, vector<16xf32>,
      %get3A_513 = vector.shape_cast %get3A_512 : vector<16xf32> to vector<16xf32>
      %div3A_514 = arith.constant 1.000000e-01 : f32
      %div3A_515 = vector.broadcast %div3A_514 : f32 to vector<16xf32>
      %div3A_516 = arith.divf %get3A_513, %div3A_515 : vector<16xf32>
      %convert_element_type3A_517 = arith.fptosi %div3A_516 : vector<16xf32> to vector<16xi32>
      %convert_element_type3A_518 = arith.sitofp %convert_element_type3A_517 : vector<16xi32> to vector<16xf32>
      %gt3A_519 = arith.cmpf ogt, %convert_element_type3A_518, %div3A_516 : vector<16xf32>
      %sub3A_520 = arith.constant 1 : i32
      %sub3A_521 = vector.broadcast %sub3A_520 : i32 to vector<16xi32>
      %sub3A_522 = arith.subi %convert_element_type3A_517, %sub3A_521 : vector<16xi32>
      %select_n3A_523 = arith.select %gt3A_519, %sub3A_522, %convert_element_type3A_517 : vector<16xi1>, vector<16xi32>
      %get3A_524 = arith.constant 128 : index
      %get3A_525 = tpu.vector_load %arg10[%get3A_524] {strides = array<i32>} : memref<256xf32, #tpu.memory_space<vmem>>, vector<16xf32>,
      %get3A_526 = vector.shape_cast %get3A_525 : vector<16xf32> to vector<16xf32>
      %div3A_527 = arith.constant 1.000000e-01 : f32
      %div3A_528 = vector.broadcast %div3A_527 : f32 to vector<16xf32>
      %div3A_529 = arith.divf %get3A_526, %div3A_528 : vector<16xf32>
      %convert_element_type3A_530 = arith.fptosi %div3A_529 : vector<16xf32> to vector<16xi32>
      %convert_element_type3A_531 = arith.sitofp %convert_element_type3A_530 : vector<16xi32> to vector<16xf32>
      %gt3A_532 = arith.cmpf ogt, %convert_element_type3A_531, %div3A_529 : vector<16xf32>
      %sub3A_533 = arith.constant 1 : i32
      %sub3A_534 = vector.broadcast %sub3A_533 : i32 to vector<16xi32>
      %sub3A_535 = arith.subi %convert_element_type3A_530, %sub3A_534 : vector<16xi32>
      %select_n3A_536 = arith.select %gt3A_532, %sub3A_535, %convert_element_type3A_530 : vector<16xi1>, vector<16xi32>
      %mul3A_537 = arith.constant 73856093 : i32
      %mul3A_538 = vector.broadcast %mul3A_537 : i32 to vector<16xi32>
      %mul3A_539 = arith.muli %select_n3A_510, %mul3A_538 : vector<16xi32>
      %mul3A_540 = arith.constant 19349669 : i32
      %mul3A_541 = vector.broadcast %mul3A_540 : i32 to vector<16xi32>
      %mul3A_542 = arith.muli %select_n3A_523, %mul3A_541 : vector<16xi32>
      %add3A_543 = arith.addi %mul3A_539, %mul3A_542 : vector<16xi32>
      %mul3A_544 = arith.constant 83492791 : i32
      %mul3A_545 = vector.broadcast %mul3A_544 : i32 to vector<16xi32>
      %mul3A_546 = arith.muli %select_n3A_536, %mul3A_545 : vector<16xi32>
      %add3A_547 = arith.addi %add3A_543, %mul3A_546 : vector<16xi32>
      %and3A_548 = arith.constant 1048575 : i32
      %and3A_549 = vector.broadcast %and3A_548 : i32 to vector<16xi32>
      %and3A_550 = arith.andi %add3A_547, %and3A_549 : vector<16xi32>
      %swap3A_551 = arith.constant 128 : index
      %swap3A_552 = tpu.vector_load %arg11[%swap3A_551] {strides = array<i32>} : memref<256xi32, #tpu.memory_space<vmem>>, vector<16xi32>,
      %swap3A_553 = vector.shape_cast %swap3A_552 : vector<16xi32> to vector<16xi32>
      %swap3A_554 = vector.shape_cast %and3A_550 : vector<16xi32> to vector<16xi32>
      tpu.vector_store %arg11[%swap3A_551], %swap3A_554 {strides = array<i32>} : memref<256xi32, #tpu.memory_space<vmem>>, vector<16xi32>,
      %get3A_555 = arith.constant 144 : index
      %get3A_556 = tpu.vector_load %arg8[%get3A_555] {strides = array<i32>} : memref<256xf32, #tpu.memory_space<vmem>>, vector<16xf32>,
      %get3A_557 = vector.shape_cast %get3A_556 : vector<16xf32> to vector<16xf32>
      %div3A_558 = arith.constant 1.000000e-01 : f32
      %div3A_559 = vector.broadcast %div3A_558 : f32 to vector<16xf32>
      %div3A_560 = arith.divf %get3A_557, %div3A_559 : vector<16xf32>
      %convert_element_type3A_561 = arith.fptosi %div3A_560 : vector<16xf32> to vector<16xi32>
      %convert_element_type3A_562 = arith.sitofp %convert_element_type3A_561 : vector<16xi32> to vector<16xf32>
      %gt3A_563 = arith.cmpf ogt, %convert_element_type3A_562, %div3A_560 : vector<16xf32>
      %sub3A_564 = arith.constant 1 : i32
      %sub3A_565 = vector.broadcast %sub3A_564 : i32 to vector<16xi32>
      %sub3A_566 = arith.subi %convert_element_type3A_561, %sub3A_565 : vector<16xi32>
      %select_n3A_567 = arith.select %gt3A_563, %sub3A_566, %convert_element_type3A_561 : vector<16xi1>, vector<16xi32>
      %get3A_568 = arith.constant 144 : index
      %get3A_569 = tpu.vector_load %arg9[%get3A_568] {strides = array<i32>} : memref<256xf32, #tpu.memory_space<vmem>>, vector<16xf32>,
      %get3A_570 = vector.shape_cast %get3A_569 : vector<16xf32> to vector<16xf32>
      %div3A_571 = arith.constant 1.000000e-01 : f32
      %div3A_572 = vector.broadcast %div3A_571 : f32 to vector<16xf32>
      %div3A_573 = arith.divf %get3A_570, %div3A_572 : vector<16xf32>
      %convert_element_type3A_574 = arith.fptosi %div3A_573 : vector<16xf32> to vector<16xi32>
      %convert_element_type3A_575 = arith.sitofp %convert_element_type3A_574 : vector<16xi32> to vector<16xf32>
      %gt3A_576 = arith.cmpf ogt, %convert_element_type3A_575, %div3A_573 : vector<16xf32>
      %sub3A_577 = arith.constant 1 : i32
      %sub3A_578 = vector.broadcast %sub3A_577 : i32 to vector<16xi32>
      %sub3A_579 = arith.subi %convert_element_type3A_574, %sub3A_578 : vector<16xi32>
      %select_n3A_580 = arith.select %gt3A_576, %sub3A_579, %convert_element_type3A_574 : vector<16xi1>, vector<16xi32>
      %get3A_581 = arith.constant 144 : index
      %get3A_582 = tpu.vector_load %arg10[%get3A_581] {strides = array<i32>} : memref<256xf32, #tpu.memory_space<vmem>>, vector<16xf32>,
      %get3A_583 = vector.shape_cast %get3A_582 : vector<16xf32> to vector<16xf32>
      %div3A_584 = arith.constant 1.000000e-01 : f32
      %div3A_585 = vector.broadcast %div3A_584 : f32 to vector<16xf32>
      %div3A_586 = arith.divf %get3A_583, %div3A_585 : vector<16xf32>
      %convert_element_type3A_587 = arith.fptosi %div3A_586 : vector<16xf32> to vector<16xi32>
      %convert_element_type3A_588 = arith.sitofp %convert_element_type3A_587 : vector<16xi32> to vector<16xf32>
      %gt3A_589 = arith.cmpf ogt, %convert_element_type3A_588, %div3A_586 : vector<16xf32>
      %sub3A_590 = arith.constant 1 : i32
      %sub3A_591 = vector.broadcast %sub3A_590 : i32 to vector<16xi32>
      %sub3A_592 = arith.subi %convert_element_type3A_587, %sub3A_591 : vector<16xi32>
      %select_n3A_593 = arith.select %gt3A_589, %sub3A_592, %convert_element_type3A_587 : vector<16xi1>, vector<16xi32>
      %mul3A_594 = arith.constant 73856093 : i32
      %mul3A_595 = vector.broadcast %mul3A_594 : i32 to vector<16xi32>
      %mul3A_596 = arith.muli %select_n3A_567, %mul3A_595 : vector<16xi32>
      %mul3A_597 = arith.constant 19349669 : i32
      %mul3A_598 = vector.broadcast %mul3A_597 : i32 to vector<16xi32>
      %mul3A_599 = arith.muli %select_n3A_580, %mul3A_598 : vector<16xi32>
      %add3A_600 = arith.addi %mul3A_596, %mul3A_599 : vector<16xi32>
      %mul3A_601 = arith.constant 83492791 : i32
      %mul3A_602 = vector.broadcast %mul3A_601 : i32 to vector<16xi32>
      %mul3A_603 = arith.muli %select_n3A_593, %mul3A_602 : vector<16xi32>
      %add3A_604 = arith.addi %add3A_600, %mul3A_603 : vector<16xi32>
      %and3A_605 = arith.constant 1048575 : i32
      %and3A_606 = vector.broadcast %and3A_605 : i32 to vector<16xi32>
      %and3A_607 = arith.andi %add3A_604, %and3A_606 : vector<16xi32>
      %swap3A_608 = arith.constant 144 : index
      %swap3A_609 = tpu.vector_load %arg11[%swap3A_608] {strides = array<i32>} : memref<256xi32, #tpu.memory_space<vmem>>, vector<16xi32>,
      %swap3A_610 = vector.shape_cast %swap3A_609 : vector<16xi32> to vector<16xi32>
      %swap3A_611 = vector.shape_cast %and3A_607 : vector<16xi32> to vector<16xi32>
      tpu.vector_store %arg11[%swap3A_608], %swap3A_611 {strides = array<i32>} : memref<256xi32, #tpu.memory_space<vmem>>, vector<16xi32>,
      %get3A_612 = arith.constant 160 : index
      %get3A_613 = tpu.vector_load %arg8[%get3A_612] {strides = array<i32>} : memref<256xf32, #tpu.memory_space<vmem>>, vector<16xf32>,
      %get3A_614 = vector.shape_cast %get3A_613 : vector<16xf32> to vector<16xf32>
      %div3A_615 = arith.constant 1.000000e-01 : f32
      %div3A_616 = vector.broadcast %div3A_615 : f32 to vector<16xf32>
      %div3A_617 = arith.divf %get3A_614, %div3A_616 : vector<16xf32>
      %convert_element_type3A_618 = arith.fptosi %div3A_617 : vector<16xf32> to vector<16xi32>
      %convert_element_type3A_619 = arith.sitofp %convert_element_type3A_618 : vector<16xi32> to vector<16xf32>
      %gt3A_620 = arith.cmpf ogt, %convert_element_type3A_619, %div3A_617 : vector<16xf32>
      %sub3A_621 = arith.constant 1 : i32
      %sub3A_622 = vector.broadcast %sub3A_621 : i32 to vector<16xi32>
      %sub3A_623 = arith.subi %convert_element_type3A_618, %sub3A_622 : vector<16xi32>
      %select_n3A_624 = arith.select %gt3A_620, %sub3A_623, %convert_element_type3A_618 : vector<16xi1>, vector<16xi32>
      %get3A_625 = arith.constant 160 : index
      %get3A_626 = tpu.vector_load %arg9[%get3A_625] {strides = array<i32>} : memref<256xf32, #tpu.memory_space<vmem>>, vector<16xf32>,
      %get3A_627 = vector.shape_cast %get3A_626 : vector<16xf32> to vector<16xf32>
      %div3A_628 = arith.constant 1.000000e-01 : f32
      %div3A_629 = vector.broadcast %div3A_628 : f32 to vector<16xf32>
      %div3A_630 = arith.divf %get3A_627, %div3A_629 : vector<16xf32>
      %convert_element_type3A_631 = arith.fptosi %div3A_630 : vector<16xf32> to vector<16xi32>
      %convert_element_type3A_632 = arith.sitofp %convert_element_type3A_631 : vector<16xi32> to vector<16xf32>
      %gt3A_633 = arith.cmpf ogt, %convert_element_type3A_632, %div3A_630 : vector<16xf32>
      %sub3A_634 = arith.constant 1 : i32
      %sub3A_635 = vector.broadcast %sub3A_634 : i32 to vector<16xi32>
      %sub3A_636 = arith.subi %convert_element_type3A_631, %sub3A_635 : vector<16xi32>
      %select_n3A_637 = arith.select %gt3A_633, %sub3A_636, %convert_element_type3A_631 : vector<16xi1>, vector<16xi32>
      %get3A_638 = arith.constant 160 : index
      %get3A_639 = tpu.vector_load %arg10[%get3A_638] {strides = array<i32>} : memref<256xf32, #tpu.memory_space<vmem>>, vector<16xf32>,
      %get3A_640 = vector.shape_cast %get3A_639 : vector<16xf32> to vector<16xf32>
      %div3A_641 = arith.constant 1.000000e-01 : f32
      %div3A_642 = vector.broadcast %div3A_641 : f32 to vector<16xf32>
      %div3A_643 = arith.divf %get3A_640, %div3A_642 : vector<16xf32>
      %convert_element_type3A_644 = arith.fptosi %div3A_643 : vector<16xf32> to vector<16xi32>
      %convert_element_type3A_645 = arith.sitofp %convert_element_type3A_644 : vector<16xi32> to vector<16xf32>
      %gt3A_646 = arith.cmpf ogt, %convert_element_type3A_645, %div3A_643 : vector<16xf32>
      %sub3A_647 = arith.constant 1 : i32
      %sub3A_648 = vector.broadcast %sub3A_647 : i32 to vector<16xi32>
      %sub3A_649 = arith.subi %convert_element_type3A_644, %sub3A_648 : vector<16xi32>
      %select_n3A_650 = arith.select %gt3A_646, %sub3A_649, %convert_element_type3A_644 : vector<16xi1>, vector<16xi32>
      %mul3A_651 = arith.constant 73856093 : i32
      %mul3A_652 = vector.broadcast %mul3A_651 : i32 to vector<16xi32>
      %mul3A_653 = arith.muli %select_n3A_624, %mul3A_652 : vector<16xi32>
      %mul3A_654 = arith.constant 19349669 : i32
      %mul3A_655 = vector.broadcast %mul3A_654 : i32 to vector<16xi32>
      %mul3A_656 = arith.muli %select_n3A_637, %mul3A_655 : vector<16xi32>
      %add3A_657 = arith.addi %mul3A_653, %mul3A_656 : vector<16xi32>
      %mul3A_658 = arith.constant 83492791 : i32
      %mul3A_659 = vector.broadcast %mul3A_658 : i32 to vector<16xi32>
      %mul3A_660 = arith.muli %select_n3A_650, %mul3A_659 : vector<16xi32>
      %add3A_661 = arith.addi %add3A_657, %mul3A_660 : vector<16xi32>
      %and3A_662 = arith.constant 1048575 : i32
      %and3A_663 = vector.broadcast %and3A_662 : i32 to vector<16xi32>
      %and3A_664 = arith.andi %add3A_661, %and3A_663 : vector<16xi32>
      %swap3A_665 = arith.constant 160 : index
      %swap3A_666 = tpu.vector_load %arg11[%swap3A_665] {strides = array<i32>} : memref<256xi32, #tpu.memory_space<vmem>>, vector<16xi32>,
      %swap3A_667 = vector.shape_cast %swap3A_666 : vector<16xi32> to vector<16xi32>
      %swap3A_668 = vector.shape_cast %and3A_664 : vector<16xi32> to vector<16xi32>
      tpu.vector_store %arg11[%swap3A_665], %swap3A_668 {strides = array<i32>} : memref<256xi32, #tpu.memory_space<vmem>>, vector<16xi32>,
      %get3A_669 = arith.constant 176 : index
      %get3A_670 = tpu.vector_load %arg8[%get3A_669] {strides = array<i32>} : memref<256xf32, #tpu.memory_space<vmem>>, vector<16xf32>,
      %get3A_671 = vector.shape_cast %get3A_670 : vector<16xf32> to vector<16xf32>
      %div3A_672 = arith.constant 1.000000e-01 : f32
      %div3A_673 = vector.broadcast %div3A_672 : f32 to vector<16xf32>
      %div3A_674 = arith.divf %get3A_671, %div3A_673 : vector<16xf32>
      %convert_element_type3A_675 = arith.fptosi %div3A_674 : vector<16xf32> to vector<16xi32>
      %convert_element_type3A_676 = arith.sitofp %convert_element_type3A_675 : vector<16xi32> to vector<16xf32>
      %gt3A_677 = arith.cmpf ogt, %convert_element_type3A_676, %div3A_674 : vector<16xf32>
      %sub3A_678 = arith.constant 1 : i32
      %sub3A_679 = vector.broadcast %sub3A_678 : i32 to vector<16xi32>
      %sub3A_680 = arith.subi %convert_element_type3A_675, %sub3A_679 : vector<16xi32>
      %select_n3A_681 = arith.select %gt3A_677, %sub3A_680, %convert_element_type3A_675 : vector<16xi1>, vector<16xi32>
      %get3A_682 = arith.constant 176 : index
      %get3A_683 = tpu.vector_load %arg9[%get3A_682] {strides = array<i32>} : memref<256xf32, #tpu.memory_space<vmem>>, vector<16xf32>,
      %get3A_684 = vector.shape_cast %get3A_683 : vector<16xf32> to vector<16xf32>
      %div3A_685 = arith.constant 1.000000e-01 : f32
      %div3A_686 = vector.broadcast %div3A_685 : f32 to vector<16xf32>
      %div3A_687 = arith.divf %get3A_684, %div3A_686 : vector<16xf32>
      %convert_element_type3A_688 = arith.fptosi %div3A_687 : vector<16xf32> to vector<16xi32>
      %convert_element_type3A_689 = arith.sitofp %convert_element_type3A_688 : vector<16xi32> to vector<16xf32>
      %gt3A_690 = arith.cmpf ogt, %convert_element_type3A_689, %div3A_687 : vector<16xf32>
      %sub3A_691 = arith.constant 1 : i32
      %sub3A_692 = vector.broadcast %sub3A_691 : i32 to vector<16xi32>
      %sub3A_693 = arith.subi %convert_element_type3A_688, %sub3A_692 : vector<16xi32>
      %select_n3A_694 = arith.select %gt3A_690, %sub3A_693, %convert_element_type3A_688 : vector<16xi1>, vector<16xi32>
      %get3A_695 = arith.constant 176 : index
      %get3A_696 = tpu.vector_load %arg10[%get3A_695] {strides = array<i32>} : memref<256xf32, #tpu.memory_space<vmem>>, vector<16xf32>,
      %get3A_697 = vector.shape_cast %get3A_696 : vector<16xf32> to vector<16xf32>
      %div3A_698 = arith.constant 1.000000e-01 : f32
      %div3A_699 = vector.broadcast %div3A_698 : f32 to vector<16xf32>
      %div3A_700 = arith.divf %get3A_697, %div3A_699 : vector<16xf32>
      %convert_element_type3A_701 = arith.fptosi %div3A_700 : vector<16xf32> to vector<16xi32>
      %convert_element_type3A_702 = arith.sitofp %convert_element_type3A_701 : vector<16xi32> to vector<16xf32>
      %gt3A_703 = arith.cmpf ogt, %convert_element_type3A_702, %div3A_700 : vector<16xf32>
      %sub3A_704 = arith.constant 1 : i32
      %sub3A_705 = vector.broadcast %sub3A_704 : i32 to vector<16xi32>
      %sub3A_706 = arith.subi %convert_element_type3A_701, %sub3A_705 : vector<16xi32>
      %select_n3A_707 = arith.select %gt3A_703, %sub3A_706, %convert_element_type3A_701 : vector<16xi1>, vector<16xi32>
      %mul3A_708 = arith.constant 73856093 : i32
      %mul3A_709 = vector.broadcast %mul3A_708 : i32 to vector<16xi32>
      %mul3A_710 = arith.muli %select_n3A_681, %mul3A_709 : vector<16xi32>
      %mul3A_711 = arith.constant 19349669 : i32
      %mul3A_712 = vector.broadcast %mul3A_711 : i32 to vector<16xi32>
      %mul3A_713 = arith.muli %select_n3A_694, %mul3A_712 : vector<16xi32>
      %add3A_714 = arith.addi %mul3A_710, %mul3A_713 : vector<16xi32>
      %mul3A_715 = arith.constant 83492791 : i32
      %mul3A_716 = vector.broadcast %mul3A_715 : i32 to vector<16xi32>
      %mul3A_717 = arith.muli %select_n3A_707, %mul3A_716 : vector<16xi32>
      %add3A_718 = arith.addi %add3A_714, %mul3A_717 : vector<16xi32>
      %and3A_719 = arith.constant 1048575 : i32
      %and3A_720 = vector.broadcast %and3A_719 : i32 to vector<16xi32>
      %and3A_721 = arith.andi %add3A_718, %and3A_720 : vector<16xi32>
      %swap3A_722 = arith.constant 176 : index
      %swap3A_723 = tpu.vector_load %arg11[%swap3A_722] {strides = array<i32>} : memref<256xi32, #tpu.memory_space<vmem>>, vector<16xi32>,
      %swap3A_724 = vector.shape_cast %swap3A_723 : vector<16xi32> to vector<16xi32>
      %swap3A_725 = vector.shape_cast %and3A_721 : vector<16xi32> to vector<16xi32>
      tpu.vector_store %arg11[%swap3A_722], %swap3A_725 {strides = array<i32>} : memref<256xi32, #tpu.memory_space<vmem>>, vector<16xi32>,
      %get3A_726 = arith.constant 192 : index
      %get3A_727 = tpu.vector_load %arg8[%get3A_726] {strides = array<i32>} : memref<256xf32, #tpu.memory_space<vmem>>, vector<16xf32>,
      %get3A_728 = vector.shape_cast %get3A_727 : vector<16xf32> to vector<16xf32>
      %div3A_729 = arith.constant 1.000000e-01 : f32
      %div3A_730 = vector.broadcast %div3A_729 : f32 to vector<16xf32>
      %div3A_731 = arith.divf %get3A_728, %div3A_730 : vector<16xf32>
      %convert_element_type3A_732 = arith.fptosi %div3A_731 : vector<16xf32> to vector<16xi32>
      %convert_element_type3A_733 = arith.sitofp %convert_element_type3A_732 : vector<16xi32> to vector<16xf32>
      %gt3A_734 = arith.cmpf ogt, %convert_element_type3A_733, %div3A_731 : vector<16xf32>
      %sub3A_735 = arith.constant 1 : i32
      %sub3A_736 = vector.broadcast %sub3A_735 : i32 to vector<16xi32>
      %sub3A_737 = arith.subi %convert_element_type3A_732, %sub3A_736 : vector<16xi32>
      %select_n3A_738 = arith.select %gt3A_734, %sub3A_737, %convert_element_type3A_732 : vector<16xi1>, vector<16xi32>
      %get3A_739 = arith.constant 192 : index
      %get3A_740 = tpu.vector_load %arg9[%get3A_739] {strides = array<i32>} : memref<256xf32, #tpu.memory_space<vmem>>, vector<16xf32>,
      %get3A_741 = vector.shape_cast %get3A_740 : vector<16xf32> to vector<16xf32>
      %div3A_742 = arith.constant 1.000000e-01 : f32
      %div3A_743 = vector.broadcast %div3A_742 : f32 to vector<16xf32>
      %div3A_744 = arith.divf %get3A_741, %div3A_743 : vector<16xf32>
      %convert_element_type3A_745 = arith.fptosi %div3A_744 : vector<16xf32> to vector<16xi32>
      %convert_element_type3A_746 = arith.sitofp %convert_element_type3A_745 : vector<16xi32> to vector<16xf32>
      %gt3A_747 = arith.cmpf ogt, %convert_element_type3A_746, %div3A_744 : vector<16xf32>
      %sub3A_748 = arith.constant 1 : i32
      %sub3A_749 = vector.broadcast %sub3A_748 : i32 to vector<16xi32>
      %sub3A_750 = arith.subi %convert_element_type3A_745, %sub3A_749 : vector<16xi32>
      %select_n3A_751 = arith.select %gt3A_747, %sub3A_750, %convert_element_type3A_745 : vector<16xi1>, vector<16xi32>
      %get3A_752 = arith.constant 192 : index
      %get3A_753 = tpu.vector_load %arg10[%get3A_752] {strides = array<i32>} : memref<256xf32, #tpu.memory_space<vmem>>, vector<16xf32>,
      %get3A_754 = vector.shape_cast %get3A_753 : vector<16xf32> to vector<16xf32>
      %div3A_755 = arith.constant 1.000000e-01 : f32
      %div3A_756 = vector.broadcast %div3A_755 : f32 to vector<16xf32>
      %div3A_757 = arith.divf %get3A_754, %div3A_756 : vector<16xf32>
      %convert_element_type3A_758 = arith.fptosi %div3A_757 : vector<16xf32> to vector<16xi32>
      %convert_element_type3A_759 = arith.sitofp %convert_element_type3A_758 : vector<16xi32> to vector<16xf32>
      %gt3A_760 = arith.cmpf ogt, %convert_element_type3A_759, %div3A_757 : vector<16xf32>
      %sub3A_761 = arith.constant 1 : i32
      %sub3A_762 = vector.broadcast %sub3A_761 : i32 to vector<16xi32>
      %sub3A_763 = arith.subi %convert_element_type3A_758, %sub3A_762 : vector<16xi32>
      %select_n3A_764 = arith.select %gt3A_760, %sub3A_763, %convert_element_type3A_758 : vector<16xi1>, vector<16xi32>
      %mul3A_765 = arith.constant 73856093 : i32
      %mul3A_766 = vector.broadcast %mul3A_765 : i32 to vector<16xi32>
      %mul3A_767 = arith.muli %select_n3A_738, %mul3A_766 : vector<16xi32>
      %mul3A_768 = arith.constant 19349669 : i32
      %mul3A_769 = vector.broadcast %mul3A_768 : i32 to vector<16xi32>
      %mul3A_770 = arith.muli %select_n3A_751, %mul3A_769 : vector<16xi32>
      %add3A_771 = arith.addi %mul3A_767, %mul3A_770 : vector<16xi32>
      %mul3A_772 = arith.constant 83492791 : i32
      %mul3A_773 = vector.broadcast %mul3A_772 : i32 to vector<16xi32>
      %mul3A_774 = arith.muli %select_n3A_764, %mul3A_773 : vector<16xi32>
      %add3A_775 = arith.addi %add3A_771, %mul3A_774 : vector<16xi32>
      %and3A_776 = arith.constant 1048575 : i32
      %and3A_777 = vector.broadcast %and3A_776 : i32 to vector<16xi32>
      %and3A_778 = arith.andi %add3A_775, %and3A_777 : vector<16xi32>
      %swap3A_779 = arith.constant 192 : index
      %swap3A_780 = tpu.vector_load %arg11[%swap3A_779] {strides = array<i32>} : memref<256xi32, #tpu.memory_space<vmem>>, vector<16xi32>,
      %swap3A_781 = vector.shape_cast %swap3A_780 : vector<16xi32> to vector<16xi32>
      %swap3A_782 = vector.shape_cast %and3A_778 : vector<16xi32> to vector<16xi32>
      tpu.vector_store %arg11[%swap3A_779], %swap3A_782 {strides = array<i32>} : memref<256xi32, #tpu.memory_space<vmem>>, vector<16xi32>,
      %get3A_783 = arith.constant 208 : index
      %get3A_784 = tpu.vector_load %arg8[%get3A_783] {strides = array<i32>} : memref<256xf32, #tpu.memory_space<vmem>>, vector<16xf32>,
      %get3A_785 = vector.shape_cast %get3A_784 : vector<16xf32> to vector<16xf32>
      %div3A_786 = arith.constant 1.000000e-01 : f32
      %div3A_787 = vector.broadcast %div3A_786 : f32 to vector<16xf32>
      %div3A_788 = arith.divf %get3A_785, %div3A_787 : vector<16xf32>
      %convert_element_type3A_789 = arith.fptosi %div3A_788 : vector<16xf32> to vector<16xi32>
      %convert_element_type3A_790 = arith.sitofp %convert_element_type3A_789 : vector<16xi32> to vector<16xf32>
      %gt3A_791 = arith.cmpf ogt, %convert_element_type3A_790, %div3A_788 : vector<16xf32>
      %sub3A_792 = arith.constant 1 : i32
      %sub3A_793 = vector.broadcast %sub3A_792 : i32 to vector<16xi32>
      %sub3A_794 = arith.subi %convert_element_type3A_789, %sub3A_793 : vector<16xi32>
      %select_n3A_795 = arith.select %gt3A_791, %sub3A_794, %convert_element_type3A_789 : vector<16xi1>, vector<16xi32>
      %get3A_796 = arith.constant 208 : index
      %get3A_797 = tpu.vector_load %arg9[%get3A_796] {strides = array<i32>} : memref<256xf32, #tpu.memory_space<vmem>>, vector<16xf32>,
      %get3A_798 = vector.shape_cast %get3A_797 : vector<16xf32> to vector<16xf32>
      %div3A_799 = arith.constant 1.000000e-01 : f32
      %div3A_800 = vector.broadcast %div3A_799 : f32 to vector<16xf32>
      %div3A_801 = arith.divf %get3A_798, %div3A_800 : vector<16xf32>
      %convert_element_type3A_802 = arith.fptosi %div3A_801 : vector<16xf32> to vector<16xi32>
      %convert_element_type3A_803 = arith.sitofp %convert_element_type3A_802 : vector<16xi32> to vector<16xf32>
      %gt3A_804 = arith.cmpf ogt, %convert_element_type3A_803, %div3A_801 : vector<16xf32>
      %sub3A_805 = arith.constant 1 : i32
      %sub3A_806 = vector.broadcast %sub3A_805 : i32 to vector<16xi32>
      %sub3A_807 = arith.subi %convert_element_type3A_802, %sub3A_806 : vector<16xi32>
      %select_n3A_808 = arith.select %gt3A_804, %sub3A_807, %convert_element_type3A_802 : vector<16xi1>, vector<16xi32>
      %get3A_809 = arith.constant 208 : index
      %get3A_810 = tpu.vector_load %arg10[%get3A_809] {strides = array<i32>} : memref<256xf32, #tpu.memory_space<vmem>>, vector<16xf32>,
      %get3A_811 = vector.shape_cast %get3A_810 : vector<16xf32> to vector<16xf32>
      %div3A_812 = arith.constant 1.000000e-01 : f32
      %div3A_813 = vector.broadcast %div3A_812 : f32 to vector<16xf32>
      %div3A_814 = arith.divf %get3A_811, %div3A_813 : vector<16xf32>
      %convert_element_type3A_815 = arith.fptosi %div3A_814 : vector<16xf32> to vector<16xi32>
      %convert_element_type3A_816 = arith.sitofp %convert_element_type3A_815 : vector<16xi32> to vector<16xf32>
      %gt3A_817 = arith.cmpf ogt, %convert_element_type3A_816, %div3A_814 : vector<16xf32>
      %sub3A_818 = arith.constant 1 : i32
      %sub3A_819 = vector.broadcast %sub3A_818 : i32 to vector<16xi32>
      %sub3A_820 = arith.subi %convert_element_type3A_815, %sub3A_819 : vector<16xi32>
      %select_n3A_821 = arith.select %gt3A_817, %sub3A_820, %convert_element_type3A_815 : vector<16xi1>, vector<16xi32>
      %mul3A_822 = arith.constant 73856093 : i32
      %mul3A_823 = vector.broadcast %mul3A_822 : i32 to vector<16xi32>
      %mul3A_824 = arith.muli %select_n3A_795, %mul3A_823 : vector<16xi32>
      %mul3A_825 = arith.constant 19349669 : i32
      %mul3A_826 = vector.broadcast %mul3A_825 : i32 to vector<16xi32>
      %mul3A_827 = arith.muli %select_n3A_808, %mul3A_826 : vector<16xi32>
      %add3A_828 = arith.addi %mul3A_824, %mul3A_827 : vector<16xi32>
      %mul3A_829 = arith.constant 83492791 : i32
      %mul3A_830 = vector.broadcast %mul3A_829 : i32 to vector<16xi32>
      %mul3A_831 = arith.muli %select_n3A_821, %mul3A_830 : vector<16xi32>
      %add3A_832 = arith.addi %add3A_828, %mul3A_831 : vector<16xi32>
      %and3A_833 = arith.constant 1048575 : i32
      %and3A_834 = vector.broadcast %and3A_833 : i32 to vector<16xi32>
      %and3A_835 = arith.andi %add3A_832, %and3A_834 : vector<16xi32>
      %swap3A_836 = arith.constant 208 : index
      %swap3A_837 = tpu.vector_load %arg11[%swap3A_836] {strides = array<i32>} : memref<256xi32, #tpu.memory_space<vmem>>, vector<16xi32>,
      %swap3A_838 = vector.shape_cast %swap3A_837 : vector<16xi32> to vector<16xi32>
      %swap3A_839 = vector.shape_cast %and3A_835 : vector<16xi32> to vector<16xi32>
      tpu.vector_store %arg11[%swap3A_836], %swap3A_839 {strides = array<i32>} : memref<256xi32, #tpu.memory_space<vmem>>, vector<16xi32>,
      %get3A_840 = arith.constant 224 : index
      %get3A_841 = tpu.vector_load %arg8[%get3A_840] {strides = array<i32>} : memref<256xf32, #tpu.memory_space<vmem>>, vector<16xf32>,
      %get3A_842 = vector.shape_cast %get3A_841 : vector<16xf32> to vector<16xf32>
      %div3A_843 = arith.constant 1.000000e-01 : f32
      %div3A_844 = vector.broadcast %div3A_843 : f32 to vector<16xf32>
      %div3A_845 = arith.divf %get3A_842, %div3A_844 : vector<16xf32>
      %convert_element_type3A_846 = arith.fptosi %div3A_845 : vector<16xf32> to vector<16xi32>
      %convert_element_type3A_847 = arith.sitofp %convert_element_type3A_846 : vector<16xi32> to vector<16xf32>
      %gt3A_848 = arith.cmpf ogt, %convert_element_type3A_847, %div3A_845 : vector<16xf32>
      %sub3A_849 = arith.constant 1 : i32
      %sub3A_850 = vector.broadcast %sub3A_849 : i32 to vector<16xi32>
      %sub3A_851 = arith.subi %convert_element_type3A_846, %sub3A_850 : vector<16xi32>
      %select_n3A_852 = arith.select %gt3A_848, %sub3A_851, %convert_element_type3A_846 : vector<16xi1>, vector<16xi32>
      %get3A_853 = arith.constant 224 : index
      %get3A_854 = tpu.vector_load %arg9[%get3A_853] {strides = array<i32>} : memref<256xf32, #tpu.memory_space<vmem>>, vector<16xf32>,
      %get3A_855 = vector.shape_cast %get3A_854 : vector<16xf32> to vector<16xf32>
      %div3A_856 = arith.constant 1.000000e-01 : f32
      %div3A_857 = vector.broadcast %div3A_856 : f32 to vector<16xf32>
      %div3A_858 = arith.divf %get3A_855, %div3A_857 : vector<16xf32>
      %convert_element_type3A_859 = arith.fptosi %div3A_858 : vector<16xf32> to vector<16xi32>
      %convert_element_type3A_860 = arith.sitofp %convert_element_type3A_859 : vector<16xi32> to vector<16xf32>
      %gt3A_861 = arith.cmpf ogt, %convert_element_type3A_860, %div3A_858 : vector<16xf32>
      %sub3A_862 = arith.constant 1 : i32
      %sub3A_863 = vector.broadcast %sub3A_862 : i32 to vector<16xi32>
      %sub3A_864 = arith.subi %convert_element_type3A_859, %sub3A_863 : vector<16xi32>
      %select_n3A_865 = arith.select %gt3A_861, %sub3A_864, %convert_element_type3A_859 : vector<16xi1>, vector<16xi32>
      %get3A_866 = arith.constant 224 : index
      %get3A_867 = tpu.vector_load %arg10[%get3A_866] {strides = array<i32>} : memref<256xf32, #tpu.memory_space<vmem>>, vector<16xf32>,
      %get3A_868 = vector.shape_cast %get3A_867 : vector<16xf32> to vector<16xf32>
      %div3A_869 = arith.constant 1.000000e-01 : f32
      %div3A_870 = vector.broadcast %div3A_869 : f32 to vector<16xf32>
      %div3A_871 = arith.divf %get3A_868, %div3A_870 : vector<16xf32>
      %convert_element_type3A_872 = arith.fptosi %div3A_871 : vector<16xf32> to vector<16xi32>
      %convert_element_type3A_873 = arith.sitofp %convert_element_type3A_872 : vector<16xi32> to vector<16xf32>
      %gt3A_874 = arith.cmpf ogt, %convert_element_type3A_873, %div3A_871 : vector<16xf32>
      %sub3A_875 = arith.constant 1 : i32
      %sub3A_876 = vector.broadcast %sub3A_875 : i32 to vector<16xi32>
      %sub3A_877 = arith.subi %convert_element_type3A_872, %sub3A_876 : vector<16xi32>
      %select_n3A_878 = arith.select %gt3A_874, %sub3A_877, %convert_element_type3A_872 : vector<16xi1>, vector<16xi32>
      %mul3A_879 = arith.constant 73856093 : i32
      %mul3A_880 = vector.broadcast %mul3A_879 : i32 to vector<16xi32>
      %mul3A_881 = arith.muli %select_n3A_852, %mul3A_880 : vector<16xi32>
      %mul3A_882 = arith.constant 19349669 : i32
      %mul3A_883 = vector.broadcast %mul3A_882 : i32 to vector<16xi32>
      %mul3A_884 = arith.muli %select_n3A_865, %mul3A_883 : vector<16xi32>
      %add3A_885 = arith.addi %mul3A_881, %mul3A_884 : vector<16xi32>
      %mul3A_886 = arith.constant 83492791 : i32
      %mul3A_887 = vector.broadcast %mul3A_886 : i32 to vector<16xi32>
      %mul3A_888 = arith.muli %select_n3A_878, %mul3A_887 : vector<16xi32>
      %add3A_889 = arith.addi %add3A_885, %mul3A_888 : vector<16xi32>
      %and3A_890 = arith.constant 1048575 : i32
      %and3A_891 = vector.broadcast %and3A_890 : i32 to vector<16xi32>
      %and3A_892 = arith.andi %add3A_889, %and3A_891 : vector<16xi32>
      %swap3A_893 = arith.constant 224 : index
      %swap3A_894 = tpu.vector_load %arg11[%swap3A_893] {strides = array<i32>} : memref<256xi32, #tpu.memory_space<vmem>>, vector<16xi32>,
      %swap3A_895 = vector.shape_cast %swap3A_894 : vector<16xi32> to vector<16xi32>
      %swap3A_896 = vector.shape_cast %and3A_892 : vector<16xi32> to vector<16xi32>
      tpu.vector_store %arg11[%swap3A_893], %swap3A_896 {strides = array<i32>} : memref<256xi32, #tpu.memory_space<vmem>>, vector<16xi32>,
      %get3A_897 = arith.constant 240 : index
      %get3A_898 = tpu.vector_load %arg8[%get3A_897] {strides = array<i32>} : memref<256xf32, #tpu.memory_space<vmem>>, vector<16xf32>,
      %get3A_899 = vector.shape_cast %get3A_898 : vector<16xf32> to vector<16xf32>
      %div3A_900 = arith.constant 1.000000e-01 : f32
      %div3A_901 = vector.broadcast %div3A_900 : f32 to vector<16xf32>
      %div3A_902 = arith.divf %get3A_899, %div3A_901 : vector<16xf32>
      %convert_element_type3A_903 = arith.fptosi %div3A_902 : vector<16xf32> to vector<16xi32>
      %convert_element_type3A_904 = arith.sitofp %convert_element_type3A_903 : vector<16xi32> to vector<16xf32>
      %gt3A_905 = arith.cmpf ogt, %convert_element_type3A_904, %div3A_902 : vector<16xf32>
      %sub3A_906 = arith.constant 1 : i32
      %sub3A_907 = vector.broadcast %sub3A_906 : i32 to vector<16xi32>
      %sub3A_908 = arith.subi %convert_element_type3A_903, %sub3A_907 : vector<16xi32>
      %select_n3A_909 = arith.select %gt3A_905, %sub3A_908, %convert_element_type3A_903 : vector<16xi1>, vector<16xi32>
      %get3A_910 = arith.constant 240 : index
      %get3A_911 = tpu.vector_load %arg9[%get3A_910] {strides = array<i32>} : memref<256xf32, #tpu.memory_space<vmem>>, vector<16xf32>,
      %get3A_912 = vector.shape_cast %get3A_911 : vector<16xf32> to vector<16xf32>
      %div3A_913 = arith.constant 1.000000e-01 : f32
      %div3A_914 = vector.broadcast %div3A_913 : f32 to vector<16xf32>
      %div3A_915 = arith.divf %get3A_912, %div3A_914 : vector<16xf32>
      %convert_element_type3A_916 = arith.fptosi %div3A_915 : vector<16xf32> to vector<16xi32>
      %convert_element_type3A_917 = arith.sitofp %convert_element_type3A_916 : vector<16xi32> to vector<16xf32>
      %gt3A_918 = arith.cmpf ogt, %convert_element_type3A_917, %div3A_915 : vector<16xf32>
      %sub3A_919 = arith.constant 1 : i32
      %sub3A_920 = vector.broadcast %sub3A_919 : i32 to vector<16xi32>
      %sub3A_921 = arith.subi %convert_element_type3A_916, %sub3A_920 : vector<16xi32>
      %select_n3A_922 = arith.select %gt3A_918, %sub3A_921, %convert_element_type3A_916 : vector<16xi1>, vector<16xi32>
      %get3A_923 = arith.constant 240 : index
      %get3A_924 = tpu.vector_load %arg10[%get3A_923] {strides = array<i32>} : memref<256xf32, #tpu.memory_space<vmem>>, vector<16xf32>,
      %get3A_925 = vector.shape_cast %get3A_924 : vector<16xf32> to vector<16xf32>
      %div3A_926 = arith.constant 1.000000e-01 : f32
      %div3A_927 = vector.broadcast %div3A_926 : f32 to vector<16xf32>
      %div3A_928 = arith.divf %get3A_925, %div3A_927 : vector<16xf32>
      %convert_element_type3A_929 = arith.fptosi %div3A_928 : vector<16xf32> to vector<16xi32>
      %convert_element_type3A_930 = arith.sitofp %convert_element_type3A_929 : vector<16xi32> to vector<16xf32>
      %gt3A_931 = arith.cmpf ogt, %convert_element_type3A_930, %div3A_928 : vector<16xf32>
      %sub3A_932 = arith.constant 1 : i32
      %sub3A_933 = vector.broadcast %sub3A_932 : i32 to vector<16xi32>
      %sub3A_934 = arith.subi %convert_element_type3A_929, %sub3A_933 : vector<16xi32>
      %select_n3A_935 = arith.select %gt3A_931, %sub3A_934, %convert_element_type3A_929 : vector<16xi1>, vector<16xi32>
      %mul3A_936 = arith.constant 73856093 : i32
      %mul3A_937 = vector.broadcast %mul3A_936 : i32 to vector<16xi32>
      %mul3A_938 = arith.muli %select_n3A_909, %mul3A_937 : vector<16xi32>
      %mul3A_939 = arith.constant 19349669 : i32
      %mul3A_940 = vector.broadcast %mul3A_939 : i32 to vector<16xi32>
      %mul3A_941 = arith.muli %select_n3A_922, %mul3A_940 : vector<16xi32>
      %add3A_942 = arith.addi %mul3A_938, %mul3A_941 : vector<16xi32>
      %mul3A_943 = arith.constant 83492791 : i32
      %mul3A_944 = vector.broadcast %mul3A_943 : i32 to vector<16xi32>
      %mul3A_945 = arith.muli %select_n3A_935, %mul3A_944 : vector<16xi32>
      %add3A_946 = arith.addi %add3A_942, %mul3A_945 : vector<16xi32>
      %and3A_947 = arith.constant 1048575 : i32
      %and3A_948 = vector.broadcast %and3A_947 : i32 to vector<16xi32>
      %and3A_949 = arith.andi %add3A_946, %and3A_948 : vector<16xi32>
      %swap3A_950 = arith.constant 240 : index
      %swap3A_951 = tpu.vector_load %arg11[%swap3A_950] {strides = array<i32>} : memref<256xi32, #tpu.memory_space<vmem>>, vector<16xi32>,
      %swap3A_952 = vector.shape_cast %swap3A_951 : vector<16xi32> to vector<16xi32>
      %swap3A_953 = vector.shape_cast %and3A_949 : vector<16xi32> to vector<16xi32>
      tpu.vector_store %arg11[%swap3A_950], %swap3A_953 {strides = array<i32>} : memref<256xi32, #tpu.memory_space<vmem>>, vector<16xi32>,
      %dma_start3A_954 = arith.constant 0 : i32
      %dma_start3A_955 = tpu.memref_slice %arg12[%dma_start3A_954] : memref<256xi32, #tpu.memory_space<vmem>> -> memref<128xi32, #tpu.memory_space<vmem>>
      %dma_start3A_956 = arith.constant 0 : i32
      %dma_start3A_957 = tpu.memref_slice %arg11[%dma_start3A_956] : memref<256xi32, #tpu.memory_space<vmem>> -> memref<128xi32, #tpu.memory_space<vmem>>
      %dma_start3A_958 = arith.constant 0 : i32
      %dma_start3A_959 = tpu.memref_slice %arg5[%dma_start3A_958] : memref<1048576xi32, #tpu.memory_space<hbm>> -> memref<1048576xi32, #tpu.memory_space<hbm>>
      tpu.enqueue_indirect_dma source(%dma_start3A_959 : memref<1048576xi32, #tpu.memory_space<hbm>>) target(%dma_start3A_955 : memref<128xi32, #tpu.memory_space<vmem>>) offsets(%dma_start3A_957 : memref<128xi32, #tpu.memory_space<vmem>>) semaphore(%arg28 : memref<!tpu.dma_semaphore, #tpu.memory_space<semaphore_mem>>)
      %dma_start3A_960 = arith.constant 128 : i32
      %dma_start3A_961 = tpu.memref_slice %arg12[%dma_start3A_960] : memref<256xi32, #tpu.memory_space<vmem>> -> memref<128xi32, #tpu.memory_space<vmem>>
      %dma_start3A_962 = arith.constant 128 : i32
      %dma_start3A_963 = tpu.memref_slice %arg11[%dma_start3A_962] : memref<256xi32, #tpu.memory_space<vmem>> -> memref<128xi32, #tpu.memory_space<vmem>>
      %dma_start3A_964 = arith.constant 0 : i32
      %dma_start3A_965 = tpu.memref_slice %arg5[%dma_start3A_964] : memref<1048576xi32, #tpu.memory_space<hbm>> -> memref<1048576xi32, #tpu.memory_space<hbm>>
      tpu.enqueue_indirect_dma source(%dma_start3A_965 : memref<1048576xi32, #tpu.memory_space<hbm>>) target(%dma_start3A_961 : memref<128xi32, #tpu.memory_space<vmem>>) offsets(%dma_start3A_963 : memref<128xi32, #tpu.memory_space<vmem>>) semaphore(%arg28 : memref<!tpu.dma_semaphore, #tpu.memory_space<semaphore_mem>>)
      %lt3A = arith.constant 63 : i32
      %lt3A_966 = arith.cmpi slt, %scan3A_39, %lt3A : i32
      %convert_element_type3A_967 = arith.extui %lt3A_966 : i1 to i32
      %cond3A = arith.constant 0 : i32
      %cond3A_968 = arith.cmpi ne, %convert_element_type3A_967, %cond3A : i32
      scf.if %cond3A_968 {
        %add3A_2399 = arith.constant 256 : i32
        %add3A_2400 = arith.addi %multiple_of3A_43, %add3A_2399 : i32
        %dma_start3A_2401 = tpu.memref_slice %arg2[%add3A_2400] : memref<524288xf32, #tpu.memory_space<hbm>> -> memref<256xf32, #tpu.memory_space<hbm>>
        %dma_start3A_2402 = tpu.memref_slice %arg2[%add3A_2400] : memref<524288xf32, #tpu.memory_space<hbm>> -> memref<256xf32, #tpu.memory_space<hbm>>
        tpu.enqueue_dma source(%dma_start3A_2402 : memref<256xf32, #tpu.memory_space<hbm>>) target(%arg18 : memref<256xf32, #tpu.memory_space<vmem>>) target_semaphore(%arg25 : memref<!tpu.dma_semaphore, #tpu.memory_space<semaphore_mem>>)
        %dma_start3A_2403 = tpu.memref_slice %arg3[%add3A_2400] : memref<524288xf32, #tpu.memory_space<hbm>> -> memref<256xf32, #tpu.memory_space<hbm>>
        %dma_start3A_2404 = tpu.memref_slice %arg3[%add3A_2400] : memref<524288xf32, #tpu.memory_space<hbm>> -> memref<256xf32, #tpu.memory_space<hbm>>
        tpu.enqueue_dma source(%dma_start3A_2404 : memref<256xf32, #tpu.memory_space<hbm>>) target(%arg19 : memref<256xf32, #tpu.memory_space<vmem>>) target_semaphore(%arg25 : memref<!tpu.dma_semaphore, #tpu.memory_space<semaphore_mem>>)
        %dma_start3A_2405 = tpu.memref_slice %arg4[%add3A_2400] : memref<524288xf32, #tpu.memory_space<hbm>> -> memref<256xf32, #tpu.memory_space<hbm>>
        %dma_start3A_2406 = tpu.memref_slice %arg4[%add3A_2400] : memref<524288xf32, #tpu.memory_space<hbm>> -> memref<256xf32, #tpu.memory_space<hbm>>
        tpu.enqueue_dma source(%dma_start3A_2406 : memref<256xf32, #tpu.memory_space<hbm>>) target(%arg20 : memref<256xf32, #tpu.memory_space<vmem>>) target_semaphore(%arg25 : memref<!tpu.dma_semaphore, #tpu.memory_space<semaphore_mem>>)
      } else {
      }
      %dma_wait3A_969 = arith.constant 0 : i32
      %dma_wait3A_970 = tpu.memref_slice %arg12[%dma_wait3A_969] : memref<256xi32, #tpu.memory_space<vmem>> -> memref<128xi32, #tpu.memory_space<vmem>>
      %dma_wait3A_971 = arith.constant 0 : i32
      %dma_wait3A_972 = tpu.memref_slice %arg11[%dma_wait3A_971] : memref<256xi32, #tpu.memory_space<vmem>> -> memref<128xi32, #tpu.memory_space<vmem>>
      %dma_wait3A_973 = arith.constant 0 : i32
      %dma_wait3A_974 = tpu.memref_slice %arg5[%dma_wait3A_973] : memref<1048576xi32, #tpu.memory_space<hbm>> -> memref<1048576xi32, #tpu.memory_space<hbm>>
      tpu.wait_indirect_dma semaphore(%arg28 : memref<!tpu.dma_semaphore, #tpu.memory_space<semaphore_mem>>) src(%dma_wait3A_974 : memref<1048576xi32, #tpu.memory_space<hbm>>) dst(%dma_wait3A_970 : memref<128xi32, #tpu.memory_space<vmem>>)
      %dma_wait3A_975 = arith.constant 128 : i32
      %dma_wait3A_976 = tpu.memref_slice %arg12[%dma_wait3A_975] : memref<256xi32, #tpu.memory_space<vmem>> -> memref<128xi32, #tpu.memory_space<vmem>>
      %dma_wait3A_977 = arith.constant 128 : i32
      %dma_wait3A_978 = tpu.memref_slice %arg11[%dma_wait3A_977] : memref<256xi32, #tpu.memory_space<vmem>> -> memref<128xi32, #tpu.memory_space<vmem>>
      %dma_wait3A_979 = arith.constant 0 : i32
      %dma_wait3A_980 = tpu.memref_slice %arg5[%dma_wait3A_979] : memref<1048576xi32, #tpu.memory_space<hbm>> -> memref<1048576xi32, #tpu.memory_space<hbm>>
      tpu.wait_indirect_dma semaphore(%arg28 : memref<!tpu.dma_semaphore, #tpu.memory_space<semaphore_mem>>) src(%dma_wait3A_980 : memref<1048576xi32, #tpu.memory_space<hbm>>) dst(%dma_wait3A_976 : memref<128xi32, #tpu.memory_space<vmem>>)
      %get3A_981 = arith.constant 0 : index
      %get3A_982 = tpu.vector_load %arg12[%get3A_981] {strides = array<i32>} : memref<256xi32, #tpu.memory_space<vmem>>, vector<16xi32>,
      %get3A_983 = vector.shape_cast %get3A_982 : vector<16xi32> to vector<16xi32>
      %ge3A = arith.constant 0 : i32
      %ge3A_984 = vector.broadcast %ge3A : i32 to vector<16xi32>
      %ge3A_985 = arith.cmpi sge, %get3A_983, %ge3A_984 : vector<16xi32>
      %jit3A = arith.constant 285696 : i32
      %broadcast_in_dim3A = vector.broadcast %jit3A : i32 to vector<16xi32>
      %select_n3A_986 = arith.select %ge3A_985, %get3A_983, %broadcast_in_dim3A : vector<16xi1>, vector<16xi32>
      %swap3A_987 = arith.constant 0 : index
      %swap3A_988 = tpu.vector_load %arg13[%swap3A_987] {strides = array<i32>} : memref<256xi32, #tpu.memory_space<vmem>>, vector<16xi32>,
      %swap3A_989 = vector.shape_cast %swap3A_988 : vector<16xi32> to vector<16xi32>
      %swap3A_990 = vector.shape_cast %select_n3A_986 : vector<16xi32> to vector<16xi32>
      tpu.vector_store %arg13[%swap3A_987], %swap3A_990 {strides = array<i32>} : memref<256xi32, #tpu.memory_space<vmem>>, vector<16xi32>,
      %get3A_991 = arith.constant 16 : index
      %get3A_992 = tpu.vector_load %arg12[%get3A_991] {strides = array<i32>} : memref<256xi32, #tpu.memory_space<vmem>>, vector<16xi32>,
      %get3A_993 = vector.shape_cast %get3A_992 : vector<16xi32> to vector<16xi32>
      %ge3A_994 = arith.constant 0 : i32
      %ge3A_995 = vector.broadcast %ge3A_994 : i32 to vector<16xi32>
      %ge3A_996 = arith.cmpi sge, %get3A_993, %ge3A_995 : vector<16xi32>
      %jit3A_997 = arith.constant 285696 : i32
      %broadcast_in_dim3A_998 = vector.broadcast %jit3A_997 : i32 to vector<16xi32>
      %select_n3A_999 = arith.select %ge3A_996, %get3A_993, %broadcast_in_dim3A_998 : vector<16xi1>, vector<16xi32>
      %swap3A_1000 = arith.constant 16 : index
      %swap3A_1001 = tpu.vector_load %arg13[%swap3A_1000] {strides = array<i32>} : memref<256xi32, #tpu.memory_space<vmem>>, vector<16xi32>,
      %swap3A_1002 = vector.shape_cast %swap3A_1001 : vector<16xi32> to vector<16xi32>
      %swap3A_1003 = vector.shape_cast %select_n3A_999 : vector<16xi32> to vector<16xi32>
      tpu.vector_store %arg13[%swap3A_1000], %swap3A_1003 {strides = array<i32>} : memref<256xi32, #tpu.memory_space<vmem>>, vector<16xi32>,
      %get3A_1004 = arith.constant 32 : index
      %get3A_1005 = tpu.vector_load %arg12[%get3A_1004] {strides = array<i32>} : memref<256xi32, #tpu.memory_space<vmem>>, vector<16xi32>,
      %get3A_1006 = vector.shape_cast %get3A_1005 : vector<16xi32> to vector<16xi32>
      %ge3A_1007 = arith.constant 0 : i32
      %ge3A_1008 = vector.broadcast %ge3A_1007 : i32 to vector<16xi32>
      %ge3A_1009 = arith.cmpi sge, %get3A_1006, %ge3A_1008 : vector<16xi32>
      %jit3A_1010 = arith.constant 285696 : i32
      %broadcast_in_dim3A_1011 = vector.broadcast %jit3A_1010 : i32 to vector<16xi32>
      %select_n3A_1012 = arith.select %ge3A_1009, %get3A_1006, %broadcast_in_dim3A_1011 : vector<16xi1>, vector<16xi32>
      %swap3A_1013 = arith.constant 32 : index
      %swap3A_1014 = tpu.vector_load %arg13[%swap3A_1013] {strides = array<i32>} : memref<256xi32, #tpu.memory_space<vmem>>, vector<16xi32>,
      %swap3A_1015 = vector.shape_cast %swap3A_1014 : vector<16xi32> to vector<16xi32>
      %swap3A_1016 = vector.shape_cast %select_n3A_1012 : vector<16xi32> to vector<16xi32>
      tpu.vector_store %arg13[%swap3A_1013], %swap3A_1016 {strides = array<i32>} : memref<256xi32, #tpu.memory_space<vmem>>, vector<16xi32>,
      %get3A_1017 = arith.constant 48 : index
      %get3A_1018 = tpu.vector_load %arg12[%get3A_1017] {strides = array<i32>} : memref<256xi32, #tpu.memory_space<vmem>>, vector<16xi32>,
      %get3A_1019 = vector.shape_cast %get3A_1018 : vector<16xi32> to vector<16xi32>
      %ge3A_1020 = arith.constant 0 : i32
      %ge3A_1021 = vector.broadcast %ge3A_1020 : i32 to vector<16xi32>
      %ge3A_1022 = arith.cmpi sge, %get3A_1019, %ge3A_1021 : vector<16xi32>
      %jit3A_1023 = arith.constant 285696 : i32
      %broadcast_in_dim3A_1024 = vector.broadcast %jit3A_1023 : i32 to vector<16xi32>
      %select_n3A_1025 = arith.select %ge3A_1022, %get3A_1019, %broadcast_in_dim3A_1024 : vector<16xi1>, vector<16xi32>
      %swap3A_1026 = arith.constant 48 : index
      %swap3A_1027 = tpu.vector_load %arg13[%swap3A_1026] {strides = array<i32>} : memref<256xi32, #tpu.memory_space<vmem>>, vector<16xi32>,
      %swap3A_1028 = vector.shape_cast %swap3A_1027 : vector<16xi32> to vector<16xi32>
      %swap3A_1029 = vector.shape_cast %select_n3A_1025 : vector<16xi32> to vector<16xi32>
      tpu.vector_store %arg13[%swap3A_1026], %swap3A_1029 {strides = array<i32>} : memref<256xi32, #tpu.memory_space<vmem>>, vector<16xi32>,
      %get3A_1030 = arith.constant 64 : index
      %get3A_1031 = tpu.vector_load %arg12[%get3A_1030] {strides = array<i32>} : memref<256xi32, #tpu.memory_space<vmem>>, vector<16xi32>,
      %get3A_1032 = vector.shape_cast %get3A_1031 : vector<16xi32> to vector<16xi32>
      %ge3A_1033 = arith.constant 0 : i32
      %ge3A_1034 = vector.broadcast %ge3A_1033 : i32 to vector<16xi32>
      %ge3A_1035 = arith.cmpi sge, %get3A_1032, %ge3A_1034 : vector<16xi32>
      %jit3A_1036 = arith.constant 285696 : i32
      %broadcast_in_dim3A_1037 = vector.broadcast %jit3A_1036 : i32 to vector<16xi32>
      %select_n3A_1038 = arith.select %ge3A_1035, %get3A_1032, %broadcast_in_dim3A_1037 : vector<16xi1>, vector<16xi32>
      %swap3A_1039 = arith.constant 64 : index
      %swap3A_1040 = tpu.vector_load %arg13[%swap3A_1039] {strides = array<i32>} : memref<256xi32, #tpu.memory_space<vmem>>, vector<16xi32>,
      %swap3A_1041 = vector.shape_cast %swap3A_1040 : vector<16xi32> to vector<16xi32>
      %swap3A_1042 = vector.shape_cast %select_n3A_1038 : vector<16xi32> to vector<16xi32>
      tpu.vector_store %arg13[%swap3A_1039], %swap3A_1042 {strides = array<i32>} : memref<256xi32, #tpu.memory_space<vmem>>, vector<16xi32>,
      %get3A_1043 = arith.constant 80 : index
      %get3A_1044 = tpu.vector_load %arg12[%get3A_1043] {strides = array<i32>} : memref<256xi32, #tpu.memory_space<vmem>>, vector<16xi32>,
      %get3A_1045 = vector.shape_cast %get3A_1044 : vector<16xi32> to vector<16xi32>
      %ge3A_1046 = arith.constant 0 : i32
      %ge3A_1047 = vector.broadcast %ge3A_1046 : i32 to vector<16xi32>
      %ge3A_1048 = arith.cmpi sge, %get3A_1045, %ge3A_1047 : vector<16xi32>
      %jit3A_1049 = arith.constant 285696 : i32
      %broadcast_in_dim3A_1050 = vector.broadcast %jit3A_1049 : i32 to vector<16xi32>
      %select_n3A_1051 = arith.select %ge3A_1048, %get3A_1045, %broadcast_in_dim3A_1050 : vector<16xi1>, vector<16xi32>
      %swap3A_1052 = arith.constant 80 : index
      %swap3A_1053 = tpu.vector_load %arg13[%swap3A_1052] {strides = array<i32>} : memref<256xi32, #tpu.memory_space<vmem>>, vector<16xi32>,
      %swap3A_1054 = vector.shape_cast %swap3A_1053 : vector<16xi32> to vector<16xi32>
      %swap3A_1055 = vector.shape_cast %select_n3A_1051 : vector<16xi32> to vector<16xi32>
      tpu.vector_store %arg13[%swap3A_1052], %swap3A_1055 {strides = array<i32>} : memref<256xi32, #tpu.memory_space<vmem>>, vector<16xi32>,
      %get3A_1056 = arith.constant 96 : index
      %get3A_1057 = tpu.vector_load %arg12[%get3A_1056] {strides = array<i32>} : memref<256xi32, #tpu.memory_space<vmem>>, vector<16xi32>,
      %get3A_1058 = vector.shape_cast %get3A_1057 : vector<16xi32> to vector<16xi32>
      %ge3A_1059 = arith.constant 0 : i32
      %ge3A_1060 = vector.broadcast %ge3A_1059 : i32 to vector<16xi32>
      %ge3A_1061 = arith.cmpi sge, %get3A_1058, %ge3A_1060 : vector<16xi32>
      %jit3A_1062 = arith.constant 285696 : i32
      %broadcast_in_dim3A_1063 = vector.broadcast %jit3A_1062 : i32 to vector<16xi32>
      %select_n3A_1064 = arith.select %ge3A_1061, %get3A_1058, %broadcast_in_dim3A_1063 : vector<16xi1>, vector<16xi32>
      %swap3A_1065 = arith.constant 96 : index
      %swap3A_1066 = tpu.vector_load %arg13[%swap3A_1065] {strides = array<i32>} : memref<256xi32, #tpu.memory_space<vmem>>, vector<16xi32>,
      %swap3A_1067 = vector.shape_cast %swap3A_1066 : vector<16xi32> to vector<16xi32>
      %swap3A_1068 = vector.shape_cast %select_n3A_1064 : vector<16xi32> to vector<16xi32>
      tpu.vector_store %arg13[%swap3A_1065], %swap3A_1068 {strides = array<i32>} : memref<256xi32, #tpu.memory_space<vmem>>, vector<16xi32>,
      %get3A_1069 = arith.constant 112 : index
      %get3A_1070 = tpu.vector_load %arg12[%get3A_1069] {strides = array<i32>} : memref<256xi32, #tpu.memory_space<vmem>>, vector<16xi32>,
      %get3A_1071 = vector.shape_cast %get3A_1070 : vector<16xi32> to vector<16xi32>
      %ge3A_1072 = arith.constant 0 : i32
      %ge3A_1073 = vector.broadcast %ge3A_1072 : i32 to vector<16xi32>
      %ge3A_1074 = arith.cmpi sge, %get3A_1071, %ge3A_1073 : vector<16xi32>
      %jit3A_1075 = arith.constant 285696 : i32
      %broadcast_in_dim3A_1076 = vector.broadcast %jit3A_1075 : i32 to vector<16xi32>
      %select_n3A_1077 = arith.select %ge3A_1074, %get3A_1071, %broadcast_in_dim3A_1076 : vector<16xi1>, vector<16xi32>
      %swap3A_1078 = arith.constant 112 : index
      %swap3A_1079 = tpu.vector_load %arg13[%swap3A_1078] {strides = array<i32>} : memref<256xi32, #tpu.memory_space<vmem>>, vector<16xi32>,
      %swap3A_1080 = vector.shape_cast %swap3A_1079 : vector<16xi32> to vector<16xi32>
      %swap3A_1081 = vector.shape_cast %select_n3A_1077 : vector<16xi32> to vector<16xi32>
      tpu.vector_store %arg13[%swap3A_1078], %swap3A_1081 {strides = array<i32>} : memref<256xi32, #tpu.memory_space<vmem>>, vector<16xi32>,
      %get3A_1082 = arith.constant 128 : index
      %get3A_1083 = tpu.vector_load %arg12[%get3A_1082] {strides = array<i32>} : memref<256xi32, #tpu.memory_space<vmem>>, vector<16xi32>,
      %get3A_1084 = vector.shape_cast %get3A_1083 : vector<16xi32> to vector<16xi32>
      %ge3A_1085 = arith.constant 0 : i32
      %ge3A_1086 = vector.broadcast %ge3A_1085 : i32 to vector<16xi32>
      %ge3A_1087 = arith.cmpi sge, %get3A_1084, %ge3A_1086 : vector<16xi32>
      %jit3A_1088 = arith.constant 285696 : i32
      %broadcast_in_dim3A_1089 = vector.broadcast %jit3A_1088 : i32 to vector<16xi32>
      %select_n3A_1090 = arith.select %ge3A_1087, %get3A_1084, %broadcast_in_dim3A_1089 : vector<16xi1>, vector<16xi32>
      %swap3A_1091 = arith.constant 128 : index
      %swap3A_1092 = tpu.vector_load %arg13[%swap3A_1091] {strides = array<i32>} : memref<256xi32, #tpu.memory_space<vmem>>, vector<16xi32>,
      %swap3A_1093 = vector.shape_cast %swap3A_1092 : vector<16xi32> to vector<16xi32>
      %swap3A_1094 = vector.shape_cast %select_n3A_1090 : vector<16xi32> to vector<16xi32>
      tpu.vector_store %arg13[%swap3A_1091], %swap3A_1094 {strides = array<i32>} : memref<256xi32, #tpu.memory_space<vmem>>, vector<16xi32>,
      %get3A_1095 = arith.constant 144 : index
      %get3A_1096 = tpu.vector_load %arg12[%get3A_1095] {strides = array<i32>} : memref<256xi32, #tpu.memory_space<vmem>>, vector<16xi32>,
      %get3A_1097 = vector.shape_cast %get3A_1096 : vector<16xi32> to vector<16xi32>
      %ge3A_1098 = arith.constant 0 : i32
      %ge3A_1099 = vector.broadcast %ge3A_1098 : i32 to vector<16xi32>
      %ge3A_1100 = arith.cmpi sge, %get3A_1097, %ge3A_1099 : vector<16xi32>
      %jit3A_1101 = arith.constant 285696 : i32
      %broadcast_in_dim3A_1102 = vector.broadcast %jit3A_1101 : i32 to vector<16xi32>
      %select_n3A_1103 = arith.select %ge3A_1100, %get3A_1097, %broadcast_in_dim3A_1102 : vector<16xi1>, vector<16xi32>
      %swap3A_1104 = arith.constant 144 : index
      %swap3A_1105 = tpu.vector_load %arg13[%swap3A_1104] {strides = array<i32>} : memref<256xi32, #tpu.memory_space<vmem>>, vector<16xi32>,
      %swap3A_1106 = vector.shape_cast %swap3A_1105 : vector<16xi32> to vector<16xi32>
      %swap3A_1107 = vector.shape_cast %select_n3A_1103 : vector<16xi32> to vector<16xi32>
      tpu.vector_store %arg13[%swap3A_1104], %swap3A_1107 {strides = array<i32>} : memref<256xi32, #tpu.memory_space<vmem>>, vector<16xi32>,
      %get3A_1108 = arith.constant 160 : index
      %get3A_1109 = tpu.vector_load %arg12[%get3A_1108] {strides = array<i32>} : memref<256xi32, #tpu.memory_space<vmem>>, vector<16xi32>,
      %get3A_1110 = vector.shape_cast %get3A_1109 : vector<16xi32> to vector<16xi32>
      %ge3A_1111 = arith.constant 0 : i32
      %ge3A_1112 = vector.broadcast %ge3A_1111 : i32 to vector<16xi32>
      %ge3A_1113 = arith.cmpi sge, %get3A_1110, %ge3A_1112 : vector<16xi32>
      %jit3A_1114 = arith.constant 285696 : i32
      %broadcast_in_dim3A_1115 = vector.broadcast %jit3A_1114 : i32 to vector<16xi32>
      %select_n3A_1116 = arith.select %ge3A_1113, %get3A_1110, %broadcast_in_dim3A_1115 : vector<16xi1>, vector<16xi32>
      %swap3A_1117 = arith.constant 160 : index
      %swap3A_1118 = tpu.vector_load %arg13[%swap3A_1117] {strides = array<i32>} : memref<256xi32, #tpu.memory_space<vmem>>, vector<16xi32>,
      %swap3A_1119 = vector.shape_cast %swap3A_1118 : vector<16xi32> to vector<16xi32>
      %swap3A_1120 = vector.shape_cast %select_n3A_1116 : vector<16xi32> to vector<16xi32>
      tpu.vector_store %arg13[%swap3A_1117], %swap3A_1120 {strides = array<i32>} : memref<256xi32, #tpu.memory_space<vmem>>, vector<16xi32>,
      %get3A_1121 = arith.constant 176 : index
      %get3A_1122 = tpu.vector_load %arg12[%get3A_1121] {strides = array<i32>} : memref<256xi32, #tpu.memory_space<vmem>>, vector<16xi32>,
      %get3A_1123 = vector.shape_cast %get3A_1122 : vector<16xi32> to vector<16xi32>
      %ge3A_1124 = arith.constant 0 : i32
      %ge3A_1125 = vector.broadcast %ge3A_1124 : i32 to vector<16xi32>
      %ge3A_1126 = arith.cmpi sge, %get3A_1123, %ge3A_1125 : vector<16xi32>
      %jit3A_1127 = arith.constant 285696 : i32
      %broadcast_in_dim3A_1128 = vector.broadcast %jit3A_1127 : i32 to vector<16xi32>
      %select_n3A_1129 = arith.select %ge3A_1126, %get3A_1123, %broadcast_in_dim3A_1128 : vector<16xi1>, vector<16xi32>
      %swap3A_1130 = arith.constant 176 : index
      %swap3A_1131 = tpu.vector_load %arg13[%swap3A_1130] {strides = array<i32>} : memref<256xi32, #tpu.memory_space<vmem>>, vector<16xi32>,
      %swap3A_1132 = vector.shape_cast %swap3A_1131 : vector<16xi32> to vector<16xi32>
      %swap3A_1133 = vector.shape_cast %select_n3A_1129 : vector<16xi32> to vector<16xi32>
      tpu.vector_store %arg13[%swap3A_1130], %swap3A_1133 {strides = array<i32>} : memref<256xi32, #tpu.memory_space<vmem>>, vector<16xi32>,
      %get3A_1134 = arith.constant 192 : index
      %get3A_1135 = tpu.vector_load %arg12[%get3A_1134] {strides = array<i32>} : memref<256xi32, #tpu.memory_space<vmem>>, vector<16xi32>,
      %get3A_1136 = vector.shape_cast %get3A_1135 : vector<16xi32> to vector<16xi32>
      %ge3A_1137 = arith.constant 0 : i32
      %ge3A_1138 = vector.broadcast %ge3A_1137 : i32 to vector<16xi32>
      %ge3A_1139 = arith.cmpi sge, %get3A_1136, %ge3A_1138 : vector<16xi32>
      %jit3A_1140 = arith.constant 285696 : i32
      %broadcast_in_dim3A_1141 = vector.broadcast %jit3A_1140 : i32 to vector<16xi32>
      %select_n3A_1142 = arith.select %ge3A_1139, %get3A_1136, %broadcast_in_dim3A_1141 : vector<16xi1>, vector<16xi32>
      %swap3A_1143 = arith.constant 192 : index
      %swap3A_1144 = tpu.vector_load %arg13[%swap3A_1143] {strides = array<i32>} : memref<256xi32, #tpu.memory_space<vmem>>, vector<16xi32>,
      %swap3A_1145 = vector.shape_cast %swap3A_1144 : vector<16xi32> to vector<16xi32>
      %swap3A_1146 = vector.shape_cast %select_n3A_1142 : vector<16xi32> to vector<16xi32>
      tpu.vector_store %arg13[%swap3A_1143], %swap3A_1146 {strides = array<i32>} : memref<256xi32, #tpu.memory_space<vmem>>, vector<16xi32>,
      %get3A_1147 = arith.constant 208 : index
      %get3A_1148 = tpu.vector_load %arg12[%get3A_1147] {strides = array<i32>} : memref<256xi32, #tpu.memory_space<vmem>>, vector<16xi32>,
      %get3A_1149 = vector.shape_cast %get3A_1148 : vector<16xi32> to vector<16xi32>
      %ge3A_1150 = arith.constant 0 : i32
      %ge3A_1151 = vector.broadcast %ge3A_1150 : i32 to vector<16xi32>
      %ge3A_1152 = arith.cmpi sge, %get3A_1149, %ge3A_1151 : vector<16xi32>
      %jit3A_1153 = arith.constant 285696 : i32
      %broadcast_in_dim3A_1154 = vector.broadcast %jit3A_1153 : i32 to vector<16xi32>
      %select_n3A_1155 = arith.select %ge3A_1152, %get3A_1149, %broadcast_in_dim3A_1154 : vector<16xi1>, vector<16xi32>
      %swap3A_1156 = arith.constant 208 : index
      %swap3A_1157 = tpu.vector_load %arg13[%swap3A_1156] {strides = array<i32>} : memref<256xi32, #tpu.memory_space<vmem>>, vector<16xi32>,
      %swap3A_1158 = vector.shape_cast %swap3A_1157 : vector<16xi32> to vector<16xi32>
      %swap3A_1159 = vector.shape_cast %select_n3A_1155 : vector<16xi32> to vector<16xi32>
      tpu.vector_store %arg13[%swap3A_1156], %swap3A_1159 {strides = array<i32>} : memref<256xi32, #tpu.memory_space<vmem>>, vector<16xi32>,
      %get3A_1160 = arith.constant 224 : index
      %get3A_1161 = tpu.vector_load %arg12[%get3A_1160] {strides = array<i32>} : memref<256xi32, #tpu.memory_space<vmem>>, vector<16xi32>,
      %get3A_1162 = vector.shape_cast %get3A_1161 : vector<16xi32> to vector<16xi32>
      %ge3A_1163 = arith.constant 0 : i32
      %ge3A_1164 = vector.broadcast %ge3A_1163 : i32 to vector<16xi32>
      %ge3A_1165 = arith.cmpi sge, %get3A_1162, %ge3A_1164 : vector<16xi32>
      %jit3A_1166 = arith.constant 285696 : i32
      %broadcast_in_dim3A_1167 = vector.broadcast %jit3A_1166 : i32 to vector<16xi32>
      %select_n3A_1168 = arith.select %ge3A_1165, %get3A_1162, %broadcast_in_dim3A_1167 : vector<16xi1>, vector<16xi32>
      %swap3A_1169 = arith.constant 224 : index
      %swap3A_1170 = tpu.vector_load %arg13[%swap3A_1169] {strides = array<i32>} : memref<256xi32, #tpu.memory_space<vmem>>, vector<16xi32>,
      %swap3A_1171 = vector.shape_cast %swap3A_1170 : vector<16xi32> to vector<16xi32>
      %swap3A_1172 = vector.shape_cast %select_n3A_1168 : vector<16xi32> to vector<16xi32>
      tpu.vector_store %arg13[%swap3A_1169], %swap3A_1172 {strides = array<i32>} : memref<256xi32, #tpu.memory_space<vmem>>, vector<16xi32>,
      %get3A_1173 = arith.constant 240 : index
      %get3A_1174 = tpu.vector_load %arg12[%get3A_1173] {strides = array<i32>} : memref<256xi32, #tpu.memory_space<vmem>>, vector<16xi32>,
      %get3A_1175 = vector.shape_cast %get3A_1174 : vector<16xi32> to vector<16xi32>
      %ge3A_1176 = arith.constant 0 : i32
      %ge3A_1177 = vector.broadcast %ge3A_1176 : i32 to vector<16xi32>
      %ge3A_1178 = arith.cmpi sge, %get3A_1175, %ge3A_1177 : vector<16xi32>
      %jit3A_1179 = arith.constant 285696 : i32
      %broadcast_in_dim3A_1180 = vector.broadcast %jit3A_1179 : i32 to vector<16xi32>
      %select_n3A_1181 = arith.select %ge3A_1178, %get3A_1175, %broadcast_in_dim3A_1180 : vector<16xi1>, vector<16xi32>
      %swap3A_1182 = arith.constant 240 : index
      %swap3A_1183 = tpu.vector_load %arg13[%swap3A_1182] {strides = array<i32>} : memref<256xi32, #tpu.memory_space<vmem>>, vector<16xi32>,
      %swap3A_1184 = vector.shape_cast %swap3A_1183 : vector<16xi32> to vector<16xi32>
      %swap3A_1185 = vector.shape_cast %select_n3A_1181 : vector<16xi32> to vector<16xi32>
      tpu.vector_store %arg13[%swap3A_1182], %swap3A_1185 {strides = array<i32>} : memref<256xi32, #tpu.memory_space<vmem>>, vector<16xi32>,
      %ge3A_1186 = arith.constant 2 : i32
      %ge3A_1187 = arith.cmpi sge, %scan3A_39, %ge3A_1186 : i32
      %convert_element_type3A_1188 = arith.extui %ge3A_1187 : i1 to i32
      %cond3A_1189 = arith.constant 0 : i32
      %cond3A_1190 = arith.cmpi ne, %convert_element_type3A_1188, %cond3A_1189 : i32
      scf.if %cond3A_1190 {
        %dma_wait3A_2399 = arith.constant 0 : i32
        %dma_wait3A_2400 = arith.constant 0 : i32
        %dma_wait3A_2401 = tpu.memref_slice %arg7[%dma_wait3A_2399, %dma_wait3A_2400] : memref<524288x120xf32, #tpu.memory_space<hbm>> -> memref<256x120xf32, #tpu.memory_space<hbm>>
        %dma_wait3A_2402 = arith.constant 0 : i32
        %dma_wait3A_2403 = arith.constant 0 : i32
        %dma_wait3A_2404 = tpu.memref_slice %arg7[%dma_wait3A_2402, %dma_wait3A_2403] : memref<524288x120xf32, #tpu.memory_space<hbm>> -> memref<256x120xf32, #tpu.memory_space<hbm>>
        tpu.wait_dma2 semaphore(%arg17 : memref<!tpu.dma_semaphore, #tpu.memory_space<semaphore_mem>>) src(%arg14 : memref<256x120xf32, #tpu.memory_space<vmem>>) dst(%dma_wait3A_2404 : memref<256x120xf32, #tpu.memory_space<hbm>>)
      } else {
      }
      %dma_start3A_1191 = arith.constant 0 : i32
      %dma_start3A_1192 = arith.constant 0 : i32
      %dma_start3A_1193 = tpu.memref_slice %arg14[%dma_start3A_1191, %dma_start3A_1192] : memref<256x120xf32, #tpu.memory_space<vmem>> -> memref<128x120xf32, #tpu.memory_space<vmem>>
      %dma_start3A_1194 = arith.constant 0 : i32
      %dma_start3A_1195 = tpu.memref_slice %arg13[%dma_start3A_1194] : memref<256xi32, #tpu.memory_space<vmem>> -> memref<128xi32, #tpu.memory_space<vmem>>
      %dma_start3A_1196 = arith.constant 0 : i32
      %dma_start3A_1197 = arith.constant 0 : i32
      %dma_start3A_1198 = tpu.memref_slice %arg6[%dma_start3A_1196, %dma_start3A_1197] : memref<285697x120xf32, #tpu.memory_space<hbm>> -> memref<285697x120xf32, #tpu.memory_space<hbm>>
      tpu.enqueue_indirect_dma source(%dma_start3A_1198 : memref<285697x120xf32, #tpu.memory_space<hbm>>) target(%dma_start3A_1193 : memref<128x120xf32, #tpu.memory_space<vmem>>) offsets(%dma_start3A_1195 : memref<128xi32, #tpu.memory_space<vmem>>) semaphore(%arg16 : memref<!tpu.dma_semaphore, #tpu.memory_space<semaphore_mem>>)
      %scan3A_1199 = arith.constant 128 : i32
      %scan3A_1200 = arith.constant 0 : i32
      %scan3A_1201 = arith.constant 8 : i32
      %scan3A_1202 = arith.addi %scan3A_1200, %scan3A_1201 : i32
      %scan3A_1203 = arith.constant 1 : i32
      %scan3A_1204 = scf.for %scan3A_2399 = %scan3A_1200 to %scan3A_1202 step %scan3A_1203 iter_args(%scan3A_2400 = %scan3A_1199) -> (i32)  : i32 {
        %get3A_2401 = arith.index_cast %scan3A_2400 : i32 to index
        %get3A_2402 = tpu.vector_load %arg13[%get3A_2401] {strides = array<i32>} : memref<256xi32, #tpu.memory_space<vmem>>, vector<16xi32>,
        %get3A_2403 = vector.shape_cast %get3A_2402 : vector<16xi32> to vector<16xi32>
        %slice3A = vector.extract_strided_slice %get3A_2403 {offsets = [0], sizes = [1], strides = [1]} : vector<16xi32> to vector<1xi32>
        %squeeze3A = vector.extract %slice3A[0] : i32 from vector<1xi32>
        %add3A_2404 = arith.constant 0 : i32
        %add3A_2405 = arith.addi %scan3A_2400, %add3A_2404 : i32
        %dma_start3A_2406 = arith.constant 0 : i32
        %dma_start3A_2407 = tpu.memref_slice %arg14[%add3A_2405, %dma_start3A_2406] : memref<256x120xf32, #tpu.memory_space<vmem>> -> memref<1x120xf32, #tpu.memory_space<vmem>>
        %dma_start3A_2408 = tpu.memref_squeeze %dma_start3A_2407 : memref<1x120xf32, #tpu.memory_space<vmem>> -> memref<120xf32, #tpu.memory_space<vmem>>
        %dma_start3A_2409 = arith.constant 0 : i32
        %dma_start3A_2410 = tpu.memref_slice %arg6[%squeeze3A, %dma_start3A_2409] : memref<285697x120xf32, #tpu.memory_space<hbm>> -> memref<1x120xf32, #tpu.memory_space<hbm>>
        %dma_start3A_2411 = tpu.memref_squeeze %dma_start3A_2410 : memref<1x120xf32, #tpu.memory_space<hbm>> -> memref<120xf32, #tpu.memory_space<hbm>>
        %dma_start3A_2412 = arith.constant 0 : i32
        %dma_start3A_2413 = tpu.memref_slice %arg14[%add3A_2405, %dma_start3A_2412] : memref<256x120xf32, #tpu.memory_space<vmem>> -> memref<1x120xf32, #tpu.memory_space<vmem>>
        %dma_start3A_2414 = tpu.memref_squeeze %dma_start3A_2413 : memref<1x120xf32, #tpu.memory_space<vmem>> -> memref<120xf32, #tpu.memory_space<vmem>>
        %dma_start3A_2415 = arith.constant 0 : i32
        %dma_start3A_2416 = tpu.memref_slice %arg6[%squeeze3A, %dma_start3A_2415] : memref<285697x120xf32, #tpu.memory_space<hbm>> -> memref<1x120xf32, #tpu.memory_space<hbm>>
        %dma_start3A_2417 = tpu.memref_squeeze %dma_start3A_2416 : memref<1x120xf32, #tpu.memory_space<hbm>> -> memref<120xf32, #tpu.memory_space<hbm>>
        tpu.enqueue_dma source(%dma_start3A_2417 : memref<120xf32, #tpu.memory_space<hbm>>) target(%dma_start3A_2414 : memref<120xf32, #tpu.memory_space<vmem>>) target_semaphore(%arg16 : memref<!tpu.dma_semaphore, #tpu.memory_space<semaphore_mem>>)
        %slice3A_2418 = vector.extract_strided_slice %get3A_2403 {offsets = [1], sizes = [1], strides = [1]} : vector<16xi32> to vector<1xi32>
        %squeeze3A_2419 = vector.extract %slice3A_2418[0] : i32 from vector<1xi32>
        %add3A_2420 = arith.constant 1 : i32
        %add3A_2421 = arith.addi %scan3A_2400, %add3A_2420 : i32
        %dma_start3A_2422 = arith.constant 0 : i32
        %dma_start3A_2423 = tpu.memref_slice %arg14[%add3A_2421, %dma_start3A_2422] : memref<256x120xf32, #tpu.memory_space<vmem>> -> memref<1x120xf32, #tpu.memory_space<vmem>>
        %dma_start3A_2424 = tpu.memref_squeeze %dma_start3A_2423 : memref<1x120xf32, #tpu.memory_space<vmem>> -> memref<120xf32, #tpu.memory_space<vmem>>
        %dma_start3A_2425 = arith.constant 0 : i32
        %dma_start3A_2426 = tpu.memref_slice %arg6[%squeeze3A_2419, %dma_start3A_2425] : memref<285697x120xf32, #tpu.memory_space<hbm>> -> memref<1x120xf32, #tpu.memory_space<hbm>>
        %dma_start3A_2427 = tpu.memref_squeeze %dma_start3A_2426 : memref<1x120xf32, #tpu.memory_space<hbm>> -> memref<120xf32, #tpu.memory_space<hbm>>
        %dma_start3A_2428 = arith.constant 0 : i32
        %dma_start3A_2429 = tpu.memref_slice %arg14[%add3A_2421, %dma_start3A_2428] : memref<256x120xf32, #tpu.memory_space<vmem>> -> memref<1x120xf32, #tpu.memory_space<vmem>>
        %dma_start3A_2430 = tpu.memref_squeeze %dma_start3A_2429 : memref<1x120xf32, #tpu.memory_space<vmem>> -> memref<120xf32, #tpu.memory_space<vmem>>
        %dma_start3A_2431 = arith.constant 0 : i32
        %dma_start3A_2432 = tpu.memref_slice %arg6[%squeeze3A_2419, %dma_start3A_2431] : memref<285697x120xf32, #tpu.memory_space<hbm>> -> memref<1x120xf32, #tpu.memory_space<hbm>>
        %dma_start3A_2433 = tpu.memref_squeeze %dma_start3A_2432 : memref<1x120xf32, #tpu.memory_space<hbm>> -> memref<120xf32, #tpu.memory_space<hbm>>
        tpu.enqueue_dma source(%dma_start3A_2433 : memref<120xf32, #tpu.memory_space<hbm>>) target(%dma_start3A_2430 : memref<120xf32, #tpu.memory_space<vmem>>) target_semaphore(%arg16 : memref<!tpu.dma_semaphore, #tpu.memory_space<semaphore_mem>>)
        %slice3A_2434 = vector.extract_strided_slice %get3A_2403 {offsets = [2], sizes = [1], strides = [1]} : vector<16xi32> to vector<1xi32>
        %squeeze3A_2435 = vector.extract %slice3A_2434[0] : i32 from vector<1xi32>
        %add3A_2436 = arith.constant 2 : i32
        %add3A_2437 = arith.addi %scan3A_2400, %add3A_2436 : i32
        %dma_start3A_2438 = arith.constant 0 : i32
        %dma_start3A_2439 = tpu.memref_slice %arg14[%add3A_2437, %dma_start3A_2438] : memref<256x120xf32, #tpu.memory_space<vmem>> -> memref<1x120xf32, #tpu.memory_space<vmem>>
        %dma_start3A_2440 = tpu.memref_squeeze %dma_start3A_2439 : memref<1x120xf32, #tpu.memory_space<vmem>> -> memref<120xf32, #tpu.memory_space<vmem>>
        %dma_start3A_2441 = arith.constant 0 : i32
        %dma_start3A_2442 = tpu.memref_slice %arg6[%squeeze3A_2435, %dma_start3A_2441] : memref<285697x120xf32, #tpu.memory_space<hbm>> -> memref<1x120xf32, #tpu.memory_space<hbm>>
        %dma_start3A_2443 = tpu.memref_squeeze %dma_start3A_2442 : memref<1x120xf32, #tpu.memory_space<hbm>> -> memref<120xf32, #tpu.memory_space<hbm>>
        %dma_start3A_2444 = arith.constant 0 : i32
        %dma_start3A_2445 = tpu.memref_slice %arg14[%add3A_2437, %dma_start3A_2444] : memref<256x120xf32, #tpu.memory_space<vmem>> -> memref<1x120xf32, #tpu.memory_space<vmem>>
        %dma_start3A_2446 = tpu.memref_squeeze %dma_start3A_2445 : memref<1x120xf32, #tpu.memory_space<vmem>> -> memref<120xf32, #tpu.memory_space<vmem>>
        %dma_start3A_2447 = arith.constant 0 : i32
        %dma_start3A_2448 = tpu.memref_slice %arg6[%squeeze3A_2435, %dma_start3A_2447] : memref<285697x120xf32, #tpu.memory_space<hbm>> -> memref<1x120xf32, #tpu.memory_space<hbm>>
        %dma_start3A_2449 = tpu.memref_squeeze %dma_start3A_2448 : memref<1x120xf32, #tpu.memory_space<hbm>> -> memref<120xf32, #tpu.memory_space<hbm>>
        tpu.enqueue_dma source(%dma_start3A_2449 : memref<120xf32, #tpu.memory_space<hbm>>) target(%dma_start3A_2446 : memref<120xf32, #tpu.memory_space<vmem>>) target_semaphore(%arg16 : memref<!tpu.dma_semaphore, #tpu.memory_space<semaphore_mem>>)
        %slice3A_2450 = vector.extract_strided_slice %get3A_2403 {offsets = [3], sizes = [1], strides = [1]} : vector<16xi32> to vector<1xi32>
        %squeeze3A_2451 = vector.extract %slice3A_2450[0] : i32 from vector<1xi32>
        %add3A_2452 = arith.constant 3 : i32
        %add3A_2453 = arith.addi %scan3A_2400, %add3A_2452 : i32
        %dma_start3A_2454 = arith.constant 0 : i32
        %dma_start3A_2455 = tpu.memref_slice %arg14[%add3A_2453, %dma_start3A_2454] : memref<256x120xf32, #tpu.memory_space<vmem>> -> memref<1x120xf32, #tpu.memory_space<vmem>>
        %dma_start3A_2456 = tpu.memref_squeeze %dma_start3A_2455 : memref<1x120xf32, #tpu.memory_space<vmem>> -> memref<120xf32, #tpu.memory_space<vmem>>
        %dma_start3A_2457 = arith.constant 0 : i32
        %dma_start3A_2458 = tpu.memref_slice %arg6[%squeeze3A_2451, %dma_start3A_2457] : memref<285697x120xf32, #tpu.memory_space<hbm>> -> memref<1x120xf32, #tpu.memory_space<hbm>>
        %dma_start3A_2459 = tpu.memref_squeeze %dma_start3A_2458 : memref<1x120xf32, #tpu.memory_space<hbm>> -> memref<120xf32, #tpu.memory_space<hbm>>
        %dma_start3A_2460 = arith.constant 0 : i32
        %dma_start3A_2461 = tpu.memref_slice %arg14[%add3A_2453, %dma_start3A_2460] : memref<256x120xf32, #tpu.memory_space<vmem>> -> memref<1x120xf32, #tpu.memory_space<vmem>>
        %dma_start3A_2462 = tpu.memref_squeeze %dma_start3A_2461 : memref<1x120xf32, #tpu.memory_space<vmem>> -> memref<120xf32, #tpu.memory_space<vmem>>
        %dma_start3A_2463 = arith.constant 0 : i32
        %dma_start3A_2464 = tpu.memref_slice %arg6[%squeeze3A_2451, %dma_start3A_2463] : memref<285697x120xf32, #tpu.memory_space<hbm>> -> memref<1x120xf32, #tpu.memory_space<hbm>>
        %dma_start3A_2465 = tpu.memref_squeeze %dma_start3A_2464 : memref<1x120xf32, #tpu.memory_space<hbm>> -> memref<120xf32, #tpu.memory_space<hbm>>
        tpu.enqueue_dma source(%dma_start3A_2465 : memref<120xf32, #tpu.memory_space<hbm>>) target(%dma_start3A_2462 : memref<120xf32, #tpu.memory_space<vmem>>) target_semaphore(%arg16 : memref<!tpu.dma_semaphore, #tpu.memory_space<semaphore_mem>>)
        %slice3A_2466 = vector.extract_strided_slice %get3A_2403 {offsets = [4], sizes = [1], strides = [1]} : vector<16xi32> to vector<1xi32>
        %squeeze3A_2467 = vector.extract %slice3A_2466[0] : i32 from vector<1xi32>
        %add3A_2468 = arith.constant 4 : i32
        %add3A_2469 = arith.addi %scan3A_2400, %add3A_2468 : i32
        %dma_start3A_2470 = arith.constant 0 : i32
        %dma_start3A_2471 = tpu.memref_slice %arg14[%add3A_2469, %dma_start3A_2470] : memref<256x120xf32, #tpu.memory_space<vmem>> -> memref<1x120xf32, #tpu.memory_space<vmem>>
        %dma_start3A_2472 = tpu.memref_squeeze %dma_start3A_2471 : memref<1x120xf32, #tpu.memory_space<vmem>> -> memref<120xf32, #tpu.memory_space<vmem>>
        %dma_start3A_2473 = arith.constant 0 : i32
        %dma_start3A_2474 = tpu.memref_slice %arg6[%squeeze3A_2467, %dma_start3A_2473] : memref<285697x120xf32, #tpu.memory_space<hbm>> -> memref<1x120xf32, #tpu.memory_space<hbm>>
        %dma_start3A_2475 = tpu.memref_squeeze %dma_start3A_2474 : memref<1x120xf32, #tpu.memory_space<hbm>> -> memref<120xf32, #tpu.memory_space<hbm>>
        %dma_start3A_2476 = arith.constant 0 : i32
        %dma_start3A_2477 = tpu.memref_slice %arg14[%add3A_2469, %dma_start3A_2476] : memref<256x120xf32, #tpu.memory_space<vmem>> -> memref<1x120xf32, #tpu.memory_space<vmem>>
        %dma_start3A_2478 = tpu.memref_squeeze %dma_start3A_2477 : memref<1x120xf32, #tpu.memory_space<vmem>> -> memref<120xf32, #tpu.memory_space<vmem>>
        %dma_start3A_2479 = arith.constant 0 : i32
        %dma_start3A_2480 = tpu.memref_slice %arg6[%squeeze3A_2467, %dma_start3A_2479] : memref<285697x120xf32, #tpu.memory_space<hbm>> -> memref<1x120xf32, #tpu.memory_space<hbm>>
        %dma_start3A_2481 = tpu.memref_squeeze %dma_start3A_2480 : memref<1x120xf32, #tpu.memory_space<hbm>> -> memref<120xf32, #tpu.memory_space<hbm>>
        tpu.enqueue_dma source(%dma_start3A_2481 : memref<120xf32, #tpu.memory_space<hbm>>) target(%dma_start3A_2478 : memref<120xf32, #tpu.memory_space<vmem>>) target_semaphore(%arg16 : memref<!tpu.dma_semaphore, #tpu.memory_space<semaphore_mem>>)
        %slice3A_2482 = vector.extract_strided_slice %get3A_2403 {offsets = [5], sizes = [1], strides = [1]} : vector<16xi32> to vector<1xi32>
        %squeeze3A_2483 = vector.extract %slice3A_2482[0] : i32 from vector<1xi32>
        %add3A_2484 = arith.constant 5 : i32
        %add3A_2485 = arith.addi %scan3A_2400, %add3A_2484 : i32
        %dma_start3A_2486 = arith.constant 0 : i32
        %dma_start3A_2487 = tpu.memref_slice %arg14[%add3A_2485, %dma_start3A_2486] : memref<256x120xf32, #tpu.memory_space<vmem>> -> memref<1x120xf32, #tpu.memory_space<vmem>>
        %dma_start3A_2488 = tpu.memref_squeeze %dma_start3A_2487 : memref<1x120xf32, #tpu.memory_space<vmem>> -> memref<120xf32, #tpu.memory_space<vmem>>
        %dma_start3A_2489 = arith.constant 0 : i32
        %dma_start3A_2490 = tpu.memref_slice %arg6[%squeeze3A_2483, %dma_start3A_2489] : memref<285697x120xf32, #tpu.memory_space<hbm>> -> memref<1x120xf32, #tpu.memory_space<hbm>>
        %dma_start3A_2491 = tpu.memref_squeeze %dma_start3A_2490 : memref<1x120xf32, #tpu.memory_space<hbm>> -> memref<120xf32, #tpu.memory_space<hbm>>
        %dma_start3A_2492 = arith.constant 0 : i32
        %dma_start3A_2493 = tpu.memref_slice %arg14[%add3A_2485, %dma_start3A_2492] : memref<256x120xf32, #tpu.memory_space<vmem>> -> memref<1x120xf32, #tpu.memory_space<vmem>>
        %dma_start3A_2494 = tpu.memref_squeeze %dma_start3A_2493 : memref<1x120xf32, #tpu.memory_space<vmem>> -> memref<120xf32, #tpu.memory_space<vmem>>
        %dma_start3A_2495 = arith.constant 0 : i32
        %dma_start3A_2496 = tpu.memref_slice %arg6[%squeeze3A_2483, %dma_start3A_2495] : memref<285697x120xf32, #tpu.memory_space<hbm>> -> memref<1x120xf32, #tpu.memory_space<hbm>>
        %dma_start3A_2497 = tpu.memref_squeeze %dma_start3A_2496 : memref<1x120xf32, #tpu.memory_space<hbm>> -> memref<120xf32, #tpu.memory_space<hbm>>
        tpu.enqueue_dma source(%dma_start3A_2497 : memref<120xf32, #tpu.memory_space<hbm>>) target(%dma_start3A_2494 : memref<120xf32, #tpu.memory_space<vmem>>) target_semaphore(%arg16 : memref<!tpu.dma_semaphore, #tpu.memory_space<semaphore_mem>>)
        %slice3A_2498 = vector.extract_strided_slice %get3A_2403 {offsets = [6], sizes = [1], strides = [1]} : vector<16xi32> to vector<1xi32>
        %squeeze3A_2499 = vector.extract %slice3A_2498[0] : i32 from vector<1xi32>
        %add3A_2500 = arith.constant 6 : i32
        %add3A_2501 = arith.addi %scan3A_2400, %add3A_2500 : i32
        %dma_start3A_2502 = arith.constant 0 : i32
        %dma_start3A_2503 = tpu.memref_slice %arg14[%add3A_2501, %dma_start3A_2502] : memref<256x120xf32, #tpu.memory_space<vmem>> -> memref<1x120xf32, #tpu.memory_space<vmem>>
        %dma_start3A_2504 = tpu.memref_squeeze %dma_start3A_2503 : memref<1x120xf32, #tpu.memory_space<vmem>> -> memref<120xf32, #tpu.memory_space<vmem>>
        %dma_start3A_2505 = arith.constant 0 : i32
        %dma_start3A_2506 = tpu.memref_slice %arg6[%squeeze3A_2499, %dma_start3A_2505] : memref<285697x120xf32, #tpu.memory_space<hbm>> -> memref<1x120xf32, #tpu.memory_space<hbm>>
        %dma_start3A_2507 = tpu.memref_squeeze %dma_start3A_2506 : memref<1x120xf32, #tpu.memory_space<hbm>> -> memref<120xf32, #tpu.memory_space<hbm>>
        %dma_start3A_2508 = arith.constant 0 : i32
        %dma_start3A_2509 = tpu.memref_slice %arg14[%add3A_2501, %dma_start3A_2508] : memref<256x120xf32, #tpu.memory_space<vmem>> -> memref<1x120xf32, #tpu.memory_space<vmem>>
        %dma_start3A_2510 = tpu.memref_squeeze %dma_start3A_2509 : memref<1x120xf32, #tpu.memory_space<vmem>> -> memref<120xf32, #tpu.memory_space<vmem>>
        %dma_start3A_2511 = arith.constant 0 : i32
        %dma_start3A_2512 = tpu.memref_slice %arg6[%squeeze3A_2499, %dma_start3A_2511] : memref<285697x120xf32, #tpu.memory_space<hbm>> -> memref<1x120xf32, #tpu.memory_space<hbm>>
        %dma_start3A_2513 = tpu.memref_squeeze %dma_start3A_2512 : memref<1x120xf32, #tpu.memory_space<hbm>> -> memref<120xf32, #tpu.memory_space<hbm>>
        tpu.enqueue_dma source(%dma_start3A_2513 : memref<120xf32, #tpu.memory_space<hbm>>) target(%dma_start3A_2510 : memref<120xf32, #tpu.memory_space<vmem>>) target_semaphore(%arg16 : memref<!tpu.dma_semaphore, #tpu.memory_space<semaphore_mem>>)
        %slice3A_2514 = vector.extract_strided_slice %get3A_2403 {offsets = [7], sizes = [1], strides = [1]} : vector<16xi32> to vector<1xi32>
        %squeeze3A_2515 = vector.extract %slice3A_2514[0] : i32 from vector<1xi32>
        %add3A_2516 = arith.constant 7 : i32
        %add3A_2517 = arith.addi %scan3A_2400, %add3A_2516 : i32
        %dma_start3A_2518 = arith.constant 0 : i32
        %dma_start3A_2519 = tpu.memref_slice %arg14[%add3A_2517, %dma_start3A_2518] : memref<256x120xf32, #tpu.memory_space<vmem>> -> memref<1x120xf32, #tpu.memory_space<vmem>>
        %dma_start3A_2520 = tpu.memref_squeeze %dma_start3A_2519 : memref<1x120xf32, #tpu.memory_space<vmem>> -> memref<120xf32, #tpu.memory_space<vmem>>
        %dma_start3A_2521 = arith.constant 0 : i32
        %dma_start3A_2522 = tpu.memref_slice %arg6[%squeeze3A_2515, %dma_start3A_2521] : memref<285697x120xf32, #tpu.memory_space<hbm>> -> memref<1x120xf32, #tpu.memory_space<hbm>>
        %dma_start3A_2523 = tpu.memref_squeeze %dma_start3A_2522 : memref<1x120xf32, #tpu.memory_space<hbm>> -> memref<120xf32, #tpu.memory_space<hbm>>
        %dma_start3A_2524 = arith.constant 0 : i32
        %dma_start3A_2525 = tpu.memref_slice %arg14[%add3A_2517, %dma_start3A_2524] : memref<256x120xf32, #tpu.memory_space<vmem>> -> memref<1x120xf32, #tpu.memory_space<vmem>>
        %dma_start3A_2526 = tpu.memref_squeeze %dma_start3A_2525 : memref<1x120xf32, #tpu.memory_space<vmem>> -> memref<120xf32, #tpu.memory_space<vmem>>
        %dma_start3A_2527 = arith.constant 0 : i32
        %dma_start3A_2528 = tpu.memref_slice %arg6[%squeeze3A_2515, %dma_start3A_2527] : memref<285697x120xf32, #tpu.memory_space<hbm>> -> memref<1x120xf32, #tpu.memory_space<hbm>>
        %dma_start3A_2529 = tpu.memref_squeeze %dma_start3A_2528 : memref<1x120xf32, #tpu.memory_space<hbm>> -> memref<120xf32, #tpu.memory_space<hbm>>
        tpu.enqueue_dma source(%dma_start3A_2529 : memref<120xf32, #tpu.memory_space<hbm>>) target(%dma_start3A_2526 : memref<120xf32, #tpu.memory_space<vmem>>) target_semaphore(%arg16 : memref<!tpu.dma_semaphore, #tpu.memory_space<semaphore_mem>>)
        %slice3A_2530 = vector.extract_strided_slice %get3A_2403 {offsets = [8], sizes = [1], strides = [1]} : vector<16xi32> to vector<1xi32>
        %squeeze3A_2531 = vector.extract %slice3A_2530[0] : i32 from vector<1xi32>
        %add3A_2532 = arith.constant 8 : i32
        %add3A_2533 = arith.addi %scan3A_2400, %add3A_2532 : i32
        %dma_start3A_2534 = arith.constant 0 : i32
        %dma_start3A_2535 = tpu.memref_slice %arg14[%add3A_2533, %dma_start3A_2534] : memref<256x120xf32, #tpu.memory_space<vmem>> -> memref<1x120xf32, #tpu.memory_space<vmem>>
        %dma_start3A_2536 = tpu.memref_squeeze %dma_start3A_2535 : memref<1x120xf32, #tpu.memory_space<vmem>> -> memref<120xf32, #tpu.memory_space<vmem>>
        %dma_start3A_2537 = arith.constant 0 : i32
        %dma_start3A_2538 = tpu.memref_slice %arg6[%squeeze3A_2531, %dma_start3A_2537] : memref<285697x120xf32, #tpu.memory_space<hbm>> -> memref<1x120xf32, #tpu.memory_space<hbm>>
        %dma_start3A_2539 = tpu.memref_squeeze %dma_start3A_2538 : memref<1x120xf32, #tpu.memory_space<hbm>> -> memref<120xf32, #tpu.memory_space<hbm>>
        %dma_start3A_2540 = arith.constant 0 : i32
        %dma_start3A_2541 = tpu.memref_slice %arg14[%add3A_2533, %dma_start3A_2540] : memref<256x120xf32, #tpu.memory_space<vmem>> -> memref<1x120xf32, #tpu.memory_space<vmem>>
        %dma_start3A_2542 = tpu.memref_squeeze %dma_start3A_2541 : memref<1x120xf32, #tpu.memory_space<vmem>> -> memref<120xf32, #tpu.memory_space<vmem>>
        %dma_start3A_2543 = arith.constant 0 : i32
        %dma_start3A_2544 = tpu.memref_slice %arg6[%squeeze3A_2531, %dma_start3A_2543] : memref<285697x120xf32, #tpu.memory_space<hbm>> -> memref<1x120xf32, #tpu.memory_space<hbm>>
        %dma_start3A_2545 = tpu.memref_squeeze %dma_start3A_2544 : memref<1x120xf32, #tpu.memory_space<hbm>> -> memref<120xf32, #tpu.memory_space<hbm>>
        tpu.enqueue_dma source(%dma_start3A_2545 : memref<120xf32, #tpu.memory_space<hbm>>) target(%dma_start3A_2542 : memref<120xf32, #tpu.memory_space<vmem>>) target_semaphore(%arg16 : memref<!tpu.dma_semaphore, #tpu.memory_space<semaphore_mem>>)
        %slice3A_2546 = vector.extract_strided_slice %get3A_2403 {offsets = [9], sizes = [1], strides = [1]} : vector<16xi32> to vector<1xi32>
        %squeeze3A_2547 = vector.extract %slice3A_2546[0] : i32 from vector<1xi32>
        %add3A_2548 = arith.constant 9 : i32
        %add3A_2549 = arith.addi %scan3A_2400, %add3A_2548 : i32
        %dma_start3A_2550 = arith.constant 0 : i32
        %dma_start3A_2551 = tpu.memref_slice %arg14[%add3A_2549, %dma_start3A_2550] : memref<256x120xf32, #tpu.memory_space<vmem>> -> memref<1x120xf32, #tpu.memory_space<vmem>>
        %dma_start3A_2552 = tpu.memref_squeeze %dma_start3A_2551 : memref<1x120xf32, #tpu.memory_space<vmem>> -> memref<120xf32, #tpu.memory_space<vmem>>
        %dma_start3A_2553 = arith.constant 0 : i32
        %dma_start3A_2554 = tpu.memref_slice %arg6[%squeeze3A_2547, %dma_start3A_2553] : memref<285697x120xf32, #tpu.memory_space<hbm>> -> memref<1x120xf32, #tpu.memory_space<hbm>>
        %dma_start3A_2555 = tpu.memref_squeeze %dma_start3A_2554 : memref<1x120xf32, #tpu.memory_space<hbm>> -> memref<120xf32, #tpu.memory_space<hbm>>
        %dma_start3A_2556 = arith.constant 0 : i32
        %dma_start3A_2557 = tpu.memref_slice %arg14[%add3A_2549, %dma_start3A_2556] : memref<256x120xf32, #tpu.memory_space<vmem>> -> memref<1x120xf32, #tpu.memory_space<vmem>>
        %dma_start3A_2558 = tpu.memref_squeeze %dma_start3A_2557 : memref<1x120xf32, #tpu.memory_space<vmem>> -> memref<120xf32, #tpu.memory_space<vmem>>
        %dma_start3A_2559 = arith.constant 0 : i32
        %dma_start3A_2560 = tpu.memref_slice %arg6[%squeeze3A_2547, %dma_start3A_2559] : memref<285697x120xf32, #tpu.memory_space<hbm>> -> memref<1x120xf32, #tpu.memory_space<hbm>>
        %dma_start3A_2561 = tpu.memref_squeeze %dma_start3A_2560 : memref<1x120xf32, #tpu.memory_space<hbm>> -> memref<120xf32, #tpu.memory_space<hbm>>
        tpu.enqueue_dma source(%dma_start3A_2561 : memref<120xf32, #tpu.memory_space<hbm>>) target(%dma_start3A_2558 : memref<120xf32, #tpu.memory_space<vmem>>) target_semaphore(%arg16 : memref<!tpu.dma_semaphore, #tpu.memory_space<semaphore_mem>>)
        %slice3A_2562 = vector.extract_strided_slice %get3A_2403 {offsets = [10], sizes = [1], strides = [1]} : vector<16xi32> to vector<1xi32>
        %squeeze3A_2563 = vector.extract %slice3A_2562[0] : i32 from vector<1xi32>
        %add3A_2564 = arith.constant 10 : i32
        %add3A_2565 = arith.addi %scan3A_2400, %add3A_2564 : i32
        %dma_start3A_2566 = arith.constant 0 : i32
        %dma_start3A_2567 = tpu.memref_slice %arg14[%add3A_2565, %dma_start3A_2566] : memref<256x120xf32, #tpu.memory_space<vmem>> -> memref<1x120xf32, #tpu.memory_space<vmem>>
        %dma_start3A_2568 = tpu.memref_squeeze %dma_start3A_2567 : memref<1x120xf32, #tpu.memory_space<vmem>> -> memref<120xf32, #tpu.memory_space<vmem>>
        %dma_start3A_2569 = arith.constant 0 : i32
        %dma_start3A_2570 = tpu.memref_slice %arg6[%squeeze3A_2563, %dma_start3A_2569] : memref<285697x120xf32, #tpu.memory_space<hbm>> -> memref<1x120xf32, #tpu.memory_space<hbm>>
        %dma_start3A_2571 = tpu.memref_squeeze %dma_start3A_2570 : memref<1x120xf32, #tpu.memory_space<hbm>> -> memref<120xf32, #tpu.memory_space<hbm>>
        %dma_start3A_2572 = arith.constant 0 : i32
        %dma_start3A_2573 = tpu.memref_slice %arg14[%add3A_2565, %dma_start3A_2572] : memref<256x120xf32, #tpu.memory_space<vmem>> -> memref<1x120xf32, #tpu.memory_space<vmem>>
        %dma_start3A_2574 = tpu.memref_squeeze %dma_start3A_2573 : memref<1x120xf32, #tpu.memory_space<vmem>> -> memref<120xf32, #tpu.memory_space<vmem>>
        %dma_start3A_2575 = arith.constant 0 : i32
        %dma_start3A_2576 = tpu.memref_slice %arg6[%squeeze3A_2563, %dma_start3A_2575] : memref<285697x120xf32, #tpu.memory_space<hbm>> -> memref<1x120xf32, #tpu.memory_space<hbm>>
        %dma_start3A_2577 = tpu.memref_squeeze %dma_start3A_2576 : memref<1x120xf32, #tpu.memory_space<hbm>> -> memref<120xf32, #tpu.memory_space<hbm>>
        tpu.enqueue_dma source(%dma_start3A_2577 : memref<120xf32, #tpu.memory_space<hbm>>) target(%dma_start3A_2574 : memref<120xf32, #tpu.memory_space<vmem>>) target_semaphore(%arg16 : memref<!tpu.dma_semaphore, #tpu.memory_space<semaphore_mem>>)
        %slice3A_2578 = vector.extract_strided_slice %get3A_2403 {offsets = [11], sizes = [1], strides = [1]} : vector<16xi32> to vector<1xi32>
        %squeeze3A_2579 = vector.extract %slice3A_2578[0] : i32 from vector<1xi32>
        %add3A_2580 = arith.constant 11 : i32
        %add3A_2581 = arith.addi %scan3A_2400, %add3A_2580 : i32
        %dma_start3A_2582 = arith.constant 0 : i32
        %dma_start3A_2583 = tpu.memref_slice %arg14[%add3A_2581, %dma_start3A_2582] : memref<256x120xf32, #tpu.memory_space<vmem>> -> memref<1x120xf32, #tpu.memory_space<vmem>>
        %dma_start3A_2584 = tpu.memref_squeeze %dma_start3A_2583 : memref<1x120xf32, #tpu.memory_space<vmem>> -> memref<120xf32, #tpu.memory_space<vmem>>
        %dma_start3A_2585 = arith.constant 0 : i32
        %dma_start3A_2586 = tpu.memref_slice %arg6[%squeeze3A_2579, %dma_start3A_2585] : memref<285697x120xf32, #tpu.memory_space<hbm>> -> memref<1x120xf32, #tpu.memory_space<hbm>>
        %dma_start3A_2587 = tpu.memref_squeeze %dma_start3A_2586 : memref<1x120xf32, #tpu.memory_space<hbm>> -> memref<120xf32, #tpu.memory_space<hbm>>
        %dma_start3A_2588 = arith.constant 0 : i32
        %dma_start3A_2589 = tpu.memref_slice %arg14[%add3A_2581, %dma_start3A_2588] : memref<256x120xf32, #tpu.memory_space<vmem>> -> memref<1x120xf32, #tpu.memory_space<vmem>>
        %dma_start3A_2590 = tpu.memref_squeeze %dma_start3A_2589 : memref<1x120xf32, #tpu.memory_space<vmem>> -> memref<120xf32, #tpu.memory_space<vmem>>
        %dma_start3A_2591 = arith.constant 0 : i32
        %dma_start3A_2592 = tpu.memref_slice %arg6[%squeeze3A_2579, %dma_start3A_2591] : memref<285697x120xf32, #tpu.memory_space<hbm>> -> memref<1x120xf32, #tpu.memory_space<hbm>>
        %dma_start3A_2593 = tpu.memref_squeeze %dma_start3A_2592 : memref<1x120xf32, #tpu.memory_space<hbm>> -> memref<120xf32, #tpu.memory_space<hbm>>
        tpu.enqueue_dma source(%dma_start3A_2593 : memref<120xf32, #tpu.memory_space<hbm>>) target(%dma_start3A_2590 : memref<120xf32, #tpu.memory_space<vmem>>) target_semaphore(%arg16 : memref<!tpu.dma_semaphore, #tpu.memory_space<semaphore_mem>>)
        %slice3A_2594 = vector.extract_strided_slice %get3A_2403 {offsets = [12], sizes = [1], strides = [1]} : vector<16xi32> to vector<1xi32>
        %squeeze3A_2595 = vector.extract %slice3A_2594[0] : i32 from vector<1xi32>
        %add3A_2596 = arith.constant 12 : i32
        %add3A_2597 = arith.addi %scan3A_2400, %add3A_2596 : i32
        %dma_start3A_2598 = arith.constant 0 : i32
        %dma_start3A_2599 = tpu.memref_slice %arg14[%add3A_2597, %dma_start3A_2598] : memref<256x120xf32, #tpu.memory_space<vmem>> -> memref<1x120xf32, #tpu.memory_space<vmem>>
        %dma_start3A_2600 = tpu.memref_squeeze %dma_start3A_2599 : memref<1x120xf32, #tpu.memory_space<vmem>> -> memref<120xf32, #tpu.memory_space<vmem>>
        %dma_start3A_2601 = arith.constant 0 : i32
        %dma_start3A_2602 = tpu.memref_slice %arg6[%squeeze3A_2595, %dma_start3A_2601] : memref<285697x120xf32, #tpu.memory_space<hbm>> -> memref<1x120xf32, #tpu.memory_space<hbm>>
        %dma_start3A_2603 = tpu.memref_squeeze %dma_start3A_2602 : memref<1x120xf32, #tpu.memory_space<hbm>> -> memref<120xf32, #tpu.memory_space<hbm>>
        %dma_start3A_2604 = arith.constant 0 : i32
        %dma_start3A_2605 = tpu.memref_slice %arg14[%add3A_2597, %dma_start3A_2604] : memref<256x120xf32, #tpu.memory_space<vmem>> -> memref<1x120xf32, #tpu.memory_space<vmem>>
        %dma_start3A_2606 = tpu.memref_squeeze %dma_start3A_2605 : memref<1x120xf32, #tpu.memory_space<vmem>> -> memref<120xf32, #tpu.memory_space<vmem>>
        %dma_start3A_2607 = arith.constant 0 : i32
        %dma_start3A_2608 = tpu.memref_slice %arg6[%squeeze3A_2595, %dma_start3A_2607] : memref<285697x120xf32, #tpu.memory_space<hbm>> -> memref<1x120xf32, #tpu.memory_space<hbm>>
        %dma_start3A_2609 = tpu.memref_squeeze %dma_start3A_2608 : memref<1x120xf32, #tpu.memory_space<hbm>> -> memref<120xf32, #tpu.memory_space<hbm>>
        tpu.enqueue_dma source(%dma_start3A_2609 : memref<120xf32, #tpu.memory_space<hbm>>) target(%dma_start3A_2606 : memref<120xf32, #tpu.memory_space<vmem>>) target_semaphore(%arg16 : memref<!tpu.dma_semaphore, #tpu.memory_space<semaphore_mem>>)
        %slice3A_2610 = vector.extract_strided_slice %get3A_2403 {offsets = [13], sizes = [1], strides = [1]} : vector<16xi32> to vector<1xi32>
        %squeeze3A_2611 = vector.extract %slice3A_2610[0] : i32 from vector<1xi32>
        %add3A_2612 = arith.constant 13 : i32
        %add3A_2613 = arith.addi %scan3A_2400, %add3A_2612 : i32
        %dma_start3A_2614 = arith.constant 0 : i32
        %dma_start3A_2615 = tpu.memref_slice %arg14[%add3A_2613, %dma_start3A_2614] : memref<256x120xf32, #tpu.memory_space<vmem>> -> memref<1x120xf32, #tpu.memory_space<vmem>>
        %dma_start3A_2616 = tpu.memref_squeeze %dma_start3A_2615 : memref<1x120xf32, #tpu.memory_space<vmem>> -> memref<120xf32, #tpu.memory_space<vmem>>
        %dma_start3A_2617 = arith.constant 0 : i32
        %dma_start3A_2618 = tpu.memref_slice %arg6[%squeeze3A_2611, %dma_start3A_2617] : memref<285697x120xf32, #tpu.memory_space<hbm>> -> memref<1x120xf32, #tpu.memory_space<hbm>>
        %dma_start3A_2619 = tpu.memref_squeeze %dma_start3A_2618 : memref<1x120xf32, #tpu.memory_space<hbm>> -> memref<120xf32, #tpu.memory_space<hbm>>
        %dma_start3A_2620 = arith.constant 0 : i32
        %dma_start3A_2621 = tpu.memref_slice %arg14[%add3A_2613, %dma_start3A_2620] : memref<256x120xf32, #tpu.memory_space<vmem>> -> memref<1x120xf32, #tpu.memory_space<vmem>>
        %dma_start3A_2622 = tpu.memref_squeeze %dma_start3A_2621 : memref<1x120xf32, #tpu.memory_space<vmem>> -> memref<120xf32, #tpu.memory_space<vmem>>
        %dma_start3A_2623 = arith.constant 0 : i32
        %dma_start3A_2624 = tpu.memref_slice %arg6[%squeeze3A_2611, %dma_start3A_2623] : memref<285697x120xf32, #tpu.memory_space<hbm>> -> memref<1x120xf32, #tpu.memory_space<hbm>>
        %dma_start3A_2625 = tpu.memref_squeeze %dma_start3A_2624 : memref<1x120xf32, #tpu.memory_space<hbm>> -> memref<120xf32, #tpu.memory_space<hbm>>
        tpu.enqueue_dma source(%dma_start3A_2625 : memref<120xf32, #tpu.memory_space<hbm>>) target(%dma_start3A_2622 : memref<120xf32, #tpu.memory_space<vmem>>) target_semaphore(%arg16 : memref<!tpu.dma_semaphore, #tpu.memory_space<semaphore_mem>>)
        %slice3A_2626 = vector.extract_strided_slice %get3A_2403 {offsets = [14], sizes = [1], strides = [1]} : vector<16xi32> to vector<1xi32>
        %squeeze3A_2627 = vector.extract %slice3A_2626[0] : i32 from vector<1xi32>
        %add3A_2628 = arith.constant 14 : i32
        %add3A_2629 = arith.addi %scan3A_2400, %add3A_2628 : i32
        %dma_start3A_2630 = arith.constant 0 : i32
        %dma_start3A_2631 = tpu.memref_slice %arg14[%add3A_2629, %dma_start3A_2630] : memref<256x120xf32, #tpu.memory_space<vmem>> -> memref<1x120xf32, #tpu.memory_space<vmem>>
        %dma_start3A_2632 = tpu.memref_squeeze %dma_start3A_2631 : memref<1x120xf32, #tpu.memory_space<vmem>> -> memref<120xf32, #tpu.memory_space<vmem>>
        %dma_start3A_2633 = arith.constant 0 : i32
        %dma_start3A_2634 = tpu.memref_slice %arg6[%squeeze3A_2627, %dma_start3A_2633] : memref<285697x120xf32, #tpu.memory_space<hbm>> -> memref<1x120xf32, #tpu.memory_space<hbm>>
        %dma_start3A_2635 = tpu.memref_squeeze %dma_start3A_2634 : memref<1x120xf32, #tpu.memory_space<hbm>> -> memref<120xf32, #tpu.memory_space<hbm>>
        %dma_start3A_2636 = arith.constant 0 : i32
        %dma_start3A_2637 = tpu.memref_slice %arg14[%add3A_2629, %dma_start3A_2636] : memref<256x120xf32, #tpu.memory_space<vmem>> -> memref<1x120xf32, #tpu.memory_space<vmem>>
        %dma_start3A_2638 = tpu.memref_squeeze %dma_start3A_2637 : memref<1x120xf32, #tpu.memory_space<vmem>> -> memref<120xf32, #tpu.memory_space<vmem>>
        %dma_start3A_2639 = arith.constant 0 : i32
        %dma_start3A_2640 = tpu.memref_slice %arg6[%squeeze3A_2627, %dma_start3A_2639] : memref<285697x120xf32, #tpu.memory_space<hbm>> -> memref<1x120xf32, #tpu.memory_space<hbm>>
        %dma_start3A_2641 = tpu.memref_squeeze %dma_start3A_2640 : memref<1x120xf32, #tpu.memory_space<hbm>> -> memref<120xf32, #tpu.memory_space<hbm>>
        tpu.enqueue_dma source(%dma_start3A_2641 : memref<120xf32, #tpu.memory_space<hbm>>) target(%dma_start3A_2638 : memref<120xf32, #tpu.memory_space<vmem>>) target_semaphore(%arg16 : memref<!tpu.dma_semaphore, #tpu.memory_space<semaphore_mem>>)
        %slice3A_2642 = vector.extract_strided_slice %get3A_2403 {offsets = [15], sizes = [1], strides = [1]} : vector<16xi32> to vector<1xi32>
        %squeeze3A_2643 = vector.extract %slice3A_2642[0] : i32 from vector<1xi32>
        %add3A_2644 = arith.constant 15 : i32
        %add3A_2645 = arith.addi %scan3A_2400, %add3A_2644 : i32
        %dma_start3A_2646 = arith.constant 0 : i32
        %dma_start3A_2647 = tpu.memref_slice %arg14[%add3A_2645, %dma_start3A_2646] : memref<256x120xf32, #tpu.memory_space<vmem>> -> memref<1x120xf32, #tpu.memory_space<vmem>>
        %dma_start3A_2648 = tpu.memref_squeeze %dma_start3A_2647 : memref<1x120xf32, #tpu.memory_space<vmem>> -> memref<120xf32, #tpu.memory_space<vmem>>
        %dma_start3A_2649 = arith.constant 0 : i32
        %dma_start3A_2650 = tpu.memref_slice %arg6[%squeeze3A_2643, %dma_start3A_2649] : memref<285697x120xf32, #tpu.memory_space<hbm>> -> memref<1x120xf32, #tpu.memory_space<hbm>>
        %dma_start3A_2651 = tpu.memref_squeeze %dma_start3A_2650 : memref<1x120xf32, #tpu.memory_space<hbm>> -> memref<120xf32, #tpu.memory_space<hbm>>
        %dma_start3A_2652 = arith.constant 0 : i32
        %dma_start3A_2653 = tpu.memref_slice %arg14[%add3A_2645, %dma_start3A_2652] : memref<256x120xf32, #tpu.memory_space<vmem>> -> memref<1x120xf32, #tpu.memory_space<vmem>>
        %dma_start3A_2654 = tpu.memref_squeeze %dma_start3A_2653 : memref<1x120xf32, #tpu.memory_space<vmem>> -> memref<120xf32, #tpu.memory_space<vmem>>
        %dma_start3A_2655 = arith.constant 0 : i32
        %dma_start3A_2656 = tpu.memref_slice %arg6[%squeeze3A_2643, %dma_start3A_2655] : memref<285697x120xf32, #tpu.memory_space<hbm>> -> memref<1x120xf32, #tpu.memory_space<hbm>>
        %dma_start3A_2657 = tpu.memref_squeeze %dma_start3A_2656 : memref<1x120xf32, #tpu.memory_space<hbm>> -> memref<120xf32, #tpu.memory_space<hbm>>
        tpu.enqueue_dma source(%dma_start3A_2657 : memref<120xf32, #tpu.memory_space<hbm>>) target(%dma_start3A_2654 : memref<120xf32, #tpu.memory_space<vmem>>) target_semaphore(%arg16 : memref<!tpu.dma_semaphore, #tpu.memory_space<semaphore_mem>>)
        %add3A_2658 = arith.constant 16 : i32
        %add3A_2659 = arith.addi %scan3A_2400, %add3A_2658 : i32
        scf.yield %add3A_2659 : i32
      }
      %scan3A_1205 = arith.constant 8 : i32
      %ge3A_1206 = arith.constant 1 : i32
      %ge3A_1207 = arith.cmpi sge, %scan3A_39, %ge3A_1206 : i32
      %convert_element_type3A_1208 = arith.extui %ge3A_1207 : i1 to i32
      %cond3A_1209 = arith.constant 0 : i32
      %cond3A_1210 = arith.cmpi ne, %convert_element_type3A_1208, %cond3A_1209 : i32
      scf.if %cond3A_1210 {
        %dma_wait3A_2399 = arith.constant 0 : i32
        %dma_wait3A_2400 = arith.constant 0 : i32
        %dma_wait3A_2401 = tpu.memref_slice %arg7[%dma_wait3A_2399, %dma_wait3A_2400] : memref<524288x120xf32, #tpu.memory_space<hbm>> -> memref<256x120xf32, #tpu.memory_space<hbm>>
        %dma_wait3A_2402 = arith.constant 0 : i32
        %dma_wait3A_2403 = arith.constant 0 : i32
        %dma_wait3A_2404 = tpu.memref_slice %arg7[%dma_wait3A_2402, %dma_wait3A_2403] : memref<524288x120xf32, #tpu.memory_space<hbm>> -> memref<256x120xf32, #tpu.memory_space<hbm>>
        tpu.wait_dma2 semaphore(%arg26 : memref<!tpu.dma_semaphore, #tpu.memory_space<semaphore_mem>>) src(%dma_wait3A_2404 : memref<256x120xf32, #tpu.memory_space<hbm>>) dst(%arg24 : memref<256x120xf32, #tpu.memory_space<vmem>>)
        %sub3A_2405 = arith.constant 256 : i32
        %sub3A_2406 = arith.subi %multiple_of3A_43, %sub3A_2405 : i32
        %multiple_of3A_2407 = tpu.assume_multiple %sub3A_2406, 256 : i32
        %dma_start3A_2408 = arith.constant 0 : i32
        %dma_start3A_2409 = tpu.memref_slice %arg7[%multiple_of3A_2407, %dma_start3A_2408] : memref<524288x120xf32, #tpu.memory_space<hbm>> -> memref<256x120xf32, #tpu.memory_space<hbm>>
        %dma_start3A_2410 = arith.constant 0 : i32
        %dma_start3A_2411 = tpu.memref_slice %arg7[%multiple_of3A_2407, %dma_start3A_2410] : memref<524288x120xf32, #tpu.memory_space<hbm>> -> memref<256x120xf32, #tpu.memory_space<hbm>>
        tpu.enqueue_dma source(%arg24 : memref<256x120xf32, #tpu.memory_space<vmem>>) target(%dma_start3A_2411 : memref<256x120xf32, #tpu.memory_space<hbm>>) target_semaphore(%arg27 : memref<!tpu.dma_semaphore, #tpu.memory_space<semaphore_mem>>)
      } else {
      }
      %add3A_1211 = arith.constant 1 : i32
      %add3A_1212 = arith.addi %scan3A_39, %add3A_1211 : i32
      %mul3A_1213 = arith.constant 256 : i32
      %mul3A_1214 = arith.muli %add3A_1212, %mul3A_1213 : i32
      %add3A_1215 = arith.addi %mul3A_2, %mul3A_1214 : i32
      %multiple_of3A_1216 = tpu.assume_multiple %add3A_1215, 256 : i32
      %dma_wait3A_1217 = tpu.memref_slice %arg2[%multiple_of3A_1216] : memref<524288xf32, #tpu.memory_space<hbm>> -> memref<256xf32, #tpu.memory_space<hbm>>
      %dma_wait3A_1218 = tpu.memref_slice %arg2[%multiple_of3A_1216] : memref<524288xf32, #tpu.memory_space<hbm>> -> memref<256xf32, #tpu.memory_space<hbm>>
      tpu.wait_dma2 semaphore(%arg25 : memref<!tpu.dma_semaphore, #tpu.memory_space<semaphore_mem>>) src(%dma_wait3A_1218 : memref<256xf32, #tpu.memory_space<hbm>>) dst(%arg18 : memref<256xf32, #tpu.memory_space<vmem>>)
      %dma_wait3A_1219 = tpu.memref_slice %arg2[%multiple_of3A_1216] : memref<524288xf32, #tpu.memory_space<hbm>> -> memref<256xf32, #tpu.memory_space<hbm>>
      %dma_wait3A_1220 = tpu.memref_slice %arg2[%multiple_of3A_1216] : memref<524288xf32, #tpu.memory_space<hbm>> -> memref<256xf32, #tpu.memory_space<hbm>>
      tpu.wait_dma2 semaphore(%arg25 : memref<!tpu.dma_semaphore, #tpu.memory_space<semaphore_mem>>) src(%dma_wait3A_1220 : memref<256xf32, #tpu.memory_space<hbm>>) dst(%arg19 : memref<256xf32, #tpu.memory_space<vmem>>)
      %dma_wait3A_1221 = tpu.memref_slice %arg2[%multiple_of3A_1216] : memref<524288xf32, #tpu.memory_space<hbm>> -> memref<256xf32, #tpu.memory_space<hbm>>
      %dma_wait3A_1222 = tpu.memref_slice %arg2[%multiple_of3A_1216] : memref<524288xf32, #tpu.memory_space<hbm>> -> memref<256xf32, #tpu.memory_space<hbm>>
      tpu.wait_dma2 semaphore(%arg25 : memref<!tpu.dma_semaphore, #tpu.memory_space<semaphore_mem>>) src(%dma_wait3A_1222 : memref<256xf32, #tpu.memory_space<hbm>>) dst(%arg20 : memref<256xf32, #tpu.memory_space<vmem>>)
      %get3A_1223 = arith.constant 0 : index
      %get3A_1224 = tpu.vector_load %arg18[%get3A_1223] {strides = array<i32>} : memref<256xf32, #tpu.memory_space<vmem>>, vector<16xf32>,
      %get3A_1225 = vector.shape_cast %get3A_1224 : vector<16xf32> to vector<16xf32>
      %div3A_1226 = arith.constant 1.000000e-01 : f32
      %div3A_1227 = vector.broadcast %div3A_1226 : f32 to vector<16xf32>
      %div3A_1228 = arith.divf %get3A_1225, %div3A_1227 : vector<16xf32>
      %convert_element_type3A_1229 = arith.fptosi %div3A_1228 : vector<16xf32> to vector<16xi32>
      %convert_element_type3A_1230 = arith.sitofp %convert_element_type3A_1229 : vector<16xi32> to vector<16xf32>
      %gt3A_1231 = arith.cmpf ogt, %convert_element_type3A_1230, %div3A_1228 : vector<16xf32>
      %sub3A_1232 = arith.constant 1 : i32
      %sub3A_1233 = vector.broadcast %sub3A_1232 : i32 to vector<16xi32>
      %sub3A_1234 = arith.subi %convert_element_type3A_1229, %sub3A_1233 : vector<16xi32>
      %select_n3A_1235 = arith.select %gt3A_1231, %sub3A_1234, %convert_element_type3A_1229 : vector<16xi1>, vector<16xi32>
      %get3A_1236 = arith.constant 0 : index
      %get3A_1237 = tpu.vector_load %arg19[%get3A_1236] {strides = array<i32>} : memref<256xf32, #tpu.memory_space<vmem>>, vector<16xf32>,
      %get3A_1238 = vector.shape_cast %get3A_1237 : vector<16xf32> to vector<16xf32>
      %div3A_1239 = arith.constant 1.000000e-01 : f32
      %div3A_1240 = vector.broadcast %div3A_1239 : f32 to vector<16xf32>
      %div3A_1241 = arith.divf %get3A_1238, %div3A_1240 : vector<16xf32>
      %convert_element_type3A_1242 = arith.fptosi %div3A_1241 : vector<16xf32> to vector<16xi32>
      %convert_element_type3A_1243 = arith.sitofp %convert_element_type3A_1242 : vector<16xi32> to vector<16xf32>
      %gt3A_1244 = arith.cmpf ogt, %convert_element_type3A_1243, %div3A_1241 : vector<16xf32>
      %sub3A_1245 = arith.constant 1 : i32
      %sub3A_1246 = vector.broadcast %sub3A_1245 : i32 to vector<16xi32>
      %sub3A_1247 = arith.subi %convert_element_type3A_1242, %sub3A_1246 : vector<16xi32>
      %select_n3A_1248 = arith.select %gt3A_1244, %sub3A_1247, %convert_element_type3A_1242 : vector<16xi1>, vector<16xi32>
      %get3A_1249 = arith.constant 0 : index
      %get3A_1250 = tpu.vector_load %arg20[%get3A_1249] {strides = array<i32>} : memref<256xf32, #tpu.memory_space<vmem>>, vector<16xf32>,
      %get3A_1251 = vector.shape_cast %get3A_1250 : vector<16xf32> to vector<16xf32>
      %div3A_1252 = arith.constant 1.000000e-01 : f32
      %div3A_1253 = vector.broadcast %div3A_1252 : f32 to vector<16xf32>
      %div3A_1254 = arith.divf %get3A_1251, %div3A_1253 : vector<16xf32>
      %convert_element_type3A_1255 = arith.fptosi %div3A_1254 : vector<16xf32> to vector<16xi32>
      %convert_element_type3A_1256 = arith.sitofp %convert_element_type3A_1255 : vector<16xi32> to vector<16xf32>
      %gt3A_1257 = arith.cmpf ogt, %convert_element_type3A_1256, %div3A_1254 : vector<16xf32>
      %sub3A_1258 = arith.constant 1 : i32
      %sub3A_1259 = vector.broadcast %sub3A_1258 : i32 to vector<16xi32>
      %sub3A_1260 = arith.subi %convert_element_type3A_1255, %sub3A_1259 : vector<16xi32>
      %select_n3A_1261 = arith.select %gt3A_1257, %sub3A_1260, %convert_element_type3A_1255 : vector<16xi1>, vector<16xi32>
      %mul3A_1262 = arith.constant 73856093 : i32
      %mul3A_1263 = vector.broadcast %mul3A_1262 : i32 to vector<16xi32>
      %mul3A_1264 = arith.muli %select_n3A_1235, %mul3A_1263 : vector<16xi32>
      %mul3A_1265 = arith.constant 19349669 : i32
      %mul3A_1266 = vector.broadcast %mul3A_1265 : i32 to vector<16xi32>
      %mul3A_1267 = arith.muli %select_n3A_1248, %mul3A_1266 : vector<16xi32>
      %add3A_1268 = arith.addi %mul3A_1264, %mul3A_1267 : vector<16xi32>
      %mul3A_1269 = arith.constant 83492791 : i32
      %mul3A_1270 = vector.broadcast %mul3A_1269 : i32 to vector<16xi32>
      %mul3A_1271 = arith.muli %select_n3A_1261, %mul3A_1270 : vector<16xi32>
      %add3A_1272 = arith.addi %add3A_1268, %mul3A_1271 : vector<16xi32>
      %and3A_1273 = arith.constant 1048575 : i32
      %and3A_1274 = vector.broadcast %and3A_1273 : i32 to vector<16xi32>
      %and3A_1275 = arith.andi %add3A_1272, %and3A_1274 : vector<16xi32>
      %swap3A_1276 = arith.constant 0 : index
      %swap3A_1277 = tpu.vector_load %arg21[%swap3A_1276] {strides = array<i32>} : memref<256xi32, #tpu.memory_space<vmem>>, vector<16xi32>,
      %swap3A_1278 = vector.shape_cast %swap3A_1277 : vector<16xi32> to vector<16xi32>
      %swap3A_1279 = vector.shape_cast %and3A_1275 : vector<16xi32> to vector<16xi32>
      tpu.vector_store %arg21[%swap3A_1276], %swap3A_1279 {strides = array<i32>} : memref<256xi32, #tpu.memory_space<vmem>>, vector<16xi32>,
      %get3A_1280 = arith.constant 16 : index
      %get3A_1281 = tpu.vector_load %arg18[%get3A_1280] {strides = array<i32>} : memref<256xf32, #tpu.memory_space<vmem>>, vector<16xf32>,
      %get3A_1282 = vector.shape_cast %get3A_1281 : vector<16xf32> to vector<16xf32>
      %div3A_1283 = arith.constant 1.000000e-01 : f32
      %div3A_1284 = vector.broadcast %div3A_1283 : f32 to vector<16xf32>
      %div3A_1285 = arith.divf %get3A_1282, %div3A_1284 : vector<16xf32>
      %convert_element_type3A_1286 = arith.fptosi %div3A_1285 : vector<16xf32> to vector<16xi32>
      %convert_element_type3A_1287 = arith.sitofp %convert_element_type3A_1286 : vector<16xi32> to vector<16xf32>
      %gt3A_1288 = arith.cmpf ogt, %convert_element_type3A_1287, %div3A_1285 : vector<16xf32>
      %sub3A_1289 = arith.constant 1 : i32
      %sub3A_1290 = vector.broadcast %sub3A_1289 : i32 to vector<16xi32>
      %sub3A_1291 = arith.subi %convert_element_type3A_1286, %sub3A_1290 : vector<16xi32>
      %select_n3A_1292 = arith.select %gt3A_1288, %sub3A_1291, %convert_element_type3A_1286 : vector<16xi1>, vector<16xi32>
      %get3A_1293 = arith.constant 16 : index
      %get3A_1294 = tpu.vector_load %arg19[%get3A_1293] {strides = array<i32>} : memref<256xf32, #tpu.memory_space<vmem>>, vector<16xf32>,
      %get3A_1295 = vector.shape_cast %get3A_1294 : vector<16xf32> to vector<16xf32>
      %div3A_1296 = arith.constant 1.000000e-01 : f32
      %div3A_1297 = vector.broadcast %div3A_1296 : f32 to vector<16xf32>
      %div3A_1298 = arith.divf %get3A_1295, %div3A_1297 : vector<16xf32>
      %convert_element_type3A_1299 = arith.fptosi %div3A_1298 : vector<16xf32> to vector<16xi32>
      %convert_element_type3A_1300 = arith.sitofp %convert_element_type3A_1299 : vector<16xi32> to vector<16xf32>
      %gt3A_1301 = arith.cmpf ogt, %convert_element_type3A_1300, %div3A_1298 : vector<16xf32>
      %sub3A_1302 = arith.constant 1 : i32
      %sub3A_1303 = vector.broadcast %sub3A_1302 : i32 to vector<16xi32>
      %sub3A_1304 = arith.subi %convert_element_type3A_1299, %sub3A_1303 : vector<16xi32>
      %select_n3A_1305 = arith.select %gt3A_1301, %sub3A_1304, %convert_element_type3A_1299 : vector<16xi1>, vector<16xi32>
      %get3A_1306 = arith.constant 16 : index
      %get3A_1307 = tpu.vector_load %arg20[%get3A_1306] {strides = array<i32>} : memref<256xf32, #tpu.memory_space<vmem>>, vector<16xf32>,
      %get3A_1308 = vector.shape_cast %get3A_1307 : vector<16xf32> to vector<16xf32>
      %div3A_1309 = arith.constant 1.000000e-01 : f32
      %div3A_1310 = vector.broadcast %div3A_1309 : f32 to vector<16xf32>
      %div3A_1311 = arith.divf %get3A_1308, %div3A_1310 : vector<16xf32>
      %convert_element_type3A_1312 = arith.fptosi %div3A_1311 : vector<16xf32> to vector<16xi32>
      %convert_element_type3A_1313 = arith.sitofp %convert_element_type3A_1312 : vector<16xi32> to vector<16xf32>
      %gt3A_1314 = arith.cmpf ogt, %convert_element_type3A_1313, %div3A_1311 : vector<16xf32>
      %sub3A_1315 = arith.constant 1 : i32
      %sub3A_1316 = vector.broadcast %sub3A_1315 : i32 to vector<16xi32>
      %sub3A_1317 = arith.subi %convert_element_type3A_1312, %sub3A_1316 : vector<16xi32>
      %select_n3A_1318 = arith.select %gt3A_1314, %sub3A_1317, %convert_element_type3A_1312 : vector<16xi1>, vector<16xi32>
      %mul3A_1319 = arith.constant 73856093 : i32
      %mul3A_1320 = vector.broadcast %mul3A_1319 : i32 to vector<16xi32>
      %mul3A_1321 = arith.muli %select_n3A_1292, %mul3A_1320 : vector<16xi32>
      %mul3A_1322 = arith.constant 19349669 : i32
      %mul3A_1323 = vector.broadcast %mul3A_1322 : i32 to vector<16xi32>
      %mul3A_1324 = arith.muli %select_n3A_1305, %mul3A_1323 : vector<16xi32>
      %add3A_1325 = arith.addi %mul3A_1321, %mul3A_1324 : vector<16xi32>
      %mul3A_1326 = arith.constant 83492791 : i32
      %mul3A_1327 = vector.broadcast %mul3A_1326 : i32 to vector<16xi32>
      %mul3A_1328 = arith.muli %select_n3A_1318, %mul3A_1327 : vector<16xi32>
      %add3A_1329 = arith.addi %add3A_1325, %mul3A_1328 : vector<16xi32>
      %and3A_1330 = arith.constant 1048575 : i32
      %and3A_1331 = vector.broadcast %and3A_1330 : i32 to vector<16xi32>
      %and3A_1332 = arith.andi %add3A_1329, %and3A_1331 : vector<16xi32>
      %swap3A_1333 = arith.constant 16 : index
      %swap3A_1334 = tpu.vector_load %arg21[%swap3A_1333] {strides = array<i32>} : memref<256xi32, #tpu.memory_space<vmem>>, vector<16xi32>,
      %swap3A_1335 = vector.shape_cast %swap3A_1334 : vector<16xi32> to vector<16xi32>
      %swap3A_1336 = vector.shape_cast %and3A_1332 : vector<16xi32> to vector<16xi32>
      tpu.vector_store %arg21[%swap3A_1333], %swap3A_1336 {strides = array<i32>} : memref<256xi32, #tpu.memory_space<vmem>>, vector<16xi32>,
      %get3A_1337 = arith.constant 32 : index
      %get3A_1338 = tpu.vector_load %arg18[%get3A_1337] {strides = array<i32>} : memref<256xf32, #tpu.memory_space<vmem>>, vector<16xf32>,
      %get3A_1339 = vector.shape_cast %get3A_1338 : vector<16xf32> to vector<16xf32>
      %div3A_1340 = arith.constant 1.000000e-01 : f32
      %div3A_1341 = vector.broadcast %div3A_1340 : f32 to vector<16xf32>
      %div3A_1342 = arith.divf %get3A_1339, %div3A_1341 : vector<16xf32>
      %convert_element_type3A_1343 = arith.fptosi %div3A_1342 : vector<16xf32> to vector<16xi32>
      %convert_element_type3A_1344 = arith.sitofp %convert_element_type3A_1343 : vector<16xi32> to vector<16xf32>
      %gt3A_1345 = arith.cmpf ogt, %convert_element_type3A_1344, %div3A_1342 : vector<16xf32>
      %sub3A_1346 = arith.constant 1 : i32
      %sub3A_1347 = vector.broadcast %sub3A_1346 : i32 to vector<16xi32>
      %sub3A_1348 = arith.subi %convert_element_type3A_1343, %sub3A_1347 : vector<16xi32>
      %select_n3A_1349 = arith.select %gt3A_1345, %sub3A_1348, %convert_element_type3A_1343 : vector<16xi1>, vector<16xi32>
      %get3A_1350 = arith.constant 32 : index
      %get3A_1351 = tpu.vector_load %arg19[%get3A_1350] {strides = array<i32>} : memref<256xf32, #tpu.memory_space<vmem>>, vector<16xf32>,
      %get3A_1352 = vector.shape_cast %get3A_1351 : vector<16xf32> to vector<16xf32>
      %div3A_1353 = arith.constant 1.000000e-01 : f32
      %div3A_1354 = vector.broadcast %div3A_1353 : f32 to vector<16xf32>
      %div3A_1355 = arith.divf %get3A_1352, %div3A_1354 : vector<16xf32>
      %convert_element_type3A_1356 = arith.fptosi %div3A_1355 : vector<16xf32> to vector<16xi32>
      %convert_element_type3A_1357 = arith.sitofp %convert_element_type3A_1356 : vector<16xi32> to vector<16xf32>
      %gt3A_1358 = arith.cmpf ogt, %convert_element_type3A_1357, %div3A_1355 : vector<16xf32>
      %sub3A_1359 = arith.constant 1 : i32
      %sub3A_1360 = vector.broadcast %sub3A_1359 : i32 to vector<16xi32>
      %sub3A_1361 = arith.subi %convert_element_type3A_1356, %sub3A_1360 : vector<16xi32>
      %select_n3A_1362 = arith.select %gt3A_1358, %sub3A_1361, %convert_element_type3A_1356 : vector<16xi1>, vector<16xi32>
      %get3A_1363 = arith.constant 32 : index
      %get3A_1364 = tpu.vector_load %arg20[%get3A_1363] {strides = array<i32>} : memref<256xf32, #tpu.memory_space<vmem>>, vector<16xf32>,
      %get3A_1365 = vector.shape_cast %get3A_1364 : vector<16xf32> to vector<16xf32>
      %div3A_1366 = arith.constant 1.000000e-01 : f32
      %div3A_1367 = vector.broadcast %div3A_1366 : f32 to vector<16xf32>
      %div3A_1368 = arith.divf %get3A_1365, %div3A_1367 : vector<16xf32>
      %convert_element_type3A_1369 = arith.fptosi %div3A_1368 : vector<16xf32> to vector<16xi32>
      %convert_element_type3A_1370 = arith.sitofp %convert_element_type3A_1369 : vector<16xi32> to vector<16xf32>
      %gt3A_1371 = arith.cmpf ogt, %convert_element_type3A_1370, %div3A_1368 : vector<16xf32>
      %sub3A_1372 = arith.constant 1 : i32
      %sub3A_1373 = vector.broadcast %sub3A_1372 : i32 to vector<16xi32>
      %sub3A_1374 = arith.subi %convert_element_type3A_1369, %sub3A_1373 : vector<16xi32>
      %select_n3A_1375 = arith.select %gt3A_1371, %sub3A_1374, %convert_element_type3A_1369 : vector<16xi1>, vector<16xi32>
      %mul3A_1376 = arith.constant 73856093 : i32
      %mul3A_1377 = vector.broadcast %mul3A_1376 : i32 to vector<16xi32>
      %mul3A_1378 = arith.muli %select_n3A_1349, %mul3A_1377 : vector<16xi32>
      %mul3A_1379 = arith.constant 19349669 : i32
      %mul3A_1380 = vector.broadcast %mul3A_1379 : i32 to vector<16xi32>
      %mul3A_1381 = arith.muli %select_n3A_1362, %mul3A_1380 : vector<16xi32>
      %add3A_1382 = arith.addi %mul3A_1378, %mul3A_1381 : vector<16xi32>
      %mul3A_1383 = arith.constant 83492791 : i32
      %mul3A_1384 = vector.broadcast %mul3A_1383 : i32 to vector<16xi32>
      %mul3A_1385 = arith.muli %select_n3A_1375, %mul3A_1384 : vector<16xi32>
      %add3A_1386 = arith.addi %add3A_1382, %mul3A_1385 : vector<16xi32>
      %and3A_1387 = arith.constant 1048575 : i32
      %and3A_1388 = vector.broadcast %and3A_1387 : i32 to vector<16xi32>
      %and3A_1389 = arith.andi %add3A_1386, %and3A_1388 : vector<16xi32>
      %swap3A_1390 = arith.constant 32 : index
      %swap3A_1391 = tpu.vector_load %arg21[%swap3A_1390] {strides = array<i32>} : memref<256xi32, #tpu.memory_space<vmem>>, vector<16xi32>,
      %swap3A_1392 = vector.shape_cast %swap3A_1391 : vector<16xi32> to vector<16xi32>
      %swap3A_1393 = vector.shape_cast %and3A_1389 : vector<16xi32> to vector<16xi32>
      tpu.vector_store %arg21[%swap3A_1390], %swap3A_1393 {strides = array<i32>} : memref<256xi32, #tpu.memory_space<vmem>>, vector<16xi32>,
      %get3A_1394 = arith.constant 48 : index
      %get3A_1395 = tpu.vector_load %arg18[%get3A_1394] {strides = array<i32>} : memref<256xf32, #tpu.memory_space<vmem>>, vector<16xf32>,
      %get3A_1396 = vector.shape_cast %get3A_1395 : vector<16xf32> to vector<16xf32>
      %div3A_1397 = arith.constant 1.000000e-01 : f32
      %div3A_1398 = vector.broadcast %div3A_1397 : f32 to vector<16xf32>
      %div3A_1399 = arith.divf %get3A_1396, %div3A_1398 : vector<16xf32>
      %convert_element_type3A_1400 = arith.fptosi %div3A_1399 : vector<16xf32> to vector<16xi32>
      %convert_element_type3A_1401 = arith.sitofp %convert_element_type3A_1400 : vector<16xi32> to vector<16xf32>
      %gt3A_1402 = arith.cmpf ogt, %convert_element_type3A_1401, %div3A_1399 : vector<16xf32>
      %sub3A_1403 = arith.constant 1 : i32
      %sub3A_1404 = vector.broadcast %sub3A_1403 : i32 to vector<16xi32>
      %sub3A_1405 = arith.subi %convert_element_type3A_1400, %sub3A_1404 : vector<16xi32>
      %select_n3A_1406 = arith.select %gt3A_1402, %sub3A_1405, %convert_element_type3A_1400 : vector<16xi1>, vector<16xi32>
      %get3A_1407 = arith.constant 48 : index
      %get3A_1408 = tpu.vector_load %arg19[%get3A_1407] {strides = array<i32>} : memref<256xf32, #tpu.memory_space<vmem>>, vector<16xf32>,
      %get3A_1409 = vector.shape_cast %get3A_1408 : vector<16xf32> to vector<16xf32>
      %div3A_1410 = arith.constant 1.000000e-01 : f32
      %div3A_1411 = vector.broadcast %div3A_1410 : f32 to vector<16xf32>
      %div3A_1412 = arith.divf %get3A_1409, %div3A_1411 : vector<16xf32>
      %convert_element_type3A_1413 = arith.fptosi %div3A_1412 : vector<16xf32> to vector<16xi32>
      %convert_element_type3A_1414 = arith.sitofp %convert_element_type3A_1413 : vector<16xi32> to vector<16xf32>
      %gt3A_1415 = arith.cmpf ogt, %convert_element_type3A_1414, %div3A_1412 : vector<16xf32>
      %sub3A_1416 = arith.constant 1 : i32
      %sub3A_1417 = vector.broadcast %sub3A_1416 : i32 to vector<16xi32>
      %sub3A_1418 = arith.subi %convert_element_type3A_1413, %sub3A_1417 : vector<16xi32>
      %select_n3A_1419 = arith.select %gt3A_1415, %sub3A_1418, %convert_element_type3A_1413 : vector<16xi1>, vector<16xi32>
      %get3A_1420 = arith.constant 48 : index
      %get3A_1421 = tpu.vector_load %arg20[%get3A_1420] {strides = array<i32>} : memref<256xf32, #tpu.memory_space<vmem>>, vector<16xf32>,
      %get3A_1422 = vector.shape_cast %get3A_1421 : vector<16xf32> to vector<16xf32>
      %div3A_1423 = arith.constant 1.000000e-01 : f32
      %div3A_1424 = vector.broadcast %div3A_1423 : f32 to vector<16xf32>
      %div3A_1425 = arith.divf %get3A_1422, %div3A_1424 : vector<16xf32>
      %convert_element_type3A_1426 = arith.fptosi %div3A_1425 : vector<16xf32> to vector<16xi32>
      %convert_element_type3A_1427 = arith.sitofp %convert_element_type3A_1426 : vector<16xi32> to vector<16xf32>
      %gt3A_1428 = arith.cmpf ogt, %convert_element_type3A_1427, %div3A_1425 : vector<16xf32>
      %sub3A_1429 = arith.constant 1 : i32
      %sub3A_1430 = vector.broadcast %sub3A_1429 : i32 to vector<16xi32>
      %sub3A_1431 = arith.subi %convert_element_type3A_1426, %sub3A_1430 : vector<16xi32>
      %select_n3A_1432 = arith.select %gt3A_1428, %sub3A_1431, %convert_element_type3A_1426 : vector<16xi1>, vector<16xi32>
      %mul3A_1433 = arith.constant 73856093 : i32
      %mul3A_1434 = vector.broadcast %mul3A_1433 : i32 to vector<16xi32>
      %mul3A_1435 = arith.muli %select_n3A_1406, %mul3A_1434 : vector<16xi32>
      %mul3A_1436 = arith.constant 19349669 : i32
      %mul3A_1437 = vector.broadcast %mul3A_1436 : i32 to vector<16xi32>
      %mul3A_1438 = arith.muli %select_n3A_1419, %mul3A_1437 : vector<16xi32>
      %add3A_1439 = arith.addi %mul3A_1435, %mul3A_1438 : vector<16xi32>
      %mul3A_1440 = arith.constant 83492791 : i32
      %mul3A_1441 = vector.broadcast %mul3A_1440 : i32 to vector<16xi32>
      %mul3A_1442 = arith.muli %select_n3A_1432, %mul3A_1441 : vector<16xi32>
      %add3A_1443 = arith.addi %add3A_1439, %mul3A_1442 : vector<16xi32>
      %and3A_1444 = arith.constant 1048575 : i32
      %and3A_1445 = vector.broadcast %and3A_1444 : i32 to vector<16xi32>
      %and3A_1446 = arith.andi %add3A_1443, %and3A_1445 : vector<16xi32>
      %swap3A_1447 = arith.constant 48 : index
      %swap3A_1448 = tpu.vector_load %arg21[%swap3A_1447] {strides = array<i32>} : memref<256xi32, #tpu.memory_space<vmem>>, vector<16xi32>,
      %swap3A_1449 = vector.shape_cast %swap3A_1448 : vector<16xi32> to vector<16xi32>
      %swap3A_1450 = vector.shape_cast %and3A_1446 : vector<16xi32> to vector<16xi32>
      tpu.vector_store %arg21[%swap3A_1447], %swap3A_1450 {strides = array<i32>} : memref<256xi32, #tpu.memory_space<vmem>>, vector<16xi32>,
      %get3A_1451 = arith.constant 64 : index
      %get3A_1452 = tpu.vector_load %arg18[%get3A_1451] {strides = array<i32>} : memref<256xf32, #tpu.memory_space<vmem>>, vector<16xf32>,
      %get3A_1453 = vector.shape_cast %get3A_1452 : vector<16xf32> to vector<16xf32>
      %div3A_1454 = arith.constant 1.000000e-01 : f32
      %div3A_1455 = vector.broadcast %div3A_1454 : f32 to vector<16xf32>
      %div3A_1456 = arith.divf %get3A_1453, %div3A_1455 : vector<16xf32>
      %convert_element_type3A_1457 = arith.fptosi %div3A_1456 : vector<16xf32> to vector<16xi32>
      %convert_element_type3A_1458 = arith.sitofp %convert_element_type3A_1457 : vector<16xi32> to vector<16xf32>
      %gt3A_1459 = arith.cmpf ogt, %convert_element_type3A_1458, %div3A_1456 : vector<16xf32>
      %sub3A_1460 = arith.constant 1 : i32
      %sub3A_1461 = vector.broadcast %sub3A_1460 : i32 to vector<16xi32>
      %sub3A_1462 = arith.subi %convert_element_type3A_1457, %sub3A_1461 : vector<16xi32>
      %select_n3A_1463 = arith.select %gt3A_1459, %sub3A_1462, %convert_element_type3A_1457 : vector<16xi1>, vector<16xi32>
      %get3A_1464 = arith.constant 64 : index
      %get3A_1465 = tpu.vector_load %arg19[%get3A_1464] {strides = array<i32>} : memref<256xf32, #tpu.memory_space<vmem>>, vector<16xf32>,
      %get3A_1466 = vector.shape_cast %get3A_1465 : vector<16xf32> to vector<16xf32>
      %div3A_1467 = arith.constant 1.000000e-01 : f32
      %div3A_1468 = vector.broadcast %div3A_1467 : f32 to vector<16xf32>
      %div3A_1469 = arith.divf %get3A_1466, %div3A_1468 : vector<16xf32>
      %convert_element_type3A_1470 = arith.fptosi %div3A_1469 : vector<16xf32> to vector<16xi32>
      %convert_element_type3A_1471 = arith.sitofp %convert_element_type3A_1470 : vector<16xi32> to vector<16xf32>
      %gt3A_1472 = arith.cmpf ogt, %convert_element_type3A_1471, %div3A_1469 : vector<16xf32>
      %sub3A_1473 = arith.constant 1 : i32
      %sub3A_1474 = vector.broadcast %sub3A_1473 : i32 to vector<16xi32>
      %sub3A_1475 = arith.subi %convert_element_type3A_1470, %sub3A_1474 : vector<16xi32>
      %select_n3A_1476 = arith.select %gt3A_1472, %sub3A_1475, %convert_element_type3A_1470 : vector<16xi1>, vector<16xi32>
      %get3A_1477 = arith.constant 64 : index
      %get3A_1478 = tpu.vector_load %arg20[%get3A_1477] {strides = array<i32>} : memref<256xf32, #tpu.memory_space<vmem>>, vector<16xf32>,
      %get3A_1479 = vector.shape_cast %get3A_1478 : vector<16xf32> to vector<16xf32>
      %div3A_1480 = arith.constant 1.000000e-01 : f32
      %div3A_1481 = vector.broadcast %div3A_1480 : f32 to vector<16xf32>
      %div3A_1482 = arith.divf %get3A_1479, %div3A_1481 : vector<16xf32>
      %convert_element_type3A_1483 = arith.fptosi %div3A_1482 : vector<16xf32> to vector<16xi32>
      %convert_element_type3A_1484 = arith.sitofp %convert_element_type3A_1483 : vector<16xi32> to vector<16xf32>
      %gt3A_1485 = arith.cmpf ogt, %convert_element_type3A_1484, %div3A_1482 : vector<16xf32>
      %sub3A_1486 = arith.constant 1 : i32
      %sub3A_1487 = vector.broadcast %sub3A_1486 : i32 to vector<16xi32>
      %sub3A_1488 = arith.subi %convert_element_type3A_1483, %sub3A_1487 : vector<16xi32>
      %select_n3A_1489 = arith.select %gt3A_1485, %sub3A_1488, %convert_element_type3A_1483 : vector<16xi1>, vector<16xi32>
      %mul3A_1490 = arith.constant 73856093 : i32
      %mul3A_1491 = vector.broadcast %mul3A_1490 : i32 to vector<16xi32>
      %mul3A_1492 = arith.muli %select_n3A_1463, %mul3A_1491 : vector<16xi32>
      %mul3A_1493 = arith.constant 19349669 : i32
      %mul3A_1494 = vector.broadcast %mul3A_1493 : i32 to vector<16xi32>
      %mul3A_1495 = arith.muli %select_n3A_1476, %mul3A_1494 : vector<16xi32>
      %add3A_1496 = arith.addi %mul3A_1492, %mul3A_1495 : vector<16xi32>
      %mul3A_1497 = arith.constant 83492791 : i32
      %mul3A_1498 = vector.broadcast %mul3A_1497 : i32 to vector<16xi32>
      %mul3A_1499 = arith.muli %select_n3A_1489, %mul3A_1498 : vector<16xi32>
      %add3A_1500 = arith.addi %add3A_1496, %mul3A_1499 : vector<16xi32>
      %and3A_1501 = arith.constant 1048575 : i32
      %and3A_1502 = vector.broadcast %and3A_1501 : i32 to vector<16xi32>
      %and3A_1503 = arith.andi %add3A_1500, %and3A_1502 : vector<16xi32>
      %swap3A_1504 = arith.constant 64 : index
      %swap3A_1505 = tpu.vector_load %arg21[%swap3A_1504] {strides = array<i32>} : memref<256xi32, #tpu.memory_space<vmem>>, vector<16xi32>,
      %swap3A_1506 = vector.shape_cast %swap3A_1505 : vector<16xi32> to vector<16xi32>
      %swap3A_1507 = vector.shape_cast %and3A_1503 : vector<16xi32> to vector<16xi32>
      tpu.vector_store %arg21[%swap3A_1504], %swap3A_1507 {strides = array<i32>} : memref<256xi32, #tpu.memory_space<vmem>>, vector<16xi32>,
      %get3A_1508 = arith.constant 80 : index
      %get3A_1509 = tpu.vector_load %arg18[%get3A_1508] {strides = array<i32>} : memref<256xf32, #tpu.memory_space<vmem>>, vector<16xf32>,
      %get3A_1510 = vector.shape_cast %get3A_1509 : vector<16xf32> to vector<16xf32>
      %div3A_1511 = arith.constant 1.000000e-01 : f32
      %div3A_1512 = vector.broadcast %div3A_1511 : f32 to vector<16xf32>
      %div3A_1513 = arith.divf %get3A_1510, %div3A_1512 : vector<16xf32>
      %convert_element_type3A_1514 = arith.fptosi %div3A_1513 : vector<16xf32> to vector<16xi32>
      %convert_element_type3A_1515 = arith.sitofp %convert_element_type3A_1514 : vector<16xi32> to vector<16xf32>
      %gt3A_1516 = arith.cmpf ogt, %convert_element_type3A_1515, %div3A_1513 : vector<16xf32>
      %sub3A_1517 = arith.constant 1 : i32
      %sub3A_1518 = vector.broadcast %sub3A_1517 : i32 to vector<16xi32>
      %sub3A_1519 = arith.subi %convert_element_type3A_1514, %sub3A_1518 : vector<16xi32>
      %select_n3A_1520 = arith.select %gt3A_1516, %sub3A_1519, %convert_element_type3A_1514 : vector<16xi1>, vector<16xi32>
      %get3A_1521 = arith.constant 80 : index
      %get3A_1522 = tpu.vector_load %arg19[%get3A_1521] {strides = array<i32>} : memref<256xf32, #tpu.memory_space<vmem>>, vector<16xf32>,
      %get3A_1523 = vector.shape_cast %get3A_1522 : vector<16xf32> to vector<16xf32>
      %div3A_1524 = arith.constant 1.000000e-01 : f32
      %div3A_1525 = vector.broadcast %div3A_1524 : f32 to vector<16xf32>
      %div3A_1526 = arith.divf %get3A_1523, %div3A_1525 : vector<16xf32>
      %convert_element_type3A_1527 = arith.fptosi %div3A_1526 : vector<16xf32> to vector<16xi32>
      %convert_element_type3A_1528 = arith.sitofp %convert_element_type3A_1527 : vector<16xi32> to vector<16xf32>
      %gt3A_1529 = arith.cmpf ogt, %convert_element_type3A_1528, %div3A_1526 : vector<16xf32>
      %sub3A_1530 = arith.constant 1 : i32
      %sub3A_1531 = vector.broadcast %sub3A_1530 : i32 to vector<16xi32>
      %sub3A_1532 = arith.subi %convert_element_type3A_1527, %sub3A_1531 : vector<16xi32>
      %select_n3A_1533 = arith.select %gt3A_1529, %sub3A_1532, %convert_element_type3A_1527 : vector<16xi1>, vector<16xi32>
      %get3A_1534 = arith.constant 80 : index
      %get3A_1535 = tpu.vector_load %arg20[%get3A_1534] {strides = array<i32>} : memref<256xf32, #tpu.memory_space<vmem>>, vector<16xf32>,
      %get3A_1536 = vector.shape_cast %get3A_1535 : vector<16xf32> to vector<16xf32>
      %div3A_1537 = arith.constant 1.000000e-01 : f32
      %div3A_1538 = vector.broadcast %div3A_1537 : f32 to vector<16xf32>
      %div3A_1539 = arith.divf %get3A_1536, %div3A_1538 : vector<16xf32>
      %convert_element_type3A_1540 = arith.fptosi %div3A_1539 : vector<16xf32> to vector<16xi32>
      %convert_element_type3A_1541 = arith.sitofp %convert_element_type3A_1540 : vector<16xi32> to vector<16xf32>
      %gt3A_1542 = arith.cmpf ogt, %convert_element_type3A_1541, %div3A_1539 : vector<16xf32>
      %sub3A_1543 = arith.constant 1 : i32
      %sub3A_1544 = vector.broadcast %sub3A_1543 : i32 to vector<16xi32>
      %sub3A_1545 = arith.subi %convert_element_type3A_1540, %sub3A_1544 : vector<16xi32>
      %select_n3A_1546 = arith.select %gt3A_1542, %sub3A_1545, %convert_element_type3A_1540 : vector<16xi1>, vector<16xi32>
      %mul3A_1547 = arith.constant 73856093 : i32
      %mul3A_1548 = vector.broadcast %mul3A_1547 : i32 to vector<16xi32>
      %mul3A_1549 = arith.muli %select_n3A_1520, %mul3A_1548 : vector<16xi32>
      %mul3A_1550 = arith.constant 19349669 : i32
      %mul3A_1551 = vector.broadcast %mul3A_1550 : i32 to vector<16xi32>
      %mul3A_1552 = arith.muli %select_n3A_1533, %mul3A_1551 : vector<16xi32>
      %add3A_1553 = arith.addi %mul3A_1549, %mul3A_1552 : vector<16xi32>
      %mul3A_1554 = arith.constant 83492791 : i32
      %mul3A_1555 = vector.broadcast %mul3A_1554 : i32 to vector<16xi32>
      %mul3A_1556 = arith.muli %select_n3A_1546, %mul3A_1555 : vector<16xi32>
      %add3A_1557 = arith.addi %add3A_1553, %mul3A_1556 : vector<16xi32>
      %and3A_1558 = arith.constant 1048575 : i32
      %and3A_1559 = vector.broadcast %and3A_1558 : i32 to vector<16xi32>
      %and3A_1560 = arith.andi %add3A_1557, %and3A_1559 : vector<16xi32>
      %swap3A_1561 = arith.constant 80 : index
      %swap3A_1562 = tpu.vector_load %arg21[%swap3A_1561] {strides = array<i32>} : memref<256xi32, #tpu.memory_space<vmem>>, vector<16xi32>,
      %swap3A_1563 = vector.shape_cast %swap3A_1562 : vector<16xi32> to vector<16xi32>
      %swap3A_1564 = vector.shape_cast %and3A_1560 : vector<16xi32> to vector<16xi32>
      tpu.vector_store %arg21[%swap3A_1561], %swap3A_1564 {strides = array<i32>} : memref<256xi32, #tpu.memory_space<vmem>>, vector<16xi32>,
      %get3A_1565 = arith.constant 96 : index
      %get3A_1566 = tpu.vector_load %arg18[%get3A_1565] {strides = array<i32>} : memref<256xf32, #tpu.memory_space<vmem>>, vector<16xf32>,
      %get3A_1567 = vector.shape_cast %get3A_1566 : vector<16xf32> to vector<16xf32>
      %div3A_1568 = arith.constant 1.000000e-01 : f32
      %div3A_1569 = vector.broadcast %div3A_1568 : f32 to vector<16xf32>
      %div3A_1570 = arith.divf %get3A_1567, %div3A_1569 : vector<16xf32>
      %convert_element_type3A_1571 = arith.fptosi %div3A_1570 : vector<16xf32> to vector<16xi32>
      %convert_element_type3A_1572 = arith.sitofp %convert_element_type3A_1571 : vector<16xi32> to vector<16xf32>
      %gt3A_1573 = arith.cmpf ogt, %convert_element_type3A_1572, %div3A_1570 : vector<16xf32>
      %sub3A_1574 = arith.constant 1 : i32
      %sub3A_1575 = vector.broadcast %sub3A_1574 : i32 to vector<16xi32>
      %sub3A_1576 = arith.subi %convert_element_type3A_1571, %sub3A_1575 : vector<16xi32>
      %select_n3A_1577 = arith.select %gt3A_1573, %sub3A_1576, %convert_element_type3A_1571 : vector<16xi1>, vector<16xi32>
      %get3A_1578 = arith.constant 96 : index
      %get3A_1579 = tpu.vector_load %arg19[%get3A_1578] {strides = array<i32>} : memref<256xf32, #tpu.memory_space<vmem>>, vector<16xf32>,
      %get3A_1580 = vector.shape_cast %get3A_1579 : vector<16xf32> to vector<16xf32>
      %div3A_1581 = arith.constant 1.000000e-01 : f32
      %div3A_1582 = vector.broadcast %div3A_1581 : f32 to vector<16xf32>
      %div3A_1583 = arith.divf %get3A_1580, %div3A_1582 : vector<16xf32>
      %convert_element_type3A_1584 = arith.fptosi %div3A_1583 : vector<16xf32> to vector<16xi32>
      %convert_element_type3A_1585 = arith.sitofp %convert_element_type3A_1584 : vector<16xi32> to vector<16xf32>
      %gt3A_1586 = arith.cmpf ogt, %convert_element_type3A_1585, %div3A_1583 : vector<16xf32>
      %sub3A_1587 = arith.constant 1 : i32
      %sub3A_1588 = vector.broadcast %sub3A_1587 : i32 to vector<16xi32>
      %sub3A_1589 = arith.subi %convert_element_type3A_1584, %sub3A_1588 : vector<16xi32>
      %select_n3A_1590 = arith.select %gt3A_1586, %sub3A_1589, %convert_element_type3A_1584 : vector<16xi1>, vector<16xi32>
      %get3A_1591 = arith.constant 96 : index
      %get3A_1592 = tpu.vector_load %arg20[%get3A_1591] {strides = array<i32>} : memref<256xf32, #tpu.memory_space<vmem>>, vector<16xf32>,
      %get3A_1593 = vector.shape_cast %get3A_1592 : vector<16xf32> to vector<16xf32>
      %div3A_1594 = arith.constant 1.000000e-01 : f32
      %div3A_1595 = vector.broadcast %div3A_1594 : f32 to vector<16xf32>
      %div3A_1596 = arith.divf %get3A_1593, %div3A_1595 : vector<16xf32>
      %convert_element_type3A_1597 = arith.fptosi %div3A_1596 : vector<16xf32> to vector<16xi32>
      %convert_element_type3A_1598 = arith.sitofp %convert_element_type3A_1597 : vector<16xi32> to vector<16xf32>
      %gt3A_1599 = arith.cmpf ogt, %convert_element_type3A_1598, %div3A_1596 : vector<16xf32>
      %sub3A_1600 = arith.constant 1 : i32
      %sub3A_1601 = vector.broadcast %sub3A_1600 : i32 to vector<16xi32>
      %sub3A_1602 = arith.subi %convert_element_type3A_1597, %sub3A_1601 : vector<16xi32>
      %select_n3A_1603 = arith.select %gt3A_1599, %sub3A_1602, %convert_element_type3A_1597 : vector<16xi1>, vector<16xi32>
      %mul3A_1604 = arith.constant 73856093 : i32
      %mul3A_1605 = vector.broadcast %mul3A_1604 : i32 to vector<16xi32>
      %mul3A_1606 = arith.muli %select_n3A_1577, %mul3A_1605 : vector<16xi32>
      %mul3A_1607 = arith.constant 19349669 : i32
      %mul3A_1608 = vector.broadcast %mul3A_1607 : i32 to vector<16xi32>
      %mul3A_1609 = arith.muli %select_n3A_1590, %mul3A_1608 : vector<16xi32>
      %add3A_1610 = arith.addi %mul3A_1606, %mul3A_1609 : vector<16xi32>
      %mul3A_1611 = arith.constant 83492791 : i32
      %mul3A_1612 = vector.broadcast %mul3A_1611 : i32 to vector<16xi32>
      %mul3A_1613 = arith.muli %select_n3A_1603, %mul3A_1612 : vector<16xi32>
      %add3A_1614 = arith.addi %add3A_1610, %mul3A_1613 : vector<16xi32>
      %and3A_1615 = arith.constant 1048575 : i32
      %and3A_1616 = vector.broadcast %and3A_1615 : i32 to vector<16xi32>
      %and3A_1617 = arith.andi %add3A_1614, %and3A_1616 : vector<16xi32>
      %swap3A_1618 = arith.constant 96 : index
      %swap3A_1619 = tpu.vector_load %arg21[%swap3A_1618] {strides = array<i32>} : memref<256xi32, #tpu.memory_space<vmem>>, vector<16xi32>,
      %swap3A_1620 = vector.shape_cast %swap3A_1619 : vector<16xi32> to vector<16xi32>
      %swap3A_1621 = vector.shape_cast %and3A_1617 : vector<16xi32> to vector<16xi32>
      tpu.vector_store %arg21[%swap3A_1618], %swap3A_1621 {strides = array<i32>} : memref<256xi32, #tpu.memory_space<vmem>>, vector<16xi32>,
      %get3A_1622 = arith.constant 112 : index
      %get3A_1623 = tpu.vector_load %arg18[%get3A_1622] {strides = array<i32>} : memref<256xf32, #tpu.memory_space<vmem>>, vector<16xf32>,
      %get3A_1624 = vector.shape_cast %get3A_1623 : vector<16xf32> to vector<16xf32>
      %div3A_1625 = arith.constant 1.000000e-01 : f32
      %div3A_1626 = vector.broadcast %div3A_1625 : f32 to vector<16xf32>
      %div3A_1627 = arith.divf %get3A_1624, %div3A_1626 : vector<16xf32>
      %convert_element_type3A_1628 = arith.fptosi %div3A_1627 : vector<16xf32> to vector<16xi32>
      %convert_element_type3A_1629 = arith.sitofp %convert_element_type3A_1628 : vector<16xi32> to vector<16xf32>
      %gt3A_1630 = arith.cmpf ogt, %convert_element_type3A_1629, %div3A_1627 : vector<16xf32>
      %sub3A_1631 = arith.constant 1 : i32
      %sub3A_1632 = vector.broadcast %sub3A_1631 : i32 to vector<16xi32>
      %sub3A_1633 = arith.subi %convert_element_type3A_1628, %sub3A_1632 : vector<16xi32>
      %select_n3A_1634 = arith.select %gt3A_1630, %sub3A_1633, %convert_element_type3A_1628 : vector<16xi1>, vector<16xi32>
      %get3A_1635 = arith.constant 112 : index
      %get3A_1636 = tpu.vector_load %arg19[%get3A_1635] {strides = array<i32>} : memref<256xf32, #tpu.memory_space<vmem>>, vector<16xf32>,
      %get3A_1637 = vector.shape_cast %get3A_1636 : vector<16xf32> to vector<16xf32>
      %div3A_1638 = arith.constant 1.000000e-01 : f32
      %div3A_1639 = vector.broadcast %div3A_1638 : f32 to vector<16xf32>
      %div3A_1640 = arith.divf %get3A_1637, %div3A_1639 : vector<16xf32>
      %convert_element_type3A_1641 = arith.fptosi %div3A_1640 : vector<16xf32> to vector<16xi32>
      %convert_element_type3A_1642 = arith.sitofp %convert_element_type3A_1641 : vector<16xi32> to vector<16xf32>
      %gt3A_1643 = arith.cmpf ogt, %convert_element_type3A_1642, %div3A_1640 : vector<16xf32>
      %sub3A_1644 = arith.constant 1 : i32
      %sub3A_1645 = vector.broadcast %sub3A_1644 : i32 to vector<16xi32>
      %sub3A_1646 = arith.subi %convert_element_type3A_1641, %sub3A_1645 : vector<16xi32>
      %select_n3A_1647 = arith.select %gt3A_1643, %sub3A_1646, %convert_element_type3A_1641 : vector<16xi1>, vector<16xi32>
      %get3A_1648 = arith.constant 112 : index
      %get3A_1649 = tpu.vector_load %arg20[%get3A_1648] {strides = array<i32>} : memref<256xf32, #tpu.memory_space<vmem>>, vector<16xf32>,
      %get3A_1650 = vector.shape_cast %get3A_1649 : vector<16xf32> to vector<16xf32>
      %div3A_1651 = arith.constant 1.000000e-01 : f32
      %div3A_1652 = vector.broadcast %div3A_1651 : f32 to vector<16xf32>
      %div3A_1653 = arith.divf %get3A_1650, %div3A_1652 : vector<16xf32>
      %convert_element_type3A_1654 = arith.fptosi %div3A_1653 : vector<16xf32> to vector<16xi32>
      %convert_element_type3A_1655 = arith.sitofp %convert_element_type3A_1654 : vector<16xi32> to vector<16xf32>
      %gt3A_1656 = arith.cmpf ogt, %convert_element_type3A_1655, %div3A_1653 : vector<16xf32>
      %sub3A_1657 = arith.constant 1 : i32
      %sub3A_1658 = vector.broadcast %sub3A_1657 : i32 to vector<16xi32>
      %sub3A_1659 = arith.subi %convert_element_type3A_1654, %sub3A_1658 : vector<16xi32>
      %select_n3A_1660 = arith.select %gt3A_1656, %sub3A_1659, %convert_element_type3A_1654 : vector<16xi1>, vector<16xi32>
      %mul3A_1661 = arith.constant 73856093 : i32
      %mul3A_1662 = vector.broadcast %mul3A_1661 : i32 to vector<16xi32>
      %mul3A_1663 = arith.muli %select_n3A_1634, %mul3A_1662 : vector<16xi32>
      %mul3A_1664 = arith.constant 19349669 : i32
      %mul3A_1665 = vector.broadcast %mul3A_1664 : i32 to vector<16xi32>
      %mul3A_1666 = arith.muli %select_n3A_1647, %mul3A_1665 : vector<16xi32>
      %add3A_1667 = arith.addi %mul3A_1663, %mul3A_1666 : vector<16xi32>
      %mul3A_1668 = arith.constant 83492791 : i32
      %mul3A_1669 = vector.broadcast %mul3A_1668 : i32 to vector<16xi32>
      %mul3A_1670 = arith.muli %select_n3A_1660, %mul3A_1669 : vector<16xi32>
      %add3A_1671 = arith.addi %add3A_1667, %mul3A_1670 : vector<16xi32>
      %and3A_1672 = arith.constant 1048575 : i32
      %and3A_1673 = vector.broadcast %and3A_1672 : i32 to vector<16xi32>
      %and3A_1674 = arith.andi %add3A_1671, %and3A_1673 : vector<16xi32>
      %swap3A_1675 = arith.constant 112 : index
      %swap3A_1676 = tpu.vector_load %arg21[%swap3A_1675] {strides = array<i32>} : memref<256xi32, #tpu.memory_space<vmem>>, vector<16xi32>,
      %swap3A_1677 = vector.shape_cast %swap3A_1676 : vector<16xi32> to vector<16xi32>
      %swap3A_1678 = vector.shape_cast %and3A_1674 : vector<16xi32> to vector<16xi32>
      tpu.vector_store %arg21[%swap3A_1675], %swap3A_1678 {strides = array<i32>} : memref<256xi32, #tpu.memory_space<vmem>>, vector<16xi32>,
      %get3A_1679 = arith.constant 128 : index
      %get3A_1680 = tpu.vector_load %arg18[%get3A_1679] {strides = array<i32>} : memref<256xf32, #tpu.memory_space<vmem>>, vector<16xf32>,
      %get3A_1681 = vector.shape_cast %get3A_1680 : vector<16xf32> to vector<16xf32>
      %div3A_1682 = arith.constant 1.000000e-01 : f32
      %div3A_1683 = vector.broadcast %div3A_1682 : f32 to vector<16xf32>
      %div3A_1684 = arith.divf %get3A_1681, %div3A_1683 : vector<16xf32>
      %convert_element_type3A_1685 = arith.fptosi %div3A_1684 : vector<16xf32> to vector<16xi32>
      %convert_element_type3A_1686 = arith.sitofp %convert_element_type3A_1685 : vector<16xi32> to vector<16xf32>
      %gt3A_1687 = arith.cmpf ogt, %convert_element_type3A_1686, %div3A_1684 : vector<16xf32>
      %sub3A_1688 = arith.constant 1 : i32
      %sub3A_1689 = vector.broadcast %sub3A_1688 : i32 to vector<16xi32>
      %sub3A_1690 = arith.subi %convert_element_type3A_1685, %sub3A_1689 : vector<16xi32>
      %select_n3A_1691 = arith.select %gt3A_1687, %sub3A_1690, %convert_element_type3A_1685 : vector<16xi1>, vector<16xi32>
      %get3A_1692 = arith.constant 128 : index
      %get3A_1693 = tpu.vector_load %arg19[%get3A_1692] {strides = array<i32>} : memref<256xf32, #tpu.memory_space<vmem>>, vector<16xf32>,
      %get3A_1694 = vector.shape_cast %get3A_1693 : vector<16xf32> to vector<16xf32>
      %div3A_1695 = arith.constant 1.000000e-01 : f32
      %div3A_1696 = vector.broadcast %div3A_1695 : f32 to vector<16xf32>
      %div3A_1697 = arith.divf %get3A_1694, %div3A_1696 : vector<16xf32>
      %convert_element_type3A_1698 = arith.fptosi %div3A_1697 : vector<16xf32> to vector<16xi32>
      %convert_element_type3A_1699 = arith.sitofp %convert_element_type3A_1698 : vector<16xi32> to vector<16xf32>
      %gt3A_1700 = arith.cmpf ogt, %convert_element_type3A_1699, %div3A_1697 : vector<16xf32>
      %sub3A_1701 = arith.constant 1 : i32
      %sub3A_1702 = vector.broadcast %sub3A_1701 : i32 to vector<16xi32>
      %sub3A_1703 = arith.subi %convert_element_type3A_1698, %sub3A_1702 : vector<16xi32>
      %select_n3A_1704 = arith.select %gt3A_1700, %sub3A_1703, %convert_element_type3A_1698 : vector<16xi1>, vector<16xi32>
      %get3A_1705 = arith.constant 128 : index
      %get3A_1706 = tpu.vector_load %arg20[%get3A_1705] {strides = array<i32>} : memref<256xf32, #tpu.memory_space<vmem>>, vector<16xf32>,
      %get3A_1707 = vector.shape_cast %get3A_1706 : vector<16xf32> to vector<16xf32>
      %div3A_1708 = arith.constant 1.000000e-01 : f32
      %div3A_1709 = vector.broadcast %div3A_1708 : f32 to vector<16xf32>
      %div3A_1710 = arith.divf %get3A_1707, %div3A_1709 : vector<16xf32>
      %convert_element_type3A_1711 = arith.fptosi %div3A_1710 : vector<16xf32> to vector<16xi32>
      %convert_element_type3A_1712 = arith.sitofp %convert_element_type3A_1711 : vector<16xi32> to vector<16xf32>
      %gt3A_1713 = arith.cmpf ogt, %convert_element_type3A_1712, %div3A_1710 : vector<16xf32>
      %sub3A_1714 = arith.constant 1 : i32
      %sub3A_1715 = vector.broadcast %sub3A_1714 : i32 to vector<16xi32>
      %sub3A_1716 = arith.subi %convert_element_type3A_1711, %sub3A_1715 : vector<16xi32>
      %select_n3A_1717 = arith.select %gt3A_1713, %sub3A_1716, %convert_element_type3A_1711 : vector<16xi1>, vector<16xi32>
      %mul3A_1718 = arith.constant 73856093 : i32
      %mul3A_1719 = vector.broadcast %mul3A_1718 : i32 to vector<16xi32>
      %mul3A_1720 = arith.muli %select_n3A_1691, %mul3A_1719 : vector<16xi32>
      %mul3A_1721 = arith.constant 19349669 : i32
      %mul3A_1722 = vector.broadcast %mul3A_1721 : i32 to vector<16xi32>
      %mul3A_1723 = arith.muli %select_n3A_1704, %mul3A_1722 : vector<16xi32>
      %add3A_1724 = arith.addi %mul3A_1720, %mul3A_1723 : vector<16xi32>
      %mul3A_1725 = arith.constant 83492791 : i32
      %mul3A_1726 = vector.broadcast %mul3A_1725 : i32 to vector<16xi32>
      %mul3A_1727 = arith.muli %select_n3A_1717, %mul3A_1726 : vector<16xi32>
      %add3A_1728 = arith.addi %add3A_1724, %mul3A_1727 : vector<16xi32>
      %and3A_1729 = arith.constant 1048575 : i32
      %and3A_1730 = vector.broadcast %and3A_1729 : i32 to vector<16xi32>
      %and3A_1731 = arith.andi %add3A_1728, %and3A_1730 : vector<16xi32>
      %swap3A_1732 = arith.constant 128 : index
      %swap3A_1733 = tpu.vector_load %arg21[%swap3A_1732] {strides = array<i32>} : memref<256xi32, #tpu.memory_space<vmem>>, vector<16xi32>,
      %swap3A_1734 = vector.shape_cast %swap3A_1733 : vector<16xi32> to vector<16xi32>
      %swap3A_1735 = vector.shape_cast %and3A_1731 : vector<16xi32> to vector<16xi32>
      tpu.vector_store %arg21[%swap3A_1732], %swap3A_1735 {strides = array<i32>} : memref<256xi32, #tpu.memory_space<vmem>>, vector<16xi32>,
      %get3A_1736 = arith.constant 144 : index
      %get3A_1737 = tpu.vector_load %arg18[%get3A_1736] {strides = array<i32>} : memref<256xf32, #tpu.memory_space<vmem>>, vector<16xf32>,
      %get3A_1738 = vector.shape_cast %get3A_1737 : vector<16xf32> to vector<16xf32>
      %div3A_1739 = arith.constant 1.000000e-01 : f32
      %div3A_1740 = vector.broadcast %div3A_1739 : f32 to vector<16xf32>
      %div3A_1741 = arith.divf %get3A_1738, %div3A_1740 : vector<16xf32>
      %convert_element_type3A_1742 = arith.fptosi %div3A_1741 : vector<16xf32> to vector<16xi32>
      %convert_element_type3A_1743 = arith.sitofp %convert_element_type3A_1742 : vector<16xi32> to vector<16xf32>
      %gt3A_1744 = arith.cmpf ogt, %convert_element_type3A_1743, %div3A_1741 : vector<16xf32>
      %sub3A_1745 = arith.constant 1 : i32
      %sub3A_1746 = vector.broadcast %sub3A_1745 : i32 to vector<16xi32>
      %sub3A_1747 = arith.subi %convert_element_type3A_1742, %sub3A_1746 : vector<16xi32>
      %select_n3A_1748 = arith.select %gt3A_1744, %sub3A_1747, %convert_element_type3A_1742 : vector<16xi1>, vector<16xi32>
      %get3A_1749 = arith.constant 144 : index
      %get3A_1750 = tpu.vector_load %arg19[%get3A_1749] {strides = array<i32>} : memref<256xf32, #tpu.memory_space<vmem>>, vector<16xf32>,
      %get3A_1751 = vector.shape_cast %get3A_1750 : vector<16xf32> to vector<16xf32>
      %div3A_1752 = arith.constant 1.000000e-01 : f32
      %div3A_1753 = vector.broadcast %div3A_1752 : f32 to vector<16xf32>
      %div3A_1754 = arith.divf %get3A_1751, %div3A_1753 : vector<16xf32>
      %convert_element_type3A_1755 = arith.fptosi %div3A_1754 : vector<16xf32> to vector<16xi32>
      %convert_element_type3A_1756 = arith.sitofp %convert_element_type3A_1755 : vector<16xi32> to vector<16xf32>
      %gt3A_1757 = arith.cmpf ogt, %convert_element_type3A_1756, %div3A_1754 : vector<16xf32>
      %sub3A_1758 = arith.constant 1 : i32
      %sub3A_1759 = vector.broadcast %sub3A_1758 : i32 to vector<16xi32>
      %sub3A_1760 = arith.subi %convert_element_type3A_1755, %sub3A_1759 : vector<16xi32>
      %select_n3A_1761 = arith.select %gt3A_1757, %sub3A_1760, %convert_element_type3A_1755 : vector<16xi1>, vector<16xi32>
      %get3A_1762 = arith.constant 144 : index
      %get3A_1763 = tpu.vector_load %arg20[%get3A_1762] {strides = array<i32>} : memref<256xf32, #tpu.memory_space<vmem>>, vector<16xf32>,
      %get3A_1764 = vector.shape_cast %get3A_1763 : vector<16xf32> to vector<16xf32>
      %div3A_1765 = arith.constant 1.000000e-01 : f32
      %div3A_1766 = vector.broadcast %div3A_1765 : f32 to vector<16xf32>
      %div3A_1767 = arith.divf %get3A_1764, %div3A_1766 : vector<16xf32>
      %convert_element_type3A_1768 = arith.fptosi %div3A_1767 : vector<16xf32> to vector<16xi32>
      %convert_element_type3A_1769 = arith.sitofp %convert_element_type3A_1768 : vector<16xi32> to vector<16xf32>
      %gt3A_1770 = arith.cmpf ogt, %convert_element_type3A_1769, %div3A_1767 : vector<16xf32>
      %sub3A_1771 = arith.constant 1 : i32
      %sub3A_1772 = vector.broadcast %sub3A_1771 : i32 to vector<16xi32>
      %sub3A_1773 = arith.subi %convert_element_type3A_1768, %sub3A_1772 : vector<16xi32>
      %select_n3A_1774 = arith.select %gt3A_1770, %sub3A_1773, %convert_element_type3A_1768 : vector<16xi1>, vector<16xi32>
      %mul3A_1775 = arith.constant 73856093 : i32
      %mul3A_1776 = vector.broadcast %mul3A_1775 : i32 to vector<16xi32>
      %mul3A_1777 = arith.muli %select_n3A_1748, %mul3A_1776 : vector<16xi32>
      %mul3A_1778 = arith.constant 19349669 : i32
      %mul3A_1779 = vector.broadcast %mul3A_1778 : i32 to vector<16xi32>
      %mul3A_1780 = arith.muli %select_n3A_1761, %mul3A_1779 : vector<16xi32>
      %add3A_1781 = arith.addi %mul3A_1777, %mul3A_1780 : vector<16xi32>
      %mul3A_1782 = arith.constant 83492791 : i32
      %mul3A_1783 = vector.broadcast %mul3A_1782 : i32 to vector<16xi32>
      %mul3A_1784 = arith.muli %select_n3A_1774, %mul3A_1783 : vector<16xi32>
      %add3A_1785 = arith.addi %add3A_1781, %mul3A_1784 : vector<16xi32>
      %and3A_1786 = arith.constant 1048575 : i32
      %and3A_1787 = vector.broadcast %and3A_1786 : i32 to vector<16xi32>
      %and3A_1788 = arith.andi %add3A_1785, %and3A_1787 : vector<16xi32>
      %swap3A_1789 = arith.constant 144 : index
      %swap3A_1790 = tpu.vector_load %arg21[%swap3A_1789] {strides = array<i32>} : memref<256xi32, #tpu.memory_space<vmem>>, vector<16xi32>,
      %swap3A_1791 = vector.shape_cast %swap3A_1790 : vector<16xi32> to vector<16xi32>
      %swap3A_1792 = vector.shape_cast %and3A_1788 : vector<16xi32> to vector<16xi32>
      tpu.vector_store %arg21[%swap3A_1789], %swap3A_1792 {strides = array<i32>} : memref<256xi32, #tpu.memory_space<vmem>>, vector<16xi32>,
      %get3A_1793 = arith.constant 160 : index
      %get3A_1794 = tpu.vector_load %arg18[%get3A_1793] {strides = array<i32>} : memref<256xf32, #tpu.memory_space<vmem>>, vector<16xf32>,
      %get3A_1795 = vector.shape_cast %get3A_1794 : vector<16xf32> to vector<16xf32>
      %div3A_1796 = arith.constant 1.000000e-01 : f32
      %div3A_1797 = vector.broadcast %div3A_1796 : f32 to vector<16xf32>
      %div3A_1798 = arith.divf %get3A_1795, %div3A_1797 : vector<16xf32>
      %convert_element_type3A_1799 = arith.fptosi %div3A_1798 : vector<16xf32> to vector<16xi32>
      %convert_element_type3A_1800 = arith.sitofp %convert_element_type3A_1799 : vector<16xi32> to vector<16xf32>
      %gt3A_1801 = arith.cmpf ogt, %convert_element_type3A_1800, %div3A_1798 : vector<16xf32>
      %sub3A_1802 = arith.constant 1 : i32
      %sub3A_1803 = vector.broadcast %sub3A_1802 : i32 to vector<16xi32>
      %sub3A_1804 = arith.subi %convert_element_type3A_1799, %sub3A_1803 : vector<16xi32>
      %select_n3A_1805 = arith.select %gt3A_1801, %sub3A_1804, %convert_element_type3A_1799 : vector<16xi1>, vector<16xi32>
      %get3A_1806 = arith.constant 160 : index
      %get3A_1807 = tpu.vector_load %arg19[%get3A_1806] {strides = array<i32>} : memref<256xf32, #tpu.memory_space<vmem>>, vector<16xf32>,
      %get3A_1808 = vector.shape_cast %get3A_1807 : vector<16xf32> to vector<16xf32>
      %div3A_1809 = arith.constant 1.000000e-01 : f32
      %div3A_1810 = vector.broadcast %div3A_1809 : f32 to vector<16xf32>
      %div3A_1811 = arith.divf %get3A_1808, %div3A_1810 : vector<16xf32>
      %convert_element_type3A_1812 = arith.fptosi %div3A_1811 : vector<16xf32> to vector<16xi32>
      %convert_element_type3A_1813 = arith.sitofp %convert_element_type3A_1812 : vector<16xi32> to vector<16xf32>
      %gt3A_1814 = arith.cmpf ogt, %convert_element_type3A_1813, %div3A_1811 : vector<16xf32>
      %sub3A_1815 = arith.constant 1 : i32
      %sub3A_1816 = vector.broadcast %sub3A_1815 : i32 to vector<16xi32>
      %sub3A_1817 = arith.subi %convert_element_type3A_1812, %sub3A_1816 : vector<16xi32>
      %select_n3A_1818 = arith.select %gt3A_1814, %sub3A_1817, %convert_element_type3A_1812 : vector<16xi1>, vector<16xi32>
      %get3A_1819 = arith.constant 160 : index
      %get3A_1820 = tpu.vector_load %arg20[%get3A_1819] {strides = array<i32>} : memref<256xf32, #tpu.memory_space<vmem>>, vector<16xf32>,
      %get3A_1821 = vector.shape_cast %get3A_1820 : vector<16xf32> to vector<16xf32>
      %div3A_1822 = arith.constant 1.000000e-01 : f32
      %div3A_1823 = vector.broadcast %div3A_1822 : f32 to vector<16xf32>
      %div3A_1824 = arith.divf %get3A_1821, %div3A_1823 : vector<16xf32>
      %convert_element_type3A_1825 = arith.fptosi %div3A_1824 : vector<16xf32> to vector<16xi32>
      %convert_element_type3A_1826 = arith.sitofp %convert_element_type3A_1825 : vector<16xi32> to vector<16xf32>
      %gt3A_1827 = arith.cmpf ogt, %convert_element_type3A_1826, %div3A_1824 : vector<16xf32>
      %sub3A_1828 = arith.constant 1 : i32
      %sub3A_1829 = vector.broadcast %sub3A_1828 : i32 to vector<16xi32>
      %sub3A_1830 = arith.subi %convert_element_type3A_1825, %sub3A_1829 : vector<16xi32>
      %select_n3A_1831 = arith.select %gt3A_1827, %sub3A_1830, %convert_element_type3A_1825 : vector<16xi1>, vector<16xi32>
      %mul3A_1832 = arith.constant 73856093 : i32
      %mul3A_1833 = vector.broadcast %mul3A_1832 : i32 to vector<16xi32>
      %mul3A_1834 = arith.muli %select_n3A_1805, %mul3A_1833 : vector<16xi32>
      %mul3A_1835 = arith.constant 19349669 : i32
      %mul3A_1836 = vector.broadcast %mul3A_1835 : i32 to vector<16xi32>
      %mul3A_1837 = arith.muli %select_n3A_1818, %mul3A_1836 : vector<16xi32>
      %add3A_1838 = arith.addi %mul3A_1834, %mul3A_1837 : vector<16xi32>
      %mul3A_1839 = arith.constant 83492791 : i32
      %mul3A_1840 = vector.broadcast %mul3A_1839 : i32 to vector<16xi32>
      %mul3A_1841 = arith.muli %select_n3A_1831, %mul3A_1840 : vector<16xi32>
      %add3A_1842 = arith.addi %add3A_1838, %mul3A_1841 : vector<16xi32>
      %and3A_1843 = arith.constant 1048575 : i32
      %and3A_1844 = vector.broadcast %and3A_1843 : i32 to vector<16xi32>
      %and3A_1845 = arith.andi %add3A_1842, %and3A_1844 : vector<16xi32>
      %swap3A_1846 = arith.constant 160 : index
      %swap3A_1847 = tpu.vector_load %arg21[%swap3A_1846] {strides = array<i32>} : memref<256xi32, #tpu.memory_space<vmem>>, vector<16xi32>,
      %swap3A_1848 = vector.shape_cast %swap3A_1847 : vector<16xi32> to vector<16xi32>
      %swap3A_1849 = vector.shape_cast %and3A_1845 : vector<16xi32> to vector<16xi32>
      tpu.vector_store %arg21[%swap3A_1846], %swap3A_1849 {strides = array<i32>} : memref<256xi32, #tpu.memory_space<vmem>>, vector<16xi32>,
      %get3A_1850 = arith.constant 176 : index
      %get3A_1851 = tpu.vector_load %arg18[%get3A_1850] {strides = array<i32>} : memref<256xf32, #tpu.memory_space<vmem>>, vector<16xf32>,
      %get3A_1852 = vector.shape_cast %get3A_1851 : vector<16xf32> to vector<16xf32>
      %div3A_1853 = arith.constant 1.000000e-01 : f32
      %div3A_1854 = vector.broadcast %div3A_1853 : f32 to vector<16xf32>
      %div3A_1855 = arith.divf %get3A_1852, %div3A_1854 : vector<16xf32>
      %convert_element_type3A_1856 = arith.fptosi %div3A_1855 : vector<16xf32> to vector<16xi32>
      %convert_element_type3A_1857 = arith.sitofp %convert_element_type3A_1856 : vector<16xi32> to vector<16xf32>
      %gt3A_1858 = arith.cmpf ogt, %convert_element_type3A_1857, %div3A_1855 : vector<16xf32>
      %sub3A_1859 = arith.constant 1 : i32
      %sub3A_1860 = vector.broadcast %sub3A_1859 : i32 to vector<16xi32>
      %sub3A_1861 = arith.subi %convert_element_type3A_1856, %sub3A_1860 : vector<16xi32>
      %select_n3A_1862 = arith.select %gt3A_1858, %sub3A_1861, %convert_element_type3A_1856 : vector<16xi1>, vector<16xi32>
      %get3A_1863 = arith.constant 176 : index
      %get3A_1864 = tpu.vector_load %arg19[%get3A_1863] {strides = array<i32>} : memref<256xf32, #tpu.memory_space<vmem>>, vector<16xf32>,
      %get3A_1865 = vector.shape_cast %get3A_1864 : vector<16xf32> to vector<16xf32>
      %div3A_1866 = arith.constant 1.000000e-01 : f32
      %div3A_1867 = vector.broadcast %div3A_1866 : f32 to vector<16xf32>
      %div3A_1868 = arith.divf %get3A_1865, %div3A_1867 : vector<16xf32>
      %convert_element_type3A_1869 = arith.fptosi %div3A_1868 : vector<16xf32> to vector<16xi32>
      %convert_element_type3A_1870 = arith.sitofp %convert_element_type3A_1869 : vector<16xi32> to vector<16xf32>
      %gt3A_1871 = arith.cmpf ogt, %convert_element_type3A_1870, %div3A_1868 : vector<16xf32>
      %sub3A_1872 = arith.constant 1 : i32
      %sub3A_1873 = vector.broadcast %sub3A_1872 : i32 to vector<16xi32>
      %sub3A_1874 = arith.subi %convert_element_type3A_1869, %sub3A_1873 : vector<16xi32>
      %select_n3A_1875 = arith.select %gt3A_1871, %sub3A_1874, %convert_element_type3A_1869 : vector<16xi1>, vector<16xi32>
      %get3A_1876 = arith.constant 176 : index
      %get3A_1877 = tpu.vector_load %arg20[%get3A_1876] {strides = array<i32>} : memref<256xf32, #tpu.memory_space<vmem>>, vector<16xf32>,
      %get3A_1878 = vector.shape_cast %get3A_1877 : vector<16xf32> to vector<16xf32>
      %div3A_1879 = arith.constant 1.000000e-01 : f32
      %div3A_1880 = vector.broadcast %div3A_1879 : f32 to vector<16xf32>
      %div3A_1881 = arith.divf %get3A_1878, %div3A_1880 : vector<16xf32>
      %convert_element_type3A_1882 = arith.fptosi %div3A_1881 : vector<16xf32> to vector<16xi32>
      %convert_element_type3A_1883 = arith.sitofp %convert_element_type3A_1882 : vector<16xi32> to vector<16xf32>
      %gt3A_1884 = arith.cmpf ogt, %convert_element_type3A_1883, %div3A_1881 : vector<16xf32>
      %sub3A_1885 = arith.constant 1 : i32
      %sub3A_1886 = vector.broadcast %sub3A_1885 : i32 to vector<16xi32>
      %sub3A_1887 = arith.subi %convert_element_type3A_1882, %sub3A_1886 : vector<16xi32>
      %select_n3A_1888 = arith.select %gt3A_1884, %sub3A_1887, %convert_element_type3A_1882 : vector<16xi1>, vector<16xi32>
      %mul3A_1889 = arith.constant 73856093 : i32
      %mul3A_1890 = vector.broadcast %mul3A_1889 : i32 to vector<16xi32>
      %mul3A_1891 = arith.muli %select_n3A_1862, %mul3A_1890 : vector<16xi32>
      %mul3A_1892 = arith.constant 19349669 : i32
      %mul3A_1893 = vector.broadcast %mul3A_1892 : i32 to vector<16xi32>
      %mul3A_1894 = arith.muli %select_n3A_1875, %mul3A_1893 : vector<16xi32>
      %add3A_1895 = arith.addi %mul3A_1891, %mul3A_1894 : vector<16xi32>
      %mul3A_1896 = arith.constant 83492791 : i32
      %mul3A_1897 = vector.broadcast %mul3A_1896 : i32 to vector<16xi32>
      %mul3A_1898 = arith.muli %select_n3A_1888, %mul3A_1897 : vector<16xi32>
      %add3A_1899 = arith.addi %add3A_1895, %mul3A_1898 : vector<16xi32>
      %and3A_1900 = arith.constant 1048575 : i32
      %and3A_1901 = vector.broadcast %and3A_1900 : i32 to vector<16xi32>
      %and3A_1902 = arith.andi %add3A_1899, %and3A_1901 : vector<16xi32>
      %swap3A_1903 = arith.constant 176 : index
      %swap3A_1904 = tpu.vector_load %arg21[%swap3A_1903] {strides = array<i32>} : memref<256xi32, #tpu.memory_space<vmem>>, vector<16xi32>,
      %swap3A_1905 = vector.shape_cast %swap3A_1904 : vector<16xi32> to vector<16xi32>
      %swap3A_1906 = vector.shape_cast %and3A_1902 : vector<16xi32> to vector<16xi32>
      tpu.vector_store %arg21[%swap3A_1903], %swap3A_1906 {strides = array<i32>} : memref<256xi32, #tpu.memory_space<vmem>>, vector<16xi32>,
      %get3A_1907 = arith.constant 192 : index
      %get3A_1908 = tpu.vector_load %arg18[%get3A_1907] {strides = array<i32>} : memref<256xf32, #tpu.memory_space<vmem>>, vector<16xf32>,
      %get3A_1909 = vector.shape_cast %get3A_1908 : vector<16xf32> to vector<16xf32>
      %div3A_1910 = arith.constant 1.000000e-01 : f32
      %div3A_1911 = vector.broadcast %div3A_1910 : f32 to vector<16xf32>
      %div3A_1912 = arith.divf %get3A_1909, %div3A_1911 : vector<16xf32>
      %convert_element_type3A_1913 = arith.fptosi %div3A_1912 : vector<16xf32> to vector<16xi32>
      %convert_element_type3A_1914 = arith.sitofp %convert_element_type3A_1913 : vector<16xi32> to vector<16xf32>
      %gt3A_1915 = arith.cmpf ogt, %convert_element_type3A_1914, %div3A_1912 : vector<16xf32>
      %sub3A_1916 = arith.constant 1 : i32
      %sub3A_1917 = vector.broadcast %sub3A_1916 : i32 to vector<16xi32>
      %sub3A_1918 = arith.subi %convert_element_type3A_1913, %sub3A_1917 : vector<16xi32>
      %select_n3A_1919 = arith.select %gt3A_1915, %sub3A_1918, %convert_element_type3A_1913 : vector<16xi1>, vector<16xi32>
      %get3A_1920 = arith.constant 192 : index
      %get3A_1921 = tpu.vector_load %arg19[%get3A_1920] {strides = array<i32>} : memref<256xf32, #tpu.memory_space<vmem>>, vector<16xf32>,
      %get3A_1922 = vector.shape_cast %get3A_1921 : vector<16xf32> to vector<16xf32>
      %div3A_1923 = arith.constant 1.000000e-01 : f32
      %div3A_1924 = vector.broadcast %div3A_1923 : f32 to vector<16xf32>
      %div3A_1925 = arith.divf %get3A_1922, %div3A_1924 : vector<16xf32>
      %convert_element_type3A_1926 = arith.fptosi %div3A_1925 : vector<16xf32> to vector<16xi32>
      %convert_element_type3A_1927 = arith.sitofp %convert_element_type3A_1926 : vector<16xi32> to vector<16xf32>
      %gt3A_1928 = arith.cmpf ogt, %convert_element_type3A_1927, %div3A_1925 : vector<16xf32>
      %sub3A_1929 = arith.constant 1 : i32
      %sub3A_1930 = vector.broadcast %sub3A_1929 : i32 to vector<16xi32>
      %sub3A_1931 = arith.subi %convert_element_type3A_1926, %sub3A_1930 : vector<16xi32>
      %select_n3A_1932 = arith.select %gt3A_1928, %sub3A_1931, %convert_element_type3A_1926 : vector<16xi1>, vector<16xi32>
      %get3A_1933 = arith.constant 192 : index
      %get3A_1934 = tpu.vector_load %arg20[%get3A_1933] {strides = array<i32>} : memref<256xf32, #tpu.memory_space<vmem>>, vector<16xf32>,
      %get3A_1935 = vector.shape_cast %get3A_1934 : vector<16xf32> to vector<16xf32>
      %div3A_1936 = arith.constant 1.000000e-01 : f32
      %div3A_1937 = vector.broadcast %div3A_1936 : f32 to vector<16xf32>
      %div3A_1938 = arith.divf %get3A_1935, %div3A_1937 : vector<16xf32>
      %convert_element_type3A_1939 = arith.fptosi %div3A_1938 : vector<16xf32> to vector<16xi32>
      %convert_element_type3A_1940 = arith.sitofp %convert_element_type3A_1939 : vector<16xi32> to vector<16xf32>
      %gt3A_1941 = arith.cmpf ogt, %convert_element_type3A_1940, %div3A_1938 : vector<16xf32>
      %sub3A_1942 = arith.constant 1 : i32
      %sub3A_1943 = vector.broadcast %sub3A_1942 : i32 to vector<16xi32>
      %sub3A_1944 = arith.subi %convert_element_type3A_1939, %sub3A_1943 : vector<16xi32>
      %select_n3A_1945 = arith.select %gt3A_1941, %sub3A_1944, %convert_element_type3A_1939 : vector<16xi1>, vector<16xi32>
      %mul3A_1946 = arith.constant 73856093 : i32
      %mul3A_1947 = vector.broadcast %mul3A_1946 : i32 to vector<16xi32>
      %mul3A_1948 = arith.muli %select_n3A_1919, %mul3A_1947 : vector<16xi32>
      %mul3A_1949 = arith.constant 19349669 : i32
      %mul3A_1950 = vector.broadcast %mul3A_1949 : i32 to vector<16xi32>
      %mul3A_1951 = arith.muli %select_n3A_1932, %mul3A_1950 : vector<16xi32>
      %add3A_1952 = arith.addi %mul3A_1948, %mul3A_1951 : vector<16xi32>
      %mul3A_1953 = arith.constant 83492791 : i32
      %mul3A_1954 = vector.broadcast %mul3A_1953 : i32 to vector<16xi32>
      %mul3A_1955 = arith.muli %select_n3A_1945, %mul3A_1954 : vector<16xi32>
      %add3A_1956 = arith.addi %add3A_1952, %mul3A_1955 : vector<16xi32>
      %and3A_1957 = arith.constant 1048575 : i32
      %and3A_1958 = vector.broadcast %and3A_1957 : i32 to vector<16xi32>
      %and3A_1959 = arith.andi %add3A_1956, %and3A_1958 : vector<16xi32>
      %swap3A_1960 = arith.constant 192 : index
      %swap3A_1961 = tpu.vector_load %arg21[%swap3A_1960] {strides = array<i32>} : memref<256xi32, #tpu.memory_space<vmem>>, vector<16xi32>,
      %swap3A_1962 = vector.shape_cast %swap3A_1961 : vector<16xi32> to vector<16xi32>
      %swap3A_1963 = vector.shape_cast %and3A_1959 : vector<16xi32> to vector<16xi32>
      tpu.vector_store %arg21[%swap3A_1960], %swap3A_1963 {strides = array<i32>} : memref<256xi32, #tpu.memory_space<vmem>>, vector<16xi32>,
      %get3A_1964 = arith.constant 208 : index
      %get3A_1965 = tpu.vector_load %arg18[%get3A_1964] {strides = array<i32>} : memref<256xf32, #tpu.memory_space<vmem>>, vector<16xf32>,
      %get3A_1966 = vector.shape_cast %get3A_1965 : vector<16xf32> to vector<16xf32>
      %div3A_1967 = arith.constant 1.000000e-01 : f32
      %div3A_1968 = vector.broadcast %div3A_1967 : f32 to vector<16xf32>
      %div3A_1969 = arith.divf %get3A_1966, %div3A_1968 : vector<16xf32>
      %convert_element_type3A_1970 = arith.fptosi %div3A_1969 : vector<16xf32> to vector<16xi32>
      %convert_element_type3A_1971 = arith.sitofp %convert_element_type3A_1970 : vector<16xi32> to vector<16xf32>
      %gt3A_1972 = arith.cmpf ogt, %convert_element_type3A_1971, %div3A_1969 : vector<16xf32>
      %sub3A_1973 = arith.constant 1 : i32
      %sub3A_1974 = vector.broadcast %sub3A_1973 : i32 to vector<16xi32>
      %sub3A_1975 = arith.subi %convert_element_type3A_1970, %sub3A_1974 : vector<16xi32>
      %select_n3A_1976 = arith.select %gt3A_1972, %sub3A_1975, %convert_element_type3A_1970 : vector<16xi1>, vector<16xi32>
      %get3A_1977 = arith.constant 208 : index
      %get3A_1978 = tpu.vector_load %arg19[%get3A_1977] {strides = array<i32>} : memref<256xf32, #tpu.memory_space<vmem>>, vector<16xf32>,
      %get3A_1979 = vector.shape_cast %get3A_1978 : vector<16xf32> to vector<16xf32>
      %div3A_1980 = arith.constant 1.000000e-01 : f32
      %div3A_1981 = vector.broadcast %div3A_1980 : f32 to vector<16xf32>
      %div3A_1982 = arith.divf %get3A_1979, %div3A_1981 : vector<16xf32>
      %convert_element_type3A_1983 = arith.fptosi %div3A_1982 : vector<16xf32> to vector<16xi32>
      %convert_element_type3A_1984 = arith.sitofp %convert_element_type3A_1983 : vector<16xi32> to vector<16xf32>
      %gt3A_1985 = arith.cmpf ogt, %convert_element_type3A_1984, %div3A_1982 : vector<16xf32>
      %sub3A_1986 = arith.constant 1 : i32
      %sub3A_1987 = vector.broadcast %sub3A_1986 : i32 to vector<16xi32>
      %sub3A_1988 = arith.subi %convert_element_type3A_1983, %sub3A_1987 : vector<16xi32>
      %select_n3A_1989 = arith.select %gt3A_1985, %sub3A_1988, %convert_element_type3A_1983 : vector<16xi1>, vector<16xi32>
      %get3A_1990 = arith.constant 208 : index
      %get3A_1991 = tpu.vector_load %arg20[%get3A_1990] {strides = array<i32>} : memref<256xf32, #tpu.memory_space<vmem>>, vector<16xf32>,
      %get3A_1992 = vector.shape_cast %get3A_1991 : vector<16xf32> to vector<16xf32>
      %div3A_1993 = arith.constant 1.000000e-01 : f32
      %div3A_1994 = vector.broadcast %div3A_1993 : f32 to vector<16xf32>
      %div3A_1995 = arith.divf %get3A_1992, %div3A_1994 : vector<16xf32>
      %convert_element_type3A_1996 = arith.fptosi %div3A_1995 : vector<16xf32> to vector<16xi32>
      %convert_element_type3A_1997 = arith.sitofp %convert_element_type3A_1996 : vector<16xi32> to vector<16xf32>
      %gt3A_1998 = arith.cmpf ogt, %convert_element_type3A_1997, %div3A_1995 : vector<16xf32>
      %sub3A_1999 = arith.constant 1 : i32
      %sub3A_2000 = vector.broadcast %sub3A_1999 : i32 to vector<16xi32>
      %sub3A_2001 = arith.subi %convert_element_type3A_1996, %sub3A_2000 : vector<16xi32>
      %select_n3A_2002 = arith.select %gt3A_1998, %sub3A_2001, %convert_element_type3A_1996 : vector<16xi1>, vector<16xi32>
      %mul3A_2003 = arith.constant 73856093 : i32
      %mul3A_2004 = vector.broadcast %mul3A_2003 : i32 to vector<16xi32>
      %mul3A_2005 = arith.muli %select_n3A_1976, %mul3A_2004 : vector<16xi32>
      %mul3A_2006 = arith.constant 19349669 : i32
      %mul3A_2007 = vector.broadcast %mul3A_2006 : i32 to vector<16xi32>
      %mul3A_2008 = arith.muli %select_n3A_1989, %mul3A_2007 : vector<16xi32>
      %add3A_2009 = arith.addi %mul3A_2005, %mul3A_2008 : vector<16xi32>
      %mul3A_2010 = arith.constant 83492791 : i32
      %mul3A_2011 = vector.broadcast %mul3A_2010 : i32 to vector<16xi32>
      %mul3A_2012 = arith.muli %select_n3A_2002, %mul3A_2011 : vector<16xi32>
      %add3A_2013 = arith.addi %add3A_2009, %mul3A_2012 : vector<16xi32>
      %and3A_2014 = arith.constant 1048575 : i32
      %and3A_2015 = vector.broadcast %and3A_2014 : i32 to vector<16xi32>
      %and3A_2016 = arith.andi %add3A_2013, %and3A_2015 : vector<16xi32>
      %swap3A_2017 = arith.constant 208 : index
      %swap3A_2018 = tpu.vector_load %arg21[%swap3A_2017] {strides = array<i32>} : memref<256xi32, #tpu.memory_space<vmem>>, vector<16xi32>,
      %swap3A_2019 = vector.shape_cast %swap3A_2018 : vector<16xi32> to vector<16xi32>
      %swap3A_2020 = vector.shape_cast %and3A_2016 : vector<16xi32> to vector<16xi32>
      tpu.vector_store %arg21[%swap3A_2017], %swap3A_2020 {strides = array<i32>} : memref<256xi32, #tpu.memory_space<vmem>>, vector<16xi32>,
      %get3A_2021 = arith.constant 224 : index
      %get3A_2022 = tpu.vector_load %arg18[%get3A_2021] {strides = array<i32>} : memref<256xf32, #tpu.memory_space<vmem>>, vector<16xf32>,
      %get3A_2023 = vector.shape_cast %get3A_2022 : vector<16xf32> to vector<16xf32>
      %div3A_2024 = arith.constant 1.000000e-01 : f32
      %div3A_2025 = vector.broadcast %div3A_2024 : f32 to vector<16xf32>
      %div3A_2026 = arith.divf %get3A_2023, %div3A_2025 : vector<16xf32>
      %convert_element_type3A_2027 = arith.fptosi %div3A_2026 : vector<16xf32> to vector<16xi32>
      %convert_element_type3A_2028 = arith.sitofp %convert_element_type3A_2027 : vector<16xi32> to vector<16xf32>
      %gt3A_2029 = arith.cmpf ogt, %convert_element_type3A_2028, %div3A_2026 : vector<16xf32>
      %sub3A_2030 = arith.constant 1 : i32
      %sub3A_2031 = vector.broadcast %sub3A_2030 : i32 to vector<16xi32>
      %sub3A_2032 = arith.subi %convert_element_type3A_2027, %sub3A_2031 : vector<16xi32>
      %select_n3A_2033 = arith.select %gt3A_2029, %sub3A_2032, %convert_element_type3A_2027 : vector<16xi1>, vector<16xi32>
      %get3A_2034 = arith.constant 224 : index
      %get3A_2035 = tpu.vector_load %arg19[%get3A_2034] {strides = array<i32>} : memref<256xf32, #tpu.memory_space<vmem>>, vector<16xf32>,
      %get3A_2036 = vector.shape_cast %get3A_2035 : vector<16xf32> to vector<16xf32>
      %div3A_2037 = arith.constant 1.000000e-01 : f32
      %div3A_2038 = vector.broadcast %div3A_2037 : f32 to vector<16xf32>
      %div3A_2039 = arith.divf %get3A_2036, %div3A_2038 : vector<16xf32>
      %convert_element_type3A_2040 = arith.fptosi %div3A_2039 : vector<16xf32> to vector<16xi32>
      %convert_element_type3A_2041 = arith.sitofp %convert_element_type3A_2040 : vector<16xi32> to vector<16xf32>
      %gt3A_2042 = arith.cmpf ogt, %convert_element_type3A_2041, %div3A_2039 : vector<16xf32>
      %sub3A_2043 = arith.constant 1 : i32
      %sub3A_2044 = vector.broadcast %sub3A_2043 : i32 to vector<16xi32>
      %sub3A_2045 = arith.subi %convert_element_type3A_2040, %sub3A_2044 : vector<16xi32>
      %select_n3A_2046 = arith.select %gt3A_2042, %sub3A_2045, %convert_element_type3A_2040 : vector<16xi1>, vector<16xi32>
      %get3A_2047 = arith.constant 224 : index
      %get3A_2048 = tpu.vector_load %arg20[%get3A_2047] {strides = array<i32>} : memref<256xf32, #tpu.memory_space<vmem>>, vector<16xf32>,
      %get3A_2049 = vector.shape_cast %get3A_2048 : vector<16xf32> to vector<16xf32>
      %div3A_2050 = arith.constant 1.000000e-01 : f32
      %div3A_2051 = vector.broadcast %div3A_2050 : f32 to vector<16xf32>
      %div3A_2052 = arith.divf %get3A_2049, %div3A_2051 : vector<16xf32>
      %convert_element_type3A_2053 = arith.fptosi %div3A_2052 : vector<16xf32> to vector<16xi32>
      %convert_element_type3A_2054 = arith.sitofp %convert_element_type3A_2053 : vector<16xi32> to vector<16xf32>
      %gt3A_2055 = arith.cmpf ogt, %convert_element_type3A_2054, %div3A_2052 : vector<16xf32>
      %sub3A_2056 = arith.constant 1 : i32
      %sub3A_2057 = vector.broadcast %sub3A_2056 : i32 to vector<16xi32>
      %sub3A_2058 = arith.subi %convert_element_type3A_2053, %sub3A_2057 : vector<16xi32>
      %select_n3A_2059 = arith.select %gt3A_2055, %sub3A_2058, %convert_element_type3A_2053 : vector<16xi1>, vector<16xi32>
      %mul3A_2060 = arith.constant 73856093 : i32
      %mul3A_2061 = vector.broadcast %mul3A_2060 : i32 to vector<16xi32>
      %mul3A_2062 = arith.muli %select_n3A_2033, %mul3A_2061 : vector<16xi32>
      %mul3A_2063 = arith.constant 19349669 : i32
      %mul3A_2064 = vector.broadcast %mul3A_2063 : i32 to vector<16xi32>
      %mul3A_2065 = arith.muli %select_n3A_2046, %mul3A_2064 : vector<16xi32>
      %add3A_2066 = arith.addi %mul3A_2062, %mul3A_2065 : vector<16xi32>
      %mul3A_2067 = arith.constant 83492791 : i32
      %mul3A_2068 = vector.broadcast %mul3A_2067 : i32 to vector<16xi32>
      %mul3A_2069 = arith.muli %select_n3A_2059, %mul3A_2068 : vector<16xi32>
      %add3A_2070 = arith.addi %add3A_2066, %mul3A_2069 : vector<16xi32>
      %and3A_2071 = arith.constant 1048575 : i32
      %and3A_2072 = vector.broadcast %and3A_2071 : i32 to vector<16xi32>
      %and3A_2073 = arith.andi %add3A_2070, %and3A_2072 : vector<16xi32>
      %swap3A_2074 = arith.constant 224 : index
      %swap3A_2075 = tpu.vector_load %arg21[%swap3A_2074] {strides = array<i32>} : memref<256xi32, #tpu.memory_space<vmem>>, vector<16xi32>,
      %swap3A_2076 = vector.shape_cast %swap3A_2075 : vector<16xi32> to vector<16xi32>
      %swap3A_2077 = vector.shape_cast %and3A_2073 : vector<16xi32> to vector<16xi32>
      tpu.vector_store %arg21[%swap3A_2074], %swap3A_2077 {strides = array<i32>} : memref<256xi32, #tpu.memory_space<vmem>>, vector<16xi32>,
      %get3A_2078 = arith.constant 240 : index
      %get3A_2079 = tpu.vector_load %arg18[%get3A_2078] {strides = array<i32>} : memref<256xf32, #tpu.memory_space<vmem>>, vector<16xf32>,
      %get3A_2080 = vector.shape_cast %get3A_2079 : vector<16xf32> to vector<16xf32>
      %div3A_2081 = arith.constant 1.000000e-01 : f32
      %div3A_2082 = vector.broadcast %div3A_2081 : f32 to vector<16xf32>
      %div3A_2083 = arith.divf %get3A_2080, %div3A_2082 : vector<16xf32>
      %convert_element_type3A_2084 = arith.fptosi %div3A_2083 : vector<16xf32> to vector<16xi32>
      %convert_element_type3A_2085 = arith.sitofp %convert_element_type3A_2084 : vector<16xi32> to vector<16xf32>
      %gt3A_2086 = arith.cmpf ogt, %convert_element_type3A_2085, %div3A_2083 : vector<16xf32>
      %sub3A_2087 = arith.constant 1 : i32
      %sub3A_2088 = vector.broadcast %sub3A_2087 : i32 to vector<16xi32>
      %sub3A_2089 = arith.subi %convert_element_type3A_2084, %sub3A_2088 : vector<16xi32>
      %select_n3A_2090 = arith.select %gt3A_2086, %sub3A_2089, %convert_element_type3A_2084 : vector<16xi1>, vector<16xi32>
      %get3A_2091 = arith.constant 240 : index
      %get3A_2092 = tpu.vector_load %arg19[%get3A_2091] {strides = array<i32>} : memref<256xf32, #tpu.memory_space<vmem>>, vector<16xf32>,
      %get3A_2093 = vector.shape_cast %get3A_2092 : vector<16xf32> to vector<16xf32>
      %div3A_2094 = arith.constant 1.000000e-01 : f32
      %div3A_2095 = vector.broadcast %div3A_2094 : f32 to vector<16xf32>
      %div3A_2096 = arith.divf %get3A_2093, %div3A_2095 : vector<16xf32>
      %convert_element_type3A_2097 = arith.fptosi %div3A_2096 : vector<16xf32> to vector<16xi32>
      %convert_element_type3A_2098 = arith.sitofp %convert_element_type3A_2097 : vector<16xi32> to vector<16xf32>
      %gt3A_2099 = arith.cmpf ogt, %convert_element_type3A_2098, %div3A_2096 : vector<16xf32>
      %sub3A_2100 = arith.constant 1 : i32
      %sub3A_2101 = vector.broadcast %sub3A_2100 : i32 to vector<16xi32>
      %sub3A_2102 = arith.subi %convert_element_type3A_2097, %sub3A_2101 : vector<16xi32>
      %select_n3A_2103 = arith.select %gt3A_2099, %sub3A_2102, %convert_element_type3A_2097 : vector<16xi1>, vector<16xi32>
      %get3A_2104 = arith.constant 240 : index
      %get3A_2105 = tpu.vector_load %arg20[%get3A_2104] {strides = array<i32>} : memref<256xf32, #tpu.memory_space<vmem>>, vector<16xf32>,
      %get3A_2106 = vector.shape_cast %get3A_2105 : vector<16xf32> to vector<16xf32>
      %div3A_2107 = arith.constant 1.000000e-01 : f32
      %div3A_2108 = vector.broadcast %div3A_2107 : f32 to vector<16xf32>
      %div3A_2109 = arith.divf %get3A_2106, %div3A_2108 : vector<16xf32>
      %convert_element_type3A_2110 = arith.fptosi %div3A_2109 : vector<16xf32> to vector<16xi32>
      %convert_element_type3A_2111 = arith.sitofp %convert_element_type3A_2110 : vector<16xi32> to vector<16xf32>
      %gt3A_2112 = arith.cmpf ogt, %convert_element_type3A_2111, %div3A_2109 : vector<16xf32>
      %sub3A_2113 = arith.constant 1 : i32
      %sub3A_2114 = vector.broadcast %sub3A_2113 : i32 to vector<16xi32>
      %sub3A_2115 = arith.subi %convert_element_type3A_2110, %sub3A_2114 : vector<16xi32>
      %select_n3A_2116 = arith.select %gt3A_2112, %sub3A_2115, %convert_element_type3A_2110 : vector<16xi1>, vector<16xi32>
      %mul3A_2117 = arith.constant 73856093 : i32
      %mul3A_2118 = vector.broadcast %mul3A_2117 : i32 to vector<16xi32>
      %mul3A_2119 = arith.muli %select_n3A_2090, %mul3A_2118 : vector<16xi32>
      %mul3A_2120 = arith.constant 19349669 : i32
      %mul3A_2121 = vector.broadcast %mul3A_2120 : i32 to vector<16xi32>
      %mul3A_2122 = arith.muli %select_n3A_2103, %mul3A_2121 : vector<16xi32>
      %add3A_2123 = arith.addi %mul3A_2119, %mul3A_2122 : vector<16xi32>
      %mul3A_2124 = arith.constant 83492791 : i32
      %mul3A_2125 = vector.broadcast %mul3A_2124 : i32 to vector<16xi32>
      %mul3A_2126 = arith.muli %select_n3A_2116, %mul3A_2125 : vector<16xi32>
      %add3A_2127 = arith.addi %add3A_2123, %mul3A_2126 : vector<16xi32>
      %and3A_2128 = arith.constant 1048575 : i32
      %and3A_2129 = vector.broadcast %and3A_2128 : i32 to vector<16xi32>
      %and3A_2130 = arith.andi %add3A_2127, %and3A_2129 : vector<16xi32>
      %swap3A_2131 = arith.constant 240 : index
      %swap3A_2132 = tpu.vector_load %arg21[%swap3A_2131] {strides = array<i32>} : memref<256xi32, #tpu.memory_space<vmem>>, vector<16xi32>,
      %swap3A_2133 = vector.shape_cast %swap3A_2132 : vector<16xi32> to vector<16xi32>
      %swap3A_2134 = vector.shape_cast %and3A_2130 : vector<16xi32> to vector<16xi32>
      tpu.vector_store %arg21[%swap3A_2131], %swap3A_2134 {strides = array<i32>} : memref<256xi32, #tpu.memory_space<vmem>>, vector<16xi32>,
      %dma_start3A_2135 = arith.constant 0 : i32
      %dma_start3A_2136 = tpu.memref_slice %arg22[%dma_start3A_2135] : memref<256xi32, #tpu.memory_space<vmem>> -> memref<128xi32, #tpu.memory_space<vmem>>
      %dma_start3A_2137 = arith.constant 0 : i32
      %dma_start3A_2138 = tpu.memref_slice %arg21[%dma_start3A_2137] : memref<256xi32, #tpu.memory_space<vmem>> -> memref<128xi32, #tpu.memory_space<vmem>>
      %dma_start3A_2139 = arith.constant 0 : i32
      %dma_start3A_2140 = tpu.memref_slice %arg5[%dma_start3A_2139] : memref<1048576xi32, #tpu.memory_space<hbm>> -> memref<1048576xi32, #tpu.memory_space<hbm>>
      tpu.enqueue_indirect_dma source(%dma_start3A_2140 : memref<1048576xi32, #tpu.memory_space<hbm>>) target(%dma_start3A_2136 : memref<128xi32, #tpu.memory_space<vmem>>) offsets(%dma_start3A_2138 : memref<128xi32, #tpu.memory_space<vmem>>) semaphore(%arg28 : memref<!tpu.dma_semaphore, #tpu.memory_space<semaphore_mem>>)
      %dma_start3A_2141 = arith.constant 128 : i32
      %dma_start3A_2142 = tpu.memref_slice %arg22[%dma_start3A_2141] : memref<256xi32, #tpu.memory_space<vmem>> -> memref<128xi32, #tpu.memory_space<vmem>>
      %dma_start3A_2143 = arith.constant 128 : i32
      %dma_start3A_2144 = tpu.memref_slice %arg21[%dma_start3A_2143] : memref<256xi32, #tpu.memory_space<vmem>> -> memref<128xi32, #tpu.memory_space<vmem>>
      %dma_start3A_2145 = arith.constant 0 : i32
      %dma_start3A_2146 = tpu.memref_slice %arg5[%dma_start3A_2145] : memref<1048576xi32, #tpu.memory_space<hbm>> -> memref<1048576xi32, #tpu.memory_space<hbm>>
      tpu.enqueue_indirect_dma source(%dma_start3A_2146 : memref<1048576xi32, #tpu.memory_space<hbm>>) target(%dma_start3A_2142 : memref<128xi32, #tpu.memory_space<vmem>>) offsets(%dma_start3A_2144 : memref<128xi32, #tpu.memory_space<vmem>>) semaphore(%arg28 : memref<!tpu.dma_semaphore, #tpu.memory_space<semaphore_mem>>)
      %lt3A_2147 = arith.constant 63 : i32
      %lt3A_2148 = arith.cmpi slt, %add3A_1212, %lt3A_2147 : i32
      %convert_element_type3A_2149 = arith.extui %lt3A_2148 : i1 to i32
      %cond3A_2150 = arith.constant 0 : i32
      %cond3A_2151 = arith.cmpi ne, %convert_element_type3A_2149, %cond3A_2150 : i32
      scf.if %cond3A_2151 {
        %add3A_2399 = arith.constant 256 : i32
        %add3A_2400 = arith.addi %multiple_of3A_1216, %add3A_2399 : i32
        %dma_start3A_2401 = tpu.memref_slice %arg2[%add3A_2400] : memref<524288xf32, #tpu.memory_space<hbm>> -> memref<256xf32, #tpu.memory_space<hbm>>
        %dma_start3A_2402 = tpu.memref_slice %arg2[%add3A_2400] : memref<524288xf32, #tpu.memory_space<hbm>> -> memref<256xf32, #tpu.memory_space<hbm>>
        tpu.enqueue_dma source(%dma_start3A_2402 : memref<256xf32, #tpu.memory_space<hbm>>) target(%arg8 : memref<256xf32, #tpu.memory_space<vmem>>) target_semaphore(%arg15 : memref<!tpu.dma_semaphore, #tpu.memory_space<semaphore_mem>>)
        %dma_start3A_2403 = tpu.memref_slice %arg3[%add3A_2400] : memref<524288xf32, #tpu.memory_space<hbm>> -> memref<256xf32, #tpu.memory_space<hbm>>
        %dma_start3A_2404 = tpu.memref_slice %arg3[%add3A_2400] : memref<524288xf32, #tpu.memory_space<hbm>> -> memref<256xf32, #tpu.memory_space<hbm>>
        tpu.enqueue_dma source(%dma_start3A_2404 : memref<256xf32, #tpu.memory_space<hbm>>) target(%arg9 : memref<256xf32, #tpu.memory_space<vmem>>) target_semaphore(%arg15 : memref<!tpu.dma_semaphore, #tpu.memory_space<semaphore_mem>>)
        %dma_start3A_2405 = tpu.memref_slice %arg4[%add3A_2400] : memref<524288xf32, #tpu.memory_space<hbm>> -> memref<256xf32, #tpu.memory_space<hbm>>
        %dma_start3A_2406 = tpu.memref_slice %arg4[%add3A_2400] : memref<524288xf32, #tpu.memory_space<hbm>> -> memref<256xf32, #tpu.memory_space<hbm>>
        tpu.enqueue_dma source(%dma_start3A_2406 : memref<256xf32, #tpu.memory_space<hbm>>) target(%arg10 : memref<256xf32, #tpu.memory_space<vmem>>) target_semaphore(%arg15 : memref<!tpu.dma_semaphore, #tpu.memory_space<semaphore_mem>>)
      } else {
      }
      %dma_wait3A_2152 = arith.constant 0 : i32
      %dma_wait3A_2153 = tpu.memref_slice %arg22[%dma_wait3A_2152] : memref<256xi32, #tpu.memory_space<vmem>> -> memref<128xi32, #tpu.memory_space<vmem>>
      %dma_wait3A_2154 = arith.constant 0 : i32
      %dma_wait3A_2155 = tpu.memref_slice %arg21[%dma_wait3A_2154] : memref<256xi32, #tpu.memory_space<vmem>> -> memref<128xi32, #tpu.memory_space<vmem>>
      %dma_wait3A_2156 = arith.constant 0 : i32
      %dma_wait3A_2157 = tpu.memref_slice %arg5[%dma_wait3A_2156] : memref<1048576xi32, #tpu.memory_space<hbm>> -> memref<1048576xi32, #tpu.memory_space<hbm>>
      tpu.wait_indirect_dma semaphore(%arg28 : memref<!tpu.dma_semaphore, #tpu.memory_space<semaphore_mem>>) src(%dma_wait3A_2157 : memref<1048576xi32, #tpu.memory_space<hbm>>) dst(%dma_wait3A_2153 : memref<128xi32, #tpu.memory_space<vmem>>)
      %dma_wait3A_2158 = arith.constant 128 : i32
      %dma_wait3A_2159 = tpu.memref_slice %arg22[%dma_wait3A_2158] : memref<256xi32, #tpu.memory_space<vmem>> -> memref<128xi32, #tpu.memory_space<vmem>>
      %dma_wait3A_2160 = arith.constant 128 : i32
      %dma_wait3A_2161 = tpu.memref_slice %arg21[%dma_wait3A_2160] : memref<256xi32, #tpu.memory_space<vmem>> -> memref<128xi32, #tpu.memory_space<vmem>>
      %dma_wait3A_2162 = arith.constant 0 : i32
      %dma_wait3A_2163 = tpu.memref_slice %arg5[%dma_wait3A_2162] : memref<1048576xi32, #tpu.memory_space<hbm>> -> memref<1048576xi32, #tpu.memory_space<hbm>>
      tpu.wait_indirect_dma semaphore(%arg28 : memref<!tpu.dma_semaphore, #tpu.memory_space<semaphore_mem>>) src(%dma_wait3A_2163 : memref<1048576xi32, #tpu.memory_space<hbm>>) dst(%dma_wait3A_2159 : memref<128xi32, #tpu.memory_space<vmem>>)
      %get3A_2164 = arith.constant 0 : index
      %get3A_2165 = tpu.vector_load %arg22[%get3A_2164] {strides = array<i32>} : memref<256xi32, #tpu.memory_space<vmem>>, vector<16xi32>,
      %get3A_2166 = vector.shape_cast %get3A_2165 : vector<16xi32> to vector<16xi32>
      %ge3A_2167 = arith.constant 0 : i32
      %ge3A_2168 = vector.broadcast %ge3A_2167 : i32 to vector<16xi32>
      %ge3A_2169 = arith.cmpi sge, %get3A_2166, %ge3A_2168 : vector<16xi32>
      %jit3A_2170 = arith.constant 285696 : i32
      %broadcast_in_dim3A_2171 = vector.broadcast %jit3A_2170 : i32 to vector<16xi32>
      %select_n3A_2172 = arith.select %ge3A_2169, %get3A_2166, %broadcast_in_dim3A_2171 : vector<16xi1>, vector<16xi32>
      %swap3A_2173 = arith.constant 0 : index
      %swap3A_2174 = tpu.vector_load %arg23[%swap3A_2173] {strides = array<i32>} : memref<256xi32, #tpu.memory_space<vmem>>, vector<16xi32>,
      %swap3A_2175 = vector.shape_cast %swap3A_2174 : vector<16xi32> to vector<16xi32>
      %swap3A_2176 = vector.shape_cast %select_n3A_2172 : vector<16xi32> to vector<16xi32>
      tpu.vector_store %arg23[%swap3A_2173], %swap3A_2176 {strides = array<i32>} : memref<256xi32, #tpu.memory_space<vmem>>, vector<16xi32>,
      %get3A_2177 = arith.constant 16 : index
      %get3A_2178 = tpu.vector_load %arg22[%get3A_2177] {strides = array<i32>} : memref<256xi32, #tpu.memory_space<vmem>>, vector<16xi32>,
      %get3A_2179 = vector.shape_cast %get3A_2178 : vector<16xi32> to vector<16xi32>
      %ge3A_2180 = arith.constant 0 : i32
      %ge3A_2181 = vector.broadcast %ge3A_2180 : i32 to vector<16xi32>
      %ge3A_2182 = arith.cmpi sge, %get3A_2179, %ge3A_2181 : vector<16xi32>
      %jit3A_2183 = arith.constant 285696 : i32
      %broadcast_in_dim3A_2184 = vector.broadcast %jit3A_2183 : i32 to vector<16xi32>
      %select_n3A_2185 = arith.select %ge3A_2182, %get3A_2179, %broadcast_in_dim3A_2184 : vector<16xi1>, vector<16xi32>
      %swap3A_2186 = arith.constant 16 : index
      %swap3A_2187 = tpu.vector_load %arg23[%swap3A_2186] {strides = array<i32>} : memref<256xi32, #tpu.memory_space<vmem>>, vector<16xi32>,
      %swap3A_2188 = vector.shape_cast %swap3A_2187 : vector<16xi32> to vector<16xi32>
      %swap3A_2189 = vector.shape_cast %select_n3A_2185 : vector<16xi32> to vector<16xi32>
      tpu.vector_store %arg23[%swap3A_2186], %swap3A_2189 {strides = array<i32>} : memref<256xi32, #tpu.memory_space<vmem>>, vector<16xi32>,
      %get3A_2190 = arith.constant 32 : index
      %get3A_2191 = tpu.vector_load %arg22[%get3A_2190] {strides = array<i32>} : memref<256xi32, #tpu.memory_space<vmem>>, vector<16xi32>,
      %get3A_2192 = vector.shape_cast %get3A_2191 : vector<16xi32> to vector<16xi32>
      %ge3A_2193 = arith.constant 0 : i32
      %ge3A_2194 = vector.broadcast %ge3A_2193 : i32 to vector<16xi32>
      %ge3A_2195 = arith.cmpi sge, %get3A_2192, %ge3A_2194 : vector<16xi32>
      %jit3A_2196 = arith.constant 285696 : i32
      %broadcast_in_dim3A_2197 = vector.broadcast %jit3A_2196 : i32 to vector<16xi32>
      %select_n3A_2198 = arith.select %ge3A_2195, %get3A_2192, %broadcast_in_dim3A_2197 : vector<16xi1>, vector<16xi32>
      %swap3A_2199 = arith.constant 32 : index
      %swap3A_2200 = tpu.vector_load %arg23[%swap3A_2199] {strides = array<i32>} : memref<256xi32, #tpu.memory_space<vmem>>, vector<16xi32>,
      %swap3A_2201 = vector.shape_cast %swap3A_2200 : vector<16xi32> to vector<16xi32>
      %swap3A_2202 = vector.shape_cast %select_n3A_2198 : vector<16xi32> to vector<16xi32>
      tpu.vector_store %arg23[%swap3A_2199], %swap3A_2202 {strides = array<i32>} : memref<256xi32, #tpu.memory_space<vmem>>, vector<16xi32>,
      %get3A_2203 = arith.constant 48 : index
      %get3A_2204 = tpu.vector_load %arg22[%get3A_2203] {strides = array<i32>} : memref<256xi32, #tpu.memory_space<vmem>>, vector<16xi32>,
      %get3A_2205 = vector.shape_cast %get3A_2204 : vector<16xi32> to vector<16xi32>
      %ge3A_2206 = arith.constant 0 : i32
      %ge3A_2207 = vector.broadcast %ge3A_2206 : i32 to vector<16xi32>
      %ge3A_2208 = arith.cmpi sge, %get3A_2205, %ge3A_2207 : vector<16xi32>
      %jit3A_2209 = arith.constant 285696 : i32
      %broadcast_in_dim3A_2210 = vector.broadcast %jit3A_2209 : i32 to vector<16xi32>
      %select_n3A_2211 = arith.select %ge3A_2208, %get3A_2205, %broadcast_in_dim3A_2210 : vector<16xi1>, vector<16xi32>
      %swap3A_2212 = arith.constant 48 : index
      %swap3A_2213 = tpu.vector_load %arg23[%swap3A_2212] {strides = array<i32>} : memref<256xi32, #tpu.memory_space<vmem>>, vector<16xi32>,
      %swap3A_2214 = vector.shape_cast %swap3A_2213 : vector<16xi32> to vector<16xi32>
      %swap3A_2215 = vector.shape_cast %select_n3A_2211 : vector<16xi32> to vector<16xi32>
      tpu.vector_store %arg23[%swap3A_2212], %swap3A_2215 {strides = array<i32>} : memref<256xi32, #tpu.memory_space<vmem>>, vector<16xi32>,
      %get3A_2216 = arith.constant 64 : index
      %get3A_2217 = tpu.vector_load %arg22[%get3A_2216] {strides = array<i32>} : memref<256xi32, #tpu.memory_space<vmem>>, vector<16xi32>,
      %get3A_2218 = vector.shape_cast %get3A_2217 : vector<16xi32> to vector<16xi32>
      %ge3A_2219 = arith.constant 0 : i32
      %ge3A_2220 = vector.broadcast %ge3A_2219 : i32 to vector<16xi32>
      %ge3A_2221 = arith.cmpi sge, %get3A_2218, %ge3A_2220 : vector<16xi32>
      %jit3A_2222 = arith.constant 285696 : i32
      %broadcast_in_dim3A_2223 = vector.broadcast %jit3A_2222 : i32 to vector<16xi32>
      %select_n3A_2224 = arith.select %ge3A_2221, %get3A_2218, %broadcast_in_dim3A_2223 : vector<16xi1>, vector<16xi32>
      %swap3A_2225 = arith.constant 64 : index
      %swap3A_2226 = tpu.vector_load %arg23[%swap3A_2225] {strides = array<i32>} : memref<256xi32, #tpu.memory_space<vmem>>, vector<16xi32>,
      %swap3A_2227 = vector.shape_cast %swap3A_2226 : vector<16xi32> to vector<16xi32>
      %swap3A_2228 = vector.shape_cast %select_n3A_2224 : vector<16xi32> to vector<16xi32>
      tpu.vector_store %arg23[%swap3A_2225], %swap3A_2228 {strides = array<i32>} : memref<256xi32, #tpu.memory_space<vmem>>, vector<16xi32>,
      %get3A_2229 = arith.constant 80 : index
      %get3A_2230 = tpu.vector_load %arg22[%get3A_2229] {strides = array<i32>} : memref<256xi32, #tpu.memory_space<vmem>>, vector<16xi32>,
      %get3A_2231 = vector.shape_cast %get3A_2230 : vector<16xi32> to vector<16xi32>
      %ge3A_2232 = arith.constant 0 : i32
      %ge3A_2233 = vector.broadcast %ge3A_2232 : i32 to vector<16xi32>
      %ge3A_2234 = arith.cmpi sge, %get3A_2231, %ge3A_2233 : vector<16xi32>
      %jit3A_2235 = arith.constant 285696 : i32
      %broadcast_in_dim3A_2236 = vector.broadcast %jit3A_2235 : i32 to vector<16xi32>
      %select_n3A_2237 = arith.select %ge3A_2234, %get3A_2231, %broadcast_in_dim3A_2236 : vector<16xi1>, vector<16xi32>
      %swap3A_2238 = arith.constant 80 : index
      %swap3A_2239 = tpu.vector_load %arg23[%swap3A_2238] {strides = array<i32>} : memref<256xi32, #tpu.memory_space<vmem>>, vector<16xi32>,
      %swap3A_2240 = vector.shape_cast %swap3A_2239 : vector<16xi32> to vector<16xi32>
      %swap3A_2241 = vector.shape_cast %select_n3A_2237 : vector<16xi32> to vector<16xi32>
      tpu.vector_store %arg23[%swap3A_2238], %swap3A_2241 {strides = array<i32>} : memref<256xi32, #tpu.memory_space<vmem>>, vector<16xi32>,
      %get3A_2242 = arith.constant 96 : index
      %get3A_2243 = tpu.vector_load %arg22[%get3A_2242] {strides = array<i32>} : memref<256xi32, #tpu.memory_space<vmem>>, vector<16xi32>,
      %get3A_2244 = vector.shape_cast %get3A_2243 : vector<16xi32> to vector<16xi32>
      %ge3A_2245 = arith.constant 0 : i32
      %ge3A_2246 = vector.broadcast %ge3A_2245 : i32 to vector<16xi32>
      %ge3A_2247 = arith.cmpi sge, %get3A_2244, %ge3A_2246 : vector<16xi32>
      %jit3A_2248 = arith.constant 285696 : i32
      %broadcast_in_dim3A_2249 = vector.broadcast %jit3A_2248 : i32 to vector<16xi32>
      %select_n3A_2250 = arith.select %ge3A_2247, %get3A_2244, %broadcast_in_dim3A_2249 : vector<16xi1>, vector<16xi32>
      %swap3A_2251 = arith.constant 96 : index
      %swap3A_2252 = tpu.vector_load %arg23[%swap3A_2251] {strides = array<i32>} : memref<256xi32, #tpu.memory_space<vmem>>, vector<16xi32>,
      %swap3A_2253 = vector.shape_cast %swap3A_2252 : vector<16xi32> to vector<16xi32>
      %swap3A_2254 = vector.shape_cast %select_n3A_2250 : vector<16xi32> to vector<16xi32>
      tpu.vector_store %arg23[%swap3A_2251], %swap3A_2254 {strides = array<i32>} : memref<256xi32, #tpu.memory_space<vmem>>, vector<16xi32>,
      %get3A_2255 = arith.constant 112 : index
      %get3A_2256 = tpu.vector_load %arg22[%get3A_2255] {strides = array<i32>} : memref<256xi32, #tpu.memory_space<vmem>>, vector<16xi32>,
      %get3A_2257 = vector.shape_cast %get3A_2256 : vector<16xi32> to vector<16xi32>
      %ge3A_2258 = arith.constant 0 : i32
      %ge3A_2259 = vector.broadcast %ge3A_2258 : i32 to vector<16xi32>
      %ge3A_2260 = arith.cmpi sge, %get3A_2257, %ge3A_2259 : vector<16xi32>
      %jit3A_2261 = arith.constant 285696 : i32
      %broadcast_in_dim3A_2262 = vector.broadcast %jit3A_2261 : i32 to vector<16xi32>
      %select_n3A_2263 = arith.select %ge3A_2260, %get3A_2257, %broadcast_in_dim3A_2262 : vector<16xi1>, vector<16xi32>
      %swap3A_2264 = arith.constant 112 : index
      %swap3A_2265 = tpu.vector_load %arg23[%swap3A_2264] {strides = array<i32>} : memref<256xi32, #tpu.memory_space<vmem>>, vector<16xi32>,
      %swap3A_2266 = vector.shape_cast %swap3A_2265 : vector<16xi32> to vector<16xi32>
      %swap3A_2267 = vector.shape_cast %select_n3A_2263 : vector<16xi32> to vector<16xi32>
      tpu.vector_store %arg23[%swap3A_2264], %swap3A_2267 {strides = array<i32>} : memref<256xi32, #tpu.memory_space<vmem>>, vector<16xi32>,
      %get3A_2268 = arith.constant 128 : index
      %get3A_2269 = tpu.vector_load %arg22[%get3A_2268] {strides = array<i32>} : memref<256xi32, #tpu.memory_space<vmem>>, vector<16xi32>,
      %get3A_2270 = vector.shape_cast %get3A_2269 : vector<16xi32> to vector<16xi32>
      %ge3A_2271 = arith.constant 0 : i32
      %ge3A_2272 = vector.broadcast %ge3A_2271 : i32 to vector<16xi32>
      %ge3A_2273 = arith.cmpi sge, %get3A_2270, %ge3A_2272 : vector<16xi32>
      %jit3A_2274 = arith.constant 285696 : i32
      %broadcast_in_dim3A_2275 = vector.broadcast %jit3A_2274 : i32 to vector<16xi32>
      %select_n3A_2276 = arith.select %ge3A_2273, %get3A_2270, %broadcast_in_dim3A_2275 : vector<16xi1>, vector<16xi32>
      %swap3A_2277 = arith.constant 128 : index
      %swap3A_2278 = tpu.vector_load %arg23[%swap3A_2277] {strides = array<i32>} : memref<256xi32, #tpu.memory_space<vmem>>, vector<16xi32>,
      %swap3A_2279 = vector.shape_cast %swap3A_2278 : vector<16xi32> to vector<16xi32>
      %swap3A_2280 = vector.shape_cast %select_n3A_2276 : vector<16xi32> to vector<16xi32>
      tpu.vector_store %arg23[%swap3A_2277], %swap3A_2280 {strides = array<i32>} : memref<256xi32, #tpu.memory_space<vmem>>, vector<16xi32>,
      %get3A_2281 = arith.constant 144 : index
      %get3A_2282 = tpu.vector_load %arg22[%get3A_2281] {strides = array<i32>} : memref<256xi32, #tpu.memory_space<vmem>>, vector<16xi32>,
      %get3A_2283 = vector.shape_cast %get3A_2282 : vector<16xi32> to vector<16xi32>
      %ge3A_2284 = arith.constant 0 : i32
      %ge3A_2285 = vector.broadcast %ge3A_2284 : i32 to vector<16xi32>
      %ge3A_2286 = arith.cmpi sge, %get3A_2283, %ge3A_2285 : vector<16xi32>
      %jit3A_2287 = arith.constant 285696 : i32
      %broadcast_in_dim3A_2288 = vector.broadcast %jit3A_2287 : i32 to vector<16xi32>
      %select_n3A_2289 = arith.select %ge3A_2286, %get3A_2283, %broadcast_in_dim3A_2288 : vector<16xi1>, vector<16xi32>
      %swap3A_2290 = arith.constant 144 : index
      %swap3A_2291 = tpu.vector_load %arg23[%swap3A_2290] {strides = array<i32>} : memref<256xi32, #tpu.memory_space<vmem>>, vector<16xi32>,
      %swap3A_2292 = vector.shape_cast %swap3A_2291 : vector<16xi32> to vector<16xi32>
      %swap3A_2293 = vector.shape_cast %select_n3A_2289 : vector<16xi32> to vector<16xi32>
      tpu.vector_store %arg23[%swap3A_2290], %swap3A_2293 {strides = array<i32>} : memref<256xi32, #tpu.memory_space<vmem>>, vector<16xi32>,
      %get3A_2294 = arith.constant 160 : index
      %get3A_2295 = tpu.vector_load %arg22[%get3A_2294] {strides = array<i32>} : memref<256xi32, #tpu.memory_space<vmem>>, vector<16xi32>,
      %get3A_2296 = vector.shape_cast %get3A_2295 : vector<16xi32> to vector<16xi32>
      %ge3A_2297 = arith.constant 0 : i32
      %ge3A_2298 = vector.broadcast %ge3A_2297 : i32 to vector<16xi32>
      %ge3A_2299 = arith.cmpi sge, %get3A_2296, %ge3A_2298 : vector<16xi32>
      %jit3A_2300 = arith.constant 285696 : i32
      %broadcast_in_dim3A_2301 = vector.broadcast %jit3A_2300 : i32 to vector<16xi32>
      %select_n3A_2302 = arith.select %ge3A_2299, %get3A_2296, %broadcast_in_dim3A_2301 : vector<16xi1>, vector<16xi32>
      %swap3A_2303 = arith.constant 160 : index
      %swap3A_2304 = tpu.vector_load %arg23[%swap3A_2303] {strides = array<i32>} : memref<256xi32, #tpu.memory_space<vmem>>, vector<16xi32>,
      %swap3A_2305 = vector.shape_cast %swap3A_2304 : vector<16xi32> to vector<16xi32>
      %swap3A_2306 = vector.shape_cast %select_n3A_2302 : vector<16xi32> to vector<16xi32>
      tpu.vector_store %arg23[%swap3A_2303], %swap3A_2306 {strides = array<i32>} : memref<256xi32, #tpu.memory_space<vmem>>, vector<16xi32>,
      %get3A_2307 = arith.constant 176 : index
      %get3A_2308 = tpu.vector_load %arg22[%get3A_2307] {strides = array<i32>} : memref<256xi32, #tpu.memory_space<vmem>>, vector<16xi32>,
      %get3A_2309 = vector.shape_cast %get3A_2308 : vector<16xi32> to vector<16xi32>
      %ge3A_2310 = arith.constant 0 : i32
      %ge3A_2311 = vector.broadcast %ge3A_2310 : i32 to vector<16xi32>
      %ge3A_2312 = arith.cmpi sge, %get3A_2309, %ge3A_2311 : vector<16xi32>
      %jit3A_2313 = arith.constant 285696 : i32
      %broadcast_in_dim3A_2314 = vector.broadcast %jit3A_2313 : i32 to vector<16xi32>
      %select_n3A_2315 = arith.select %ge3A_2312, %get3A_2309, %broadcast_in_dim3A_2314 : vector<16xi1>, vector<16xi32>
      %swap3A_2316 = arith.constant 176 : index
      %swap3A_2317 = tpu.vector_load %arg23[%swap3A_2316] {strides = array<i32>} : memref<256xi32, #tpu.memory_space<vmem>>, vector<16xi32>,
      %swap3A_2318 = vector.shape_cast %swap3A_2317 : vector<16xi32> to vector<16xi32>
      %swap3A_2319 = vector.shape_cast %select_n3A_2315 : vector<16xi32> to vector<16xi32>
      tpu.vector_store %arg23[%swap3A_2316], %swap3A_2319 {strides = array<i32>} : memref<256xi32, #tpu.memory_space<vmem>>, vector<16xi32>,
      %get3A_2320 = arith.constant 192 : index
      %get3A_2321 = tpu.vector_load %arg22[%get3A_2320] {strides = array<i32>} : memref<256xi32, #tpu.memory_space<vmem>>, vector<16xi32>,
      %get3A_2322 = vector.shape_cast %get3A_2321 : vector<16xi32> to vector<16xi32>
      %ge3A_2323 = arith.constant 0 : i32
      %ge3A_2324 = vector.broadcast %ge3A_2323 : i32 to vector<16xi32>
      %ge3A_2325 = arith.cmpi sge, %get3A_2322, %ge3A_2324 : vector<16xi32>
      %jit3A_2326 = arith.constant 285696 : i32
      %broadcast_in_dim3A_2327 = vector.broadcast %jit3A_2326 : i32 to vector<16xi32>
      %select_n3A_2328 = arith.select %ge3A_2325, %get3A_2322, %broadcast_in_dim3A_2327 : vector<16xi1>, vector<16xi32>
      %swap3A_2329 = arith.constant 192 : index
      %swap3A_2330 = tpu.vector_load %arg23[%swap3A_2329] {strides = array<i32>} : memref<256xi32, #tpu.memory_space<vmem>>, vector<16xi32>,
      %swap3A_2331 = vector.shape_cast %swap3A_2330 : vector<16xi32> to vector<16xi32>
      %swap3A_2332 = vector.shape_cast %select_n3A_2328 : vector<16xi32> to vector<16xi32>
      tpu.vector_store %arg23[%swap3A_2329], %swap3A_2332 {strides = array<i32>} : memref<256xi32, #tpu.memory_space<vmem>>, vector<16xi32>,
      %get3A_2333 = arith.constant 208 : index
      %get3A_2334 = tpu.vector_load %arg22[%get3A_2333] {strides = array<i32>} : memref<256xi32, #tpu.memory_space<vmem>>, vector<16xi32>,
      %get3A_2335 = vector.shape_cast %get3A_2334 : vector<16xi32> to vector<16xi32>
      %ge3A_2336 = arith.constant 0 : i32
      %ge3A_2337 = vector.broadcast %ge3A_2336 : i32 to vector<16xi32>
      %ge3A_2338 = arith.cmpi sge, %get3A_2335, %ge3A_2337 : vector<16xi32>
      %jit3A_2339 = arith.constant 285696 : i32
      %broadcast_in_dim3A_2340 = vector.broadcast %jit3A_2339 : i32 to vector<16xi32>
      %select_n3A_2341 = arith.select %ge3A_2338, %get3A_2335, %broadcast_in_dim3A_2340 : vector<16xi1>, vector<16xi32>
      %swap3A_2342 = arith.constant 208 : index
      %swap3A_2343 = tpu.vector_load %arg23[%swap3A_2342] {strides = array<i32>} : memref<256xi32, #tpu.memory_space<vmem>>, vector<16xi32>,
      %swap3A_2344 = vector.shape_cast %swap3A_2343 : vector<16xi32> to vector<16xi32>
      %swap3A_2345 = vector.shape_cast %select_n3A_2341 : vector<16xi32> to vector<16xi32>
      tpu.vector_store %arg23[%swap3A_2342], %swap3A_2345 {strides = array<i32>} : memref<256xi32, #tpu.memory_space<vmem>>, vector<16xi32>,
      %get3A_2346 = arith.constant 224 : index
      %get3A_2347 = tpu.vector_load %arg22[%get3A_2346] {strides = array<i32>} : memref<256xi32, #tpu.memory_space<vmem>>, vector<16xi32>,
      %get3A_2348 = vector.shape_cast %get3A_2347 : vector<16xi32> to vector<16xi32>
      %ge3A_2349 = arith.constant 0 : i32
      %ge3A_2350 = vector.broadcast %ge3A_2349 : i32 to vector<16xi32>
      %ge3A_2351 = arith.cmpi sge, %get3A_2348, %ge3A_2350 : vector<16xi32>
      %jit3A_2352 = arith.constant 285696 : i32
      %broadcast_in_dim3A_2353 = vector.broadcast %jit3A_2352 : i32 to vector<16xi32>
      %select_n3A_2354 = arith.select %ge3A_2351, %get3A_2348, %broadcast_in_dim3A_2353 : vector<16xi1>, vector<16xi32>
      %swap3A_2355 = arith.constant 224 : index
      %swap3A_2356 = tpu.vector_load %arg23[%swap3A_2355] {strides = array<i32>} : memref<256xi32, #tpu.memory_space<vmem>>, vector<16xi32>,
      %swap3A_2357 = vector.shape_cast %swap3A_2356 : vector<16xi32> to vector<16xi32>
      %swap3A_2358 = vector.shape_cast %select_n3A_2354 : vector<16xi32> to vector<16xi32>
      tpu.vector_store %arg23[%swap3A_2355], %swap3A_2358 {strides = array<i32>} : memref<256xi32, #tpu.memory_space<vmem>>, vector<16xi32>,
      %get3A_2359 = arith.constant 240 : index
      %get3A_2360 = tpu.vector_load %arg22[%get3A_2359] {strides = array<i32>} : memref<256xi32, #tpu.memory_space<vmem>>, vector<16xi32>,
      %get3A_2361 = vector.shape_cast %get3A_2360 : vector<16xi32> to vector<16xi32>
      %ge3A_2362 = arith.constant 0 : i32
      %ge3A_2363 = vector.broadcast %ge3A_2362 : i32 to vector<16xi32>
      %ge3A_2364 = arith.cmpi sge, %get3A_2361, %ge3A_2363 : vector<16xi32>
      %jit3A_2365 = arith.constant 285696 : i32
      %broadcast_in_dim3A_2366 = vector.broadcast %jit3A_2365 : i32 to vector<16xi32>
      %select_n3A_2367 = arith.select %ge3A_2364, %get3A_2361, %broadcast_in_dim3A_2366 : vector<16xi1>, vector<16xi32>
      %swap3A_2368 = arith.constant 240 : index
      %swap3A_2369 = tpu.vector_load %arg23[%swap3A_2368] {strides = array<i32>} : memref<256xi32, #tpu.memory_space<vmem>>, vector<16xi32>,
      %swap3A_2370 = vector.shape_cast %swap3A_2369 : vector<16xi32> to vector<16xi32>
      %swap3A_2371 = vector.shape_cast %select_n3A_2367 : vector<16xi32> to vector<16xi32>
      tpu.vector_store %arg23[%swap3A_2368], %swap3A_2371 {strides = array<i32>} : memref<256xi32, #tpu.memory_space<vmem>>, vector<16xi32>,
      %ge3A_2372 = arith.constant 2 : i32
      %ge3A_2373 = arith.cmpi sge, %add3A_1212, %ge3A_2372 : i32
      %convert_element_type3A_2374 = arith.extui %ge3A_2373 : i1 to i32
      %cond3A_2375 = arith.constant 0 : i32
      %cond3A_2376 = arith.cmpi ne, %convert_element_type3A_2374, %cond3A_2375 : i32
      scf.if %cond3A_2376 {
        %dma_wait3A_2399 = arith.constant 0 : i32
        %dma_wait3A_2400 = arith.constant 0 : i32
        %dma_wait3A_2401 = tpu.memref_slice %arg7[%dma_wait3A_2399, %dma_wait3A_2400] : memref<524288x120xf32, #tpu.memory_space<hbm>> -> memref<256x120xf32, #tpu.memory_space<hbm>>
        %dma_wait3A_2402 = arith.constant 0 : i32
        %dma_wait3A_2403 = arith.constant 0 : i32
        %dma_wait3A_2404 = tpu.memref_slice %arg7[%dma_wait3A_2402, %dma_wait3A_2403] : memref<524288x120xf32, #tpu.memory_space<hbm>> -> memref<256x120xf32, #tpu.memory_space<hbm>>
        tpu.wait_dma2 semaphore(%arg27 : memref<!tpu.dma_semaphore, #tpu.memory_space<semaphore_mem>>) src(%arg24 : memref<256x120xf32, #tpu.memory_space<vmem>>) dst(%dma_wait3A_2404 : memref<256x120xf32, #tpu.memory_space<hbm>>)
      } else {
      }
      %dma_start3A_2377 = arith.constant 0 : i32
      %dma_start3A_2378 = arith.constant 0 : i32
      %dma_start3A_2379 = tpu.memref_slice %arg24[%dma_start3A_2377, %dma_start3A_2378] : memref<256x120xf32, #tpu.memory_space<vmem>> -> memref<128x120xf32, #tpu.memory_space<vmem>>
      %dma_start3A_2380 = arith.constant 0 : i32
      %dma_start3A_2381 = tpu.memref_slice %arg23[%dma_start3A_2380] : memref<256xi32, #tpu.memory_space<vmem>> -> memref<128xi32, #tpu.memory_space<vmem>>
      %dma_start3A_2382 = arith.constant 0 : i32
      %dma_start3A_2383 = arith.constant 0 : i32
      %dma_start3A_2384 = tpu.memref_slice %arg6[%dma_start3A_2382, %dma_start3A_2383] : memref<285697x120xf32, #tpu.memory_space<hbm>> -> memref<285697x120xf32, #tpu.memory_space<hbm>>
      tpu.enqueue_indirect_dma source(%dma_start3A_2384 : memref<285697x120xf32, #tpu.memory_space<hbm>>) target(%dma_start3A_2379 : memref<128x120xf32, #tpu.memory_space<vmem>>) offsets(%dma_start3A_2381 : memref<128xi32, #tpu.memory_space<vmem>>) semaphore(%arg26 : memref<!tpu.dma_semaphore, #tpu.memory_space<semaphore_mem>>)
      %scan3A_2385 = arith.constant 128 : i32
      %scan3A_2386 = arith.constant 0 : i32
      %scan3A_2387 = arith.constant 8 : i32
      %scan3A_2388 = arith.addi %scan3A_2386, %scan3A_2387 : i32
      %scan3A_2389 = arith.constant 1 : i32
      %scan3A_2390 = scf.for %scan3A_2399 = %scan3A_2386 to %scan3A_2388 step %scan3A_2389 iter_args(%scan3A_2400 = %scan3A_2385) -> (i32)  : i32 {
        %get3A_2401 = arith.index_cast %scan3A_2400 : i32 to index
        %get3A_2402 = tpu.vector_load %arg23[%get3A_2401] {strides = array<i32>} : memref<256xi32, #tpu.memory_space<vmem>>, vector<16xi32>,
        %get3A_2403 = vector.shape_cast %get3A_2402 : vector<16xi32> to vector<16xi32>
        %slice3A = vector.extract_strided_slice %get3A_2403 {offsets = [0], sizes = [1], strides = [1]} : vector<16xi32> to vector<1xi32>
        %squeeze3A = vector.extract %slice3A[0] : i32 from vector<1xi32>
        %add3A_2404 = arith.constant 0 : i32
        %add3A_2405 = arith.addi %scan3A_2400, %add3A_2404 : i32
        %dma_start3A_2406 = arith.constant 0 : i32
        %dma_start3A_2407 = tpu.memref_slice %arg24[%add3A_2405, %dma_start3A_2406] : memref<256x120xf32, #tpu.memory_space<vmem>> -> memref<1x120xf32, #tpu.memory_space<vmem>>
        %dma_start3A_2408 = tpu.memref_squeeze %dma_start3A_2407 : memref<1x120xf32, #tpu.memory_space<vmem>> -> memref<120xf32, #tpu.memory_space<vmem>>
        %dma_start3A_2409 = arith.constant 0 : i32
        %dma_start3A_2410 = tpu.memref_slice %arg6[%squeeze3A, %dma_start3A_2409] : memref<285697x120xf32, #tpu.memory_space<hbm>> -> memref<1x120xf32, #tpu.memory_space<hbm>>
        %dma_start3A_2411 = tpu.memref_squeeze %dma_start3A_2410 : memref<1x120xf32, #tpu.memory_space<hbm>> -> memref<120xf32, #tpu.memory_space<hbm>>
        %dma_start3A_2412 = arith.constant 0 : i32
        %dma_start3A_2413 = tpu.memref_slice %arg24[%add3A_2405, %dma_start3A_2412] : memref<256x120xf32, #tpu.memory_space<vmem>> -> memref<1x120xf32, #tpu.memory_space<vmem>>
        %dma_start3A_2414 = tpu.memref_squeeze %dma_start3A_2413 : memref<1x120xf32, #tpu.memory_space<vmem>> -> memref<120xf32, #tpu.memory_space<vmem>>
        %dma_start3A_2415 = arith.constant 0 : i32
        %dma_start3A_2416 = tpu.memref_slice %arg6[%squeeze3A, %dma_start3A_2415] : memref<285697x120xf32, #tpu.memory_space<hbm>> -> memref<1x120xf32, #tpu.memory_space<hbm>>
        %dma_start3A_2417 = tpu.memref_squeeze %dma_start3A_2416 : memref<1x120xf32, #tpu.memory_space<hbm>> -> memref<120xf32, #tpu.memory_space<hbm>>
        tpu.enqueue_dma source(%dma_start3A_2417 : memref<120xf32, #tpu.memory_space<hbm>>) target(%dma_start3A_2414 : memref<120xf32, #tpu.memory_space<vmem>>) target_semaphore(%arg26 : memref<!tpu.dma_semaphore, #tpu.memory_space<semaphore_mem>>)
        %slice3A_2418 = vector.extract_strided_slice %get3A_2403 {offsets = [1], sizes = [1], strides = [1]} : vector<16xi32> to vector<1xi32>
        %squeeze3A_2419 = vector.extract %slice3A_2418[0] : i32 from vector<1xi32>
        %add3A_2420 = arith.constant 1 : i32
        %add3A_2421 = arith.addi %scan3A_2400, %add3A_2420 : i32
        %dma_start3A_2422 = arith.constant 0 : i32
        %dma_start3A_2423 = tpu.memref_slice %arg24[%add3A_2421, %dma_start3A_2422] : memref<256x120xf32, #tpu.memory_space<vmem>> -> memref<1x120xf32, #tpu.memory_space<vmem>>
        %dma_start3A_2424 = tpu.memref_squeeze %dma_start3A_2423 : memref<1x120xf32, #tpu.memory_space<vmem>> -> memref<120xf32, #tpu.memory_space<vmem>>
        %dma_start3A_2425 = arith.constant 0 : i32
        %dma_start3A_2426 = tpu.memref_slice %arg6[%squeeze3A_2419, %dma_start3A_2425] : memref<285697x120xf32, #tpu.memory_space<hbm>> -> memref<1x120xf32, #tpu.memory_space<hbm>>
        %dma_start3A_2427 = tpu.memref_squeeze %dma_start3A_2426 : memref<1x120xf32, #tpu.memory_space<hbm>> -> memref<120xf32, #tpu.memory_space<hbm>>
        %dma_start3A_2428 = arith.constant 0 : i32
        %dma_start3A_2429 = tpu.memref_slice %arg24[%add3A_2421, %dma_start3A_2428] : memref<256x120xf32, #tpu.memory_space<vmem>> -> memref<1x120xf32, #tpu.memory_space<vmem>>
        %dma_start3A_2430 = tpu.memref_squeeze %dma_start3A_2429 : memref<1x120xf32, #tpu.memory_space<vmem>> -> memref<120xf32, #tpu.memory_space<vmem>>
        %dma_start3A_2431 = arith.constant 0 : i32
        %dma_start3A_2432 = tpu.memref_slice %arg6[%squeeze3A_2419, %dma_start3A_2431] : memref<285697x120xf32, #tpu.memory_space<hbm>> -> memref<1x120xf32, #tpu.memory_space<hbm>>
        %dma_start3A_2433 = tpu.memref_squeeze %dma_start3A_2432 : memref<1x120xf32, #tpu.memory_space<hbm>> -> memref<120xf32, #tpu.memory_space<hbm>>
        tpu.enqueue_dma source(%dma_start3A_2433 : memref<120xf32, #tpu.memory_space<hbm>>) target(%dma_start3A_2430 : memref<120xf32, #tpu.memory_space<vmem>>) target_semaphore(%arg26 : memref<!tpu.dma_semaphore, #tpu.memory_space<semaphore_mem>>)
        %slice3A_2434 = vector.extract_strided_slice %get3A_2403 {offsets = [2], sizes = [1], strides = [1]} : vector<16xi32> to vector<1xi32>
        %squeeze3A_2435 = vector.extract %slice3A_2434[0] : i32 from vector<1xi32>
        %add3A_2436 = arith.constant 2 : i32
        %add3A_2437 = arith.addi %scan3A_2400, %add3A_2436 : i32
        %dma_start3A_2438 = arith.constant 0 : i32
        %dma_start3A_2439 = tpu.memref_slice %arg24[%add3A_2437, %dma_start3A_2438] : memref<256x120xf32, #tpu.memory_space<vmem>> -> memref<1x120xf32, #tpu.memory_space<vmem>>
        %dma_start3A_2440 = tpu.memref_squeeze %dma_start3A_2439 : memref<1x120xf32, #tpu.memory_space<vmem>> -> memref<120xf32, #tpu.memory_space<vmem>>
        %dma_start3A_2441 = arith.constant 0 : i32
        %dma_start3A_2442 = tpu.memref_slice %arg6[%squeeze3A_2435, %dma_start3A_2441] : memref<285697x120xf32, #tpu.memory_space<hbm>> -> memref<1x120xf32, #tpu.memory_space<hbm>>
        %dma_start3A_2443 = tpu.memref_squeeze %dma_start3A_2442 : memref<1x120xf32, #tpu.memory_space<hbm>> -> memref<120xf32, #tpu.memory_space<hbm>>
        %dma_start3A_2444 = arith.constant 0 : i32
        %dma_start3A_2445 = tpu.memref_slice %arg24[%add3A_2437, %dma_start3A_2444] : memref<256x120xf32, #tpu.memory_space<vmem>> -> memref<1x120xf32, #tpu.memory_space<vmem>>
        %dma_start3A_2446 = tpu.memref_squeeze %dma_start3A_2445 : memref<1x120xf32, #tpu.memory_space<vmem>> -> memref<120xf32, #tpu.memory_space<vmem>>
        %dma_start3A_2447 = arith.constant 0 : i32
        %dma_start3A_2448 = tpu.memref_slice %arg6[%squeeze3A_2435, %dma_start3A_2447] : memref<285697x120xf32, #tpu.memory_space<hbm>> -> memref<1x120xf32, #tpu.memory_space<hbm>>
        %dma_start3A_2449 = tpu.memref_squeeze %dma_start3A_2448 : memref<1x120xf32, #tpu.memory_space<hbm>> -> memref<120xf32, #tpu.memory_space<hbm>>
        tpu.enqueue_dma source(%dma_start3A_2449 : memref<120xf32, #tpu.memory_space<hbm>>) target(%dma_start3A_2446 : memref<120xf32, #tpu.memory_space<vmem>>) target_semaphore(%arg26 : memref<!tpu.dma_semaphore, #tpu.memory_space<semaphore_mem>>)
        %slice3A_2450 = vector.extract_strided_slice %get3A_2403 {offsets = [3], sizes = [1], strides = [1]} : vector<16xi32> to vector<1xi32>
        %squeeze3A_2451 = vector.extract %slice3A_2450[0] : i32 from vector<1xi32>
        %add3A_2452 = arith.constant 3 : i32
        %add3A_2453 = arith.addi %scan3A_2400, %add3A_2452 : i32
        %dma_start3A_2454 = arith.constant 0 : i32
        %dma_start3A_2455 = tpu.memref_slice %arg24[%add3A_2453, %dma_start3A_2454] : memref<256x120xf32, #tpu.memory_space<vmem>> -> memref<1x120xf32, #tpu.memory_space<vmem>>
        %dma_start3A_2456 = tpu.memref_squeeze %dma_start3A_2455 : memref<1x120xf32, #tpu.memory_space<vmem>> -> memref<120xf32, #tpu.memory_space<vmem>>
        %dma_start3A_2457 = arith.constant 0 : i32
        %dma_start3A_2458 = tpu.memref_slice %arg6[%squeeze3A_2451, %dma_start3A_2457] : memref<285697x120xf32, #tpu.memory_space<hbm>> -> memref<1x120xf32, #tpu.memory_space<hbm>>
        %dma_start3A_2459 = tpu.memref_squeeze %dma_start3A_2458 : memref<1x120xf32, #tpu.memory_space<hbm>> -> memref<120xf32, #tpu.memory_space<hbm>>
        %dma_start3A_2460 = arith.constant 0 : i32
        %dma_start3A_2461 = tpu.memref_slice %arg24[%add3A_2453, %dma_start3A_2460] : memref<256x120xf32, #tpu.memory_space<vmem>> -> memref<1x120xf32, #tpu.memory_space<vmem>>
        %dma_start3A_2462 = tpu.memref_squeeze %dma_start3A_2461 : memref<1x120xf32, #tpu.memory_space<vmem>> -> memref<120xf32, #tpu.memory_space<vmem>>
        %dma_start3A_2463 = arith.constant 0 : i32
        %dma_start3A_2464 = tpu.memref_slice %arg6[%squeeze3A_2451, %dma_start3A_2463] : memref<285697x120xf32, #tpu.memory_space<hbm>> -> memref<1x120xf32, #tpu.memory_space<hbm>>
        %dma_start3A_2465 = tpu.memref_squeeze %dma_start3A_2464 : memref<1x120xf32, #tpu.memory_space<hbm>> -> memref<120xf32, #tpu.memory_space<hbm>>
        tpu.enqueue_dma source(%dma_start3A_2465 : memref<120xf32, #tpu.memory_space<hbm>>) target(%dma_start3A_2462 : memref<120xf32, #tpu.memory_space<vmem>>) target_semaphore(%arg26 : memref<!tpu.dma_semaphore, #tpu.memory_space<semaphore_mem>>)
        %slice3A_2466 = vector.extract_strided_slice %get3A_2403 {offsets = [4], sizes = [1], strides = [1]} : vector<16xi32> to vector<1xi32>
        %squeeze3A_2467 = vector.extract %slice3A_2466[0] : i32 from vector<1xi32>
        %add3A_2468 = arith.constant 4 : i32
        %add3A_2469 = arith.addi %scan3A_2400, %add3A_2468 : i32
        %dma_start3A_2470 = arith.constant 0 : i32
        %dma_start3A_2471 = tpu.memref_slice %arg24[%add3A_2469, %dma_start3A_2470] : memref<256x120xf32, #tpu.memory_space<vmem>> -> memref<1x120xf32, #tpu.memory_space<vmem>>
        %dma_start3A_2472 = tpu.memref_squeeze %dma_start3A_2471 : memref<1x120xf32, #tpu.memory_space<vmem>> -> memref<120xf32, #tpu.memory_space<vmem>>
        %dma_start3A_2473 = arith.constant 0 : i32
        %dma_start3A_2474 = tpu.memref_slice %arg6[%squeeze3A_2467, %dma_start3A_2473] : memref<285697x120xf32, #tpu.memory_space<hbm>> -> memref<1x120xf32, #tpu.memory_space<hbm>>
        %dma_start3A_2475 = tpu.memref_squeeze %dma_start3A_2474 : memref<1x120xf32, #tpu.memory_space<hbm>> -> memref<120xf32, #tpu.memory_space<hbm>>
        %dma_start3A_2476 = arith.constant 0 : i32
        %dma_start3A_2477 = tpu.memref_slice %arg24[%add3A_2469, %dma_start3A_2476] : memref<256x120xf32, #tpu.memory_space<vmem>> -> memref<1x120xf32, #tpu.memory_space<vmem>>
        %dma_start3A_2478 = tpu.memref_squeeze %dma_start3A_2477 : memref<1x120xf32, #tpu.memory_space<vmem>> -> memref<120xf32, #tpu.memory_space<vmem>>
        %dma_start3A_2479 = arith.constant 0 : i32
        %dma_start3A_2480 = tpu.memref_slice %arg6[%squeeze3A_2467, %dma_start3A_2479] : memref<285697x120xf32, #tpu.memory_space<hbm>> -> memref<1x120xf32, #tpu.memory_space<hbm>>
        %dma_start3A_2481 = tpu.memref_squeeze %dma_start3A_2480 : memref<1x120xf32, #tpu.memory_space<hbm>> -> memref<120xf32, #tpu.memory_space<hbm>>
        tpu.enqueue_dma source(%dma_start3A_2481 : memref<120xf32, #tpu.memory_space<hbm>>) target(%dma_start3A_2478 : memref<120xf32, #tpu.memory_space<vmem>>) target_semaphore(%arg26 : memref<!tpu.dma_semaphore, #tpu.memory_space<semaphore_mem>>)
        %slice3A_2482 = vector.extract_strided_slice %get3A_2403 {offsets = [5], sizes = [1], strides = [1]} : vector<16xi32> to vector<1xi32>
        %squeeze3A_2483 = vector.extract %slice3A_2482[0] : i32 from vector<1xi32>
        %add3A_2484 = arith.constant 5 : i32
        %add3A_2485 = arith.addi %scan3A_2400, %add3A_2484 : i32
        %dma_start3A_2486 = arith.constant 0 : i32
        %dma_start3A_2487 = tpu.memref_slice %arg24[%add3A_2485, %dma_start3A_2486] : memref<256x120xf32, #tpu.memory_space<vmem>> -> memref<1x120xf32, #tpu.memory_space<vmem>>
        %dma_start3A_2488 = tpu.memref_squeeze %dma_start3A_2487 : memref<1x120xf32, #tpu.memory_space<vmem>> -> memref<120xf32, #tpu.memory_space<vmem>>
        %dma_start3A_2489 = arith.constant 0 : i32
        %dma_start3A_2490 = tpu.memref_slice %arg6[%squeeze3A_2483, %dma_start3A_2489] : memref<285697x120xf32, #tpu.memory_space<hbm>> -> memref<1x120xf32, #tpu.memory_space<hbm>>
        %dma_start3A_2491 = tpu.memref_squeeze %dma_start3A_2490 : memref<1x120xf32, #tpu.memory_space<hbm>> -> memref<120xf32, #tpu.memory_space<hbm>>
        %dma_start3A_2492 = arith.constant 0 : i32
        %dma_start3A_2493 = tpu.memref_slice %arg24[%add3A_2485, %dma_start3A_2492] : memref<256x120xf32, #tpu.memory_space<vmem>> -> memref<1x120xf32, #tpu.memory_space<vmem>>
        %dma_start3A_2494 = tpu.memref_squeeze %dma_start3A_2493 : memref<1x120xf32, #tpu.memory_space<vmem>> -> memref<120xf32, #tpu.memory_space<vmem>>
        %dma_start3A_2495 = arith.constant 0 : i32
        %dma_start3A_2496 = tpu.memref_slice %arg6[%squeeze3A_2483, %dma_start3A_2495] : memref<285697x120xf32, #tpu.memory_space<hbm>> -> memref<1x120xf32, #tpu.memory_space<hbm>>
        %dma_start3A_2497 = tpu.memref_squeeze %dma_start3A_2496 : memref<1x120xf32, #tpu.memory_space<hbm>> -> memref<120xf32, #tpu.memory_space<hbm>>
        tpu.enqueue_dma source(%dma_start3A_2497 : memref<120xf32, #tpu.memory_space<hbm>>) target(%dma_start3A_2494 : memref<120xf32, #tpu.memory_space<vmem>>) target_semaphore(%arg26 : memref<!tpu.dma_semaphore, #tpu.memory_space<semaphore_mem>>)
        %slice3A_2498 = vector.extract_strided_slice %get3A_2403 {offsets = [6], sizes = [1], strides = [1]} : vector<16xi32> to vector<1xi32>
        %squeeze3A_2499 = vector.extract %slice3A_2498[0] : i32 from vector<1xi32>
        %add3A_2500 = arith.constant 6 : i32
        %add3A_2501 = arith.addi %scan3A_2400, %add3A_2500 : i32
        %dma_start3A_2502 = arith.constant 0 : i32
        %dma_start3A_2503 = tpu.memref_slice %arg24[%add3A_2501, %dma_start3A_2502] : memref<256x120xf32, #tpu.memory_space<vmem>> -> memref<1x120xf32, #tpu.memory_space<vmem>>
        %dma_start3A_2504 = tpu.memref_squeeze %dma_start3A_2503 : memref<1x120xf32, #tpu.memory_space<vmem>> -> memref<120xf32, #tpu.memory_space<vmem>>
        %dma_start3A_2505 = arith.constant 0 : i32
        %dma_start3A_2506 = tpu.memref_slice %arg6[%squeeze3A_2499, %dma_start3A_2505] : memref<285697x120xf32, #tpu.memory_space<hbm>> -> memref<1x120xf32, #tpu.memory_space<hbm>>
        %dma_start3A_2507 = tpu.memref_squeeze %dma_start3A_2506 : memref<1x120xf32, #tpu.memory_space<hbm>> -> memref<120xf32, #tpu.memory_space<hbm>>
        %dma_start3A_2508 = arith.constant 0 : i32
        %dma_start3A_2509 = tpu.memref_slice %arg24[%add3A_2501, %dma_start3A_2508] : memref<256x120xf32, #tpu.memory_space<vmem>> -> memref<1x120xf32, #tpu.memory_space<vmem>>
        %dma_start3A_2510 = tpu.memref_squeeze %dma_start3A_2509 : memref<1x120xf32, #tpu.memory_space<vmem>> -> memref<120xf32, #tpu.memory_space<vmem>>
        %dma_start3A_2511 = arith.constant 0 : i32
        %dma_start3A_2512 = tpu.memref_slice %arg6[%squeeze3A_2499, %dma_start3A_2511] : memref<285697x120xf32, #tpu.memory_space<hbm>> -> memref<1x120xf32, #tpu.memory_space<hbm>>
        %dma_start3A_2513 = tpu.memref_squeeze %dma_start3A_2512 : memref<1x120xf32, #tpu.memory_space<hbm>> -> memref<120xf32, #tpu.memory_space<hbm>>
        tpu.enqueue_dma source(%dma_start3A_2513 : memref<120xf32, #tpu.memory_space<hbm>>) target(%dma_start3A_2510 : memref<120xf32, #tpu.memory_space<vmem>>) target_semaphore(%arg26 : memref<!tpu.dma_semaphore, #tpu.memory_space<semaphore_mem>>)
        %slice3A_2514 = vector.extract_strided_slice %get3A_2403 {offsets = [7], sizes = [1], strides = [1]} : vector<16xi32> to vector<1xi32>
        %squeeze3A_2515 = vector.extract %slice3A_2514[0] : i32 from vector<1xi32>
        %add3A_2516 = arith.constant 7 : i32
        %add3A_2517 = arith.addi %scan3A_2400, %add3A_2516 : i32
        %dma_start3A_2518 = arith.constant 0 : i32
        %dma_start3A_2519 = tpu.memref_slice %arg24[%add3A_2517, %dma_start3A_2518] : memref<256x120xf32, #tpu.memory_space<vmem>> -> memref<1x120xf32, #tpu.memory_space<vmem>>
        %dma_start3A_2520 = tpu.memref_squeeze %dma_start3A_2519 : memref<1x120xf32, #tpu.memory_space<vmem>> -> memref<120xf32, #tpu.memory_space<vmem>>
        %dma_start3A_2521 = arith.constant 0 : i32
        %dma_start3A_2522 = tpu.memref_slice %arg6[%squeeze3A_2515, %dma_start3A_2521] : memref<285697x120xf32, #tpu.memory_space<hbm>> -> memref<1x120xf32, #tpu.memory_space<hbm>>
        %dma_start3A_2523 = tpu.memref_squeeze %dma_start3A_2522 : memref<1x120xf32, #tpu.memory_space<hbm>> -> memref<120xf32, #tpu.memory_space<hbm>>
        %dma_start3A_2524 = arith.constant 0 : i32
        %dma_start3A_2525 = tpu.memref_slice %arg24[%add3A_2517, %dma_start3A_2524] : memref<256x120xf32, #tpu.memory_space<vmem>> -> memref<1x120xf32, #tpu.memory_space<vmem>>
        %dma_start3A_2526 = tpu.memref_squeeze %dma_start3A_2525 : memref<1x120xf32, #tpu.memory_space<vmem>> -> memref<120xf32, #tpu.memory_space<vmem>>
        %dma_start3A_2527 = arith.constant 0 : i32
        %dma_start3A_2528 = tpu.memref_slice %arg6[%squeeze3A_2515, %dma_start3A_2527] : memref<285697x120xf32, #tpu.memory_space<hbm>> -> memref<1x120xf32, #tpu.memory_space<hbm>>
        %dma_start3A_2529 = tpu.memref_squeeze %dma_start3A_2528 : memref<1x120xf32, #tpu.memory_space<hbm>> -> memref<120xf32, #tpu.memory_space<hbm>>
        tpu.enqueue_dma source(%dma_start3A_2529 : memref<120xf32, #tpu.memory_space<hbm>>) target(%dma_start3A_2526 : memref<120xf32, #tpu.memory_space<vmem>>) target_semaphore(%arg26 : memref<!tpu.dma_semaphore, #tpu.memory_space<semaphore_mem>>)
        %slice3A_2530 = vector.extract_strided_slice %get3A_2403 {offsets = [8], sizes = [1], strides = [1]} : vector<16xi32> to vector<1xi32>
        %squeeze3A_2531 = vector.extract %slice3A_2530[0] : i32 from vector<1xi32>
        %add3A_2532 = arith.constant 8 : i32
        %add3A_2533 = arith.addi %scan3A_2400, %add3A_2532 : i32
        %dma_start3A_2534 = arith.constant 0 : i32
        %dma_start3A_2535 = tpu.memref_slice %arg24[%add3A_2533, %dma_start3A_2534] : memref<256x120xf32, #tpu.memory_space<vmem>> -> memref<1x120xf32, #tpu.memory_space<vmem>>
        %dma_start3A_2536 = tpu.memref_squeeze %dma_start3A_2535 : memref<1x120xf32, #tpu.memory_space<vmem>> -> memref<120xf32, #tpu.memory_space<vmem>>
        %dma_start3A_2537 = arith.constant 0 : i32
        %dma_start3A_2538 = tpu.memref_slice %arg6[%squeeze3A_2531, %dma_start3A_2537] : memref<285697x120xf32, #tpu.memory_space<hbm>> -> memref<1x120xf32, #tpu.memory_space<hbm>>
        %dma_start3A_2539 = tpu.memref_squeeze %dma_start3A_2538 : memref<1x120xf32, #tpu.memory_space<hbm>> -> memref<120xf32, #tpu.memory_space<hbm>>
        %dma_start3A_2540 = arith.constant 0 : i32
        %dma_start3A_2541 = tpu.memref_slice %arg24[%add3A_2533, %dma_start3A_2540] : memref<256x120xf32, #tpu.memory_space<vmem>> -> memref<1x120xf32, #tpu.memory_space<vmem>>
        %dma_start3A_2542 = tpu.memref_squeeze %dma_start3A_2541 : memref<1x120xf32, #tpu.memory_space<vmem>> -> memref<120xf32, #tpu.memory_space<vmem>>
        %dma_start3A_2543 = arith.constant 0 : i32
        %dma_start3A_2544 = tpu.memref_slice %arg6[%squeeze3A_2531, %dma_start3A_2543] : memref<285697x120xf32, #tpu.memory_space<hbm>> -> memref<1x120xf32, #tpu.memory_space<hbm>>
        %dma_start3A_2545 = tpu.memref_squeeze %dma_start3A_2544 : memref<1x120xf32, #tpu.memory_space<hbm>> -> memref<120xf32, #tpu.memory_space<hbm>>
        tpu.enqueue_dma source(%dma_start3A_2545 : memref<120xf32, #tpu.memory_space<hbm>>) target(%dma_start3A_2542 : memref<120xf32, #tpu.memory_space<vmem>>) target_semaphore(%arg26 : memref<!tpu.dma_semaphore, #tpu.memory_space<semaphore_mem>>)
        %slice3A_2546 = vector.extract_strided_slice %get3A_2403 {offsets = [9], sizes = [1], strides = [1]} : vector<16xi32> to vector<1xi32>
        %squeeze3A_2547 = vector.extract %slice3A_2546[0] : i32 from vector<1xi32>
        %add3A_2548 = arith.constant 9 : i32
        %add3A_2549 = arith.addi %scan3A_2400, %add3A_2548 : i32
        %dma_start3A_2550 = arith.constant 0 : i32
        %dma_start3A_2551 = tpu.memref_slice %arg24[%add3A_2549, %dma_start3A_2550] : memref<256x120xf32, #tpu.memory_space<vmem>> -> memref<1x120xf32, #tpu.memory_space<vmem>>
        %dma_start3A_2552 = tpu.memref_squeeze %dma_start3A_2551 : memref<1x120xf32, #tpu.memory_space<vmem>> -> memref<120xf32, #tpu.memory_space<vmem>>
        %dma_start3A_2553 = arith.constant 0 : i32
        %dma_start3A_2554 = tpu.memref_slice %arg6[%squeeze3A_2547, %dma_start3A_2553] : memref<285697x120xf32, #tpu.memory_space<hbm>> -> memref<1x120xf32, #tpu.memory_space<hbm>>
        %dma_start3A_2555 = tpu.memref_squeeze %dma_start3A_2554 : memref<1x120xf32, #tpu.memory_space<hbm>> -> memref<120xf32, #tpu.memory_space<hbm>>
        %dma_start3A_2556 = arith.constant 0 : i32
        %dma_start3A_2557 = tpu.memref_slice %arg24[%add3A_2549, %dma_start3A_2556] : memref<256x120xf32, #tpu.memory_space<vmem>> -> memref<1x120xf32, #tpu.memory_space<vmem>>
        %dma_start3A_2558 = tpu.memref_squeeze %dma_start3A_2557 : memref<1x120xf32, #tpu.memory_space<vmem>> -> memref<120xf32, #tpu.memory_space<vmem>>
        %dma_start3A_2559 = arith.constant 0 : i32
        %dma_start3A_2560 = tpu.memref_slice %arg6[%squeeze3A_2547, %dma_start3A_2559] : memref<285697x120xf32, #tpu.memory_space<hbm>> -> memref<1x120xf32, #tpu.memory_space<hbm>>
        %dma_start3A_2561 = tpu.memref_squeeze %dma_start3A_2560 : memref<1x120xf32, #tpu.memory_space<hbm>> -> memref<120xf32, #tpu.memory_space<hbm>>
        tpu.enqueue_dma source(%dma_start3A_2561 : memref<120xf32, #tpu.memory_space<hbm>>) target(%dma_start3A_2558 : memref<120xf32, #tpu.memory_space<vmem>>) target_semaphore(%arg26 : memref<!tpu.dma_semaphore, #tpu.memory_space<semaphore_mem>>)
        %slice3A_2562 = vector.extract_strided_slice %get3A_2403 {offsets = [10], sizes = [1], strides = [1]} : vector<16xi32> to vector<1xi32>
        %squeeze3A_2563 = vector.extract %slice3A_2562[0] : i32 from vector<1xi32>
        %add3A_2564 = arith.constant 10 : i32
        %add3A_2565 = arith.addi %scan3A_2400, %add3A_2564 : i32
        %dma_start3A_2566 = arith.constant 0 : i32
        %dma_start3A_2567 = tpu.memref_slice %arg24[%add3A_2565, %dma_start3A_2566] : memref<256x120xf32, #tpu.memory_space<vmem>> -> memref<1x120xf32, #tpu.memory_space<vmem>>
        %dma_start3A_2568 = tpu.memref_squeeze %dma_start3A_2567 : memref<1x120xf32, #tpu.memory_space<vmem>> -> memref<120xf32, #tpu.memory_space<vmem>>
        %dma_start3A_2569 = arith.constant 0 : i32
        %dma_start3A_2570 = tpu.memref_slice %arg6[%squeeze3A_2563, %dma_start3A_2569] : memref<285697x120xf32, #tpu.memory_space<hbm>> -> memref<1x120xf32, #tpu.memory_space<hbm>>
        %dma_start3A_2571 = tpu.memref_squeeze %dma_start3A_2570 : memref<1x120xf32, #tpu.memory_space<hbm>> -> memref<120xf32, #tpu.memory_space<hbm>>
        %dma_start3A_2572 = arith.constant 0 : i32
        %dma_start3A_2573 = tpu.memref_slice %arg24[%add3A_2565, %dma_start3A_2572] : memref<256x120xf32, #tpu.memory_space<vmem>> -> memref<1x120xf32, #tpu.memory_space<vmem>>
        %dma_start3A_2574 = tpu.memref_squeeze %dma_start3A_2573 : memref<1x120xf32, #tpu.memory_space<vmem>> -> memref<120xf32, #tpu.memory_space<vmem>>
        %dma_start3A_2575 = arith.constant 0 : i32
        %dma_start3A_2576 = tpu.memref_slice %arg6[%squeeze3A_2563, %dma_start3A_2575] : memref<285697x120xf32, #tpu.memory_space<hbm>> -> memref<1x120xf32, #tpu.memory_space<hbm>>
        %dma_start3A_2577 = tpu.memref_squeeze %dma_start3A_2576 : memref<1x120xf32, #tpu.memory_space<hbm>> -> memref<120xf32, #tpu.memory_space<hbm>>
        tpu.enqueue_dma source(%dma_start3A_2577 : memref<120xf32, #tpu.memory_space<hbm>>) target(%dma_start3A_2574 : memref<120xf32, #tpu.memory_space<vmem>>) target_semaphore(%arg26 : memref<!tpu.dma_semaphore, #tpu.memory_space<semaphore_mem>>)
        %slice3A_2578 = vector.extract_strided_slice %get3A_2403 {offsets = [11], sizes = [1], strides = [1]} : vector<16xi32> to vector<1xi32>
        %squeeze3A_2579 = vector.extract %slice3A_2578[0] : i32 from vector<1xi32>
        %add3A_2580 = arith.constant 11 : i32
        %add3A_2581 = arith.addi %scan3A_2400, %add3A_2580 : i32
        %dma_start3A_2582 = arith.constant 0 : i32
        %dma_start3A_2583 = tpu.memref_slice %arg24[%add3A_2581, %dma_start3A_2582] : memref<256x120xf32, #tpu.memory_space<vmem>> -> memref<1x120xf32, #tpu.memory_space<vmem>>
        %dma_start3A_2584 = tpu.memref_squeeze %dma_start3A_2583 : memref<1x120xf32, #tpu.memory_space<vmem>> -> memref<120xf32, #tpu.memory_space<vmem>>
        %dma_start3A_2585 = arith.constant 0 : i32
        %dma_start3A_2586 = tpu.memref_slice %arg6[%squeeze3A_2579, %dma_start3A_2585] : memref<285697x120xf32, #tpu.memory_space<hbm>> -> memref<1x120xf32, #tpu.memory_space<hbm>>
        %dma_start3A_2587 = tpu.memref_squeeze %dma_start3A_2586 : memref<1x120xf32, #tpu.memory_space<hbm>> -> memref<120xf32, #tpu.memory_space<hbm>>
        %dma_start3A_2588 = arith.constant 0 : i32
        %dma_start3A_2589 = tpu.memref_slice %arg24[%add3A_2581, %dma_start3A_2588] : memref<256x120xf32, #tpu.memory_space<vmem>> -> memref<1x120xf32, #tpu.memory_space<vmem>>
        %dma_start3A_2590 = tpu.memref_squeeze %dma_start3A_2589 : memref<1x120xf32, #tpu.memory_space<vmem>> -> memref<120xf32, #tpu.memory_space<vmem>>
        %dma_start3A_2591 = arith.constant 0 : i32
        %dma_start3A_2592 = tpu.memref_slice %arg6[%squeeze3A_2579, %dma_start3A_2591] : memref<285697x120xf32, #tpu.memory_space<hbm>> -> memref<1x120xf32, #tpu.memory_space<hbm>>
        %dma_start3A_2593 = tpu.memref_squeeze %dma_start3A_2592 : memref<1x120xf32, #tpu.memory_space<hbm>> -> memref<120xf32, #tpu.memory_space<hbm>>
        tpu.enqueue_dma source(%dma_start3A_2593 : memref<120xf32, #tpu.memory_space<hbm>>) target(%dma_start3A_2590 : memref<120xf32, #tpu.memory_space<vmem>>) target_semaphore(%arg26 : memref<!tpu.dma_semaphore, #tpu.memory_space<semaphore_mem>>)
        %slice3A_2594 = vector.extract_strided_slice %get3A_2403 {offsets = [12], sizes = [1], strides = [1]} : vector<16xi32> to vector<1xi32>
        %squeeze3A_2595 = vector.extract %slice3A_2594[0] : i32 from vector<1xi32>
        %add3A_2596 = arith.constant 12 : i32
        %add3A_2597 = arith.addi %scan3A_2400, %add3A_2596 : i32
        %dma_start3A_2598 = arith.constant 0 : i32
        %dma_start3A_2599 = tpu.memref_slice %arg24[%add3A_2597, %dma_start3A_2598] : memref<256x120xf32, #tpu.memory_space<vmem>> -> memref<1x120xf32, #tpu.memory_space<vmem>>
        %dma_start3A_2600 = tpu.memref_squeeze %dma_start3A_2599 : memref<1x120xf32, #tpu.memory_space<vmem>> -> memref<120xf32, #tpu.memory_space<vmem>>
        %dma_start3A_2601 = arith.constant 0 : i32
        %dma_start3A_2602 = tpu.memref_slice %arg6[%squeeze3A_2595, %dma_start3A_2601] : memref<285697x120xf32, #tpu.memory_space<hbm>> -> memref<1x120xf32, #tpu.memory_space<hbm>>
        %dma_start3A_2603 = tpu.memref_squeeze %dma_start3A_2602 : memref<1x120xf32, #tpu.memory_space<hbm>> -> memref<120xf32, #tpu.memory_space<hbm>>
        %dma_start3A_2604 = arith.constant 0 : i32
        %dma_start3A_2605 = tpu.memref_slice %arg24[%add3A_2597, %dma_start3A_2604] : memref<256x120xf32, #tpu.memory_space<vmem>> -> memref<1x120xf32, #tpu.memory_space<vmem>>
        %dma_start3A_2606 = tpu.memref_squeeze %dma_start3A_2605 : memref<1x120xf32, #tpu.memory_space<vmem>> -> memref<120xf32, #tpu.memory_space<vmem>>
        %dma_start3A_2607 = arith.constant 0 : i32
        %dma_start3A_2608 = tpu.memref_slice %arg6[%squeeze3A_2595, %dma_start3A_2607] : memref<285697x120xf32, #tpu.memory_space<hbm>> -> memref<1x120xf32, #tpu.memory_space<hbm>>
        %dma_start3A_2609 = tpu.memref_squeeze %dma_start3A_2608 : memref<1x120xf32, #tpu.memory_space<hbm>> -> memref<120xf32, #tpu.memory_space<hbm>>
        tpu.enqueue_dma source(%dma_start3A_2609 : memref<120xf32, #tpu.memory_space<hbm>>) target(%dma_start3A_2606 : memref<120xf32, #tpu.memory_space<vmem>>) target_semaphore(%arg26 : memref<!tpu.dma_semaphore, #tpu.memory_space<semaphore_mem>>)
        %slice3A_2610 = vector.extract_strided_slice %get3A_2403 {offsets = [13], sizes = [1], strides = [1]} : vector<16xi32> to vector<1xi32>
        %squeeze3A_2611 = vector.extract %slice3A_2610[0] : i32 from vector<1xi32>
        %add3A_2612 = arith.constant 13 : i32
        %add3A_2613 = arith.addi %scan3A_2400, %add3A_2612 : i32
        %dma_start3A_2614 = arith.constant 0 : i32
        %dma_start3A_2615 = tpu.memref_slice %arg24[%add3A_2613, %dma_start3A_2614] : memref<256x120xf32, #tpu.memory_space<vmem>> -> memref<1x120xf32, #tpu.memory_space<vmem>>
        %dma_start3A_2616 = tpu.memref_squeeze %dma_start3A_2615 : memref<1x120xf32, #tpu.memory_space<vmem>> -> memref<120xf32, #tpu.memory_space<vmem>>
        %dma_start3A_2617 = arith.constant 0 : i32
        %dma_start3A_2618 = tpu.memref_slice %arg6[%squeeze3A_2611, %dma_start3A_2617] : memref<285697x120xf32, #tpu.memory_space<hbm>> -> memref<1x120xf32, #tpu.memory_space<hbm>>
        %dma_start3A_2619 = tpu.memref_squeeze %dma_start3A_2618 : memref<1x120xf32, #tpu.memory_space<hbm>> -> memref<120xf32, #tpu.memory_space<hbm>>
        %dma_start3A_2620 = arith.constant 0 : i32
        %dma_start3A_2621 = tpu.memref_slice %arg24[%add3A_2613, %dma_start3A_2620] : memref<256x120xf32, #tpu.memory_space<vmem>> -> memref<1x120xf32, #tpu.memory_space<vmem>>
        %dma_start3A_2622 = tpu.memref_squeeze %dma_start3A_2621 : memref<1x120xf32, #tpu.memory_space<vmem>> -> memref<120xf32, #tpu.memory_space<vmem>>
        %dma_start3A_2623 = arith.constant 0 : i32
        %dma_start3A_2624 = tpu.memref_slice %arg6[%squeeze3A_2611, %dma_start3A_2623] : memref<285697x120xf32, #tpu.memory_space<hbm>> -> memref<1x120xf32, #tpu.memory_space<hbm>>
        %dma_start3A_2625 = tpu.memref_squeeze %dma_start3A_2624 : memref<1x120xf32, #tpu.memory_space<hbm>> -> memref<120xf32, #tpu.memory_space<hbm>>
        tpu.enqueue_dma source(%dma_start3A_2625 : memref<120xf32, #tpu.memory_space<hbm>>) target(%dma_start3A_2622 : memref<120xf32, #tpu.memory_space<vmem>>) target_semaphore(%arg26 : memref<!tpu.dma_semaphore, #tpu.memory_space<semaphore_mem>>)
        %slice3A_2626 = vector.extract_strided_slice %get3A_2403 {offsets = [14], sizes = [1], strides = [1]} : vector<16xi32> to vector<1xi32>
        %squeeze3A_2627 = vector.extract %slice3A_2626[0] : i32 from vector<1xi32>
        %add3A_2628 = arith.constant 14 : i32
        %add3A_2629 = arith.addi %scan3A_2400, %add3A_2628 : i32
        %dma_start3A_2630 = arith.constant 0 : i32
        %dma_start3A_2631 = tpu.memref_slice %arg24[%add3A_2629, %dma_start3A_2630] : memref<256x120xf32, #tpu.memory_space<vmem>> -> memref<1x120xf32, #tpu.memory_space<vmem>>
        %dma_start3A_2632 = tpu.memref_squeeze %dma_start3A_2631 : memref<1x120xf32, #tpu.memory_space<vmem>> -> memref<120xf32, #tpu.memory_space<vmem>>
        %dma_start3A_2633 = arith.constant 0 : i32
        %dma_start3A_2634 = tpu.memref_slice %arg6[%squeeze3A_2627, %dma_start3A_2633] : memref<285697x120xf32, #tpu.memory_space<hbm>> -> memref<1x120xf32, #tpu.memory_space<hbm>>
        %dma_start3A_2635 = tpu.memref_squeeze %dma_start3A_2634 : memref<1x120xf32, #tpu.memory_space<hbm>> -> memref<120xf32, #tpu.memory_space<hbm>>
        %dma_start3A_2636 = arith.constant 0 : i32
        %dma_start3A_2637 = tpu.memref_slice %arg24[%add3A_2629, %dma_start3A_2636] : memref<256x120xf32, #tpu.memory_space<vmem>> -> memref<1x120xf32, #tpu.memory_space<vmem>>
        %dma_start3A_2638 = tpu.memref_squeeze %dma_start3A_2637 : memref<1x120xf32, #tpu.memory_space<vmem>> -> memref<120xf32, #tpu.memory_space<vmem>>
        %dma_start3A_2639 = arith.constant 0 : i32
        %dma_start3A_2640 = tpu.memref_slice %arg6[%squeeze3A_2627, %dma_start3A_2639] : memref<285697x120xf32, #tpu.memory_space<hbm>> -> memref<1x120xf32, #tpu.memory_space<hbm>>
        %dma_start3A_2641 = tpu.memref_squeeze %dma_start3A_2640 : memref<1x120xf32, #tpu.memory_space<hbm>> -> memref<120xf32, #tpu.memory_space<hbm>>
        tpu.enqueue_dma source(%dma_start3A_2641 : memref<120xf32, #tpu.memory_space<hbm>>) target(%dma_start3A_2638 : memref<120xf32, #tpu.memory_space<vmem>>) target_semaphore(%arg26 : memref<!tpu.dma_semaphore, #tpu.memory_space<semaphore_mem>>)
        %slice3A_2642 = vector.extract_strided_slice %get3A_2403 {offsets = [15], sizes = [1], strides = [1]} : vector<16xi32> to vector<1xi32>
        %squeeze3A_2643 = vector.extract %slice3A_2642[0] : i32 from vector<1xi32>
        %add3A_2644 = arith.constant 15 : i32
        %add3A_2645 = arith.addi %scan3A_2400, %add3A_2644 : i32
        %dma_start3A_2646 = arith.constant 0 : i32
        %dma_start3A_2647 = tpu.memref_slice %arg24[%add3A_2645, %dma_start3A_2646] : memref<256x120xf32, #tpu.memory_space<vmem>> -> memref<1x120xf32, #tpu.memory_space<vmem>>
        %dma_start3A_2648 = tpu.memref_squeeze %dma_start3A_2647 : memref<1x120xf32, #tpu.memory_space<vmem>> -> memref<120xf32, #tpu.memory_space<vmem>>
        %dma_start3A_2649 = arith.constant 0 : i32
        %dma_start3A_2650 = tpu.memref_slice %arg6[%squeeze3A_2643, %dma_start3A_2649] : memref<285697x120xf32, #tpu.memory_space<hbm>> -> memref<1x120xf32, #tpu.memory_space<hbm>>
        %dma_start3A_2651 = tpu.memref_squeeze %dma_start3A_2650 : memref<1x120xf32, #tpu.memory_space<hbm>> -> memref<120xf32, #tpu.memory_space<hbm>>
        %dma_start3A_2652 = arith.constant 0 : i32
        %dma_start3A_2653 = tpu.memref_slice %arg24[%add3A_2645, %dma_start3A_2652] : memref<256x120xf32, #tpu.memory_space<vmem>> -> memref<1x120xf32, #tpu.memory_space<vmem>>
        %dma_start3A_2654 = tpu.memref_squeeze %dma_start3A_2653 : memref<1x120xf32, #tpu.memory_space<vmem>> -> memref<120xf32, #tpu.memory_space<vmem>>
        %dma_start3A_2655 = arith.constant 0 : i32
        %dma_start3A_2656 = tpu.memref_slice %arg6[%squeeze3A_2643, %dma_start3A_2655] : memref<285697x120xf32, #tpu.memory_space<hbm>> -> memref<1x120xf32, #tpu.memory_space<hbm>>
        %dma_start3A_2657 = tpu.memref_squeeze %dma_start3A_2656 : memref<1x120xf32, #tpu.memory_space<hbm>> -> memref<120xf32, #tpu.memory_space<hbm>>
        tpu.enqueue_dma source(%dma_start3A_2657 : memref<120xf32, #tpu.memory_space<hbm>>) target(%dma_start3A_2654 : memref<120xf32, #tpu.memory_space<vmem>>) target_semaphore(%arg26 : memref<!tpu.dma_semaphore, #tpu.memory_space<semaphore_mem>>)
        %add3A_2658 = arith.constant 16 : i32
        %add3A_2659 = arith.addi %scan3A_2400, %add3A_2658 : i32
        scf.yield %add3A_2659 : i32
      }
      %scan3A_2391 = arith.constant 8 : i32
      %ge3A_2392 = arith.constant 1 : i32
      %ge3A_2393 = arith.cmpi sge, %add3A_1212, %ge3A_2392 : i32
      %convert_element_type3A_2394 = arith.extui %ge3A_2393 : i1 to i32
      %cond3A_2395 = arith.constant 0 : i32
      %cond3A_2396 = arith.cmpi ne, %convert_element_type3A_2394, %cond3A_2395 : i32
      scf.if %cond3A_2396 {
        %dma_wait3A_2399 = arith.constant 0 : i32
        %dma_wait3A_2400 = arith.constant 0 : i32
        %dma_wait3A_2401 = tpu.memref_slice %arg7[%dma_wait3A_2399, %dma_wait3A_2400] : memref<524288x120xf32, #tpu.memory_space<hbm>> -> memref<256x120xf32, #tpu.memory_space<hbm>>
        %dma_wait3A_2402 = arith.constant 0 : i32
        %dma_wait3A_2403 = arith.constant 0 : i32
        %dma_wait3A_2404 = tpu.memref_slice %arg7[%dma_wait3A_2402, %dma_wait3A_2403] : memref<524288x120xf32, #tpu.memory_space<hbm>> -> memref<256x120xf32, #tpu.memory_space<hbm>>
        tpu.wait_dma2 semaphore(%arg16 : memref<!tpu.dma_semaphore, #tpu.memory_space<semaphore_mem>>) src(%dma_wait3A_2404 : memref<256x120xf32, #tpu.memory_space<hbm>>) dst(%arg14 : memref<256x120xf32, #tpu.memory_space<vmem>>)
        %sub3A_2405 = arith.constant 256 : i32
        %sub3A_2406 = arith.subi %multiple_of3A_1216, %sub3A_2405 : i32
        %multiple_of3A_2407 = tpu.assume_multiple %sub3A_2406, 256 : i32
        %dma_start3A_2408 = arith.constant 0 : i32
        %dma_start3A_2409 = tpu.memref_slice %arg7[%multiple_of3A_2407, %dma_start3A_2408] : memref<524288x120xf32, #tpu.memory_space<hbm>> -> memref<256x120xf32, #tpu.memory_space<hbm>>
        %dma_start3A_2410 = arith.constant 0 : i32
        %dma_start3A_2411 = tpu.memref_slice %arg7[%multiple_of3A_2407, %dma_start3A_2410] : memref<524288x120xf32, #tpu.memory_space<hbm>> -> memref<256x120xf32, #tpu.memory_space<hbm>>
        tpu.enqueue_dma source(%arg14 : memref<256x120xf32, #tpu.memory_space<vmem>>) target(%dma_start3A_2411 : memref<256x120xf32, #tpu.memory_space<hbm>>) target_semaphore(%arg17 : memref<!tpu.dma_semaphore, #tpu.memory_space<semaphore_mem>>)
      } else {
      }
      %add3A_2397 = arith.constant 2 : i32
      %add3A_2398 = arith.addi %scan3A_39, %add3A_2397 : i32
      scf.yield %add3A_2398 : i32
    }
    %scan3A_13 = arith.constant 32 : i32
    %dma_wait3A = arith.constant 0 : i32
    %dma_wait3A_14 = arith.constant 0 : i32
    %dma_wait3A_15 = tpu.memref_slice %arg7[%dma_wait3A, %dma_wait3A_14] : memref<524288x120xf32, #tpu.memory_space<hbm>> -> memref<256x120xf32, #tpu.memory_space<hbm>>
    %dma_wait3A_16 = arith.constant 0 : i32
    %dma_wait3A_17 = arith.constant 0 : i32
    %dma_wait3A_18 = tpu.memref_slice %arg7[%dma_wait3A_16, %dma_wait3A_17] : memref<524288x120xf32, #tpu.memory_space<hbm>> -> memref<256x120xf32, #tpu.memory_space<hbm>>
    tpu.wait_dma2 semaphore(%arg26 : memref<!tpu.dma_semaphore, #tpu.memory_space<semaphore_mem>>) src(%dma_wait3A_18 : memref<256x120xf32, #tpu.memory_space<hbm>>) dst(%arg24 : memref<256x120xf32, #tpu.memory_space<vmem>>)
    %add3A_19 = arith.constant 16128 : i32
    %add3A_20 = arith.addi %mul3A_2, %add3A_19 : i32
    %multiple_of3A_21 = tpu.assume_multiple %add3A_20, 256 : i32
    %dma_start3A_22 = arith.constant 0 : i32
    %dma_start3A_23 = tpu.memref_slice %arg7[%multiple_of3A_21, %dma_start3A_22] : memref<524288x120xf32, #tpu.memory_space<hbm>> -> memref<256x120xf32, #tpu.memory_space<hbm>>
    %dma_start3A_24 = arith.constant 0 : i32
    %dma_start3A_25 = tpu.memref_slice %arg7[%multiple_of3A_21, %dma_start3A_24] : memref<524288x120xf32, #tpu.memory_space<hbm>> -> memref<256x120xf32, #tpu.memory_space<hbm>>
    tpu.enqueue_dma source(%arg24 : memref<256x120xf32, #tpu.memory_space<vmem>>) target(%dma_start3A_25 : memref<256x120xf32, #tpu.memory_space<hbm>>) target_semaphore(%arg27 : memref<!tpu.dma_semaphore, #tpu.memory_space<semaphore_mem>>)
    %dma_wait3A_26 = arith.constant 0 : i32
    %dma_wait3A_27 = arith.constant 0 : i32
    %dma_wait3A_28 = tpu.memref_slice %arg7[%dma_wait3A_26, %dma_wait3A_27] : memref<524288x120xf32, #tpu.memory_space<hbm>> -> memref<256x120xf32, #tpu.memory_space<hbm>>
    %dma_wait3A_29 = arith.constant 0 : i32
    %dma_wait3A_30 = arith.constant 0 : i32
    %dma_wait3A_31 = tpu.memref_slice %arg7[%dma_wait3A_29, %dma_wait3A_30] : memref<524288x120xf32, #tpu.memory_space<hbm>> -> memref<256x120xf32, #tpu.memory_space<hbm>>
    tpu.wait_dma2 semaphore(%arg17 : memref<!tpu.dma_semaphore, #tpu.memory_space<semaphore_mem>>) src(%arg14 : memref<256x120xf32, #tpu.memory_space<vmem>>) dst(%dma_wait3A_31 : memref<256x120xf32, #tpu.memory_space<hbm>>)
    %dma_wait3A_32 = arith.constant 0 : i32
    %dma_wait3A_33 = arith.constant 0 : i32
    %dma_wait3A_34 = tpu.memref_slice %arg7[%dma_wait3A_32, %dma_wait3A_33] : memref<524288x120xf32, #tpu.memory_space<hbm>> -> memref<256x120xf32, #tpu.memory_space<hbm>>
    %dma_wait3A_35 = arith.constant 0 : i32
    %dma_wait3A_36 = arith.constant 0 : i32
    %dma_wait3A_37 = tpu.memref_slice %arg7[%dma_wait3A_35, %dma_wait3A_36] : memref<524288x120xf32, #tpu.memory_space<hbm>> -> memref<256x120xf32, #tpu.memory_space<hbm>>
    tpu.wait_dma2 semaphore(%arg27 : memref<!tpu.dma_semaphore, #tpu.memory_space<semaphore_mem>>) src(%arg24 : memref<256x120xf32, #tpu.memory_space<vmem>>) dst(%dma_wait3A_37 : memref<256x120xf32, #tpu.memory_space<hbm>>)
    return
  }
}

</mosaic_0001>

<sc_bundles>
// kernel: kernel.3.cloned.1.call-start
scs
__scs_entry_jumppad:
0x0: {  	(pc) =	sbr.rel $0x88, $3  }
0x1: {  	(tag) =	ssettag $0x0;
	lr =	simm.s32 $0x1  }
0x2: {  	[smem:$0x3F9E] =	sst lr;
	_ =	strace $0xD0000000  }
0x3: {  	_ = 	snop  }
0x4: {  	_ = 	snop  }
0x5: {  	_ = 	snop  }
0x6: {  	_ = 	snop  }
0x7: {  	_ = 	snop  }
__scs_overlays_trampoline_lowered:
0x8: {  	[smem:$0x3FAD] =	sst s0  }
0x9: {  	[smem:$0x3FAE] =	sst s1  }
0xa: {  	[smem:$0x3FAF] =	sst s2  }
0xb: {  	[smem:$0x3FB0] =	sst s3  }
0xc: {  	[smem:$0x3FB1] =	sst s4  }
0xd: {  	[smem:$0x3FB2] =	sst s5  }
0xe: {  	[smem:$0x3FB3] =	sst s6  }
0xf: {  	[smem:$0x3FB4] =	sst s7  }
0x10: {  	[smem:$0x3FB5] =	sst s8  }
0x11: {  	[smem:$0x3FB6] =	sst s9;
	s0 =	simm.s32 @!p0 $0x0  }
0x12: {  	s1 =	sld [smem:$0x3F9C];
	s0 =	simm.s32 @p0 $0x1  }
0x13: {  	[smem:$0x3FB7] =	sst s0;
	s0 =	simm.s32 @!p1 $0x0  }
0x14: {  	s2 =	sld [smem:$0x3F9B];
	s0 =	simm.s32 @p1 $0x1  }
0x15: {  	[smem:$0x3FB8] =	sst s0;
	s0 =	simm.s32 @!p2 $0x0  }
0x16: {  	s3 =	sld [smem:$0x3FDB];
	s0 =	simm.s32 @p2 $0x1  }
0x17: {  	s4 =	simm.s32 $0x1BF5;
	[smem:$0x3FBA] =	sst s0  }
0x18: {  	s0 =	sld [smem:$0x3F9D];
	_ =	swait.ge [sflag:s4], $0x0  }
0x19: {  	s7 =	sld [smem:$0x3F9E]  }
0x1a: {  	s8 =	sadd.s32 $0xFFFFE003, lr  }
0x1b: {  	s9 =	sadd.s32 $0xFFFFFEF7, lr;
	s5 =	simm.s32 $0xFFFFFFFF;
	p2 =	slt.u32 s8, $0xFFFFF086  }
0x1c: {  	p1 =	slt.u32 s9, $0xF7A;
	s5 =	simm.s32 @!p2 $0x0  }
0x1d: {  	s5 =	simm.s32 @p1 $0x1;
	p0 =	seq.s32 s7, s2  }
0x1e: {  	s7 =	smul.u32 @!p0 $0xF7A, s2;
	p2 =	seq.s32 @!p0 s5, $0x0  }
0x1f: {  	s9 =	smul.u32 $0xF7A, s1;
	s8 =	simm.s32 @!p0 $0x1BF5;
	p2 =	por !p2, p0  }
0x20: {  	[sflag:s8] =	ssyncset.s32 @!p0 $0xFFFFF086;
	s6 =	sadd.s32 @!p0 s3, s7;
	s7 =	simm.s32 @!p0 $0x108  }
0x21: {  	s3 =	sadd.s32 s3, s9;
	s6 =	sadd.s32 @!p0 $0x88, s6;
	s7 =	simm.s32 @p2 $0x1082  }
0x22: {  	[simem:s7], [sflag:s8] =	dma.local @!p0 [hbm:s6], $0xF7A  }
0x23: {  	s9 =	sor.u32 $0xD0000000, s2;
	s6 =	simm.s32 $0x108;
	_ =	swait.ge @!p0 [sflag:s8], $0x0  }
0x24: {  	s3 =	sadd.s32 $0x88, s3;
	s6 =	simm.s32 @!p1 $0x1082;
	[sflag:s4] =	ssyncset.s32 $0xFFFFF086  }
0x25: {  	[simem:s6], [sflag:s4] =	dma.local [hbm:s3], $0xF7A  }
0x26: {  	[smem:$0x3F9E] =	sst s1;
	(tag) =	ssettag s2;
	_ =	strace s9  }
0x27: {  	s1 =	sld [smem:$0x3FAE]  }
0x28: {  	s2 =	sld [smem:$0x3FAF]  }
0x29: {  	s4 =	sld [smem:$0x3FB1]  }
0x2a: {  	p0 =	seq.s32 s5, $0x0;
	s5 =	sld [smem:$0x3FB2]  }
0x2b: {  	s6 =	sld [smem:$0x3FB3]  }
0x2c: {  	s7 =	sld [smem:$0x3FB4]  }
0x2d: {  	s3 =	simm.s32 $0x108;
	s8 =	sld [smem:$0x3FB5]  }
0x2e: {  	s3 =	simm.s32 @!p0 $0x1082;
	s9 =	sld [smem:$0x3FB6]  }
0x2f: {  	lr =	sadd.s32 s0, s3;
	s0 =	sld [smem:$0x3FAD]  }
0x30: {  	s3 =	sld [smem:$0x3FB0]  }
0x31: {  	[smem:$0x3FB9] =	sst s10  }
0x32: {  	s10 =	sld [smem:$0x3FB7];
	_ =	sdelay $0x3  }
0x33: {  	p0 =	seq.s32 s10, $0x1;
	s10 =	sld [smem:$0x3FB9];
	_ =	sdelay $0x3  }
0x34: {  	[smem:$0x3FB9] =	sst s10  }
0x35: {  	s10 =	sld [smem:$0x3FB8];
	_ =	sdelay $0x3  }
0x36: {  	p1 =	seq.s32 s10, $0x1;
	s10 =	sld [smem:$0x3FB9];
	_ =	sdelay $0x3  }
0x37: {  	[smem:$0x3FB9] =	sst s10  }
0x38: {  	s10 =	sld [smem:$0x3FBA]  }
0x39: {  	_ = 	snop;
	(pc) =	sbr.ind lr, $3  }
0x3a: {  	_ = 	snop  }
0x3b: {  	_ = 	snop  }
0x3c: {  	p2 =	seq.s32 s10, $0x1;
	s10 =	sld [smem:$0x3FB9]  }
0x3d: {  	_ =	shalt  }
0x3e: {  	_ =	shalt  }
0x3f: {  	_ =	shalt  }
0x40: {  	_ =	shalt  }
0x41: {  	_ =	shalt  }
0x42: {  	_ =	shalt  }
0x43: {  	_ =	shalt  }
0x44: {  	_ =	shalt  }
0x45: {  	_ =	shalt  }
0x46: {  	_ =	shalt  }
0x47: {  	_ =	shalt  }
0x48: {  	_ =	shalt  }
0x49: {  	_ =	shalt  }
0x4a: {  	_ =	shalt  }
0x4b: {  	_ =	shalt  }
0x4c: {  	_ =	shalt  }
0x4d: {  	_ =	shalt  }
0x4e: {  	_ =	shalt  }
0x4f: {  	_ =	shalt  }
0x50: {  	_ =	shalt  }
0x51: {  	_ =	shalt  }
0x52: {  	_ =	shalt  }
0x53: {  	_ =	shalt  }
0x54: {  	_ =	shalt  }
0x55: {  	_ =	shalt  }
0x56: {  	_ =	shalt  }
0x57: {  	_ =	shalt  }
0x58: {  	_ =	shalt  }
0x59: {  	_ =	shalt  }
0x5a: {  	_ =	shalt  }
0x5b: {  	_ =	shalt  }
0x5c: {  	_ =	shalt  }
0x5d: {  	_ =	shalt  }
0x5e: {  	_ =	shalt  }
0x5f: {  	_ =	shalt  }
0x60: {  	_ =	shalt  }
0x61: {  	_ =	shalt  }
0x62: {  	_ =	shalt  }
0x63: {  	_ =	shalt  }
0x64: {  	_ =	shalt  }
0x65: {  	_ =	shalt  }
0x66: {  	_ =	shalt  }
0x67: {  	_ =	shalt  }
0x68: {  	_ =	shalt  }
0x69: {  	_ =	shalt  }
0x6a: {  	_ =	shalt  }
0x6b: {  	_ =	shalt  }
0x6c: {  	_ =	shalt  }
0x6d: {  	_ =	shalt  }
0x6e: {  	_ =	shalt  }
0x6f: {  	_ =	shalt  }
0x70: {  	_ =	shalt  }
0x71: {  	_ =	shalt  }
0x72: {  	_ =	shalt  }
0x73: {  	_ =	shalt  }
0x74: {  	_ =	shalt  }
0x75: {  	_ =	shalt  }
0x76: {  	_ =	shalt  }
0x77: {  	_ =	shalt  }
0x78: {  	_ =	shalt  }
0x79: {  	_ =	shalt  }
0x7a: {  	_ =	shalt  }
0x7b: {  	_ =	shalt  }
0x7c: {  	_ =	shalt  }
0x7d: {  	_ =	shalt  }
0x7e: {  	_ =	shalt  }
0x7f: {  	_ =	shalt  }
0x80: {  	_ =	shalt  }
0x81: {  	_ =	shalt  }
0x82: {  	_ =	shalt  }
0x83: {  	_ =	shalt  }
0x84: {  	_ =	shalt  }
0x85: {  	_ =	shalt  }
0x86: {  	_ =	shalt  }
0x87: {  	_ =	shalt  }
.Lfunc_end0:
.L_simem_size_0:
called_computation.1_lowered:
.L_overlay_start_0:
0x88: {  	s2 =	sld [smem:$0x3FD9]  }
0x89: {  	s3 =	sld [smem:$0x3FFE];
	_ =	sdelay $0x1  }
0x8a: {  	s1 =	srdreg.scid  }
0x8b: {  	s0 =	sand.u32 $0x1, s1  }
0x8c: {  	s17 =	sshll.u32 s0, $0xA;
	s2 =	sadd.s32 s3, s2  }
0x8d: {  	s2 =	sadd.s32 s2, s17  }
0x8e: {  	[smem:$0x3FC5] =	sst s2  }
0x8f: {  	_ = 	snop  }
0x90: {  	s2 =	sld [smem:$0x3FD0];
	(tm) =	ssettm $0x1  }
0x91: {  	s18 =	sld [smem:$0x3FFB];
	_ =	sdelay $0x3  }
0x92: {  	_ =	strace s18  }
0x93: {  	s3 =	sld [smem:$0x3FFC];
	_ =	sdelay $0x3  }
0x94: {  	_ =	strace s3  }
0x95: {  	s3 =	sld [smem:$0x3FFD];
	_ =	sdelay $0x3  }
0x96: {  	_ =	strace s3  }
0x97: {  	_ =	strace $0x8FFFFFFF  }
0x98: {  	s19 =	sld [smem:$0x3FDB];
	_ =	sdelay $0x1  }
0x99: {  	s4 =	simm.s32 $_scs_section_size  }
0x9a: {  	s5 =	simm.s32 $_size__tile_overlayer_lowered;
	s6 =	simm.s32 $_tile_overlayer_lowered  }
0x9b: {  	s22 =	simm.s32 $0x1BFF;
	s21 =	sshll.u32 s6, $0x1;
	s3 =	sadd.s32 s4, s19  }
0x9c: {  	s7 =	simm.s32 $0x0;
	s20 =	sshll.u32 s5, $0x1;
	s5 =	sadd.s32 s21, s3  }
0x9d: {  	[timem:s7], [sflag:s22] =	dma.local [hbm:s5], s20  }
0x9e: {  	_ =	swait.ge [sflag:s22], s20  }
0x9f: {  	s4 =	ssub.s32 $0x0, s20;
	[sflag:s22] =	ssyncset.done $0x0  }
0xa0: {  	[sflag:s22] =	ssyncadd.s32 s4;
	_ =	sdelay $0x1  }
0xa1: {  	s23 =	simm.s32 $0x1B8B  }
0xa2: {  	_ =	swait.ge [sflag:s23], $0x1  }
0xa3: {  	[sflag:s23] =	ssyncset.done $0x0  }
0xa4: {  	s25 =	simm.s32 $0x1B8E;
	s24 =	sld [smem:$0x3FFE];
	[sflag:s23] =	ssyncadd.s32 $0xFFFFFFFF  }
0xa5: {  	s26 =	simm.s32 $execute0_lowered;
	[smem:$0x3FD2] =	sst s25  }
0xa6: {  	s5 =	sshll.u32 s26, $0x1;
	_ =	strace $0x80000046;
	[dreg:$0x1] =	wrdreg $0xFFFFFFFF  }
0xa7: {  	s28 =	simm.s32 $_size_execute0_lowered;
	s3 =	sadd.s32 s3, s5;
	[dreg:$0x0] =	wrdreg $0x0  }
0xa8: {  	s5 =	sshll.u32 s28, $0x1;
	[dreg:$0x2] =	wrdreg s3  }
0xa9: {  	[dreg:$0x3] =	wrdreg s5  }
0xaa: {  	[dreg:$0x4] =	wrdreg $0xC0  }
0xab: {  	_ =	task [dreg:s7], $0x5FFFF  }
0xac: {  	[dreg:$0x1] =	wrdreg $0xFFFFFFFF  }
0xad: {  	[dreg:$0x0] =	wrdreg $0x60  }
0xae: {  	[dreg:$0x2] =	wrdreg s24  }
0xaf: {  	[dreg:$0x3] =	wrdreg s2  }
0xb0: {  	[dreg:$0x4] =	wrdreg $0x9  }
0xb1: {  	_ =	task.clear_ibuf [dreg:s7], $0x5FFFF;
	_ =	strace $0x90000046  }
0xb2: {  	s29 =	simm.s32 $0x9;
	_ =	strace $0x80000048  }
0xb3: {  	_ =	swait.ge [sflag:s29], $0x1  }
0xb4: {  	[sflag:s29] =	ssyncadd.s32 $0xFFFFFFFF  }
0xb5: {  	_ =	strace $0x90000048  }
0xb6: {  	_ =	sfence  }
0xb7: {  	s30 =	sld [smem:$0x0];
	_ =	sdelay $0x2  }
0xb8: {  	s31 =	sshll.u32 s1, $0xD;
	s1 =	sshrl.u32 s1, $0x2  }
0xb9: {  	s3 =	sand.u32 $0x4000, s31;
	s1 =	sadd.s32 s1, s30  }
0xba: {  	s0 =	sor.u32 s3, s0;
	s1 =	sshll.u32 s1, $0x11  }
0xbb: {  	s0 =	sor.u32 s1, s0  }
0xbc: {  	s0 =	sadd.s32 $0x8F2B, s0  }
0xbd: {  	[sflag:s0] =	ssyncadd.remote.s32 $0x1  }
0xbe: {  	_ =	sfence.sel $0xFFFF  }
0xbf: {  	[dreg:$0x0] =	wrdreg $0xFFFFFFFF;
	(pc) =	sbr.abs _section_cstart, $3  }
0xc0: {  	[dreg:$0x1] =	wrdreg $0xFFFFFFFF  }
0xc1: {  	_ =	task.clear_ibuf [dreg:s7], $0x2FFFF;
	_ =	strace $0x9FFFFFFF  }
0xc2: {  	(tm) =	ssettm $0x7FFFFFFF  }
0xc3: {  	_ =	shalt  }
tec
execute0_lowered:
.L_overlay_start_1:
0x0: {  	(tag) =	ssettag $0x1  }
0x1: {  	s0 =	rddreg [dreg:$0x0]  }
0x2: {  	s2 =	rddreg [dreg:$0x1];
	s1 =	srdreg.scid;
	s3 =	simm.s32 $0x0  }
0x3: {  	s4 =	stileid.u32;
	s17 =	simm.s32 $0x1;
	s18 =	simm.s32 $0x80  }
0x4: {  	s28 =	simm.s32 $0x500;
	s29 =	simm.s32 $0x600;
	s30 =	simm.s32 $0x4  }
0x5: {  	s31 =	simm.s32 $0x8100;
	s15 =	simm.s32 $0x8280;
	s16 =	simm.s32 $0x8300  }
0x6: {  	s1 =	sand.u32 $0x1, s1;
	[smem:$0x7FF] =	sst s3;
	s5 =	sshll.u32 s4, $0xF  }
0x7: {  	v0 =	vimm.f32 $1.000000010e-01;
	s4 =	sadd.s32 $0x40C00, s0;
	s6 =	sshll.u32 s1, $0xE;
	_ =	strace $0x80000047  }
0x8: {  	s7 =	sadd.s32 $0x20C00, s0;
	s8 =	sadd.s32 $0xC00, s0;
	s5 =	sor.u32 s6, s5;
	(erf) = vrcp.f32 v0  }
0x9: {  	s9 =	sadd.s32 $0x50C00, s0;
	s22 =	ssub.s32 $0x2, s1;
	s11 =	sshrl.u32 s5, $0x3  }
0xa: {  	s6 =	sadd.s32 $0x30C00, s0;
	s1 =	sshrl.u32 s22, $0x1;
	s23 =	sadd.s32 s4, s11  }
0xb: {  	s10 =	smul.u32 $0x78, s5;
	s25 =	sadd.s32 s6, s11;
	[dreg:$0x3] =	wrdreg s23  }
0xc: {  	s0 =	ssub.s32 s22, s1;
	s26 =	sadd.s32 s7, s11;
	[dreg:$0x4] =	wrdreg s25  }
0xd: {  	s14 =	simm.s32 $0x0;
	s0 =	smax.u32 s0, $0x1;
	[dreg:$0x5] =	wrdreg s26  }
0xe: {  	s11 =	simm.s32 $0x2;
	s10 =	sshrl.u32 s10, $0x3;
	[dreg:$0x7] =	wrdreg s0  }
0xf: {  	s25 =	simm.s32 $0x8000;
	s26 =	simm.s32 $0x7;
	s24 =	sadd.s32 s2, s10  }
0x10: {  	s0 =	simm.s32 $0x8200;
	s10 =	simm.s32 $0x8400;
	s1 =	sadd.s32 $0x3B100, s24  }
0x11: {  	v1 =	vimm.s32 $0x0;
	s24 =	simm.s32 $0x7F00;
	[dreg:$0x6] =	wrdreg s1;
	s1 =	simm.s32 $0x8180;
	v0 =	vpop (erf)  }
.LBB2_1:
0x12: {  	[dreg:$0x8] =	wrdreg s14  }
0x13: {  	s12 =	rddreg [dreg:$0x3]  }
0x14: {  	s21 =	rddreg [dreg:$0x4]  }
0x15: {  	[tilespmem:s3], [sflag:$0x1] =	stream.linear.gather [hbm4b:s12+s3], $0x100, $0x38;
	[tilespmem:$0xFC00] =	vst v63  }
0x16: {  	s13 =	simm.s32 $0x100;
	s22 =	rddreg [dreg:$0x5]  }
0x17: {  	[tilespmem:s13], [sflag:$0x1] =	stream.linear.gather [hbm4b:s21+s3], $0x100, $0x38;
	[tilespmem:$0xFC00] =	vst v63  }
0x18: {  	s23 =	simm.s32 $0x200;
	s14 =	simm.s32 $0x0;
	s13 =	simm.s32 $0x0  }
0x19: {  	[tilespmem:s23], [sflag:$0x1] =	stream.linear.gather [hbm4b:s22+s3], $0x100, $0x38;
	[tilespmem:$0xFC00] =	vst v63  }
.LBB2_2:
0x1a: {  	_ =	swait.ge [sflag:s17], $0x100  }
0x1b: {  	[sflag:s17] =	ssyncset.done $0x0  }
0x1c: {  	[sflag:s17] =	ssyncadd.s32 $0xFFFFFF00  }
0x1d: {  	_ =	swait.ge [sflag:s17], $0x100  }
0x1e: {  	[sflag:s17] =	ssyncset.done $0x0  }
0x1f: {  	[sflag:s17] =	ssyncadd.s32 $0xFFFFFF00  }
0x20: {  	_ =	swait.ge [sflag:s17], $0x100  }
0x21: {  	[sflag:s17] =	ssyncset.done $0x0  }
0x22: {  	[sflag:s17] =	ssyncadd.s32 $0xFFFFFF00  }
0x23: {  	v2 =	vld [tilespmem:$0x0]  }
0x24: {  	v3 =	vld [tilespmem:$0x100]  }
0x25: {  	v4 =	vld [tilespmem:$0x200]  }
0x26: {  	v8 =	vld [tilespmem:$0x10]  }
0x27: {  	v29 =	vld [tilespmem:$0x120]  }
0x28: {  	v33 =	vld [tilespmem:$0x30]  }
0x29: {  	v11 =	vld [tilespmem:$0x130]  }
0x2a: {  	v38 =	vld [tilespmem:$0x230]  }
0x2b: {  	v50 =	vld [tilespmem:$0x140]  }
0x2c: {  	v2 =	vmul.f32 v2, v0;
	v3 =	vmul.f32 v3, v0  }
0x2d: {  	v4 =	vmul.f32 v4, v0;
	v22 =	vmul.f32 v8, v0  }
0x2e: {  	v8 =	vmul.f32 v29, v0;
	v40 =	vmul.f32 v33, v0  }
0x2f: {  	v43 =	vmul.f32 v11, v0;
	v44 =	vmul.f32 v38, v0  }
0x30: {  	v56 =	vmul.f32 v50, v0;
	v5 =	vtrunc.f32 v2  }
0x31: {  	v7 =	vtrunc.f32 v3;
	v19 =	vtrunc.f32 v4  }
0x32: {  	v20 =	vld [tilespmem:$0x110];
	v23 =	vtrunc.f32 v22;
	v36 =	vtrunc.f32 v8  }
0x33: {  	v42 =	vtrunc.f32 v40;
	v47 =	vtrunc.f32 v43  }
0x34: {  	v49 =	vtrunc.f32 v44;
	v59 =	vtrunc.f32 v56  }
0x35: {  	v6 =	vcvt.f32.s32 v5;
	vm0 =	vlt.f32 v2, v5;
	v2 =	vcvt.f32.s32 v7  }
0x36: {  	vm1 =	vlt.f32 v3, v7;
	v3 =	vcvt.f32.s32 v19;
	vm2 =	vlt.f32 v4, v19  }
0x37: {  	v4 =	vmul.f32 v20, v0;
	vm15 =	vlt.f32 v22, v23;
	v12 =	vcvt.f32.s32 v36  }
0x38: {  	vm7 =	vlt.f32 v8, v36;
	vm9 =	vlt.f32 v40, v42;
	v8 =	vcvt.f32.s32 v42  }
0x39: {  	v48 =	vcvt.f32.s32 v47;
	vm10 =	vlt.f32 v43, v47;
	vm11 =	vlt.f32 v44, v49  }
0x3a: {  	v24 =	vld [tilespmem:$0x20];
	v60 =	vcvt.f32.s32 v59;
	vm13 =	vlt.f32 v56, v59;
	v21 =	vsel vm0, $0xFFFFFFFF, v1  }
0x3b: {  	v7 =	vsel vm1, $0xFFFFFFFF, v1;
	v9 =	vsel vm2, $0xFFFFFFFF, v1;
	v25 =	vsel vm15, $0xFFFFFFFF, v1  }
0x3c: {  	v13 =	vsel vm7, $0xFFFFFFFF, v1;
	v46 =	vsel vm9, $0xFFFFFFFF, v1;
	v51 =	vsel vm10, $0xFFFFFFFF, v1  }
0x3d: {  	v53 =	vsel vm11, $0xFFFFFFFF, v1;
	v63 =	vsel vm13, $0xFFFFFFFF, v1;
	v5 =	vadd.s32 v6, v21  }
0x3e: {  	v2 =	vadd.s32 v2, v7;
	v3 =	vadd.s32 v3, v9;
	v26 =	vtrunc.f32 v4  }
0x3f: {  	v6 =	vmul.f32 v24, v0;
	v41 =	vadd.s32 v12, v13;
	v8 =	vadd.s32 v8, v46  }
0x40: {  	v11 =	vadd.s32 v48, v51;
	v9 =	vcvt.f32.s32 v49;
	v18 =	vadd.s32 v60, v63  }
0x41: {  	v62 =	vld [tilespmem:$0x150];
	v5 =	vmul.u32 $0x6F45D, v5;
	v2 =	vmul.u32 $0x740A5, v2;
	v3 =	vmul.u32 $0x9FFB7, v3  }
0x42: {  	v10 =	vld [tilespmem:$0x210];
	v27 =	vcvt.f32.s32 v26;
	vm4 =	vlt.f32 v4, v26;
	v8 =	vmul.u32 $0x6F45D, v8  }
0x43: {  	v45 =	vld [tilespmem:$0x40];
	v11 =	vmul.u32 $0x740A5, v11;
	v30 =	vsel vm4, $0xFFFFFFFF, v1;
	v32 =	vtrunc.f32 v6  }
0x44: {  	v15 =	vld [tilespmem:$0x250];
	v54 =	vadd.s32 v9, v53;
	v2 =	vadd.s32 v5, v2;
	v5 =	vcvt.f32.s32 v23  }
0x45: {  	v24 =	vld [tilespmem:$0x60];
	v7 =	vadd.s32 v27, v30;
	vm6 =	vlt.f32 v6, v32;
	v34 =	vcvt.f32.s32 v32  }
0x46: {  	v8 =	vadd.s32 v8, v11;
	v23 =	vmul.f32 v62, v0;
	v2 =	vadd.s32 v3, v2  }
0x47: {  	v3 =	vmul.f32 v10, v0;
	v7 =	vmul.u32 $0x740A5, v7;
	v35 =	vsel vm6, $0xFFFFFFFF, v1  }
0x48: {  	v57 =	vld [tilespmem:$0x50];
	v10 =	vmul.f32 v45, v0;
	v5 =	vadd.s32 v5, v25;
	v2 =	vand.u32 $0xFFFFF, v2  }
0x49: {  	v36 =	vld [tilespmem:$0x70];
	v6 =	vadd.s32 v34, v35;
	v25 =	vmul.f32 v15, v0;
	v13 =	vtrunc.f32 v23  }
0x4a: {  	v53 =	vld [tilespmem:$0x180];
	v32 =	vmul.f32 v24, v0;
	v28 =	vtrunc.f32 v3;
	v5 =	vmul.u32 $0x6F45D, v5  }
0x4b: {  	v27 =	vld [tilespmem:$0x160];
	v6 =	vmul.u32 $0x6F45D, v6;
	v55 =	vtrunc.f32 v10;
	vm4 =	vlt.f32 v23, v13  }
0x4c: {  	v30 =	vld [tilespmem:$0x260];
	vm5 =	vlt.f32 v3, v28;
	v4 =	vcvt.f32.s32 v28;
	v9 =	vcvt.f32.s32 v55  }
0x4d: {  	v62 =	vld [tilespmem:$0x190];
	vm12 =	vlt.f32 v10, v55;
	v10 =	vmul.f32 v57, v0;
	v28 =	vcvt.f32.s32 v13  }
0x4e: {  	v29 =	vtrunc.f32 v25;
	v16 =	vsel vm4, $0xFFFFFFFF, v1;
	v13 =	vmul.f32 v36, v0  }
0x4f: {  	v60 =	vmul.f32 v53, v0;
	v31 =	vsel vm5, $0xFFFFFFFF, v1;
	v5 =	vadd.s32 v5, v7  }
0x50: {  	v7 =	vmul.u32 $0x740A5, v41;
	v58 =	vsel vm12, $0xFFFFFFFF, v1;
	v17 =	vcvt.f32.s32 v29  }
0x51: {  	vm5 =	vlt.f32 v25, v29;
	v34 =	vmul.f32 v27, v0;
	v35 =	vmul.f32 v30, v0  }
0x52: {  	v48 =	vld [tilespmem:$0x80];
	v29 =	vmul.f32 v62, v0;
	v4 =	vadd.s32 v4, v31;
	v9 =	vadd.s32 v9, v58  }
0x53: {  	v24 =	vld [tilespmem:$0x290];
	v22 =	vtrunc.f32 v10;
	v31 =	vsel vm5, $0xFFFFFFFF, v1;
	v33 =	vadd.s32 v28, v16  }
0x54: {  	v46 =	vtrunc.f32 v13;
	v16 =	vtrunc.f32 v60;
	v4 =	vmul.u32 $0x9FFB7, v4  }
0x55: {  	v3 =	vld [tilespmem:$0x220];
	v6 =	vadd.s32 v6, v7;
	v7 =	vmul.u32 $0x9FFB7, v54;
	v9 =	vmul.u32 $0x6F45D, v9  }
0x56: {  	vm15 =	vlt.f32 v10, v22;
	v10 =	vmul.u32 $0x740A5, v33;
	v38 =	vtrunc.f32 v34  }
0x57: {  	v41 =	vld [tilespmem:$0x170];
	v40 =	vtrunc.f32 v35;
	vm9 =	vlt.f32 v13, v46;
	v13 =	vmul.f32 v48, v0  }
0x58: {  	vm13 =	vlt.f32 v60, v16;
	v30 =	vmul.f32 v24, v0;
	v33 =	vtrunc.f32 v29  }
0x59: {  	v52 =	vld [tilespmem:$0x240];
	v26 =	vsel vm15, $0xFFFFFFFF, v1;
	vm7 =	vlt.f32 v34, v38;
	v12 =	vcvt.f32.s32 v40  }
0x5a: {  	v49 =	vsel vm9, $0xFFFFFFFF, v1;
	v34 =	vcvt.f32.s32 v33;
	v3 =	vmul.f32 v3, v0  }
0x5b: {  	vm4 =	vlt.f32 v29, v33;
	v42 =	vsel vm7, $0xFFFFFFFF, v1;
	v59 =	vtrunc.f32 v13  }
0x5c: {  	v47 =	vmul.f32 v41, v0;
	vm12 =	vlt.f32 v13, v59;
	v37 =	vtrunc.f32 v3  }
0x5d: {  	v13 =	vsel vm12, $0xFFFFFFFF, v1;
	v14 =	vcvt.f32.s32 v37;
	vm8 =	vlt.f32 v3, v37  }
0x5e: {  	v3 =	vadd.s32 v4, v5;
	v5 =	vmul.f32 v52, v0;
	v50 =	vtrunc.f32 v47  }
0x5f: {  	v39 =	vsel vm8, $0xFFFFFFFF, v1;
	vm8 =	vlt.f32 v35, v40;
	v51 =	vcvt.f32.s32 v50  }
0x60: {  	vm10 =	vlt.f32 v47, v50;
	v35 =	vtrunc.f32 v30;
	v3 =	vand.u32 $0xFFFFF, v3  }
0x61: {  	v43 =	vld [tilespmem:$0x270];
	v4 =	vadd.s32 v14, v39;
	v61 =	vtrunc.f32 v5;
	v14 =	vmul.u32 $0x740A5, v18  }
0x62: {  	v36 =	vld [tilespmem:$0x1A0];
	v39 =	vcvt.f32.s32 v38;
	v44 =	vsel vm8, $0xFFFFFFFF, v1;
	v54 =	vsel vm10, $0xFFFFFFFF, v1  }
0x63: {  	v18 =	vcvt.f32.s32 v16;
	vm5 =	vlt.f32 v30, v35;
	v4 =	vmul.u32 $0x9FFB7, v4  }
0x64: {  	vm14 =	vlt.f32 v5, v61;
	v11 =	vcvt.f32.s32 v61;
	v45 =	vadd.s32 v12, v44  }
0x65: {  	v12 =	vcvt.f32.s32 v46;
	v15 =	vadd.s32 v51, v54;
	v19 =	vsel vm14, $0xFFFFFFFF, v1  }
0x66: {  	v21 =	vadd.s32 v9, v14;
	v14 =	vadd.s32 v39, v42;
	v9 =	vmul.f32 v43, v0  }
0x67: {  	v15 =	vmul.u32 $0x740A5, v15;
	v39 =	vsel vm5, $0xFFFFFFFF, v1;
	v42 =	vmul.f32 v36, v0  }
0x68: {  	v5 =	vadd.s32 v4, v6;
	v4 =	vadd.s32 v7, v8;
	v20 =	vadd.s32 v11, v19  }
0x69: {  	v55 =	vld [tilespmem:$0x280];
	v8 =	vcvt.f32.s32 v22;
	v7 =	vadd.s32 v17, v31;
	v11 =	vtrunc.f32 v32  }
0x6a: {  	v48 =	vld [tilespmem:$0x1B0];
	v14 =	vmul.u32 $0x740A5, v14;
	v12 =	vadd.s32 v12, v49;
	v19 =	vsel vm13, $0xFFFFFFFF, v1  }
0x6b: {  	v6 =	vmul.u32 $0x9FFB7, v20;
	vm6 =	vlt.f32 v32, v11;
	v11 =	vcvt.f32.s32 v11  }
0x6c: {  	v61 =	vld [tilespmem:$0x90];
	v7 =	vmul.u32 $0x9FFB7, v7;
	v52 =	vtrunc.f32 v9;
	v12 =	vmul.u32 $0x6F45D, v12  }
0x6d: {  	[tilespmem:$0x310] =	vst v3;
	v27 =	vadd.s32 v18, v19;
	v3 =	vand.u32 $0xFFFFF, v5;
	v8 =	vadd.s32 v8, v26  }
0x6e: {  	v37 =	vsel vm6, $0xFFFFFFFF, v1;
	vm11 =	vlt.f32 v9, v52;
	v9 =	vmul.f32 v55, v0  }
0x6f: {  	v55 =	vmul.f32 v48, v0;
	[tilespmem:$0x320] =	vst v3;
	v3 =	vand.u32 $0xFFFFF, v4;
	v6 =	vadd.s32 v6, v21  }
0x70: {  	v8 =	vmul.u32 $0x6F45D, v8;
	v11 =	vadd.s32 v11, v37;
	v56 =	vsel vm11, $0xFFFFFFFF, v1  }
0x71: {  	v31 =	vld [tilespmem:$0xA0];
	v58 =	vadd.s32 v12, v15;
	v12 =	vcvt.f32.s32 v59;
	v26 =	vmul.f32 v61, v0  }
0x72: {  	v37 =	vsel vm4, $0xFFFFFFFF, v1;
	v15 =	vcvt.f32.s32 v35;
	v11 =	vmul.u32 $0x6F45D, v11  }
0x73: {  	v63 =	vtrunc.f32 v9;
	v17 =	vadd.s32 v34, v37;
	v19 =	vtrunc.f32 v55  }
0x74: {  	v8 =	vadd.s32 v8, v10;
	v10 =	vmul.u32 $0x9FFB7, v45;
	v20 =	vcvt.f32.s32 v63  }
0x75: {  	vm14 =	vlt.f32 v9, v63;
	v12 =	vadd.s32 v12, v13;
	v28 =	vtrunc.f32 v26  }
0x76: {  	v13 =	vmul.u32 $0x740A5, v27;
	v17 =	vmul.u32 $0x740A5, v17;
	v16 =	vmul.f32 v31, v0  }
0x77: {  	v38 =	vld [tilespmem:$0x2A0];
	v40 =	vadd.s32 v15, v39;
	v45 =	vtrunc.f32 v42;
	v59 =	vcvt.f32.s32 v19  }
0x78: {  	vm10 =	vlt.f32 v55, v19;
	v11 =	vadd.s32 v11, v14;
	v14 =	vcvt.f32.s32 v52  }
0x79: {  	v43 =	vld [tilespmem:$0xB0];
	v7 =	vadd.s32 v7, v8;
	v25 =	vsel vm14, $0xFFFFFFFF, v1;
	v12 =	vmul.u32 $0x6F45D, v12  }
0x7a: {  	v61 =	vld [tilespmem:$0x1C0];
	vm15 =	vlt.f32 v26, v28;
	v46 =	vcvt.f32.s32 v45;
	vm7 =	vlt.f32 v42, v45  }
0x7b: {  	v35 =	vld [tilespmem:$0x2D0];
	v62 =	vsel vm10, $0xFFFFFFFF, v1;
	v8 =	vadd.s32 v10, v11;
	v32 =	vsel vm15, $0xFFFFFFFF, v1  }
0x7c: {  	v21 =	vld [tilespmem:$0x2B0];
	v41 =	vtrunc.f32 v16;
	v11 =	vmul.f32 v38, v0;
	v49 =	vsel vm7, $0xFFFFFFFF, v1  }
0x7d: {  	v57 =	vadd.s32 v14, v56;
	v14 =	vcvt.f32.s32 v28;
	v12 =	vadd.s32 v12, v13  }
0x7e: {  	v27 =	vld [tilespmem:$0xD0];
	v13 =	vmul.u32 $0x9FFB7, v40;
	vm6 =	vlt.f32 v16, v41;
	v15 =	vcvt.f32.s32 v41  }
0x7f: {  	v50 =	vadd.s32 v46, v49;
	v16 =	vmul.f32 v43, v0;
	v29 =	vmul.f32 v61, v0  }
0x80: {  	v18 =	vmul.f32 v35, v0;
	v35 =	vand.u32 $0xFFFFF, v8;
	v10 =	vmul.u32 $0x9FFB7, v57  }
0x81: {  	v44 =	vsel vm6, $0xFFFFFFFF, v1;
	v47 =	vtrunc.f32 v11;
	v57 =	vmul.f32 v21, v0  }
0x82: {  	v14 =	vadd.s32 v14, v32;
	v15 =	vadd.s32 v15, v44;
	v54 =	vtrunc.f32 v16  }
0x83: {  	vm8 =	vlt.f32 v11, v47;
	v31 =	vtrunc.f32 v29;
	v37 =	vmul.f32 v27, v0  }
0x84: {  	v46 =	vtrunc.f32 v18;
	v9 =	vadd.s32 v10, v58;
	v10 =	vadd.s32 v20, v25  }
0x85: {  	v14 =	vmul.u32 $0x6F45D, v14;
	v51 =	vsel vm8, $0xFFFFFFFF, v1;
	v15 =	vmul.u32 $0x6F45D, v15  }
0x86: {  	v63 =	vld [tilespmem:$0x2C0];
	v20 =	vmul.u32 $0x740A5, v50;
	vm9 =	vlt.f32 v16, v54;
	v60 =	vtrunc.f32 v57  }
0x87: {  	v56 =	vld [tilespmem:$0xC0];
	v25 =	vadd.s32 v59, v62;
	v33 =	vcvt.f32.s32 v31;
	vm13 =	vlt.f32 v29, v31  }
0x88: {  	v43 =	vld [tilespmem:$0xE0];
	vm5 =	vlt.f32 v18, v46;
	v10 =	vmul.u32 $0x9FFB7, v10;
	v58 =	vsel vm9, $0xFFFFFFFF, v1  }
0x89: {  	v22 =	vcvt.f32.s32 v60;
	vm11 =	vlt.f32 v57, v60;
	v36 =	vsel vm13, $0xFFFFFFFF, v1  }
0x8a: {  	v40 =	vtrunc.f32 v37;
	v50 =	vsel vm5, $0xFFFFFFFF, v1;
	v14 =	vadd.s32 v14, v17  }
0x8b: {  	v17 =	vcvt.f32.s32 v47;
	v53 =	vadd.s32 v15, v20;
	v23 =	vsel vm11, $0xFFFFFFFF, v1  }
0x8c: {  	v32 =	vld [tilespmem:$0x1D0];
	v24 =	vmul.f32 v56, v0;
	v15 =	vmul.f32 v63, v0;
	v38 =	vadd.s32 v33, v36  }
0x8d: {  	vm15 =	vlt.f32 v37, v40;
	v21 =	vmul.f32 v43, v0;
	v11 =	vadd.s32 v10, v12  }
0x8e: {  	v10 =	vadd.s32 v13, v14;
	v14 =	vcvt.f32.s32 v54;
	v13 =	vadd.s32 v22, v23  }
0x8f: {  	v20 =	vmul.u32 $0x740A5, v38;
	v23 =	vcvt.f32.s32 v40;
	v42 =	vsel vm15, $0xFFFFFFFF, v1  }
0x90: {  	v62 =	vld [tilespmem:$0x1F0];
	v52 =	vadd.s32 v17, v51;
	v17 =	vmul.u32 $0x740A5, v25;
	v26 =	vtrunc.f32 v24  }
0x91: {  	v13 =	vmul.u32 $0x9FFB7, v13;
	v34 =	vtrunc.f32 v15;
	v41 =	vmul.f32 v32, v0  }
0x92: {  	v55 =	vtrunc.f32 v21;
	v12 =	vmul.u32 $0x9FFB7, v52;
	v14 =	vadd.s32 v14, v58  }
0x93: {  	v28 =	vcvt.f32.s32 v26;
	vm12 =	vlt.f32 v24, v26;
	vm14 =	vlt.f32 v15, v34  }
0x94: {  	v47 =	vld [tilespmem:$0x1E0];
	v16 =	vcvt.f32.s32 v34;
	v19 =	vadd.s32 v23, v42;
	v15 =	vcvt.f32.s32 v46  }
0x95: {  	v57 =	vcvt.f32.s32 v55;
	vm6 =	vlt.f32 v21, v55;
	v29 =	vmul.f32 v62, v0  }
0x96: {  	v34 =	vand.u32 $0xFFFFF, v7;
	v14 =	vmul.u32 $0x6F45D, v14;
	v30 =	vsel vm12, $0xFFFFFFFF, v1  }
0x97: {  	v39 =	vsel vm14, $0xFFFFFFFF, v1;
	v44 =	vtrunc.f32 v41;
	v19 =	vmul.u32 $0x6F45D, v19  }
0x98: {  	v12 =	vadd.s32 v12, v53;
	v16 =	vadd.s32 v16, v39;
	v45 =	vcvt.f32.s32 v44  }
0x99: {  	v51 =	vld [tilespmem:$0x2E0];
	vm4 =	vlt.f32 v41, v44;
	v15 =	vadd.s32 v15, v50;
	v56 =	vmul.f32 v47, v0  }
0x9a: {  	v25 =	vld [tilespmem:$0x2F0];
	v32 =	vtrunc.f32 v29;
	v39 =	vand.u32 $0xFFFFF, v9;
	v41 =	vand.u32 $0xFFFFF, v11  }
0x9b: {  	v44 =	vand.u32 $0xFFFFF, v10;
	v14 =	vadd.s32 v14, v17;
	v17 =	vadd.s32 v28, v30  }
0x9c: {  	v16 =	vmul.u32 $0x9FFB7, v16;
	v48 =	vsel vm4, $0xFFFFFFFF, v1;
	v15 =	vmul.u32 $0x9FFB7, v15  }
0x9d: {  	v30 =	vand.u32 $0xFFFFF, v6;
	vm10 =	vlt.f32 v29, v32;
	v36 =	vcvt.f32.s32 v32  }
0x9e: {  	v17 =	vmul.u32 $0x6F45D, v17;
	v49 =	vadd.s32 v45, v48;
	v58 =	vtrunc.f32 v56  }
0x9f: {  	v13 =	vadd.s32 v13, v14;
	v59 =	vmul.f32 v51, v0;
	v33 =	vmul.f32 v25, v0  }
0xa0: {  	v53 =	vld [tilespmem:$0xF0];
	v37 =	vsel vm10, $0xFFFFFFFF, v1;
	v45 =	vand.u32 $0xFFFFF, v12;
	v18 =	vmul.u32 $0x740A5, v49  }
0xa1: {  	v61 =	vcvt.f32.s32 v58;
	vm7 =	vlt.f32 v56, v58;
	v4 =	vadd.s32 v36, v37  }
0xa2: {  	v46 =	vand.u32 $0xFFFFF, v13;
	v17 =	vadd.s32 v17, v20;
	v63 =	vtrunc.f32 v59  }
0xa3: {  	[tilespmem:$0x300] =	vst v2;
	v21 =	vsel vm7, $0xFFFFFFFF, v1;
	v38 =	vtrunc.f32 v33;
	v4 =	vmul.u32 $0x740A5, v4  }
0xa4: {  	[tilespmem:$0x330] =	vst v3;
	v52 =	vadd.s32 v16, v17;
	v54 =	vadd.s32 v19, v18;
	v18 =	vsel vm6, $0xFFFFFFFF, v1  }
0xa5: {  	[tilespmem:$0x360] =	vst v35;
	v16 =	vmul.f32 v53, v0;
	v24 =	vcvt.f32.s32 v63;
	vm8 =	vlt.f32 v59, v63  }
0xa6: {  	[tilespmem:$0x350] =	vst v34;
	vm11 =	vlt.f32 v33, v38;
	v40 =	vcvt.f32.s32 v38;
	v15 =	vadd.s32 v15, v54  }
0xa7: {  	[tilespmem:$0x370] =	vst v39;
	v60 =	vadd.s32 v57, v18;
	v18 =	vadd.s32 v61, v21;
	v27 =	vtrunc.f32 v16  }
0xa8: {  	[tilespmem:$0x380] =	vst v41;
	v26 =	vsel vm8, $0xFFFFFFFF, v1;
	vm9 =	vlt.f32 v16, v27;
	v28 =	vcvt.f32.s32 v27  }
0xa9: {  	[tilespmem:$0x390] =	vst v44;
	v42 =	vsel vm11, $0xFFFFFFFF, v1;
	v2 =	vadd.s32 v24, v26;
	v31 =	vsel vm9, $0xFFFFFFFF, v1  }
0xaa: {  	[tilespmem:$0x340] =	vst v30;
	v47 =	vmul.u32 $0x6F45D, v60;
	v48 =	vmul.u32 $0x740A5, v18;
	v3 =	vadd.s32 v28, v31  }
0xab: {  	[tilespmem:$0x3A0] =	vst v45;
	v43 =	vadd.s32 v40, v42;
	v2 =	vmul.u32 $0x9FFB7, v2;
	v3 =	vmul.u32 $0x6F45D, v3  }
0xac: {  	[tilespmem:$0x3B0] =	vst v46;
	v50 =	vand.u32 $0xFFFFF, v52;
	v5 =	vmul.u32 $0x9FFB7, v43;
	v49 =	vadd.s32 v47, v48  }
0xad: {  	[tilespmem:$0x3C0] =	vst v50;
	v51 =	vand.u32 $0xFFFFF, v15;
	v2 =	vadd.s32 v2, v49;
	v3 =	vadd.s32 v3, v4  }
0xae: {  	s12 =	sshll.u32 s13, $0x8;
	[tilespmem:$0x3D0] =	vst v51;
	v2 =	vand.u32 $0xFFFFF, v2;
	v3 =	vadd.s32 v5, v3  }
0xaf: {  	s12 =	sadd.s32 s5, s12;
	[tilespmem:$0x3E0] =	vst v2;
	v2 =	vand.u32 $0xFFFFF, v3  }
0xb0: {  	s19 =	simm.s32 $0x300;
	s20 =	simm.s32 $0x400;
	s21 =	sshrl.u32 s12, $0x3;
	[tilespmem:$0x3F0] =	vst v2  }
0xb1: {  	[tilespmem:s20], [sflag:$0x7] =	stream.indirect.gather [hbm4b:s8+s18], $0x1, s19, s18, $0xb8;
	[tilespmem:$0xFC00] =	vst v63  }
0xb2: {  	s22 =	simm.s32 $0x380;
	s23 =	simm.s32 $0x480;
	s19 =	sor.u32 $0x20, s21  }
0xb3: {  	[tilespmem:s23], [sflag:$0x7] =	stream.indirect.gather [hbm4b:s8+s18], $0x1, s22, s18, $0xb8;
	[tilespmem:$0xFC00] =	vst v63  }
0xb4: {  	s21 =	simm.s32 $0x7E00;
	s22 =	sadd.s32 s4, s19  }
0xb5: {  	[tilespmem:s21], [sflag:$0x4] =	stream.linear.gather [hbm4b:s22+s3], $0x100, $0x38;
	[tilespmem:$0xFC00] =	vst v63  }
0xb6: {  	s23 =	sadd.s32 s6, s19  }
0xb7: {  	[tilespmem:s24], [sflag:$0x4] =	stream.linear.gather [hbm4b:s23+s3], $0x100, $0x38;
	[tilespmem:$0xFC00] =	vst v63  }
0xb8: {  	s19 =	sadd.s32 s7, s19  }
0xb9: {  	[tilespmem:s25], [sflag:$0x4] =	stream.linear.gather [hbm4b:s19+s3], $0x100, $0x38;
	[tilespmem:$0xFC00] =	vst v63  }
0xba: {  	_ =	swait.ge [sflag:s26], $0x80  }
0xbb: {  	[sflag:s26] =	ssyncset.done $0x0  }
0xbc: {  	[sflag:s26] =	ssyncadd.s32 $0xFFFFFF80  }
0xbd: {  	_ =	swait.ge [sflag:s26], $0x80  }
0xbe: {  	[sflag:s26] =	ssyncset.done $0x0  }
0xbf: {  	[sflag:s26] =	ssyncadd.s32 $0xFFFFFF80  }
0xc0: {  	v2 =	vld [tilespmem:$0x400]  }
0xc1: {  	v3 =	vld [tilespmem:$0x410]  }
0xc2: {  	v52 =	vld [tilespmem:$0x420]  }
0xc3: {  	v53 =	vld [tilespmem:$0x430]  }
0xc4: {  	v54 =	vld [tilespmem:$0x440]  }
0xc5: {  	v55 =	vld [tilespmem:$0x450];
	vm12 =	vgt.s32 v2, $0xFFFFFFFF  }
0xc6: {  	v56 =	vld [tilespmem:$0x460];
	vm13 =	vgt.s32 v3, $0xFFFFFFFF;
	v2 =	vnsel vm12, $0x45C00, v2  }
0xc7: {  	vm14 =	vgt.s32 v52, $0xFFFFFFFF;
	[tilespmem:$0x500] =	vst v2;
	v2 =	vnsel vm13, $0x45C00, v3;
	v3 =	vld [tilespmem:$0x470]  }
0xc8: {  	v57 =	vld [tilespmem:$0x480];
	vm15 =	vgt.s32 v53, $0xFFFFFFFF;
	[tilespmem:$0x510] =	vst v2;
	v2 =	vnsel vm14, $0x45C00, v52  }
0xc9: {  	v58 =	vld [tilespmem:$0x490];
	vm4 =	vgt.s32 v54, $0xFFFFFFFF;
	[tilespmem:$0x520] =	vst v2;
	v2 =	vnsel vm15, $0x45C00, v53  }
0xca: {  	v59 =	vld [tilespmem:$0x4A0];
	vm5 =	vgt.s32 v55, $0xFFFFFFFF;
	[tilespmem:$0x530] =	vst v2;
	v2 =	vnsel vm4, $0x45C00, v54  }
0xcb: {  	v60 =	vld [tilespmem:$0x4B0];
	vm6 =	vgt.s32 v56, $0xFFFFFFFF;
	[tilespmem:$0x540] =	vst v2;
	v2 =	vnsel vm5, $0x45C00, v55  }
0xcc: {  	v61 =	vld [tilespmem:$0x4C0];
	[tilespmem:$0x550] =	vst v2;
	v2 =	vnsel vm6, $0x45C00, v56;
	vm7 =	vgt.s32 v3, $0xFFFFFFFF  }
0xcd: {  	vm8 =	vgt.s32 v57, $0xFFFFFFFF;
	[tilespmem:$0x560] =	vst v2;
	v2 =	vnsel vm7, $0x45C00, v3;
	v3 =	vld [tilespmem:$0x4D0]  }
0xce: {  	v62 =	vld [tilespmem:$0x4E0];
	vm9 =	vgt.s32 v58, $0xFFFFFFFF;
	[tilespmem:$0x570] =	vst v2;
	v2 =	vnsel vm8, $0x45C00, v57  }
0xcf: {  	v63 =	vld [tilespmem:$0x4F0];
	vm10 =	vgt.s32 v59, $0xFFFFFFFF;
	[tilespmem:$0x580] =	vst v2;
	v2 =	vnsel vm9, $0x45C00, v58  }
0xd0: {  	vm11 =	vgt.s32 v60, $0xFFFFFFFF;
	[tilespmem:$0x590] =	vst v2;
	v2 =	vnsel vm10, $0x45C00, v59  }
0xd1: {  	vm12 =	vgt.s32 v61, $0xFFFFFFFF;
	[tilespmem:$0x5A0] =	vst v2;
	v2 =	vnsel vm11, $0x45C00, v60  }
0xd2: {  	[tilespmem:$0x5B0] =	vst v2;
	v2 =	vnsel vm12, $0x45C00, v61;
	vm13 =	vgt.s32 v3, $0xFFFFFFFF  }
0xd3: {  	vm14 =	vgt.s32 v62, $0xFFFFFFFF;
	[tilespmem:$0x5C0] =	vst v2;
	v2 =	vnsel vm13, $0x45C00, v3  }
0xd4: {  	vm15 =	vgt.s32 v63, $0xFFFFFFFF;
	[tilespmem:$0x5D0] =	vst v2;
	v2 =	vnsel vm14, $0x45C00, v62  }
0xd5: {  	p0 =	seq.s32 s13, $0x0;
	[tilespmem:$0x5E0] =	vst v2;
	v2 =	vnsel vm15, $0x45C00, v63  }
0xd6: {  	s19 =	simm.s32 @!p0 $0x3;
	[tilespmem:$0x5F0] =	vst v2  }
0xd7: {  	_ =	swait.ge @!p0 [sflag:s19], $0x7800  }
0xd8: {  	[sflag:s19] =	ssyncset.done @!p0 $0x0  }
0xd9: {  	s21 =	simm.s32 $0x580;
	[sflag:s19] =	ssyncadd.s32 @!p0 $0xFFFF8800  }
0xda: {  	[tilespmem:s29], [sflag:$0x2] =	stream.indirect.gather [hbm4b:s9+s18], $0x78, s28, s18, $0xb8;
	[tilespmem:$0xFC00] =	vst v63  }
0xdb: {  	v2 =	vld [tilespmem:s21+$0x0];
	_ =	sdelay $0x4  }
0xdc: {  	v2 =	vmul.u32 $0x78, v2;
	_ =	sdelay $0x1  }
0xdd: {  	v2 =	vshrl.u32 v2, $0x3  }
0xde: {  	v2 =	vadd.s32 s9, v2  }
0xdf: {  	(v2sf) =	vpush v2, $0x0;
	_ =	sdelay $0x1  }
0xe0: {  	(v2sf) =	vpush v2, $0x1;
	_ =	sdelay $0x1  }
0xe1: {  	(v2sf) =	vpush v2, $0x2;
	_ =	sdelay $0x1  }
0xe2: {  	(v2sf) =	vpush v2, $0x3;
	_ =	sdelay $0x1  }
0xe3: {  	(v2sf) =	vpush v2, $0x4;
	_ =	sdelay $0x1  }
0xe4: {  	(v2sf) =	vpush v2, $0x5;
	_ =	sdelay $0x1  }
0xe5: {  	(v2sf) =	vpush v2, $0x6;
	_ =	sdelay $0x1  }
0xe6: {  	(v2sf) =	vpush v2, $0x7  }
0xe7: {  	s22 =	simm.s32 $0x4200;
	s23 =	spop (v2sf)  }
0xe8: {  	(v2sf) =	vpush v2, $0x8;
	[tilespmem:s22], [sflag:$0x2] =	stream.linear.gather [hbm4b:s23+s3], $0x78, $0x38;
	[tilespmem:$0xFC00] =	vst v63  }
0xe9: {  	s20 =	simm.s32 $0x4278;
	s21 =	spop (v2sf)  }
0xea: {  	(v2sf) =	vpush v2, $0x9;
	[tilespmem:s20], [sflag:$0x2] =	stream.linear.gather [hbm4b:s21+s3], $0x78, $0x38;
	[tilespmem:$0xFC00] =	vst v63  }
0xeb: {  	s22 =	simm.s32 $0x42F0;
	s23 =	spop (v2sf)  }
0xec: {  	(v2sf) =	vpush v2, $0xA;
	[tilespmem:s22], [sflag:$0x2] =	stream.linear.gather [hbm4b:s23+s3], $0x78, $0x38;
	[tilespmem:$0xFC00] =	vst v63  }
0xed: {  	s20 =	simm.s32 $0x4368;
	s21 =	spop (v2sf)  }
0xee: {  	(v2sf) =	vpush v2, $0xB;
	[tilespmem:s20], [sflag:$0x2] =	stream.linear.gather [hbm4b:s21+s3], $0x78, $0x38;
	[tilespmem:$0xFC00] =	vst v63  }
0xef: {  	s22 =	simm.s32 $0x43E0;
	s23 =	spop (v2sf)  }
0xf0: {  	(v2sf) =	vpush v2, $0xC;
	[tilespmem:s22], [sflag:$0x2] =	stream.linear.gather [hbm4b:s23+s3], $0x78, $0x38;
	[tilespmem:$0xFC00] =	vst v63  }
0xf1: {  	s20 =	simm.s32 $0x4458;
	s21 =	spop (v2sf)  }
0xf2: {  	(v2sf) =	vpush v2, $0xD;
	[tilespmem:s20], [sflag:$0x2] =	stream.linear.gather [hbm4b:s21+s3], $0x78, $0x38;
	[tilespmem:$0xFC00] =	vst v63  }
0xf3: {  	s22 =	simm.s32 $0x44D0;
	s23 =	spop (v2sf)  }
0xf4: {  	(v2sf) =	vpush v2, $0xE;
	[tilespmem:s22], [sflag:$0x2] =	stream.linear.gather [hbm4b:s23+s3], $0x78, $0x38;
	[tilespmem:$0xFC00] =	vst v63  }
0xf5: {  	s20 =	simm.s32 $0x4548;
	s21 =	spop (v2sf)  }
0xf6: {  	(v2sf) =	vpush v2, $0xF;
	[tilespmem:s20], [sflag:$0x2] =	stream.linear.gather [hbm4b:s21+s3], $0x78, $0x38;
	[tilespmem:$0xFC00] =	vst v63  }
0xf7: {  	s22 =	simm.s32 $0x45C0;
	s23 =	spop (v2sf)  }
0xf8: {  	[tilespmem:s22], [sflag:$0x2] =	stream.linear.gather [hbm4b:s23+s3], $0x78, $0x38;
	[tilespmem:$0xFC00] =	vst v63  }
0xf9: {  	s20 =	simm.s32 $0x4638;
	s21 =	spop (v2sf)  }
0xfa: {  	[tilespmem:s20], [sflag:$0x2] =	stream.linear.gather [hbm4b:s21+s3], $0x78, $0x38;
	[tilespmem:$0xFC00] =	vst v63  }
0xfb: {  	s22 =	simm.s32 $0x46B0;
	s23 =	spop (v2sf)  }
0xfc: {  	[tilespmem:s22], [sflag:$0x2] =	stream.linear.gather [hbm4b:s23+s3], $0x78, $0x38;
	[tilespmem:$0xFC00] =	vst v63  }
0xfd: {  	s20 =	simm.s32 $0x4728;
	s21 =	spop (v2sf)  }
0xfe: {  	[tilespmem:s20], [sflag:$0x2] =	stream.linear.gather [hbm4b:s21+s3], $0x78, $0x38;
	[tilespmem:$0xFC00] =	vst v63  }
0xff: {  	s22 =	simm.s32 $0x47A0;
	s23 =	spop (v2sf)  }
0x100: {  	[tilespmem:s22], [sflag:$0x2] =	stream.linear.gather [hbm4b:s23+s3], $0x78, $0x38;
	[tilespmem:$0xFC00] =	vst v63  }
0x101: {  	s20 =	simm.s32 $0x4818;
	s21 =	spop (v2sf)  }
0x102: {  	[tilespmem:s20], [sflag:$0x2] =	stream.linear.gather [hbm4b:s21+s3], $0x78, $0x38;
	[tilespmem:$0xFC00] =	vst v63  }
0x103: {  	s19 =	simm.s32 $0x1E00;
	s22 =	simm.s32 $0x4890;
	s23 =	spop (v2sf)  }
0x104: {  	[tilespmem:s22], [sflag:$0x2] =	stream.linear.gather [hbm4b:s23+s3], $0x78, $0x38;
	[tilespmem:$0xFC00] =	vst v63  }
0x105: {  	s21 =	simm.s32 $0x4908;
	s20 =	simm.s32 $0x590;
	s22 =	spop (v2sf)  }
.LBB2_3:
0x106: {  	[tilespmem:s21], [sflag:$0x2] =	stream.linear.gather [hbm4b:s22+s3], $0x78, $0x38;
	[tilespmem:$0xFC00] =	vst v63  }
0x107: {  	p1 =	sne.s32 s19, $0xD200;
	s21 =	smov.u32 s19;
	s19 =	sadd.s32 $0x1E00, s19;
	v2 =	vld [tilespmem:s20+$0x0]  }
0x108: {  	_ =	sdelay $0x3  }
0x109: {  	v2 =	vmul.u32 $0x78, v2;
	_ =	sdelay $0x1  }
0x10a: {  	v2 =	vshrl.u32 v2, $0x3  }
0x10b: {  	v2 =	vadd.s32 s9, v2  }
0x10c: {  	(v2sf) =	vpush v2, $0x0;
	_ =	sdelay $0x1  }
0x10d: {  	(v2sf) =	vpush v2, $0x1;
	_ =	sdelay $0x1  }
0x10e: {  	(v2sf) =	vpush v2, $0x2;
	_ =	sdelay $0x1  }
0x10f: {  	(v2sf) =	vpush v2, $0x3;
	_ =	sdelay $0x1  }
0x110: {  	(v2sf) =	vpush v2, $0x4;
	_ =	sdelay $0x1  }
0x111: {  	(v2sf) =	vpush v2, $0x5;
	_ =	sdelay $0x1  }
0x112: {  	(v2sf) =	vpush v2, $0x6;
	_ =	sdelay $0x1  }
0x113: {  	s21 =	sshra.s32 s21, $0x2;
	(v2sf) =	vpush v2, $0x7  }
0x114: {  	s22 =	sadd.s32 $0x4200, s21;
	s23 =	spop (v2sf)  }
0x115: {  	[tilespmem:s22], [sflag:$0x2] =	stream.linear.gather [hbm4b:s23+s3], $0x78, $0x38;
	(v2sf) =	vpush v2, $0x8;
	[tilespmem:$0xFC00] =	vst v63  }
0x116: {  	s22 =	sadd.s32 $0x4278, s21;
	s23 =	spop (v2sf)  }
0x117: {  	[tilespmem:s22], [sflag:$0x2] =	stream.linear.gather [hbm4b:s23+s3], $0x78, $0x38;
	(v2sf) =	vpush v2, $0x9;
	[tilespmem:$0xFC00] =	vst v63  }
0x118: {  	s22 =	sadd.s32 $0x42F0, s21;
	s23 =	spop (v2sf)  }
0x119: {  	[tilespmem:s22], [sflag:$0x2] =	stream.linear.gather [hbm4b:s23+s3], $0x78, $0x38;
	(v2sf) =	vpush v2, $0xA;
	[tilespmem:$0xFC00] =	vst v63  }
0x11a: {  	s22 =	sadd.s32 $0x4368, s21;
	s23 =	spop (v2sf)  }
0x11b: {  	[tilespmem:s22], [sflag:$0x2] =	stream.linear.gather [hbm4b:s23+s3], $0x78, $0x38;
	(v2sf) =	vpush v2, $0xB;
	[tilespmem:$0xFC00] =	vst v63  }
0x11c: {  	s22 =	sadd.s32 $0x43E0, s21;
	s23 =	spop (v2sf)  }
0x11d: {  	[tilespmem:s22], [sflag:$0x2] =	stream.linear.gather [hbm4b:s23+s3], $0x78, $0x38;
	(v2sf) =	vpush v2, $0xC;
	[tilespmem:$0xFC00] =	vst v63  }
0x11e: {  	s22 =	sadd.s32 $0x4458, s21;
	s23 =	spop (v2sf)  }
0x11f: {  	[tilespmem:s22], [sflag:$0x2] =	stream.linear.gather [hbm4b:s23+s3], $0x78, $0x38;
	(v2sf) =	vpush v2, $0xD;
	[tilespmem:$0xFC00] =	vst v63  }
0x120: {  	s22 =	sadd.s32 $0x44D0, s21;
	s23 =	spop (v2sf)  }
0x121: {  	[tilespmem:s22], [sflag:$0x2] =	stream.linear.gather [hbm4b:s23+s3], $0x78, $0x38;
	(v2sf) =	vpush v2, $0xE;
	[tilespmem:$0xFC00] =	vst v63  }
0x122: {  	s22 =	sadd.s32 $0x4548, s21;
	s23 =	spop (v2sf)  }
0x123: {  	[tilespmem:s22], [sflag:$0x2] =	stream.linear.gather [hbm4b:s23+s3], $0x78, $0x38;
	(v2sf) =	vpush v2, $0xF;
	[tilespmem:$0xFC00] =	vst v63  }
0x124: {  	s22 =	sadd.s32 $0x45C0, s21;
	s23 =	spop (v2sf)  }
0x125: {  	[tilespmem:s22], [sflag:$0x2] =	stream.linear.gather [hbm4b:s23+s3], $0x78, $0x38;
	[tilespmem:$0xFC00] =	vst v63  }
0x126: {  	s22 =	sadd.s32 $0x4638, s21;
	s23 =	spop (v2sf)  }
0x127: {  	[tilespmem:s22], [sflag:$0x2] =	stream.linear.gather [hbm4b:s23+s3], $0x78, $0x38;
	[tilespmem:$0xFC00] =	vst v63  }
0x128: {  	s22 =	sadd.s32 $0x46B0, s21;
	s23 =	spop (v2sf)  }
0x129: {  	[tilespmem:s22], [sflag:$0x2] =	stream.linear.gather [hbm4b:s23+s3], $0x78, $0x38;
	[tilespmem:$0xFC00] =	vst v63  }
0x12a: {  	s22 =	sadd.s32 $0x4728, s21;
	s23 =	spop (v2sf)  }
0x12b: {  	[tilespmem:s22], [sflag:$0x2] =	stream.linear.gather [hbm4b:s23+s3], $0x78, $0x38;
	[tilespmem:$0xFC00] =	vst v63  }
0x12c: {  	s22 =	sadd.s32 $0x47A0, s21;
	s23 =	spop (v2sf)  }
0x12d: {  	[tilespmem:s22], [sflag:$0x2] =	stream.linear.gather [hbm4b:s23+s3], $0x78, $0x38;
	[tilespmem:$0xFC00] =	vst v63  }
.Ltmp0:
0x12e: {  	s22 =	sadd.s32 $0x4818, s21;
	s23 =	spop (v2sf);
	(pc) =	sbr.rel @p1 .LBB2_3-.Ltmp0, $4  }
0x12f: {  	[tilespmem:s22], [sflag:$0x2] =	stream.linear.gather [hbm4b:s23+s3], $0x78, $0x38;
	[tilespmem:$0xFC00] =	vst v63  }
0x130: {  	s22 =	sadd.s32 $0x4890, s21;
	s23 =	spop (v2sf)  }
0x131: {  	[tilespmem:s22], [sflag:$0x2] =	stream.linear.gather [hbm4b:s23+s3], $0x78, $0x38;
	[tilespmem:$0xFC00] =	vst v63  }
0x132: {  	s20 =	sadd.s32 $0x10, s20;
	s21 =	sadd.s32 $0x4908, s21;
	s22 =	spop (v2sf)  }
0x133: {  	[tilespmem:s21], [sflag:$0x2] =	stream.linear.gather [hbm4b:s22+s3], $0x78, $0x38;
	[tilespmem:$0xFC00] =	vst v63  }
0x134: {  	s12 =	smul.u32 @!p0 $0x78, s12  }
0x135: {  	s19 =	simm.s32 @!p0 $0x5  }
0x136: {  	_ =	swait.ge @!p0 [sflag:s19], $0x7800;
	s12 =	sadd.s32 @!p0 $0xFFFF8800, s12  }
0x137: {  	s20 =	simm.s32 @!p0 $0x8400;
	[sflag:s19] =	ssyncset.done @!p0 $0x0;
	s12 =	sshrl.u32 @!p0 s12, $0x3  }
0x138: {  	[sflag:s19] =	ssyncadd.s32 @!p0 $0xFFFF8800;
	s19 =	simm.s32 @!p0 $0x0;
	s12 =	sadd.s32 @!p0 s2, s12  }
0x139: {  	[hbm4b:s12+s19] =	stream.linear.scatter @!p0 [tilespmem:s20], [sflag:$0x6], $0x7800, $0x38;
	[tilespmem:$0xFC00] =	vst v63  }
0x13a: {  	_ =	swait.ge [sflag:s30], $0x100  }
0x13b: {  	[sflag:s30] =	ssyncset.done $0x0  }
0x13c: {  	[sflag:s30] =	ssyncadd.s32 $0xFFFFFF00  }
0x13d: {  	_ =	swait.ge [sflag:s30], $0x100  }
0x13e: {  	[sflag:s30] =	ssyncset.done $0x0  }
0x13f: {  	[sflag:s30] =	ssyncadd.s32 $0xFFFFFF00  }
0x140: {  	_ =	swait.ge [sflag:s30], $0x100  }
0x141: {  	[sflag:s30] =	ssyncset.done $0x0  }
0x142: {  	[sflag:s30] =	ssyncadd.s32 $0xFFFFFF00  }
0x143: {  	v2 =	vld [tilespmem:$0x7E00]  }
0x144: {  	v3 =	vld [tilespmem:$0x7F00]  }
0x145: {  	v4 =	vld [tilespmem:$0x8000]  }
0x146: {  	v8 =	vld [tilespmem:$0x7E10]  }
0x147: {  	v29 =	vld [tilespmem:$0x7F20]  }
0x148: {  	v33 =	vld [tilespmem:$0x7E30]  }
0x149: {  	v11 =	vld [tilespmem:$0x7F30]  }
0x14a: {  	v38 =	vld [tilespmem:$0x8030]  }
0x14b: {  	v50 =	vld [tilespmem:$0x7F40]  }
0x14c: {  	v2 =	vmul.f32 v2, v0;
	v3 =	vmul.f32 v3, v0  }
0x14d: {  	v4 =	vmul.f32 v4, v0;
	v22 =	vmul.f32 v8, v0  }
0x14e: {  	v8 =	vmul.f32 v29, v0;
	v40 =	vmul.f32 v33, v0  }
0x14f: {  	v43 =	vmul.f32 v11, v0;
	v44 =	vmul.f32 v38, v0  }
0x150: {  	v56 =	vmul.f32 v50, v0;
	v5 =	vtrunc.f32 v2  }
0x151: {  	v7 =	vtrunc.f32 v3;
	v19 =	vtrunc.f32 v4  }
0x152: {  	v20 =	vld [tilespmem:$0x7F10];
	v23 =	vtrunc.f32 v22;
	v36 =	vtrunc.f32 v8  }
0x153: {  	v42 =	vtrunc.f32 v40;
	v47 =	vtrunc.f32 v43  }
0x154: {  	v49 =	vtrunc.f32 v44;
	v59 =	vtrunc.f32 v56  }
0x155: {  	v6 =	vcvt.f32.s32 v5;
	vm0 =	vlt.f32 v2, v5;
	v2 =	vcvt.f32.s32 v7  }
0x156: {  	vm1 =	vlt.f32 v3, v7;
	v3 =	vcvt.f32.s32 v19;
	vm2 =	vlt.f32 v4, v19  }
0x157: {  	v4 =	vmul.f32 v20, v0;
	vm15 =	vlt.f32 v22, v23;
	v12 =	vcvt.f32.s32 v36  }
0x158: {  	vm7 =	vlt.f32 v8, v36;
	vm9 =	vlt.f32 v40, v42;
	v8 =	vcvt.f32.s32 v42  }
0x159: {  	v48 =	vcvt.f32.s32 v47;
	vm10 =	vlt.f32 v43, v47;
	vm11 =	vlt.f32 v44, v49  }
0x15a: {  	v24 =	vld [tilespmem:$0x7E20];
	v60 =	vcvt.f32.s32 v59;
	vm13 =	vlt.f32 v56, v59;
	v21 =	vsel vm0, $0xFFFFFFFF, v1  }
0x15b: {  	v7 =	vsel vm1, $0xFFFFFFFF, v1;
	v9 =	vsel vm2, $0xFFFFFFFF, v1;
	v25 =	vsel vm15, $0xFFFFFFFF, v1  }
0x15c: {  	v13 =	vsel vm7, $0xFFFFFFFF, v1;
	v46 =	vsel vm9, $0xFFFFFFFF, v1;
	v51 =	vsel vm10, $0xFFFFFFFF, v1  }
0x15d: {  	v53 =	vsel vm11, $0xFFFFFFFF, v1;
	v63 =	vsel vm13, $0xFFFFFFFF, v1;
	v5 =	vadd.s32 v6, v21  }
0x15e: {  	v2 =	vadd.s32 v2, v7;
	v3 =	vadd.s32 v3, v9;
	v26 =	vtrunc.f32 v4  }
0x15f: {  	v6 =	vmul.f32 v24, v0;
	v41 =	vadd.s32 v12, v13;
	v8 =	vadd.s32 v8, v46  }
0x160: {  	v11 =	vadd.s32 v48, v51;
	v9 =	vcvt.f32.s32 v49;
	v18 =	vadd.s32 v60, v63  }
0x161: {  	v62 =	vld [tilespmem:$0x7F50];
	v5 =	vmul.u32 $0x6F45D, v5;
	v2 =	vmul.u32 $0x740A5, v2;
	v3 =	vmul.u32 $0x9FFB7, v3  }
0x162: {  	v10 =	vld [tilespmem:$0x8010];
	v27 =	vcvt.f32.s32 v26;
	vm4 =	vlt.f32 v4, v26;
	v8 =	vmul.u32 $0x6F45D, v8  }
0x163: {  	v45 =	vld [tilespmem:$0x7E40];
	v11 =	vmul.u32 $0x740A5, v11;
	v30 =	vsel vm4, $0xFFFFFFFF, v1;
	v32 =	vtrunc.f32 v6  }
0x164: {  	v15 =	vld [tilespmem:$0x8050];
	v54 =	vadd.s32 v9, v53;
	v2 =	vadd.s32 v5, v2;
	v5 =	vcvt.f32.s32 v23  }
0x165: {  	v24 =	vld [tilespmem:$0x7E60];
	v7 =	vadd.s32 v27, v30;
	vm6 =	vlt.f32 v6, v32;
	v34 =	vcvt.f32.s32 v32  }
0x166: {  	v8 =	vadd.s32 v8, v11;
	v23 =	vmul.f32 v62, v0;
	v2 =	vadd.s32 v3, v2  }
0x167: {  	v3 =	vmul.f32 v10, v0;
	v7 =	vmul.u32 $0x740A5, v7;
	v35 =	vsel vm6, $0xFFFFFFFF, v1  }
0x168: {  	v57 =	vld [tilespmem:$0x7E50];
	v10 =	vmul.f32 v45, v0;
	v5 =	vadd.s32 v5, v25;
	v2 =	vand.u32 $0xFFFFF, v2  }
0x169: {  	v36 =	vld [tilespmem:$0x7E70];
	v6 =	vadd.s32 v34, v35;
	v25 =	vmul.f32 v15, v0;
	v13 =	vtrunc.f32 v23  }
0x16a: {  	v53 =	vld [tilespmem:$0x7F80];
	v32 =	vmul.f32 v24, v0;
	v28 =	vtrunc.f32 v3;
	v5 =	vmul.u32 $0x6F45D, v5  }
0x16b: {  	v27 =	vld [tilespmem:$0x7F60];
	v6 =	vmul.u32 $0x6F45D, v6;
	v55 =	vtrunc.f32 v10;
	vm4 =	vlt.f32 v23, v13  }
0x16c: {  	v30 =	vld [tilespmem:$0x8060];
	vm5 =	vlt.f32 v3, v28;
	v4 =	vcvt.f32.s32 v28;
	v9 =	vcvt.f32.s32 v55  }
0x16d: {  	v62 =	vld [tilespmem:$0x7F90];
	vm12 =	vlt.f32 v10, v55;
	v10 =	vmul.f32 v57, v0;
	v28 =	vcvt.f32.s32 v13  }
0x16e: {  	v29 =	vtrunc.f32 v25;
	v16 =	vsel vm4, $0xFFFFFFFF, v1;
	v13 =	vmul.f32 v36, v0  }
0x16f: {  	v60 =	vmul.f32 v53, v0;
	v31 =	vsel vm5, $0xFFFFFFFF, v1;
	v5 =	vadd.s32 v5, v7  }
0x170: {  	v7 =	vmul.u32 $0x740A5, v41;
	v58 =	vsel vm12, $0xFFFFFFFF, v1;
	v17 =	vcvt.f32.s32 v29  }
0x171: {  	vm5 =	vlt.f32 v25, v29;
	v34 =	vmul.f32 v27, v0;
	v35 =	vmul.f32 v30, v0  }
0x172: {  	v48 =	vld [tilespmem:$0x7E80];
	v29 =	vmul.f32 v62, v0;
	v4 =	vadd.s32 v4, v31;
	v9 =	vadd.s32 v9, v58  }
0x173: {  	v24 =	vld [tilespmem:$0x8090];
	v22 =	vtrunc.f32 v10;
	v31 =	vsel vm5, $0xFFFFFFFF, v1;
	v33 =	vadd.s32 v28, v16  }
0x174: {  	v46 =	vtrunc.f32 v13;
	v16 =	vtrunc.f32 v60;
	v4 =	vmul.u32 $0x9FFB7, v4  }
0x175: {  	v3 =	vld [tilespmem:$0x8020];
	v6 =	vadd.s32 v6, v7;
	v7 =	vmul.u32 $0x9FFB7, v54;
	v9 =	vmul.u32 $0x6F45D, v9  }
0x176: {  	vm15 =	vlt.f32 v10, v22;
	v10 =	vmul.u32 $0x740A5, v33;
	v38 =	vtrunc.f32 v34  }
0x177: {  	v41 =	vld [tilespmem:$0x7F70];
	v40 =	vtrunc.f32 v35;
	vm9 =	vlt.f32 v13, v46;
	v13 =	vmul.f32 v48, v0  }
0x178: {  	vm13 =	vlt.f32 v60, v16;
	v30 =	vmul.f32 v24, v0;
	v33 =	vtrunc.f32 v29  }
0x179: {  	v52 =	vld [tilespmem:$0x8040];
	v26 =	vsel vm15, $0xFFFFFFFF, v1;
	vm7 =	vlt.f32 v34, v38;
	v12 =	vcvt.f32.s32 v40  }
0x17a: {  	v49 =	vsel vm9, $0xFFFFFFFF, v1;
	v34 =	vcvt.f32.s32 v33;
	v3 =	vmul.f32 v3, v0  }
0x17b: {  	vm4 =	vlt.f32 v29, v33;
	v42 =	vsel vm7, $0xFFFFFFFF, v1;
	v59 =	vtrunc.f32 v13  }
0x17c: {  	v47 =	vmul.f32 v41, v0;
	vm12 =	vlt.f32 v13, v59;
	v37 =	vtrunc.f32 v3  }
0x17d: {  	v13 =	vsel vm12, $0xFFFFFFFF, v1;
	v14 =	vcvt.f32.s32 v37;
	vm8 =	vlt.f32 v3, v37  }
0x17e: {  	v3 =	vadd.s32 v4, v5;
	v5 =	vmul.f32 v52, v0;
	v50 =	vtrunc.f32 v47  }
0x17f: {  	v39 =	vsel vm8, $0xFFFFFFFF, v1;
	vm8 =	vlt.f32 v35, v40;
	v51 =	vcvt.f32.s32 v50  }
0x180: {  	vm10 =	vlt.f32 v47, v50;
	v35 =	vtrunc.f32 v30;
	v3 =	vand.u32 $0xFFFFF, v3  }
0x181: {  	v43 =	vld [tilespmem:$0x8070];
	v4 =	vadd.s32 v14, v39;
	v61 =	vtrunc.f32 v5;
	v14 =	vmul.u32 $0x740A5, v18  }
0x182: {  	v36 =	vld [tilespmem:$0x7FA0];
	v39 =	vcvt.f32.s32 v38;
	v44 =	vsel vm8, $0xFFFFFFFF, v1;
	v54 =	vsel vm10, $0xFFFFFFFF, v1  }
0x183: {  	v18 =	vcvt.f32.s32 v16;
	vm5 =	vlt.f32 v30, v35;
	v4 =	vmul.u32 $0x9FFB7, v4  }
0x184: {  	vm14 =	vlt.f32 v5, v61;
	v11 =	vcvt.f32.s32 v61;
	v45 =	vadd.s32 v12, v44  }
0x185: {  	v12 =	vcvt.f32.s32 v46;
	v15 =	vadd.s32 v51, v54;
	v19 =	vsel vm14, $0xFFFFFFFF, v1  }
0x186: {  	v21 =	vadd.s32 v9, v14;
	v14 =	vadd.s32 v39, v42;
	v9 =	vmul.f32 v43, v0  }
0x187: {  	v15 =	vmul.u32 $0x740A5, v15;
	v39 =	vsel vm5, $0xFFFFFFFF, v1;
	v42 =	vmul.f32 v36, v0  }
0x188: {  	v5 =	vadd.s32 v4, v6;
	v4 =	vadd.s32 v7, v8;
	v20 =	vadd.s32 v11, v19  }
0x189: {  	v55 =	vld [tilespmem:$0x8080];
	v8 =	vcvt.f32.s32 v22;
	v7 =	vadd.s32 v17, v31;
	v11 =	vtrunc.f32 v32  }
0x18a: {  	v48 =	vld [tilespmem:$0x7FB0];
	v14 =	vmul.u32 $0x740A5, v14;
	v12 =	vadd.s32 v12, v49;
	v19 =	vsel vm13, $0xFFFFFFFF, v1  }
0x18b: {  	v6 =	vmul.u32 $0x9FFB7, v20;
	vm6 =	vlt.f32 v32, v11;
	v11 =	vcvt.f32.s32 v11  }
0x18c: {  	v61 =	vld [tilespmem:$0x7E90];
	v7 =	vmul.u32 $0x9FFB7, v7;
	v52 =	vtrunc.f32 v9;
	v12 =	vmul.u32 $0x6F45D, v12  }
0x18d: {  	[tilespmem:$0x8110] =	vst v3;
	v27 =	vadd.s32 v18, v19;
	v3 =	vand.u32 $0xFFFFF, v5;
	v8 =	vadd.s32 v8, v26  }
0x18e: {  	v37 =	vsel vm6, $0xFFFFFFFF, v1;
	vm11 =	vlt.f32 v9, v52;
	v9 =	vmul.f32 v55, v0  }
0x18f: {  	v55 =	vmul.f32 v48, v0;
	[tilespmem:$0x8120] =	vst v3;
	v3 =	vand.u32 $0xFFFFF, v4;
	v6 =	vadd.s32 v6, v21  }
0x190: {  	v8 =	vmul.u32 $0x6F45D, v8;
	v11 =	vadd.s32 v11, v37;
	v56 =	vsel vm11, $0xFFFFFFFF, v1  }
0x191: {  	v31 =	vld [tilespmem:$0x7EA0];
	v58 =	vadd.s32 v12, v15;
	v12 =	vcvt.f32.s32 v59;
	v26 =	vmul.f32 v61, v0  }
0x192: {  	v37 =	vsel vm4, $0xFFFFFFFF, v1;
	v15 =	vcvt.f32.s32 v35;
	v11 =	vmul.u32 $0x6F45D, v11  }
0x193: {  	v63 =	vtrunc.f32 v9;
	v17 =	vadd.s32 v34, v37;
	v19 =	vtrunc.f32 v55  }
0x194: {  	v8 =	vadd.s32 v8, v10;
	v10 =	vmul.u32 $0x9FFB7, v45;
	v20 =	vcvt.f32.s32 v63  }
0x195: {  	vm14 =	vlt.f32 v9, v63;
	v12 =	vadd.s32 v12, v13;
	v28 =	vtrunc.f32 v26  }
0x196: {  	v13 =	vmul.u32 $0x740A5, v27;
	v17 =	vmul.u32 $0x740A5, v17;
	v16 =	vmul.f32 v31, v0  }
0x197: {  	v38 =	vld [tilespmem:$0x80A0];
	v40 =	vadd.s32 v15, v39;
	v45 =	vtrunc.f32 v42;
	v59 =	vcvt.f32.s32 v19  }
0x198: {  	vm10 =	vlt.f32 v55, v19;
	v11 =	vadd.s32 v11, v14;
	v14 =	vcvt.f32.s32 v52  }
0x199: {  	v43 =	vld [tilespmem:$0x7EB0];
	v7 =	vadd.s32 v7, v8;
	v25 =	vsel vm14, $0xFFFFFFFF, v1;
	v12 =	vmul.u32 $0x6F45D, v12  }
0x19a: {  	v61 =	vld [tilespmem:$0x7FC0];
	vm15 =	vlt.f32 v26, v28;
	v46 =	vcvt.f32.s32 v45;
	vm7 =	vlt.f32 v42, v45  }
0x19b: {  	v35 =	vld [tilespmem:$0x80D0];
	v62 =	vsel vm10, $0xFFFFFFFF, v1;
	v8 =	vadd.s32 v10, v11;
	v32 =	vsel vm15, $0xFFFFFFFF, v1  }
0x19c: {  	v21 =	vld [tilespmem:$0x80B0];
	v41 =	vtrunc.f32 v16;
	v11 =	vmul.f32 v38, v0;
	v49 =	vsel vm7, $0xFFFFFFFF, v1  }
0x19d: {  	v57 =	vadd.s32 v14, v56;
	v14 =	vcvt.f32.s32 v28;
	v12 =	vadd.s32 v12, v13  }
0x19e: {  	v27 =	vld [tilespmem:$0x7ED0];
	v13 =	vmul.u32 $0x9FFB7, v40;
	vm6 =	vlt.f32 v16, v41;
	v15 =	vcvt.f32.s32 v41  }
0x19f: {  	v50 =	vadd.s32 v46, v49;
	v16 =	vmul.f32 v43, v0;
	v29 =	vmul.f32 v61, v0  }
0x1a0: {  	v18 =	vmul.f32 v35, v0;
	v35 =	vand.u32 $0xFFFFF, v8;
	v10 =	vmul.u32 $0x9FFB7, v57  }
0x1a1: {  	v44 =	vsel vm6, $0xFFFFFFFF, v1;
	v47 =	vtrunc.f32 v11;
	v57 =	vmul.f32 v21, v0  }
0x1a2: {  	v14 =	vadd.s32 v14, v32;
	v15 =	vadd.s32 v15, v44;
	v54 =	vtrunc.f32 v16  }
0x1a3: {  	vm8 =	vlt.f32 v11, v47;
	v31 =	vtrunc.f32 v29;
	v37 =	vmul.f32 v27, v0  }
0x1a4: {  	v46 =	vtrunc.f32 v18;
	v9 =	vadd.s32 v10, v58;
	v10 =	vadd.s32 v20, v25  }
0x1a5: {  	v14 =	vmul.u32 $0x6F45D, v14;
	v51 =	vsel vm8, $0xFFFFFFFF, v1;
	v15 =	vmul.u32 $0x6F45D, v15  }
0x1a6: {  	v63 =	vld [tilespmem:$0x80C0];
	v20 =	vmul.u32 $0x740A5, v50;
	vm9 =	vlt.f32 v16, v54;
	v60 =	vtrunc.f32 v57  }
0x1a7: {  	v56 =	vld [tilespmem:$0x7EC0];
	v25 =	vadd.s32 v59, v62;
	v33 =	vcvt.f32.s32 v31;
	vm13 =	vlt.f32 v29, v31  }
0x1a8: {  	v43 =	vld [tilespmem:$0x7EE0];
	vm5 =	vlt.f32 v18, v46;
	v10 =	vmul.u32 $0x9FFB7, v10;
	v58 =	vsel vm9, $0xFFFFFFFF, v1  }
0x1a9: {  	v22 =	vcvt.f32.s32 v60;
	vm11 =	vlt.f32 v57, v60;
	v36 =	vsel vm13, $0xFFFFFFFF, v1  }
0x1aa: {  	v40 =	vtrunc.f32 v37;
	v50 =	vsel vm5, $0xFFFFFFFF, v1;
	v14 =	vadd.s32 v14, v17  }
0x1ab: {  	v17 =	vcvt.f32.s32 v47;
	v53 =	vadd.s32 v15, v20;
	v23 =	vsel vm11, $0xFFFFFFFF, v1  }
0x1ac: {  	v32 =	vld [tilespmem:$0x7FD0];
	v24 =	vmul.f32 v56, v0;
	v15 =	vmul.f32 v63, v0;
	v38 =	vadd.s32 v33, v36  }
0x1ad: {  	vm15 =	vlt.f32 v37, v40;
	v21 =	vmul.f32 v43, v0;
	v11 =	vadd.s32 v10, v12  }
0x1ae: {  	v10 =	vadd.s32 v13, v14;
	v14 =	vcvt.f32.s32 v54;
	v13 =	vadd.s32 v22, v23  }
0x1af: {  	v20 =	vmul.u32 $0x740A5, v38;
	v23 =	vcvt.f32.s32 v40;
	v42 =	vsel vm15, $0xFFFFFFFF, v1  }
0x1b0: {  	v62 =	vld [tilespmem:$0x7FF0];
	v52 =	vadd.s32 v17, v51;
	v17 =	vmul.u32 $0x740A5, v25;
	v26 =	vtrunc.f32 v24  }
0x1b1: {  	v13 =	vmul.u32 $0x9FFB7, v13;
	v34 =	vtrunc.f32 v15;
	v41 =	vmul.f32 v32, v0  }
0x1b2: {  	v55 =	vtrunc.f32 v21;
	v12 =	vmul.u32 $0x9FFB7, v52;
	v14 =	vadd.s32 v14, v58  }
0x1b3: {  	v28 =	vcvt.f32.s32 v26;
	vm12 =	vlt.f32 v24, v26;
	vm14 =	vlt.f32 v15, v34  }
0x1b4: {  	v47 =	vld [tilespmem:$0x7FE0];
	v16 =	vcvt.f32.s32 v34;
	v19 =	vadd.s32 v23, v42;
	v15 =	vcvt.f32.s32 v46  }
0x1b5: {  	v57 =	vcvt.f32.s32 v55;
	vm6 =	vlt.f32 v21, v55;
	v29 =	vmul.f32 v62, v0  }
0x1b6: {  	v34 =	vand.u32 $0xFFFFF, v7;
	v14 =	vmul.u32 $0x6F45D, v14;
	v30 =	vsel vm12, $0xFFFFFFFF, v1  }
0x1b7: {  	v39 =	vsel vm14, $0xFFFFFFFF, v1;
	v44 =	vtrunc.f32 v41;
	v19 =	vmul.u32 $0x6F45D, v19  }
0x1b8: {  	v12 =	vadd.s32 v12, v53;
	v16 =	vadd.s32 v16, v39;
	v45 =	vcvt.f32.s32 v44  }
0x1b9: {  	v51 =	vld [tilespmem:$0x80E0];
	vm4 =	vlt.f32 v41, v44;
	v15 =	vadd.s32 v15, v50;
	v56 =	vmul.f32 v47, v0  }
0x1ba: {  	v25 =	vld [tilespmem:$0x80F0];
	v32 =	vtrunc.f32 v29;
	v39 =	vand.u32 $0xFFFFF, v9;
	v41 =	vand.u32 $0xFFFFF, v11  }
0x1bb: {  	v44 =	vand.u32 $0xFFFFF, v10;
	v14 =	vadd.s32 v14, v17;
	v17 =	vadd.s32 v28, v30  }
0x1bc: {  	v16 =	vmul.u32 $0x9FFB7, v16;
	v48 =	vsel vm4, $0xFFFFFFFF, v1;
	v15 =	vmul.u32 $0x9FFB7, v15  }
0x1bd: {  	v30 =	vand.u32 $0xFFFFF, v6;
	vm10 =	vlt.f32 v29, v32;
	v36 =	vcvt.f32.s32 v32  }
0x1be: {  	v17 =	vmul.u32 $0x6F45D, v17;
	v49 =	vadd.s32 v45, v48;
	v58 =	vtrunc.f32 v56  }
0x1bf: {  	v13 =	vadd.s32 v13, v14;
	v59 =	vmul.f32 v51, v0;
	v33 =	vmul.f32 v25, v0  }
0x1c0: {  	v53 =	vld [tilespmem:$0x7EF0];
	v37 =	vsel vm10, $0xFFFFFFFF, v1;
	v45 =	vand.u32 $0xFFFFF, v12;
	v18 =	vmul.u32 $0x740A5, v49  }
0x1c1: {  	v61 =	vcvt.f32.s32 v58;
	vm7 =	vlt.f32 v56, v58;
	v4 =	vadd.s32 v36, v37  }
0x1c2: {  	v46 =	vand.u32 $0xFFFFF, v13;
	v17 =	vadd.s32 v17, v20;
	v63 =	vtrunc.f32 v59  }
0x1c3: {  	[tilespmem:$0x8100] =	vst v2;
	v21 =	vsel vm7, $0xFFFFFFFF, v1;
	v38 =	vtrunc.f32 v33;
	v4 =	vmul.u32 $0x740A5, v4  }
0x1c4: {  	[tilespmem:$0x8130] =	vst v3;
	v52 =	vadd.s32 v16, v17;
	v54 =	vadd.s32 v19, v18;
	v18 =	vsel vm6, $0xFFFFFFFF, v1  }
0x1c5: {  	[tilespmem:$0x8160] =	vst v35;
	v16 =	vmul.f32 v53, v0;
	v24 =	vcvt.f32.s32 v63;
	vm8 =	vlt.f32 v59, v63  }
0x1c6: {  	[tilespmem:$0x8150] =	vst v34;
	vm11 =	vlt.f32 v33, v38;
	v40 =	vcvt.f32.s32 v38;
	v15 =	vadd.s32 v15, v54  }
0x1c7: {  	[tilespmem:$0x8170] =	vst v39;
	v60 =	vadd.s32 v57, v18;
	v18 =	vadd.s32 v61, v21;
	v27 =	vtrunc.f32 v16  }
0x1c8: {  	[tilespmem:$0x8180] =	vst v41;
	v26 =	vsel vm8, $0xFFFFFFFF, v1;
	vm9 =	vlt.f32 v16, v27;
	v28 =	vcvt.f32.s32 v27  }
0x1c9: {  	[tilespmem:$0x8190] =	vst v44;
	v42 =	vsel vm11, $0xFFFFFFFF, v1;
	v2 =	vadd.s32 v24, v26;
	v31 =	vsel vm9, $0xFFFFFFFF, v1  }
0x1ca: {  	[tilespmem:$0x8140] =	vst v30;
	v47 =	vmul.u32 $0x6F45D, v60;
	v48 =	vmul.u32 $0x740A5, v18;
	v3 =	vadd.s32 v28, v31  }
0x1cb: {  	[tilespmem:$0x81A0] =	vst v45;
	v43 =	vadd.s32 v40, v42;
	v2 =	vmul.u32 $0x9FFB7, v2;
	v3 =	vmul.u32 $0x6F45D, v3  }
0x1cc: {  	[tilespmem:$0x81B0] =	vst v46;
	v50 =	vand.u32 $0xFFFFF, v52;
	v5 =	vmul.u32 $0x9FFB7, v43;
	v49 =	vadd.s32 v47, v48  }
0x1cd: {  	s23 =	sor.u32 $0x1, s13;
	[tilespmem:$0x81C0] =	vst v50;
	v51 =	vand.u32 $0xFFFFF, v15;
	v2 =	vadd.s32 v2, v49;
	v3 =	vadd.s32 v3, v4  }
0x1ce: {  	s20 =	sshll.u32 s23, $0x8;
	[tilespmem:$0x81D0] =	vst v51;
	v2 =	vand.u32 $0xFFFFF, v2;
	v3 =	vadd.s32 v5, v3  }
0x1cf: {  	p1 =	sgt.u32 s23, $0x3E;
	s12 =	sadd.s32 s5, s20;
	[tilespmem:$0x81E0] =	vst v2;
	v2 =	vand.u32 $0xFFFFF, v3  }
0x1d0: {  	s19 =	sshrl.u32 @!p1 s12, $0x3;
	[tilespmem:$0x81F0] =	vst v2  }
0x1d1: {  	[tilespmem:s0], [sflag:$0x7] =	stream.indirect.gather [hbm4b:s8+s18], $0x1, s31, s18, $0xb8;
	[tilespmem:$0xFC00] =	vst v63  }
0x1d2: {  	s19 =	sadd.s32 @!p1 $0x20, s19  }
0x1d3: {  	[tilespmem:s15], [sflag:$0x7] =	stream.indirect.gather [hbm4b:s8+s18], $0x1, s1, s18, $0xb8;
	[tilespmem:$0xFC00] =	vst v63  }
0x1d4: {  	s21 =	simm.s32 @!p1 $0x0;
	s20 =	sadd.s32 @!p1 s4, s19  }
0x1d5: {  	[tilespmem:s21], [sflag:$0x1] =	stream.linear.gather @!p1 [hbm4b:s20+s21], $0x100, $0x38;
	[tilespmem:$0xFC00] =	vst v63  }
0x1d6: {  	s22 =	simm.s32 @!p1 $0x100;
	s20 =	sadd.s32 @!p1 s6, s19  }
0x1d7: {  	[tilespmem:s22], [sflag:$0x1] =	stream.linear.gather @!p1 [hbm4b:s20+s21], $0x100, $0x38;
	[tilespmem:$0xFC00] =	vst v63  }
0x1d8: {  	s19 =	sadd.s32 @!p1 s7, s19;
	s20 =	simm.s32 @!p1 $0x200  }
0x1d9: {  	[tilespmem:s20], [sflag:$0x1] =	stream.linear.gather @!p1 [hbm4b:s19+s21], $0x100, $0x38;
	[tilespmem:$0xFC00] =	vst v63  }
0x1da: {  	_ =	swait.ge [sflag:s26], $0x80  }
0x1db: {  	[sflag:s26] =	ssyncset.done $0x0  }
0x1dc: {  	[sflag:s26] =	ssyncadd.s32 $0xFFFFFF80  }
0x1dd: {  	_ =	swait.ge [sflag:s26], $0x80  }
0x1de: {  	[sflag:s26] =	ssyncset.done $0x0  }
0x1df: {  	[sflag:s26] =	ssyncadd.s32 $0xFFFFFF80  }
0x1e0: {  	v2 =	vld [tilespmem:$0x8200]  }
0x1e1: {  	v3 =	vld [tilespmem:$0x8210]  }
0x1e2: {  	v52 =	vld [tilespmem:$0x8220]  }
0x1e3: {  	v53 =	vld [tilespmem:$0x8230]  }
0x1e4: {  	v54 =	vld [tilespmem:$0x8240]  }
0x1e5: {  	v55 =	vld [tilespmem:$0x8250];
	vm12 =	vgt.s32 v2, $0xFFFFFFFF  }
0x1e6: {  	v56 =	vld [tilespmem:$0x8260];
	vm13 =	vgt.s32 v3, $0xFFFFFFFF;
	v2 =	vnsel vm12, $0x45C00, v2  }
0x1e7: {  	vm14 =	vgt.s32 v52, $0xFFFFFFFF;
	[tilespmem:$0x8300] =	vst v2;
	v2 =	vnsel vm13, $0x45C00, v3;
	v3 =	vld [tilespmem:$0x8270]  }
0x1e8: {  	v57 =	vld [tilespmem:$0x8280];
	vm15 =	vgt.s32 v53, $0xFFFFFFFF;
	[tilespmem:$0x8310] =	vst v2;
	v2 =	vnsel vm14, $0x45C00, v52  }
0x1e9: {  	v58 =	vld [tilespmem:$0x8290];
	vm4 =	vgt.s32 v54, $0xFFFFFFFF;
	[tilespmem:$0x8320] =	vst v2;
	v2 =	vnsel vm15, $0x45C00, v53  }
0x1ea: {  	v59 =	vld [tilespmem:$0x82A0];
	vm5 =	vgt.s32 v55, $0xFFFFFFFF;
	[tilespmem:$0x8330] =	vst v2;
	v2 =	vnsel vm4, $0x45C00, v54  }
0x1eb: {  	v60 =	vld [tilespmem:$0x82B0];
	vm6 =	vgt.s32 v56, $0xFFFFFFFF;
	[tilespmem:$0x8340] =	vst v2;
	v2 =	vnsel vm5, $0x45C00, v55  }
0x1ec: {  	v61 =	vld [tilespmem:$0x82C0];
	[tilespmem:$0x8350] =	vst v2;
	v2 =	vnsel vm6, $0x45C00, v56;
	vm7 =	vgt.s32 v3, $0xFFFFFFFF  }
0x1ed: {  	vm8 =	vgt.s32 v57, $0xFFFFFFFF;
	[tilespmem:$0x8360] =	vst v2;
	v2 =	vnsel vm7, $0x45C00, v3;
	v3 =	vld [tilespmem:$0x82D0]  }
0x1ee: {  	v62 =	vld [tilespmem:$0x82E0];
	vm9 =	vgt.s32 v58, $0xFFFFFFFF;
	[tilespmem:$0x8370] =	vst v2;
	v2 =	vnsel vm8, $0x45C00, v57  }
0x1ef: {  	v63 =	vld [tilespmem:$0x82F0];
	vm10 =	vgt.s32 v59, $0xFFFFFFFF;
	[tilespmem:$0x8380] =	vst v2;
	v2 =	vnsel vm9, $0x45C00, v58  }
0x1f0: {  	vm11 =	vgt.s32 v60, $0xFFFFFFFF;
	[tilespmem:$0x8390] =	vst v2;
	v2 =	vnsel vm10, $0x45C00, v59  }
0x1f1: {  	vm12 =	vgt.s32 v61, $0xFFFFFFFF;
	[tilespmem:$0x83A0] =	vst v2;
	v2 =	vnsel vm11, $0x45C00, v60  }
0x1f2: {  	[tilespmem:$0x83B0] =	vst v2;
	v2 =	vnsel vm12, $0x45C00, v61;
	vm13 =	vgt.s32 v3, $0xFFFFFFFF  }
0x1f3: {  	vm14 =	vgt.s32 v62, $0xFFFFFFFF;
	[tilespmem:$0x83C0] =	vst v2;
	v2 =	vnsel vm13, $0x45C00, v3  }
0x1f4: {  	vm15 =	vgt.s32 v63, $0xFFFFFFFF;
	[tilespmem:$0x83D0] =	vst v2;
	v2 =	vnsel vm14, $0x45C00, v62  }
0x1f5: {  	[tilespmem:$0x83E0] =	vst v2;
	v2 =	vnsel vm15, $0x45C00, v63  }
0x1f6: {  	s19 =	simm.s32 @!p0 $0x6;
	[tilespmem:$0x83F0] =	vst v2  }
0x1f7: {  	_ =	swait.ge @!p0 [sflag:s19], $0x7800  }
0x1f8: {  	[sflag:s19] =	ssyncset.done @!p0 $0x0  }
0x1f9: {  	s21 =	simm.s32 $0x8380;
	[sflag:s19] =	ssyncadd.s32 @!p0 $0xFFFF8800  }
0x1fa: {  	[tilespmem:s10], [sflag:$0x5] =	stream.indirect.gather [hbm4b:s9+s18], $0x78, s16, s18, $0xb8;
	[tilespmem:$0xFC00] =	vst v63  }
0x1fb: {  	v2 =	vld [tilespmem:s21+$0x0];
	_ =	sdelay $0x4  }
0x1fc: {  	v2 =	vmul.u32 $0x78, v2;
	_ =	sdelay $0x1  }
0x1fd: {  	v2 =	vshrl.u32 v2, $0x3  }
0x1fe: {  	v2 =	vadd.s32 s9, v2  }
0x1ff: {  	(v2sf) =	vpush v2, $0x0;
	_ =	sdelay $0x1  }
0x200: {  	(v2sf) =	vpush v2, $0x1;
	_ =	sdelay $0x1  }
0x201: {  	(v2sf) =	vpush v2, $0x2;
	_ =	sdelay $0x1  }
0x202: {  	(v2sf) =	vpush v2, $0x3;
	_ =	sdelay $0x1  }
0x203: {  	(v2sf) =	vpush v2, $0x4;
	_ =	sdelay $0x1  }
0x204: {  	(v2sf) =	vpush v2, $0x5;
	_ =	sdelay $0x1  }
0x205: {  	(v2sf) =	vpush v2, $0x6;
	_ =	sdelay $0x1  }
0x206: {  	(v2sf) =	vpush v2, $0x7  }
0x207: {  	s22 =	simm.s32 $0xC000;
	s23 =	spop (v2sf)  }
0x208: {  	(v2sf) =	vpush v2, $0x8;
	[tilespmem:s22], [sflag:$0x5] =	stream.linear.gather [hbm4b:s23+s3], $0x78, $0x38;
	[tilespmem:$0xFC00] =	vst v63  }
0x209: {  	s20 =	simm.s32 $0xC078;
	s21 =	spop (v2sf)  }
0x20a: {  	(v2sf) =	vpush v2, $0x9;
	[tilespmem:s20], [sflag:$0x5] =	stream.linear.gather [hbm4b:s21+s3], $0x78, $0x38;
	[tilespmem:$0xFC00] =	vst v63  }
0x20b: {  	s22 =	simm.s32 $0xC0F0;
	s23 =	spop (v2sf)  }
0x20c: {  	(v2sf) =	vpush v2, $0xA;
	[tilespmem:s22], [sflag:$0x5] =	stream.linear.gather [hbm4b:s23+s3], $0x78, $0x38;
	[tilespmem:$0xFC00] =	vst v63  }
0x20d: {  	s20 =	simm.s32 $0xC168;
	s21 =	spop (v2sf)  }
0x20e: {  	(v2sf) =	vpush v2, $0xB;
	[tilespmem:s20], [sflag:$0x5] =	stream.linear.gather [hbm4b:s21+s3], $0x78, $0x38;
	[tilespmem:$0xFC00] =	vst v63  }
0x20f: {  	s22 =	simm.s32 $0xC1E0;
	s23 =	spop (v2sf)  }
0x210: {  	(v2sf) =	vpush v2, $0xC;
	[tilespmem:s22], [sflag:$0x5] =	stream.linear.gather [hbm4b:s23+s3], $0x78, $0x38;
	[tilespmem:$0xFC00] =	vst v63  }
0x211: {  	s20 =	simm.s32 $0xC258;
	s21 =	spop (v2sf)  }
0x212: {  	(v2sf) =	vpush v2, $0xD;
	[tilespmem:s20], [sflag:$0x5] =	stream.linear.gather [hbm4b:s21+s3], $0x78, $0x38;
	[tilespmem:$0xFC00] =	vst v63  }
0x213: {  	s22 =	simm.s32 $0xC2D0;
	s23 =	spop (v2sf)  }
0x214: {  	(v2sf) =	vpush v2, $0xE;
	[tilespmem:s22], [sflag:$0x5] =	stream.linear.gather [hbm4b:s23+s3], $0x78, $0x38;
	[tilespmem:$0xFC00] =	vst v63  }
0x215: {  	s20 =	simm.s32 $0xC348;
	s21 =	spop (v2sf)  }
0x216: {  	(v2sf) =	vpush v2, $0xF;
	[tilespmem:s20], [sflag:$0x5] =	stream.linear.gather [hbm4b:s21+s3], $0x78, $0x38;
	[tilespmem:$0xFC00] =	vst v63  }
0x217: {  	s22 =	simm.s32 $0xC3C0;
	s23 =	spop (v2sf)  }
0x218: {  	[tilespmem:s22], [sflag:$0x5] =	stream.linear.gather [hbm4b:s23+s3], $0x78, $0x38;
	[tilespmem:$0xFC00] =	vst v63  }
0x219: {  	s20 =	simm.s32 $0xC438;
	s21 =	spop (v2sf)  }
0x21a: {  	[tilespmem:s20], [sflag:$0x5] =	stream.linear.gather [hbm4b:s21+s3], $0x78, $0x38;
	[tilespmem:$0xFC00] =	vst v63  }
0x21b: {  	s22 =	simm.s32 $0xC4B0;
	s23 =	spop (v2sf)  }
0x21c: {  	[tilespmem:s22], [sflag:$0x5] =	stream.linear.gather [hbm4b:s23+s3], $0x78, $0x38;
	[tilespmem:$0xFC00] =	vst v63  }
0x21d: {  	s20 =	simm.s32 $0xC528;
	s21 =	spop (v2sf)  }
0x21e: {  	[tilespmem:s20], [sflag:$0x5] =	stream.linear.gather [hbm4b:s21+s3], $0x78, $0x38;
	[tilespmem:$0xFC00] =	vst v63  }
0x21f: {  	s22 =	simm.s32 $0xC5A0;
	s23 =	spop (v2sf)  }
0x220: {  	[tilespmem:s22], [sflag:$0x5] =	stream.linear.gather [hbm4b:s23+s3], $0x78, $0x38;
	[tilespmem:$0xFC00] =	vst v63  }
0x221: {  	s20 =	simm.s32 $0xC618;
	s21 =	spop (v2sf)  }
0x222: {  	[tilespmem:s20], [sflag:$0x5] =	stream.linear.gather [hbm4b:s21+s3], $0x78, $0x38;
	[tilespmem:$0xFC00] =	vst v63  }
0x223: {  	s19 =	simm.s32 $0x1E00;
	s22 =	simm.s32 $0xC690;
	s23 =	spop (v2sf)  }
0x224: {  	[tilespmem:s22], [sflag:$0x5] =	stream.linear.gather [hbm4b:s23+s3], $0x78, $0x38;
	[tilespmem:$0xFC00] =	vst v63  }
0x225: {  	s21 =	simm.s32 $0xC708;
	s20 =	simm.s32 $0x8390;
	s22 =	spop (v2sf)  }
.LBB2_5:
0x226: {  	[tilespmem:s21], [sflag:$0x5] =	stream.linear.gather [hbm4b:s22+s3], $0x78, $0x38;
	[tilespmem:$0xFC00] =	vst v63  }
0x227: {  	p0 =	sne.s32 s19, $0xD200;
	s21 =	smov.u32 s19;
	s19 =	sadd.s32 $0x1E00, s19;
	v2 =	vld [tilespmem:s20+$0x0]  }
0x228: {  	_ =	sdelay $0x3  }
0x229: {  	v2 =	vmul.u32 $0x78, v2;
	_ =	sdelay $0x1  }
0x22a: {  	v2 =	vshrl.u32 v2, $0x3  }
0x22b: {  	v2 =	vadd.s32 s9, v2  }
0x22c: {  	(v2sf) =	vpush v2, $0x0;
	_ =	sdelay $0x1  }
0x22d: {  	(v2sf) =	vpush v2, $0x1;
	_ =	sdelay $0x1  }
0x22e: {  	(v2sf) =	vpush v2, $0x2;
	_ =	sdelay $0x1  }
0x22f: {  	(v2sf) =	vpush v2, $0x3;
	_ =	sdelay $0x1  }
0x230: {  	(v2sf) =	vpush v2, $0x4;
	_ =	sdelay $0x1  }
0x231: {  	(v2sf) =	vpush v2, $0x5;
	_ =	sdelay $0x1  }
0x232: {  	(v2sf) =	vpush v2, $0x6;
	_ =	sdelay $0x1  }
0x233: {  	s21 =	sshra.s32 s21, $0x2;
	(v2sf) =	vpush v2, $0x7  }
0x234: {  	s22 =	sadd.s32 $0xC000, s21;
	s23 =	spop (v2sf)  }
0x235: {  	[tilespmem:s22], [sflag:$0x5] =	stream.linear.gather [hbm4b:s23+s3], $0x78, $0x38;
	(v2sf) =	vpush v2, $0x8;
	[tilespmem:$0xFC00] =	vst v63  }
0x236: {  	s22 =	sadd.s32 $0xC078, s21;
	s23 =	spop (v2sf)  }
0x237: {  	[tilespmem:s22], [sflag:$0x5] =	stream.linear.gather [hbm4b:s23+s3], $0x78, $0x38;
	(v2sf) =	vpush v2, $0x9;
	[tilespmem:$0xFC00] =	vst v63  }
0x238: {  	s22 =	sadd.s32 $0xC0F0, s21;
	s23 =	spop (v2sf)  }
0x239: {  	[tilespmem:s22], [sflag:$0x5] =	stream.linear.gather [hbm4b:s23+s3], $0x78, $0x38;
	(v2sf) =	vpush v2, $0xA;
	[tilespmem:$0xFC00] =	vst v63  }
0x23a: {  	s22 =	sadd.s32 $0xC168, s21;
	s23 =	spop (v2sf)  }
0x23b: {  	[tilespmem:s22], [sflag:$0x5] =	stream.linear.gather [hbm4b:s23+s3], $0x78, $0x38;
	(v2sf) =	vpush v2, $0xB;
	[tilespmem:$0xFC00] =	vst v63  }
0x23c: {  	s22 =	sadd.s32 $0xC1E0, s21;
	s23 =	spop (v2sf)  }
0x23d: {  	[tilespmem:s22], [sflag:$0x5] =	stream.linear.gather [hbm4b:s23+s3], $0x78, $0x38;
	(v2sf) =	vpush v2, $0xC;
	[tilespmem:$0xFC00] =	vst v63  }
0x23e: {  	s22 =	sadd.s32 $0xC258, s21;
	s23 =	spop (v2sf)  }
0x23f: {  	[tilespmem:s22], [sflag:$0x5] =	stream.linear.gather [hbm4b:s23+s3], $0x78, $0x38;
	(v2sf) =	vpush v2, $0xD;
	[tilespmem:$0xFC00] =	vst v63  }
0x240: {  	s22 =	sadd.s32 $0xC2D0, s21;
	s23 =	spop (v2sf)  }
0x241: {  	[tilespmem:s22], [sflag:$0x5] =	stream.linear.gather [hbm4b:s23+s3], $0x78, $0x38;
	(v2sf) =	vpush v2, $0xE;
	[tilespmem:$0xFC00] =	vst v63  }
0x242: {  	s22 =	sadd.s32 $0xC348, s21;
	s23 =	spop (v2sf)  }
0x243: {  	[tilespmem:s22], [sflag:$0x5] =	stream.linear.gather [hbm4b:s23+s3], $0x78, $0x38;
	(v2sf) =	vpush v2, $0xF;
	[tilespmem:$0xFC00] =	vst v63  }
0x244: {  	s22 =	sadd.s32 $0xC3C0, s21;
	s23 =	spop (v2sf)  }
0x245: {  	[tilespmem:s22], [sflag:$0x5] =	stream.linear.gather [hbm4b:s23+s3], $0x78, $0x38;
	[tilespmem:$0xFC00] =	vst v63  }
0x246: {  	s22 =	sadd.s32 $0xC438, s21;
	s23 =	spop (v2sf)  }
0x247: {  	[tilespmem:s22], [sflag:$0x5] =	stream.linear.gather [hbm4b:s23+s3], $0x78, $0x38;
	[tilespmem:$0xFC00] =	vst v63  }
0x248: {  	s22 =	sadd.s32 $0xC4B0, s21;
	s23 =	spop (v2sf)  }
0x249: {  	[tilespmem:s22], [sflag:$0x5] =	stream.linear.gather [hbm4b:s23+s3], $0x78, $0x38;
	[tilespmem:$0xFC00] =	vst v63  }
0x24a: {  	s22 =	sadd.s32 $0xC528, s21;
	s23 =	spop (v2sf)  }
0x24b: {  	[tilespmem:s22], [sflag:$0x5] =	stream.linear.gather [hbm4b:s23+s3], $0x78, $0x38;
	[tilespmem:$0xFC00] =	vst v63  }
0x24c: {  	s22 =	sadd.s32 $0xC5A0, s21;
	s23 =	spop (v2sf)  }
0x24d: {  	[tilespmem:s22], [sflag:$0x5] =	stream.linear.gather [hbm4b:s23+s3], $0x78, $0x38;
	[tilespmem:$0xFC00] =	vst v63  }
.Ltmp1:
0x24e: {  	s22 =	sadd.s32 $0xC618, s21;
	s23 =	spop (v2sf);
	(pc) =	sbr.rel @p0 .LBB2_5-.Ltmp1, $4  }
0x24f: {  	[tilespmem:s22], [sflag:$0x5] =	stream.linear.gather [hbm4b:s23+s3], $0x78, $0x38;
	[tilespmem:$0xFC00] =	vst v63  }
0x250: {  	s22 =	sadd.s32 $0xC690, s21;
	s23 =	spop (v2sf)  }
0x251: {  	[tilespmem:s22], [sflag:$0x5] =	stream.linear.gather [hbm4b:s23+s3], $0x78, $0x38;
	[tilespmem:$0xFC00] =	vst v63  }
0x252: {  	s20 =	sadd.s32 $0x10, s20;
	s21 =	sadd.s32 $0xC708, s21;
	s22 =	spop (v2sf)  }
0x253: {  	[tilespmem:s21], [sflag:$0x5] =	stream.linear.gather [hbm4b:s22+s3], $0x78, $0x38;
	[tilespmem:$0xFC00] =	vst v63  }
0x254: {  	s14 =	sadd.s32 $0x1, s14  }
0x255: {  	s12 =	smul.u32 $0x78, s12;
	p0 =	sne.s32 s14, $0x20  }
.Ltmp2:
0x256: {  	_ = 	snop;
	(pc) =	sbr.rel @p0 .LBB2_2-.Ltmp2, $4  }
0x257: {  	_ =	swait.ge [sflag:s11], $0x7800;
	s12 =	sadd.s32 $0xFFFF8800, s12  }
0x258: {  	[sflag:s11] =	ssyncset.done $0x0;
	s12 =	sshrl.u32 s12, $0x3  }
0x259: {  	s13 =	sadd.s32 $0x2, s13;
	[sflag:s11] =	ssyncadd.s32 $0xFFFF8800;
	s12 =	sadd.s32 s2, s12  }
0x25a: {  	[hbm4b:s12+s3] =	stream.linear.scatter [tilespmem:s29], [sflag:$0x3], $0x7800, $0x38;
	[tilespmem:$0xFC00] =	vst v63  }
0x25b: {  	s12 =	simm.s32 $0x5  }
0x25c: {  	_ =	swait.ge [sflag:s12], $0x7800  }
0x25d: {  	[sflag:s12] =	ssyncset.done $0x0  }
0x25e: {  	s22 =	simm.s32 $0x3;
	s21 =	rddreg [dreg:$0x6];
	[sflag:s12] =	ssyncadd.s32 $0xFFFF8800  }
0x25f: {  	[hbm4b:s21+s3] =	stream.linear.scatter [tilespmem:s10], [sflag:$0x6], $0x7800, $0x38;
	[tilespmem:$0xFC00] =	vst v63  }
0x260: {  	_ =	swait.ge [sflag:s22], $0x7800  }
0x261: {  	[sflag:s22] =	ssyncset.done $0x0  }
0x262: {  	s13 =	simm.s32 $0x6;
	[sflag:s22] =	ssyncadd.s32 $0xFFFF8800  }
0x263: {  	_ =	swait.ge [sflag:s13], $0x7800  }
0x264: {  	s14 =	rddreg [dreg:$0x8]  }
0x265: {  	s23 =	rddreg [dreg:$0x7];
	s14 =	sadd.s32 $0x1, s14  }
0x266: {  	p0 =	sne.s32 s14, s23  }
.Ltmp3:
0x267: {  	_ = 	snop;
	(pc) =	sbr.rel @p0 .LBB2_1-.Ltmp3, $3  }
0x268: {  	_ =	sdelay $0x1  }
0x269: {  	[sflag:s13] =	ssyncset.done $0x0  }
0x26a: {  	[sflag:s13] =	ssyncadd.s32 $0xFFFF8800  }
0x26b: {  	_ =	sfence.sel $0x180000  }
0x26c: {  	[bflag:$0x0] =	sbarrier.arrive $0xFFFF  }
0x26d: {  	_ =	strace $0x90000047  }
0x26e: {  	s0 =	stileid.u32;
	[bflag:$0x2] =	sbarrier.arrive $0xFFFF  }
0x26f: {  	p0 =	sne.s32 s0, $0x0;
	s0 =	rddreg [dreg:$0x2]  }
0x270: {  	s0 =	sadd.s32 @!p0 $0x100000, s0  }
0x271: {  	[sflag:s0] =	ssyncadd.tile.s32 @!p0 $0x1;
	_ =	shalt  }
.Lfunc_end2:
_tile_overlayer_lowered:
.L_overlay_start_2:
0x272: {  	(tag) =	ssettag $0x2  }
0x273: {  	s0 =	rddreg [dreg:$0x0];
	s2 =	stileid.u32  }
0x274: {  	s1 =	rddreg [dreg:$0x1];
	p0 =	sne.s32 s2, $0x0  }
0x275: {  	s3 =	rddreg [dreg:$0x2];
	[bflag:$0x3] =	sbarrier.arrive $0xFFFF;
	s2 =	simm.s32 @!p0 $0x1C08  }
0x276: {  	[timem:s3], [sflag:s2] =	dma.local @!p0 [hbm:s0], s1  }
0x277: {  	s0 =	simm.s32 @!p0 $0x8  }
0x278: {  	_ =	swait.ge @!p0 [sflag:s0], s1  }
0x279: {  	s1 =	ssub.s32 @!p0 $0x0, s1;
	[sflag:s0] =	ssyncset.done @!p0 $0x0  }
0x27a: {  	[sflag:s0] =	ssyncadd.s32 @!p0 s1  }
0x27b: {  	[bflag:$0x3] =	sbarrier.arrive $0xFFFF  }
0x27c: {  	_ =	shalt  }

// kernel: sparse-core-data-format-call.cloned.1.call-start
scs
called_computation_lowered:
.L_overlay_start_0:
0x0: {  	s2 =	sld [smem:$0x3FD9]  }
0x1: {  	s3 =	sld [smem:$0x3FFE];
	_ =	sdelay $0x1  }
0x2: {  	s1 =	srdreg.scid  }
0x3: {  	s0 =	sand.u32 $0x1, s1  }
0x4: {  	s18 =	sshll.u32 s0, $0xA;
	s2 =	sadd.s32 s3, s2  }
0x5: {  	s2 =	sadd.s32 s2, s18  }
0x6: {  	[smem:$0x3FC5] =	sst s2  }
0x7: {  	_ = 	snop  }
0x8: {  	s2 =	sld [smem:$0x3FD0];
	(tm) =	ssettm $0x1  }
0x9: {  	s19 =	sld [smem:$0x3FFB];
	_ =	sdelay $0x3  }
0xa: {  	_ =	strace s19  }
0xb: {  	s3 =	sld [smem:$0x3FFC];
	_ =	sdelay $0x3  }
0xc: {  	_ =	strace s3  }
0xd: {  	s3 =	sld [smem:$0x3FFD];
	_ =	sdelay $0x3  }
0xe: {  	_ =	strace s3  }
0xf: {  	_ =	strace $0x8FFFFFFF  }
0x10: {  	s20 =	sld [smem:$0x3FDB];
	_ =	sdelay $0x1  }
0x11: {  	s4 =	simm.s32 $_scs_section_size  }
0x12: {  	s5 =	simm.s32 $_size__tile_overlayer_lowered;
	s6 =	simm.s32 $_tile_overlayer_lowered  }
0x13: {  	s23 =	simm.s32 $0x1BFF;
	s22 =	sshll.u32 s6, $0x1;
	s3 =	sadd.s32 s4, s20  }
0x14: {  	s7 =	simm.s32 $0x0;
	s21 =	sshll.u32 s5, $0x1;
	s5 =	sadd.s32 s22, s3  }
0x15: {  	[timem:s7], [sflag:s23] =	dma.local [hbm:s5], s21  }
0x16: {  	_ =	swait.ge [sflag:s23], s21  }
0x17: {  	s4 =	ssub.s32 $0x0, s21;
	[sflag:s23] =	ssyncset.done $0x0  }
0x18: {  	[sflag:s23] =	ssyncadd.s32 s4;
	_ =	sdelay $0x1  }
0x19: {  	s24 =	simm.s32 $0x1B8B  }
0x1a: {  	_ =	swait.ge [sflag:s24], $0x1  }
0x1b: {  	[sflag:s24] =	ssyncset.done $0x0  }
0x1c: {  	s26 =	simm.s32 $0x1B8E;
	s25 =	sld [smem:$0x3FFE];
	[sflag:s24] =	ssyncadd.s32 $0xFFFFFFFF  }
0x1d: {  	s27 =	simm.s32 $execute0_lowered;
	[smem:$0x3FD2] =	sst s26  }
0x1e: {  	s5 =	sshll.u32 s27, $0x1;
	_ =	strace $0x80000049;
	[dreg:$0x1] =	wrdreg $0xFFFFFFFF  }
0x1f: {  	s28 =	simm.s32 $_size_execute0_lowered;
	s3 =	sadd.s32 s3, s5;
	[dreg:$0x0] =	wrdreg $0x0  }
0x20: {  	s5 =	sshll.u32 s28, $0x1;
	[dreg:$0x2] =	wrdreg s3  }
0x21: {  	[dreg:$0x3] =	wrdreg s5  }
0x22: {  	[dreg:$0x4] =	wrdreg $0xC0  }
0x23: {  	_ =	task [dreg:s7], $0x5FFFF  }
0x24: {  	[dreg:$0x1] =	wrdreg $0xFFFFFFFF  }
0x25: {  	[dreg:$0x0] =	wrdreg $0x60  }
0x26: {  	[dreg:$0x2] =	wrdreg s25  }
0x27: {  	[dreg:$0x3] =	wrdreg s2  }
0x28: {  	[dreg:$0x4] =	wrdreg $0x9  }
0x29: {  	_ =	task.clear_ibuf [dreg:s7], $0x5FFFF;
	_ =	strace $0x90000049  }
0x2a: {  	s29 =	simm.s32 $0x9;
	_ =	strace $0x8000004B  }
0x2b: {  	_ =	swait.ge [sflag:s29], $0x1  }
0x2c: {  	[sflag:s29] =	ssyncadd.s32 $0xFFFFFFFF  }
0x2d: {  	_ =	strace $0x9000004B  }
0x2e: {  	_ =	sfence  }
0x2f: {  	s30 =	sld [smem:$0x0];
	_ =	sdelay $0x2  }
0x30: {  	s31 =	sshll.u32 s1, $0xD;
	s1 =	sshrl.u32 s1, $0x2  }
0x31: {  	s3 =	sand.u32 $0x4000, s31;
	s1 =	sadd.s32 s1, s30  }
0x32: {  	s0 =	sor.u32 s3, s0;
	s1 =	sshll.u32 s1, $0x11  }
0x33: {  	s0 =	sor.u32 s1, s0  }
0x34: {  	s0 =	sadd.s32 $0x8F2B, s0  }
0x35: {  	[sflag:s0] =	ssyncadd.remote.s32 $0x1  }
0x36: {  	_ =	sfence.sel $0xFFFF  }
0x37: {  	[dreg:$0x0] =	wrdreg $0xFFFFFFFF;
	(pc) =	sbr.abs _section_cstart, $3  }
0x38: {  	[dreg:$0x1] =	wrdreg $0xFFFFFFFF  }
0x39: {  	_ =	task.clear_ibuf [dreg:s7], $0x2FFFF;
	_ =	strace $0x9FFFFFFF  }
0x3a: {  	(tm) =	ssettm $0x7FFFFFFF  }
0x3b: {  	_ =	shalt  }
tec
execute0_lowered:
.L_overlay_start_1:
0x0: {  	(tag) =	ssettag $0x1  }
0x1: {  	s0 =	srdreg.scid  }
0x2: {  	s5 =	rddreg [dreg:$0x0];
	s1 =	sshll.u32 s0, $0x4  }
0x3: {  	s2 =	rddreg [dreg:$0x1];
	s0 =	stileid.u32;
	s1 =	sand.u32 $0x10, s1  }
0x4: {  	s4 =	simm.s32 $0x1;
	s8 =	simm.s32 $0x2;
	s1 =	sor.u32 s0, s1  }
0x5: {  	s12 =	simm.s32 $0x0;
	s9 =	simm.s32 $0x0;
	s3 =	sshll.u32 s1, $0x7  }
0x6: {  	s11 =	simm.s32 $0x0;
	s5 =	sadd.s32 $0xC00, s5;
	s6 =	ssub.s32 $0x80000, s3  }
.Ltmp0:
0x7: {  	s1 =	rddreg [dreg:$0x2];
	s7 =	sand.u32 $0xF80, s6;
	(pc) =	sbr.rel .LBB1_1-.Ltmp0, $4  }
0x8: {  	_ =	strace $0x8000004A;
	p0 =	sne.s32 s7, $0x0;
	s7 =	simm.s32 $0x1  }
0x9: {  	[sflag:s4] =	ssyncpa.u1 $0x0;
	s6 =	sshrl.u32 s6, $0xC;
	s7 =	simm.s32 @!p0 $0x0  }
0xa: {  	s10 =	smov.u32 s3;
	[sflag:s8] =	ssyncpa.u1 $0x0;
	s6 =	sadd.s32 s7, s6  }
0xb: {  	s8 =	simm.s32 $0x400000;
	p0 =	por $0x0, $0x0;
	s7 =	sadd.s32 $0x1, s6  }
.LBB1_4:
0xc: {  	v5 =	vld [tilespmem:s14+$0xFFFFFFD0];
	[tilespmem:s16+$0x2040 ss:$0x81] =	vst.msk $0xffff, v2  }
0xd: {  	v58 =	vld [tilespmem:s14+$0xFFFFFFE0];
	[tilespmem:s16+$0x2850 ss:$0x81] =	vst.msk $0xffff, v4  }
0xe: {  	s17 =	sshra.s32 s17, $0x2;
	s18 =	sshll.u32 s9, $0x3;
	v59 =	vld [tilespmem:s14+$0xFFFFFFF0];
	[tilespmem:s16+$0x3060 ss:$0x81] =	vst.msk $0xffff, v3;
	p1 =	sgt.s32 s9, $0x7FF80  }
0xf: {  	v60 =	vld [tilespmem:s14+$0x0];
	[tilespmem:s16+$0x0 ss:$0x81] =	vst.msk $0xffff, v1;
	s19 =	smov.u32 s9;
	s15 =	sadd.s32 s17, s15;
	s27 =	sshrl.u32 s18, $0x13  }
0x10: {  	s20 =	sshra.s32 s9, $0x1F;
	v61 =	vld [tilespmem:s14+$0x10];
	s29 =	sand.u32 $0x78, s9;
	s28 =	smul.u32 $0x2223, s27;
	[tilespmem:s15+$0x3870 ss:$0x81] =	vst.msk $0xffff, v0  }
0x11: {  	v62 =	vld [tilespmem:s14+$0x20];
	s30 =	sand.u32 $0x7, s9;
	s19 =	simm.s32 @!p1 $0x7FF80;
	s20 =	sand.u32 s20, s9;
	[tilespmem:s15+$0x810 ss:$0x81] =	vst.msk $0xffff, v5  }
0x12: {  	v63 =	vld [tilespmem:s14+$0xFFFFFFC0];
	s18 =	sand.u32 $0x7FC00, s18;
	s19 =	ssub.s32 s19, s20;
	s16 =	sshrl.u32 s28, $0x14;
	[tilespmem:s15+$0x1020 ss:$0x81] =	vst.msk $0xffff, v58  }
0x13: {  	s14 =	sor.u32 s29, s18;
	s20 =	ssub.s32 $0x80000, s19;
	s16 =	smul.u32 $0x78, s16;
	[tilespmem:s15+$0x1830 ss:$0x81] =	vst.msk $0xffff, v59  }
0x14: {  	s18 =	sshll.u32 s30, $0x12;
	s19 =	sadd.s32 $0xFFF80080, s19;
	s20 =	smul.u32 $0x1E0, s20;
	[tilespmem:s15+$0x2040 ss:$0x81] =	vst.msk $0xffff, v60  }
0x15: {  	s14 =	sshrl.u32 s14, $0x3;
	p1 =	sgt.s32 s19, $0x7F;
	[tilespmem:s15+$0x2850 ss:$0x81] =	vst.msk $0xffff, v61;
	s16 =	ssub.s32 s27, s16  }
0x16: {  	s14 =	sadd.s32 s2, s14;
	[tilespmem:s15+$0x3060 ss:$0x81] =	vst.msk $0xffff, v62;
	s17 =	sshrl.u32 s20, $0x2;
	s16 =	sshll.u32 s16, $0x10  }
0x17: {  	s31 =	sor.u32 $0x400, s18;
	[tilespmem:s15+$0x0 ss:$0x81] =	vst.msk $0xffff, v63;
	s17 =	simm.s32 @p1 $0x0;
	s14 =	sadd.s32 s16, s14  }
0x18: {  	[hbm4b:s14+s31] =	stream.strided.scatter [tilespmem:s13], [sflag:$0x2], s17, s8, s31, $0x20;
	[tilespmem:$0x10100] =	vst v63  }
.LBB1_5:
0x19: {  	p1 =	slt.u32 s11, $0x2  }
0x1a: {  	p2 =	sgt.s32 @!p1 s12, $0x7FF80  }
0x1b: {  	s13 =	smov.u32 s12;
	s14 =	sshra.s32 @!p1 s12, $0x1F;
	p2 =	por !p2, p1  }
0x1c: {  	s12 =	sand.u32 @!p1 s14, s12;
	s13 =	simm.s32 @p2 $0x7FF80  }
0x1d: {  	s12 =	ssub.s32 @!p1 s13, s12  }
0x1e: {  	s13 =	ssub.s32 @!p1 $0x80000, s12  }
0x1f: {  	s12 =	sadd.s32 @!p1 $0xFFF80080, s12;
	s13 =	smul.u32 @!p1 $0x1E0, s13  }
0x20: {  	p2 =	sgt.s32 @!p1 s12, $0x7F  }
0x21: {  	s14 =	sadd.s32 $0x1000, s10;
	p2 =	por !p2, p1;
	s12 =	sshrl.u32 @!p1 s13, $0x2  }
0x22: {  	s12 =	simm.s32 @!p2 $0x0;
	p2 =	sgt.s32 s14, $0x7FFFF  }
0x23: {  	s14 =	smov.u32 @p2 s3;
	p2 =	sne.s32 s11, s7  }
.Ltmp1:
0x24: {  	_ = 	snop;
	(pc) =	sbr.rel @!p2 .LBB1_6-.Ltmp1, $4  }
0x25: {  	s13 =	simm.s32 @!p1 $0x2  }
0x26: {  	p0 =	por !p0, !p0;
	_ =	swait.ge @!p1 [sflag:s13], s12;
	s15 =	ssub.s32 @!p1 $0x0, s12  }
0x27: {  	s12 =	smov.u32 s9;
	s11 =	sadd.s32 $0x1, s11;
	[sflag:s13] =	ssyncset.done @!p1 $0x0  }
0x28: {  	s9 =	smov.u32 s10;
	s10 =	smov.u32 s14;
	[sflag:s13] =	ssyncadd.s32 @!p1 s15  }
.LBB1_1:
0x29: {  	p1 =	sge.u32 s11, s6  }
0x2a: {  	s13 =	sxor.u32 @!p1 $0xFFFFFFFF, s11;
	s14 =	sshll.u32 @!p1 s10, $0x4  }
0x2b: {  	s31 =	sadd.s32 $0xFFFFFFFF, s11;
	s13 =	sshll.u32 @!p1 s13, $0xE;
	s14 =	sand.u32 @!p1 $0x7FFFF0, s14  }
0x2c: {  	s15 =	simm.s32 @!p1 $0x0;
	s13 =	sand.u32 @!p1 $0x4000, s13;
	s14 =	sadd.s32 @!p1 s5, s14  }
0x2d: {  	[tilespmem:s13], [sflag:$0x1] =	stream.linear.gather @!p1 [hbm4b:s14+s15], $0x4000, $0x38;
	[tilespmem:$0x10100] =	vst v63  }
0x2e: {  	p1 =	sge.u32 s31, s6  }
.Ltmp2:
0x2f: {  	_ = 	snop;
	(pc) =	sbr.rel @p1 .LBB1_5-.Ltmp2, $1  }
0x30: {  	_ =	sdelay $0x3  }
0x31: {  	s13 =	simm.s32 $0x1  }
0x32: {  	_ =	swait.ge [sflag:s4], $0x4000;
	s13 =	simm.s32 @!p0 $0x0  }
0x33: {  	[sflag:s4] =	ssyncset.done $0x0;
	s14 =	sshll.u32 s13, $0xE  }
0x34: {  	[sflag:s4] =	ssyncadd.s32 $0xFFFFC000;
	s14 =	sor.u32 $0x40, s14  }
0x35: {  	s13 =	smul.u32 $0x10200, s13;
	v0 =	vld [tilespmem:s14+$0x30]  }
0x36: {  	v1 =	vld [tilespmem:s14+$0xFFFFFFD0]  }
0x37: {  	s13 =	sshrl.u32 s13, $0x2;
	v5 =	vld [tilespmem:s14+$0xFFFFFFE0]  }
0x38: {  	v6 =	vld [tilespmem:s14+$0xFFFFFFF0];
	s15 =	sor.u32 $0x8000, s13  }
0x39: {  	s31 =	sand.u32 $0x1, s11;
	v2 =	vld [tilespmem:s14+$0x0];
	s16 =	sadd.s32 $0x0, s15  }
0x3a: {  	v4 =	vld [tilespmem:s14+$0x10];
	s13 =	smul.u32 $0x10200, s31;
	[tilespmem:s16+$0x3870 ss:$0x81] =	vst.msk $0xffff, v0  }
0x3b: {  	v3 =	vld [tilespmem:s14+$0x20];
	[tilespmem:s16+$0x810 ss:$0x81] =	vst.msk $0xffff, v1  }
0x3c: {  	s13 =	sshrl.u32 s13, $0x2;
	v1 =	vld [tilespmem:s14+$0xFFFFFFC0];
	[tilespmem:s16+$0x1020 ss:$0x81] =	vst.msk $0xffff, v5;
	s14 =	sadd.s32 $0x80, s14  }
0x3d: {  	s17 =	simm.s32 $0x4;
	s18 =	simm.s32 $0x8;
	s13 =	sor.u32 $0x8000, s13;
	[tilespmem:s16+$0x1830 ss:$0x81] =	vst.msk $0xffff, v6;
	v0 =	vld [tilespmem:s14+$0x30]  }
.LBB1_3:
0x3e: {  	p1 =	sne.s32 s18, $0x1FC;
	v5 =	vld [tilespmem:s14+$0xFFFFFFD0];
	[tilespmem:s16+$0x2040 ss:$0x81] =	vst.msk $0xffff, v2  }
0x3f: {  	v6 =	vld [tilespmem:s14+$0xFFFFFFE0];
	[tilespmem:s16+$0x2850 ss:$0x81] =	vst.msk $0xffff, v4  }
0x40: {  	s19 =	sshra.s32 s17, $0x2;
	s17 =	smov.u32 s18;
	v7 =	vld [tilespmem:s14+$0xFFFFFFF0];
	[tilespmem:s16+$0x3060 ss:$0x81] =	vst.msk $0xffff, v3  }
.Ltmp3:
0x41: {  	v2 =	vld [tilespmem:s14+$0x0];
	[tilespmem:s16+$0x0 ss:$0x81] =	vst.msk $0xffff, v1;
	s16 =	sadd.s32 s19, s15;
	(pc) =	sbr.rel @p1 .LBB1_3-.Ltmp3, $4  }
0x42: {  	v4 =	vld [tilespmem:s14+$0x10];
	[tilespmem:s16+$0x3870 ss:$0x81] =	vst.msk $0xffff, v0  }
0x43: {  	[tilespmem:s16+$0x810 ss:$0x81] =	vst.msk $0xffff, v5;
	v3 =	vld [tilespmem:s14+$0x20]  }
0x44: {  	v1 =	vld [tilespmem:s14+$0xFFFFFFC0];
	[tilespmem:s16+$0x1020 ss:$0x81] =	vst.msk $0xffff, v6;
	s14 =	sadd.s32 $0x80, s14  }
0x45: {  	s18 =	sadd.s32 $0x4, s18;
	v0 =	vld [tilespmem:s14+$0x30];
	[tilespmem:s16+$0x1830 ss:$0x81] =	vst.msk $0xffff, v7  }
.Ltmp4:
0x46: {  	_ = 	snop;
	(pc) =	sbr.rel .LBB1_4-.Ltmp4, $1  }
0x47: {  	_ =	sdelay $0x3  }
.LBB1_6:
0x48: {  	_ =	sfence.sel $0x180000  }
0x49: {  	s2 =	simm.s32 $0x1;
	[bflag:$0x0] =	sbarrier.arrive $0xFFFF  }
0x4a: {  	s31 =	simm.s32 $0x2;
	[sflag:s2] =	ssyncpa.u1 $0x1  }
0x4b: {  	[sflag:s31] =	ssyncpa.u1 $0x1  }
0x4c: {  	p0 =	sne.s32 s0, $0x0;
	_ =	strace $0x9000004A  }
0x4d: {  	s0 =	sadd.s32 @!p0 $0x100000, s1;
	[bflag:$0x2] =	sbarrier.arrive $0xFFFF  }
0x4e: {  	[sflag:s0] =	ssyncadd.tile.s32 @!p0 $0x1;
	_ =	shalt  }
.Lfunc_end1:
_tile_overlayer_lowered:
.L_overlay_start_2:
0x4f: {  	(tag) =	ssettag $0x2  }
0x50: {  	s0 =	rddreg [dreg:$0x0];
	s2 =	stileid.u32  }
0x51: {  	s1 =	rddreg [dreg:$0x1];
	p0 =	sne.s32 s2, $0x0  }
0x52: {  	s3 =	rddreg [dreg:$0x2];
	[bflag:$0x3] =	sbarrier.arrive $0xFFFF;
	s2 =	simm.s32 @!p0 $0x1C01  }
0x53: {  	[timem:s3], [sflag:s2] =	dma.local @!p0 [hbm:s0], s1  }
0x54: {  	s0 =	simm.s32 @!p0 $0x1  }
0x55: {  	_ =	swait.ge @!p0 [sflag:s0], s1  }
0x56: {  	s1 =	ssub.s32 @!p0 $0x0, s1;
	[sflag:s0] =	ssyncset.done @!p0 $0x0  }
0x57: {  	[sflag:s0] =	ssyncadd.s32 @!p0 s1  }
0x58: {  	[bflag:$0x3] =	sbarrier.arrive $0xFFFF  }
0x59: {  	_ =	shalt  }

</sc_bundles>
